<compile_context>
chip_gen: v7x
topology: tpu7x:2x2x1
jax: 0.10.2.dev20260603
libtpu: 0.0.44.dev20260713+nightly
codegen_flags: <defaults>
</compile_context>

<pallas_src>
import functools
import numpy as np
import jax
import jax.numpy as jnp
from jax import lax
from jax.experimental import pallas as pl
from jax.experimental.pallas import tpu as pltpu
from jax.experimental.pallas import tpu_sc as plsc

NN = 10000
T = 5
G = 64
NREAL = NN + T * G
NPAD = 10368
D = 128
BM = 384
NB = NPAD // BM
NNP = 10240


def _sim_body(tok_ref, x_ref, cross_ref, inner_ref):
    j = pl.program_id(0)
    tok = tok_ref[...]
    xb = x_ref[...]
    d = lax.dot_general(tok, xb, (((1,), (1,)), ((), ())),
                        preferred_element_type=jnp.float32)
    col = j * 1280 + lax.broadcasted_iota(jnp.int32, (8, 1280), 1)
    cross_ref[...] = jnp.where(col < NN, d, -1.0)

    @pl.when(j == 0)
    def _():
        i8 = lax.dot_general(tok, tok, (((1,), (1,)), ((), ())),
                             preferred_element_type=jnp.float32)
        inner_ref[...] = jnp.concatenate(
            [i8, jnp.zeros((8, 120), jnp.float32)], axis=1)


def _sim(tok_pad, x_padn):
    return pl.pallas_call(
        _sim_body,
        grid=(NNP // 1280,),
        in_specs=[
            pl.BlockSpec((8, 128), lambda j: (0, 0)),
            pl.BlockSpec((1280, 128), lambda j: (j, 0)),
        ],
        out_specs=[
            pl.BlockSpec((8, 1280), lambda j: (0, j)),
            pl.BlockSpec((8, 128), lambda j: (0, 0)),
        ],
        out_shape=[
            jax.ShapeDtypeStruct((8, NNP), jnp.float32),
            jax.ShapeDtypeStruct((8, 128), jnp.float32),
        ],
    )(tok_pad, x_padn)


def _deg_body(a_ref, dinv_ref, abf_ref, acc_ref):
    i = pl.program_id(0)
    j = pl.program_id(1)
    a4 = a_ref[...]
    abf_ref[...] = a4.astype(jnp.bfloat16)
    ones = jnp.ones((128, 1), jnp.float32)
    s = jnp.zeros((BM, 1), jnp.float32)
    for c7 in range(3):
        a2 = a4[:, c7].reshape(BM, 128)
        s += lax.dot_general(a2, ones, (((1,), (0,)), ((), ())),
                             preferred_element_type=jnp.float32)

    @pl.when(j == 0)
    def _():
        acc_ref[...] = jnp.zeros_like(acc_ref)

    acc_ref[...] += s

    @pl.when(j == NB - 1)
    def _():
        a2 = a4[:, 2].reshape(BM, 128)
        sub = jnp.sum(a2[:, 128 - (NPAD - NREAL):], axis=1, keepdims=True)
        deg = acc_ref[...] + 1.0 - sub
        dinv = jax.lax.rsqrt(jnp.maximum(deg, 1e-12))
        r = i * BM + lax.broadcasted_iota(jnp.int32, (BM, 1), 0)
        dinv_ref[...] = jnp.where(r < NREAL, dinv, 0.0)


def _deg(a4d):
    return pl.pallas_call(
        _deg_body,
        grid=(NB, NB),
        in_specs=[pl.BlockSpec((48, 3, 8, 128), lambda i, j: (i, j, 0, 0))],
        out_specs=[
            pl.BlockSpec((BM, 1), lambda i, j: (i, 0)),
            pl.BlockSpec((48, 3, 8, 128), lambda i, j: (i, j, 0, 0)),
        ],
        out_shape=[
            jax.ShapeDtypeStruct((NPAD, 1), jnp.float32),
            jax.ShapeDtypeStruct(
                (NPAD // 8, NPAD // 128, 8, 128), jnp.bfloat16),
        ],
        scratch_shapes=[pltpu.VMEM((BM, 1), jnp.float32)],
    )(a4d)


def _agg_body(a_ref, h_ref, w_ref, dinv_ref, b_ref, out_ref,
              acc_ref, y_ref, *, leaky):
    i = pl.program_id(0)
    j = pl.program_id(1)
    a4 = a_ref[...]

    @pl.when(i == 0)
    def _():
        hb = h_ref[pl.ds(j * BM, BM), :]
        db = dinv_ref[pl.ds(j * BM, BM), :]
        y_ref[pl.ds(j * BM, BM), :] = lax.dot_general(
            hb, w_ref[...], (((1,), (0,)), ((), ())),
            preferred_element_type=jnp.float32) * db

    @pl.when(j == 0)
    def _():
        acc_ref[...] = jnp.zeros_like(acc_ref)

    acc = jnp.zeros((BM, D), jnp.float32)
    for c7 in range(3):
        a2 = a4[:, c7].reshape(BM, 128)
        yb = y_ref[pl.ds((j * 3 + c7) * 128, 128), :]
        acc += lax.dot_general(
            a2, yb.astype(jnp.bfloat16),
            (((1,), (0,)), ((), ())), preferred_element_type=jnp.float32)
    acc_ref[...] += acc

    @pl.when(j == NB - 1)
    def _():
        yi = y_ref[pl.ds(i * BM, BM), :]
        o = (acc_ref[...] + yi) * dinv_ref[pl.ds(i * BM, BM), :] + b_ref[...]
        if leaky:
            o = jnp.where(o >= 0, o, 0.01 * o)
        out_ref[...] = o


def _agg(a_mat, h, w, dinv, b2d, leaky):
    return pl.pallas_call(
        functools.partial(_agg_body, leaky=leaky),
        grid=(NB, NB),
        in_specs=[
            pl.BlockSpec((48, 3, 8, 128), lambda i, j: (i, j, 0, 0)),
            pl.BlockSpec((NPAD, D), lambda i, j: (0, 0)),
            pl.BlockSpec((D, D), lambda i, j: (0, 0)),
            pl.BlockSpec((NPAD, 1), lambda i, j: (0, 0)),
            pl.BlockSpec((1, D), lambda i, j: (0, 0)),
        ],
        out_specs=pl.BlockSpec((BM, D), lambda i, j: (i, 0)),
        out_shape=jax.ShapeDtypeStruct((NPAD, D), jnp.float32),
        scratch_shapes=[pltpu.VMEM((BM, D), jnp.float32),
                        pltpu.VMEM((NPAD, D), jnp.float32)],
    )(a_mat, h, w, dinv, b2d)


def _agg_pool_body(a_ref, h_ref, w_ref, dinv_ref, b_ref, bat_ref, wp_ref,
                   bp_ref, out_ref, pool_ref, acc_ref, y_ref, sum_ref,
                   cnt_ref):
    i = pl.program_id(0)
    j = pl.program_id(1)
    a4 = a_ref[...]

    @pl.when(i == 0)
    def _():
        hb = h_ref[pl.ds(j * BM, BM), :]
        db = dinv_ref[pl.ds(j * BM, BM), :]
        y_ref[pl.ds(j * BM, BM), :] = lax.dot_general(
            hb, w_ref[...], (((1,), (0,)), ((), ())),
            preferred_element_type=jnp.float32) * db

    @pl.when(j == 0)
    def _():
        acc_ref[...] = jnp.zeros_like(acc_ref)

    acc = jnp.zeros((BM, D), jnp.float32)
    for c7 in range(3):
        a2 = a4[:, c7].reshape(BM, 128)
        yb = y_ref[pl.ds((j * 3 + c7) * 128, 128), :]
        acc += lax.dot_general(
            a2, yb.astype(jnp.bfloat16),
            (((1,), (0,)), ((), ())), preferred_element_type=jnp.float32)
    acc_ref[...] += acc

    @pl.when(j == NB - 1)
    def _():
        yi = y_ref[pl.ds(i * BM, BM), :]
        o = (acc_ref[...] + yi) * dinv_ref[pl.ds(i * BM, BM), :] + b_ref[...]
        out_ref[...] = o

        @pl.when(i == 0)
        def _():
            sum_ref[...] = jnp.zeros_like(sum_ref)
            cnt_ref[...] = jnp.zeros_like(cnt_ref)

        bb = bat_ref[...]
        gids = lax.broadcasted_iota(jnp.int32, (64, BM), 0)
        pm = jnp.where(gids == bb, 1.0, 0.0)
        sum_ref[...] += lax.dot_general(
            pm, o, (((1,), (0,)), ((), ())),
            preferred_element_type=jnp.float32)
        cnt_ref[...] += jnp.sum(pm, axis=1, keepdims=True)

        @pl.when(i == NB - 1)
        def _():
            graph = sum_ref[...] / jnp.maximum(cnt_ref[...], 1.0)
            logits = lax.dot_general(
                graph, wp_ref[...], (((1,), (0,)), ((), ())),
                preferred_element_type=jnp.float32) + bp_ref[...]
            col = lax.broadcasted_iota(jnp.int32, (64, 128), 1)
            z = jnp.where(col < 2, logits, -1e30)
            m = jnp.max(z, axis=1, keepdims=True)
            e = jnp.where(col < 2, jnp.exp(z - m), 0.0)
            pool_ref[...] = e / jnp.sum(e, axis=1, keepdims=True)


def _agg_pool(a4d, h, w, dinv, b2d, bat2d, wp_pad, bp_pad):
    return pl.pallas_call(
        _agg_pool_body,
        grid=(NB, NB),
        in_specs=[
            pl.BlockSpec((48, 3, 8, 128), lambda i, j: (i, j, 0, 0)),
            pl.BlockSpec((NPAD, D), lambda i, j: (0, 0)),
            pl.BlockSpec((D, D), lambda i, j: (0, 0)),
            pl.BlockSpec((NPAD, 1), lambda i, j: (0, 0)),
            pl.BlockSpec((1, D), lambda i, j: (0, 0)),
            pl.BlockSpec((1, BM), lambda i, j: (0, i)),
            pl.BlockSpec((D, D), lambda i, j: (0, 0)),
            pl.BlockSpec((1, D), lambda i, j: (0, 0)),
        ],
        out_specs=[
            pl.BlockSpec((BM, D), lambda i, j: (i, 0)),
            pl.BlockSpec((64, 128), lambda i, j: (0, 0)),
        ],
        out_shape=[
            jax.ShapeDtypeStruct((NPAD, D), jnp.float32),
            jax.ShapeDtypeStruct((64, 128), jnp.float32),
        ],
        scratch_shapes=[pltpu.VMEM((BM, D), jnp.float32),
                        pltpu.VMEM((NPAD, D), jnp.float32),
                        pltpu.VMEM((64, D), jnp.float32),
                        pltpu.VMEM((64, 1), jnp.float32)],
    )(a4d, h, w, dinv, b2d, bat2d, wp_pad, bp_pad)


FLAT = NPAD * NPAD
EPT = 10000
KROWS = 157
K2ROWS = 29
NNP32 = NNP // 32
DROWS = NPAD // 32


def _build_body(esrc, edst, batchp, cross, innerf, innerr, innerc, a_out,
                src_v, dst_v, codes, codes2, ones_v,
                batch_v, dot_v, ir_v, ic_v, if_v, ssem):
    c = lax.axis_index("c")
    s = lax.axis_index("s")
    w = c * 16 + s
    iota = lax.iota(jnp.int32, 16)
    dbase = w * DROWS

    def code(r, cc):
        return (((r >> 3) * (NPAD // 128) + (cc >> 7)) * 1024
                + ((r & 7) << 7) + (cc & 127))

    def dump(r):
        return code(dbase + r, NREAL + iota)

    def ofill(k, _):
        for q in range(8):
            ones_v[k, pl.ds(q * 16, 16)] = jnp.ones((16,), jnp.float32)
        return _
    lax.fori_loop(0, KROWS, ofill, 0)

    pltpu.sync_copy(esrc.at[pl.ds(w * EPT, EPT)], src_v)
    pltpu.sync_copy(edst.at[pl.ds(w * EPT, EPT)], dst_v)

    def estep(i, _):
        sv = src_v[pl.ds(i * 16, 16)]
        dv = dst_v[pl.ds(i * 16, 16)]
        row = i >> 2
        col = (i & 3) * 32
        codes[row, pl.ds(col, 16)] = code(dv, sv)
        codes[row, pl.ds(col + 16, 16)] = code(sv, dv)
        return _
    lax.fori_loop(0, EPT // 16, estep, 0)
    for q in range(6):
        codes[KROWS - 1, pl.ds(32 + q * 16, 16)] = dump(q)

    nbase = w * NNP32
    pltpu.sync_copy(batchp.at[pl.ds(nbase, NNP32)], batch_v)
    for t in range(T):
        pltpu.sync_copy(cross.at[pl.ds(t * NNP + nbase, NNP32)], dot_v)

        def cstep(k, _):
            n16 = nbase + k * 16 + iota
            b16 = batch_v[pl.ds(k * 16, 16)]
            dt = dot_v[pl.ds(k * 16, 16)]
            m = dt >= 0.0
            grow = NN + T * b16 + t
            q = (k * T + t) * 2
            dv_ = dump(q)
            cf = jnp.where(m, code(grow, n16), dv_)
            cb = jnp.where(m, code(n16, grow), dump(q + 1))
            row = q >> 3
            col = (q & 7) * 16
            codes2[row, pl.ds(col, 16)] = cf
            row2 = (q + 1) >> 3
            col2 = ((q + 1) & 7) * 16
            codes2[row2, pl.ds(col2, 16)] = cb
            return _
        lax.fori_loop(0, NNP32 // 16, cstep, 0)

    for q in range(21):
        r16 = dbase + q * 16 + iota
        cd = jnp.where(r16 < NPAD, code(r16, r16), dump(q))
        codes2[25 + q // 8, pl.ds((q % 8) * 16, 16)] = cd

    pltpu.sync_copy(innerr, ir_v)
    pltpu.sync_copy(innerc, ic_v)
    pltpu.sync_copy(innerf, if_v)
    for j in range(2):
        off = NN + T * (w * 2 + j)
        for h in range(2):
            rh = ir_v[pl.ds(h * 16, 16)]
            ch = ic_v[pl.ds(h * 16, 16)]
            fv = if_v[pl.ds(h * 16, 16)]
            rowv = off + rh
            m = j * 2 + h
            flat = 3536 + 16 * m
            cd = jnp.where(fv >= 0.0, code(rowv, off + ch), dump(32 + m))
            codes2[flat >> 7, pl.ds(flat & 127, 16)] = cd
    for q in range(7):
        flat = 3600 + 16 * q
        codes2[flat >> 7, pl.ds(flat & 127, 16)] = dump(40 + q)

    ones_row = ones_v.at[0]
    def sfire(k, _):
        pltpu.async_copy(ones_row, a_out.at[codes.at[k]], ssem)
        return _
    lax.fori_loop(0, KROWS, sfire, 0)
    def sfire2(k, _):
        pltpu.async_copy(ones_row, a_out.at[codes2.at[k]], ssem)
        return _
    lax.fori_loop(0, K2ROWS, sfire2, 0)
    def sdrain(k, _):
        pltpu.make_async_copy(ones_row, a_out.at[codes.at[0]], ssem).wait()
        return _
    lax.fori_loop(0, KROWS + K2ROWS, sdrain, 0)


def _build_a(edge_index, batch, cross_dot, inner_dot):
    esrc = edge_index[0]
    edst = edge_index[1]
    batchp = jnp.concatenate([batch, jnp.zeros((NNP - NN,), jnp.int32)])
    inner_vals = inner_dot[:T, :T].reshape(T * T)
    innerf = jnp.concatenate([inner_vals, jnp.full((7,), -1.0, jnp.float32)])
    innerr = jnp.asarray(np.concatenate(
        [np.repeat(np.arange(T, dtype=np.int32), T), np.zeros(7, np.int32)]))
    innerc = jnp.asarray(np.concatenate(
        [np.tile(np.arange(T, dtype=np.int32), T), np.zeros(7, np.int32)]))

    mesh = plsc.VectorSubcoreMesh(core_axis_name="c", subcore_axis_name="s")
    build = pl.kernel(
        _build_body,
        out_type=(),
        mesh=mesh,
        scratch_types=[
            pltpu.VMEM((EPT,), jnp.int32),
            pltpu.VMEM((EPT,), jnp.int32),
            pltpu.VMEM((KROWS, 128), jnp.int32),
            pltpu.VMEM((K2ROWS, 128), jnp.int32),
            pltpu.VMEM((KROWS, 128), jnp.float32),
            pltpu.VMEM((NNP32,), jnp.int32),
            pltpu.VMEM((NNP32,), jnp.float32),
            pltpu.VMEM((32,), jnp.int32),
            pltpu.VMEM((32,), jnp.int32),
            pltpu.VMEM((32,), jnp.float32),
            pltpu.SemaphoreType.DMA,
        ],
    )
    crossf = cross_dot.reshape(8 * NNP)
    a_ref = jax.new_ref(jnp.zeros((FLAT,), jnp.float32))
    build(esrc, edst, batchp, crossf, innerf, innerr, innerc, a_ref)
    return a_ref[...].reshape(NPAD // 8, NPAD // 128, 8, 128)


def kernel(x, edge_index, batch, num_graphs, token_x, W1, b1, W2, b2, Wp, bp):
    del num_graphs
    f32 = jnp.float32
    tok_pad = jnp.concatenate([token_x, jnp.zeros((3, D), f32)], axis=0)
    x_padn = jnp.concatenate([x, jnp.zeros((NNP - NN, D), f32)], axis=0)
    cross_dot, inner_dot = _sim(tok_pad, x_padn)

    a_mat = _build_a(edge_index, batch, cross_dot, inner_dot)

    dinv, a_bf = _deg(a_mat)

    x_aug = jnp.concatenate(
        [x, jnp.tile(token_x, (G, 1)), jnp.zeros((NPAD - NREAL, D), f32)],
        axis=0)
    b1_2d = b1.reshape(1, D)
    b2_2d = b2.reshape(1, D)

    token_batch = np.repeat(np.arange(G, dtype=np.int32), T)
    pad_batch = np.full((NPAD - NREAL,), -1, np.int32)
    bat2d = jnp.concatenate(
        [batch, jnp.asarray(token_batch), jnp.asarray(pad_batch)]
    ).reshape(1, NPAD)
    wp_pad = jnp.concatenate([Wp, jnp.zeros((D, D - 2), f32)], axis=1)
    bp_pad = jnp.concatenate([bp, jnp.zeros((D - 2,), f32)]).reshape(1, D)

    h1 = _agg(a_bf, x_aug, W1, dinv, b1_2d, leaky=True)
    _, out = _agg_pool(a_bf, h1, W2, dinv, b2_2d, bat2d, wp_pad, bp_pad)
    return out[:, :2]

# --- scband reference (transcript-rebuilt; emitter-appended) ---
"""Pipeline reference for scband-pipeline-35364760715380 (READ-ONLY COPY).

The authoritative reference and input builder live on the scoring server;
editing this copy changes nothing except your own understanding.
"""

import jax, jax.numpy as jnp
import numpy as np

NUM_NODES = 10000
NUM_EDGES = 320000
D_IN = 128
HID = 128
NUM_CLASSES = 2
TOKEN_NUM = 5
PRUNE_THRE = 0.5
NUM_GRAPHS = 64


def setup_inputs(seed: int = 0):
    key = jax.random.key(seed)
    ks = jax.random.split(key, 8)
    x = jax.random.normal(ks[0], (NUM_NODES, D_IN), dtype=jnp.float32)
    edge_index = jax.random.randint(ks[1], (2, NUM_EDGES), 0, NUM_NODES, dtype=jnp.int32)
    batch = jnp.sort(jax.random.randint(ks[2], (NUM_NODES,), 0, NUM_GRAPHS, dtype=jnp.int32))
    bnd = float(np.sqrt(6.0 / D_IN))  # kaiming_uniform fan_in, a=0.01 (approx gain)
    token_x = jax.random.uniform(ks[3], (TOKEN_NUM, D_IN), minval=-bnd, maxval=bnd, dtype=jnp.float32)
    def glorot(k, fi, fo):
        b = float(np.sqrt(6.0 / (fi + fo)))
        return jax.random.uniform(k, (fi, fo), minval=-b, maxval=b, dtype=jnp.float32)
    W1 = glorot(ks[4], D_IN, HID)
    b1 = jnp.zeros((HID,), jnp.float32)
    W2 = glorot(ks[5], HID, HID)
    b2 = jnp.zeros((HID,), jnp.float32)
    Wp = glorot(ks[6], HID, NUM_CLASSES)
    bp = jnp.zeros((NUM_CLASSES,), jnp.float32)
    return {"x": x, "edge_index": edge_index, "batch": batch, "num_graphs": NUM_GRAPHS,
            "token_x": token_x, "W1": W1, "b1": b1, "W2": W2, "b2": b2, "Wp": Wp, "bp": bp}


def build_prompt_graph(x, edge_index, batch, num_graphs, token_x):
    # Faithful to Prompt.forward: threshold sigmoid similarities, build cross/inner
    # edges, add_self_loops, to_undirected (coalesce), sort_edge_index.
    num_tokens = token_x.shape[0]
    num_nodes = x.shape[0]
    G = NUM_GRAPHS
    garange = jnp.arange(G, dtype=jnp.int32) % jnp.asarray(num_graphs, jnp.int32)
    N_total = num_nodes + num_tokens * G
    cross_sim = jax.nn.sigmoid(token_x @ x.T)
    cross_adj = jnp.where(cross_sim < PRUNE_THRE, 0.0, cross_sim)
    cross_mask = (cross_adj > 0).reshape(-1)
    tok_idx = jnp.repeat(jnp.arange(num_tokens, dtype=jnp.int32), num_nodes)
    node_idx = jnp.tile(jnp.arange(num_nodes, dtype=jnp.int32), num_tokens)
    g_tok = tok_idx + num_nodes + num_tokens * batch[node_idx]
    inner_sim = jax.nn.sigmoid(token_x @ token_x.T)
    inner_adj = jnp.where(inner_sim < PRUNE_THRE, 0.0, inner_sim)  # inner_prune defaults to prune_thre
    inner_mask = (inner_adj > 0).reshape(-1)
    r = jnp.repeat(jnp.arange(num_tokens, dtype=jnp.int32), num_tokens)
    c = jnp.tile(jnp.arange(num_tokens, dtype=jnp.int32), num_tokens)
    offs = num_nodes + num_tokens * garange
    in_src = (offs[:, None] + r[None, :]).reshape(-1)
    in_dst = (offs[:, None] + c[None, :]).reshape(-1)
    in_mask = jnp.broadcast_to(inner_mask[None, :], (G, num_tokens * num_tokens)).reshape(-1)
    loops = jnp.arange(N_total, dtype=jnp.int32)
    src_all = jnp.concatenate([edge_index[0].astype(jnp.int32), g_tok, in_src, loops])
    dst_all = jnp.concatenate([edge_index[1].astype(jnp.int32), node_idx, in_dst, loops])
    mask_all = jnp.concatenate([
        jnp.ones((edge_index.shape[1],), bool), cross_mask, in_mask,
        jnp.ones((N_total,), bool)])
    # to_undirected + coalesce + sort (unique of encoded pairs; fits in int32);
    # absent edges coalesce into the always-present (0,0) self-loop code.
    code_f = jnp.where(mask_all, src_all * N_total + dst_all, 0)
    code_b = jnp.where(mask_all, dst_all * N_total + src_all, 0)
    M = 2 * int(src_all.shape[0])
    code = jnp.unique(jnp.concatenate([code_f, code_b]), size=M, fill_value=-1)
    valid = code >= 0
    ei_und = jnp.stack([jnp.where(valid, code // N_total, 0),
                        jnp.where(valid, code % N_total, N_total)])
    token_batch = jnp.repeat(garange.astype(batch.dtype), num_tokens)
    batch_one = jnp.concatenate([batch, token_batch])
    return ei_und, batch_one, N_total


def gcn_conv(h, ei, W, b, N):
    # PyG GCNConv with add_self_loops=True (gcn_norm appends another set of loops)
    src = jnp.concatenate([ei[0], jnp.arange(N, dtype=ei.dtype)])
    dst = jnp.concatenate([ei[1], jnp.arange(N, dtype=ei.dtype)])
    deg = jnp.zeros((N,), jnp.float32).at[dst].add(1.0)
    dinv = jnp.where(deg > 0, deg ** -0.5, 0.0)
    norm = dinv[src] * dinv[dst]
    hw = h @ W
    out = jnp.zeros((N, hw.shape[1]), jnp.float32).at[dst].add(hw[src] * norm[:, None])
    return out + b


def reference(x, edge_index, batch, num_graphs, token_x, W1, b1, W2, b2, Wp, bp):
    ei_und, batch_one, N_total = build_prompt_graph(x, edge_index, batch, num_graphs, token_x)
    x_aug = jnp.concatenate([x, jnp.tile(token_x, (NUM_GRAPHS, 1))], axis=0)
    h = gcn_conv(x_aug, ei_und, W1, b1, N_total)
    h = jax.nn.leaky_relu(h, 0.01)  # act(); dropout is identity in eval
    node_emb = gcn_conv(h, ei_und, W2, b2, N_total)
    sums = jax.ops.segment_sum(node_emb, batch_one, num_segments=NUM_GRAPHS)
    cnt = jax.ops.segment_sum(jnp.ones((node_emb.shape[0],), jnp.float32), batch_one, num_segments=NUM_GRAPHS)
    graph_emb = sums / jnp.clip(cnt, 1.0)[:, None]  # global_mean_pool with batch_one (pool_mode=1)
    logits = graph_emb @ Wp + bp
    return jax.nn.softmax(logits, axis=1)

if __name__ == "__main__":
    import jax
    _d = setup_inputs()
    print(jax.jit(kernel)(*tuple(_d.values())))

</pallas_src>

<mosaic_0001>
#map = affine_map<(d0, d1) -> (0)>
module attributes {stable_mosaic.version = 14 : i64} {
  func.func @new_body(%arg0: i32, %arg1: i32, %arg2: memref<320000xi32, #tpu.memory_space<hbm>>, %arg3: memref<320000xi32, #tpu.memory_space<hbm>>, %arg4: memref<10240xi32, #tpu.memory_space<hbm>>, %arg5: memref<81920xf32, #tpu.memory_space<hbm>>, %arg6: memref<32xf32, #tpu.memory_space<hbm>>, %arg7: memref<32xi32, #tpu.memory_space<hbm>>, %arg8: memref<32xi32, #tpu.memory_space<hbm>>, %arg9: memref<107495424xf32, #tpu.memory_space<hbm>>, %arg10: memref<107495424xf32, #tpu.memory_space<hbm>>, %arg11: memref<10000xi32, #tpu.memory_space<vmem>>, %arg12: memref<10000xi32, #tpu.memory_space<vmem>>, %arg13: memref<157x128xi32, #tpu.memory_space<vmem>>, %arg14: memref<29x128xi32, #tpu.memory_space<vmem>>, %arg15: memref<157x128xf32, #tpu.memory_space<vmem>>, %arg16: memref<320xi32, #tpu.memory_space<vmem>>, %arg17: memref<320xf32, #tpu.memory_space<vmem>>, %arg18: memref<32xi32, #tpu.memory_space<vmem>>, %arg19: memref<32xi32, #tpu.memory_space<vmem>>, %arg20: memref<32xf32, #tpu.memory_space<vmem>>, %arg21: memref<!tpu.dma_semaphore, #tpu.memory_space<semaphore_mem>>) attributes {dimension_semantics = [#tpu.dimension_semantics<core_parallel>, #tpu.dimension_semantics<subcore_parallel>], iteration_bounds = array<i64: 2, 16>, scalar_prefetch = 0 : i64, scratch_operands = 11 : i64, tpu.core_type = #tpu.core_type<sc_vector_subcore>, window_params = [{transform_indices = #map}, {transform_indices = #map}, {transform_indices = #map}, {transform_indices = #map}, {transform_indices = #map}, {transform_indices = #map}, {transform_indices = #map}, {transform_indices = #map}, {transform_indices = #map}]} {
    %mul3A = arith.constant 16 : i32
    %mul3A_0 = arith.muli %arg0, %mul3A : i32
    %add3A = arith.addi %mul3A_0, %arg1 : i32
    %iota3A = tpu.iota {dimensions = array<i32: 0>} : vector<16xi32>
    %mul3A_1 = arith.constant 324 : i32
    %mul3A_2 = arith.muli %add3A, %mul3A_1 : i32
    %scan3A = arith.constant 0 : i32
    %scan3A_3 = arith.constant 0 : i32
    %scan3A_4 = arith.constant 157 : i32
    %scan3A_5 = arith.addi %scan3A_3, %scan3A_4 : i32
    %scan3A_6 = arith.constant 1 : i32
    scf.for %scan3A_2179 = %scan3A_3 to %scan3A_5 step %scan3A_6  : i32 {
      %broadcast_in_dim3A = arith.constant 1.000000e+00 : f32
      %broadcast_in_dim3A_2180 = vector.broadcast %broadcast_in_dim3A : f32 to vector<16xf32>
      %swap3A_2181 = arith.index_cast %scan3A_2179 : i32 to index
      %swap3A_2182 = arith.constant 0 : index
      %swap3A_2183 = tpu.vector_load %arg15[%swap3A_2181, %swap3A_2182] {strides = array<i32>} : memref<157x128xf32, #tpu.memory_space<vmem>>, vector<1x16xf32>,
      %swap3A_2184 = vector.shape_cast %swap3A_2183 : vector<1x16xf32> to vector<16xf32>
      %swap3A_2185 = vector.shape_cast %broadcast_in_dim3A_2180 : vector<16xf32> to vector<1x16xf32>
      tpu.vector_store %arg15[%swap3A_2181, %swap3A_2182], %swap3A_2185 {strides = array<i32>} : memref<157x128xf32, #tpu.memory_space<vmem>>, vector<1x16xf32>,
      %broadcast_in_dim3A_2186 = arith.constant 1.000000e+00 : f32
      %broadcast_in_dim3A_2187 = vector.broadcast %broadcast_in_dim3A_2186 : f32 to vector<16xf32>
      %swap3A_2188 = arith.index_cast %scan3A_2179 : i32 to index
      %swap3A_2189 = arith.constant 16 : index
      %swap3A_2190 = tpu.vector_load %arg15[%swap3A_2188, %swap3A_2189] {strides = array<i32>} : memref<157x128xf32, #tpu.memory_space<vmem>>, vector<1x16xf32>,
      %swap3A_2191 = vector.shape_cast %swap3A_2190 : vector<1x16xf32> to vector<16xf32>
      %swap3A_2192 = vector.shape_cast %broadcast_in_dim3A_2187 : vector<16xf32> to vector<1x16xf32>
      tpu.vector_store %arg15[%swap3A_2188, %swap3A_2189], %swap3A_2192 {strides = array<i32>} : memref<157x128xf32, #tpu.memory_space<vmem>>, vector<1x16xf32>,
      %broadcast_in_dim3A_2193 = arith.constant 1.000000e+00 : f32
      %broadcast_in_dim3A_2194 = vector.broadcast %broadcast_in_dim3A_2193 : f32 to vector<16xf32>
      %swap3A_2195 = arith.index_cast %scan3A_2179 : i32 to index
      %swap3A_2196 = arith.constant 32 : index
      %swap3A_2197 = tpu.vector_load %arg15[%swap3A_2195, %swap3A_2196] {strides = array<i32>} : memref<157x128xf32, #tpu.memory_space<vmem>>, vector<1x16xf32>,
      %swap3A_2198 = vector.shape_cast %swap3A_2197 : vector<1x16xf32> to vector<16xf32>
      %swap3A_2199 = vector.shape_cast %broadcast_in_dim3A_2194 : vector<16xf32> to vector<1x16xf32>
      tpu.vector_store %arg15[%swap3A_2195, %swap3A_2196], %swap3A_2199 {strides = array<i32>} : memref<157x128xf32, #tpu.memory_space<vmem>>, vector<1x16xf32>,
      %broadcast_in_dim3A_2200 = arith.constant 1.000000e+00 : f32
      %broadcast_in_dim3A_2201 = vector.broadcast %broadcast_in_dim3A_2200 : f32 to vector<16xf32>
      %swap3A_2202 = arith.index_cast %scan3A_2179 : i32 to index
      %swap3A_2203 = arith.constant 48 : index
      %swap3A_2204 = tpu.vector_load %arg15[%swap3A_2202, %swap3A_2203] {strides = array<i32>} : memref<157x128xf32, #tpu.memory_space<vmem>>, vector<1x16xf32>,
      %swap3A_2205 = vector.shape_cast %swap3A_2204 : vector<1x16xf32> to vector<16xf32>
      %swap3A_2206 = vector.shape_cast %broadcast_in_dim3A_2201 : vector<16xf32> to vector<1x16xf32>
      tpu.vector_store %arg15[%swap3A_2202, %swap3A_2203], %swap3A_2206 {strides = array<i32>} : memref<157x128xf32, #tpu.memory_space<vmem>>, vector<1x16xf32>,
      %broadcast_in_dim3A_2207 = arith.constant 1.000000e+00 : f32
      %broadcast_in_dim3A_2208 = vector.broadcast %broadcast_in_dim3A_2207 : f32 to vector<16xf32>
      %swap3A_2209 = arith.index_cast %scan3A_2179 : i32 to index
      %swap3A_2210 = arith.constant 64 : index
      %swap3A_2211 = tpu.vector_load %arg15[%swap3A_2209, %swap3A_2210] {strides = array<i32>} : memref<157x128xf32, #tpu.memory_space<vmem>>, vector<1x16xf32>,
      %swap3A_2212 = vector.shape_cast %swap3A_2211 : vector<1x16xf32> to vector<16xf32>
      %swap3A_2213 = vector.shape_cast %broadcast_in_dim3A_2208 : vector<16xf32> to vector<1x16xf32>
      tpu.vector_store %arg15[%swap3A_2209, %swap3A_2210], %swap3A_2213 {strides = array<i32>} : memref<157x128xf32, #tpu.memory_space<vmem>>, vector<1x16xf32>,
      %broadcast_in_dim3A_2214 = arith.constant 1.000000e+00 : f32
      %broadcast_in_dim3A_2215 = vector.broadcast %broadcast_in_dim3A_2214 : f32 to vector<16xf32>
      %swap3A_2216 = arith.index_cast %scan3A_2179 : i32 to index
      %swap3A_2217 = arith.constant 80 : index
      %swap3A_2218 = tpu.vector_load %arg15[%swap3A_2216, %swap3A_2217] {strides = array<i32>} : memref<157x128xf32, #tpu.memory_space<vmem>>, vector<1x16xf32>,
      %swap3A_2219 = vector.shape_cast %swap3A_2218 : vector<1x16xf32> to vector<16xf32>
      %swap3A_2220 = vector.shape_cast %broadcast_in_dim3A_2215 : vector<16xf32> to vector<1x16xf32>
      tpu.vector_store %arg15[%swap3A_2216, %swap3A_2217], %swap3A_2220 {strides = array<i32>} : memref<157x128xf32, #tpu.memory_space<vmem>>, vector<1x16xf32>,
      %broadcast_in_dim3A_2221 = arith.constant 1.000000e+00 : f32
      %broadcast_in_dim3A_2222 = vector.broadcast %broadcast_in_dim3A_2221 : f32 to vector<16xf32>
      %swap3A_2223 = arith.index_cast %scan3A_2179 : i32 to index
      %swap3A_2224 = arith.constant 96 : index
      %swap3A_2225 = tpu.vector_load %arg15[%swap3A_2223, %swap3A_2224] {strides = array<i32>} : memref<157x128xf32, #tpu.memory_space<vmem>>, vector<1x16xf32>,
      %swap3A_2226 = vector.shape_cast %swap3A_2225 : vector<1x16xf32> to vector<16xf32>
      %swap3A_2227 = vector.shape_cast %broadcast_in_dim3A_2222 : vector<16xf32> to vector<1x16xf32>
      tpu.vector_store %arg15[%swap3A_2223, %swap3A_2224], %swap3A_2227 {strides = array<i32>} : memref<157x128xf32, #tpu.memory_space<vmem>>, vector<1x16xf32>,
      %broadcast_in_dim3A_2228 = arith.constant 1.000000e+00 : f32
      %broadcast_in_dim3A_2229 = vector.broadcast %broadcast_in_dim3A_2228 : f32 to vector<16xf32>
      %swap3A_2230 = arith.index_cast %scan3A_2179 : i32 to index
      %swap3A_2231 = arith.constant 112 : index
      %swap3A_2232 = tpu.vector_load %arg15[%swap3A_2230, %swap3A_2231] {strides = array<i32>} : memref<157x128xf32, #tpu.memory_space<vmem>>, vector<1x16xf32>,
      %swap3A_2233 = vector.shape_cast %swap3A_2232 : vector<1x16xf32> to vector<16xf32>
      %swap3A_2234 = vector.shape_cast %broadcast_in_dim3A_2229 : vector<16xf32> to vector<1x16xf32>
      tpu.vector_store %arg15[%swap3A_2230, %swap3A_2231], %swap3A_2234 {strides = array<i32>} : memref<157x128xf32, #tpu.memory_space<vmem>>, vector<1x16xf32>,
    }
    %scan3A_7 = arith.constant 157 : i32
    %mul3A_8 = arith.constant 10000 : i32
    %mul3A_9 = arith.muli %add3A, %mul3A_8 : i32
    "tpu.region"() ({
      %run_scoped3A = tpu.sem_alloc : memref<!tpu.dma_semaphore, #tpu.memory_space<semaphore_mem>>
      %dma_start3A = tpu.memref_slice %arg2[%mul3A_9] : memref<320000xi32, #tpu.memory_space<hbm>> -> memref<10000xi32, #tpu.memory_space<hbm>>
      %dma_start3A_2179 = tpu.memref_slice %arg2[%mul3A_9] : memref<320000xi32, #tpu.memory_space<hbm>> -> memref<10000xi32, #tpu.memory_space<hbm>>
      tpu.enqueue_dma source(%dma_start3A_2179 : memref<10000xi32, #tpu.memory_space<hbm>>) target(%arg11 : memref<10000xi32, #tpu.memory_space<vmem>>) target_semaphore(%run_scoped3A : memref<!tpu.dma_semaphore, #tpu.memory_space<semaphore_mem>>)
      %dma_wait3A = tpu.memref_slice %arg2[%mul3A_9] : memref<320000xi32, #tpu.memory_space<hbm>> -> memref<10000xi32, #tpu.memory_space<hbm>>
      %dma_wait3A_2180 = tpu.memref_slice %arg2[%mul3A_9] : memref<320000xi32, #tpu.memory_space<hbm>> -> memref<10000xi32, #tpu.memory_space<hbm>>
      tpu.wait_dma2 semaphore(%run_scoped3A : memref<!tpu.dma_semaphore, #tpu.memory_space<semaphore_mem>>) src(%dma_wait3A_2180 : memref<10000xi32, #tpu.memory_space<hbm>>) dst(%arg11 : memref<10000xi32, #tpu.memory_space<vmem>>)
      tpu.yield
    }) : () -> ()
    %mul3A_10 = arith.constant 10000 : i32
    %mul3A_11 = arith.muli %add3A, %mul3A_10 : i32
    "tpu.region"() ({
      %run_scoped3A = tpu.sem_alloc : memref<!tpu.dma_semaphore, #tpu.memory_space<semaphore_mem>>
      %dma_start3A = tpu.memref_slice %arg3[%mul3A_11] : memref<320000xi32, #tpu.memory_space<hbm>> -> memref<10000xi32, #tpu.memory_space<hbm>>
      %dma_start3A_2179 = tpu.memref_slice %arg3[%mul3A_11] : memref<320000xi32, #tpu.memory_space<hbm>> -> memref<10000xi32, #tpu.memory_space<hbm>>
      tpu.enqueue_dma source(%dma_start3A_2179 : memref<10000xi32, #tpu.memory_space<hbm>>) target(%arg12 : memref<10000xi32, #tpu.memory_space<vmem>>) target_semaphore(%run_scoped3A : memref<!tpu.dma_semaphore, #tpu.memory_space<semaphore_mem>>)
      %dma_wait3A = tpu.memref_slice %arg3[%mul3A_11] : memref<320000xi32, #tpu.memory_space<hbm>> -> memref<10000xi32, #tpu.memory_space<hbm>>
      %dma_wait3A_2180 = tpu.memref_slice %arg3[%mul3A_11] : memref<320000xi32, #tpu.memory_space<hbm>> -> memref<10000xi32, #tpu.memory_space<hbm>>
      tpu.wait_dma2 semaphore(%run_scoped3A : memref<!tpu.dma_semaphore, #tpu.memory_space<semaphore_mem>>) src(%dma_wait3A_2180 : memref<10000xi32, #tpu.memory_space<hbm>>) dst(%arg12 : memref<10000xi32, #tpu.memory_space<vmem>>)
      tpu.yield
    }) : () -> ()
    %scan3A_12 = arith.constant 0 : i32
    %scan3A_13 = arith.constant 0 : i32
    %scan3A_14 = arith.constant 625 : i32
    %scan3A_15 = arith.addi %scan3A_13, %scan3A_14 : i32
    %scan3A_16 = arith.constant 1 : i32
    scf.for %scan3A_2179 = %scan3A_13 to %scan3A_15 step %scan3A_16  : i32 {
      %mul3A_2180 = arith.constant 16 : i32
      %mul3A_2181 = arith.muli %scan3A_2179, %mul3A_2180 : i32
      %get3A_2182 = arith.index_cast %mul3A_2181 : i32 to index
      %get3A_2183 = tpu.vector_load %arg11[%get3A_2182] {strides = array<i32>} : memref<10000xi32, #tpu.memory_space<vmem>>, vector<16xi32>,
      %get3A_2184 = vector.shape_cast %get3A_2183 : vector<16xi32> to vector<16xi32>
      %mul3A_2185 = arith.constant 16 : i32
      %mul3A_2186 = arith.muli %scan3A_2179, %mul3A_2185 : i32
      %get3A_2187 = arith.index_cast %mul3A_2186 : i32 to index
      %get3A_2188 = tpu.vector_load %arg12[%get3A_2187] {strides = array<i32>} : memref<10000xi32, #tpu.memory_space<vmem>>, vector<16xi32>,
      %get3A_2189 = vector.shape_cast %get3A_2188 : vector<16xi32> to vector<16xi32>
      %shift_right_arithmetic3A_2190 = arith.constant 2 : i32
      %shift_right_arithmetic3A_2191 = arith.shrsi %scan3A_2179, %shift_right_arithmetic3A_2190 : i32
      %and3A_2192 = arith.constant 3 : i32
      %and3A_2193 = arith.andi %scan3A_2179, %and3A_2192 : i32
      %mul3A_2194 = arith.constant 32 : i32
      %mul3A_2195 = arith.muli %and3A_2193, %mul3A_2194 : i32
      %shift_right_arithmetic3A_2196 = arith.constant 3 : i32
      %shift_right_arithmetic3A_2197 = vector.broadcast %shift_right_arithmetic3A_2196 : i32 to vector<16xi32>
      %shift_right_arithmetic3A_2198 = arith.shrsi %get3A_2189, %shift_right_arithmetic3A_2197 : vector<16xi32>
      %mul3A_2199 = arith.constant 81 : i32
      %mul3A_2200 = vector.broadcast %mul3A_2199 : i32 to vector<16xi32>
      %mul3A_2201 = arith.muli %shift_right_arithmetic3A_2198, %mul3A_2200 : vector<16xi32>
      %shift_right_arithmetic3A_2202 = arith.constant 7 : i32
      %shift_right_arithmetic3A_2203 = vector.broadcast %shift_right_arithmetic3A_2202 : i32 to vector<16xi32>
      %shift_right_arithmetic3A_2204 = arith.shrsi %get3A_2184, %shift_right_arithmetic3A_2203 : vector<16xi32>
      %add3A_2205 = arith.addi %mul3A_2201, %shift_right_arithmetic3A_2204 : vector<16xi32>
      %mul3A_2206 = arith.constant 1024 : i32
      %mul3A_2207 = vector.broadcast %mul3A_2206 : i32 to vector<16xi32>
      %mul3A_2208 = arith.muli %add3A_2205, %mul3A_2207 : vector<16xi32>
      %and3A_2209 = arith.constant 7 : i32
      %and3A_2210 = vector.broadcast %and3A_2209 : i32 to vector<16xi32>
      %and3A_2211 = arith.andi %get3A_2189, %and3A_2210 : vector<16xi32>
      %shift_left3A_2212 = arith.constant 7 : i32
      %shift_left3A_2213 = vector.broadcast %shift_left3A_2212 : i32 to vector<16xi32>
      %shift_left3A_2214 = arith.shli %and3A_2211, %shift_left3A_2213 : vector<16xi32>
      %add3A_2215 = arith.addi %mul3A_2208, %shift_left3A_2214 : vector<16xi32>
      %and3A_2216 = arith.constant 127 : i32
      %and3A_2217 = vector.broadcast %and3A_2216 : i32 to vector<16xi32>
      %and3A_2218 = arith.andi %get3A_2184, %and3A_2217 : vector<16xi32>
      %add3A_2219 = arith.addi %add3A_2215, %and3A_2218 : vector<16xi32>
      %swap3A_2220 = arith.index_cast %shift_right_arithmetic3A_2191 : i32 to index
      %swap3A_2221 = arith.index_cast %mul3A_2195 : i32 to index
      %swap3A_2222 = tpu.vector_load %arg13[%swap3A_2220, %swap3A_2221] {strides = array<i32>} : memref<157x128xi32, #tpu.memory_space<vmem>>, vector<1x16xi32>,
      %swap3A_2223 = vector.shape_cast %swap3A_2222 : vector<1x16xi32> to vector<16xi32>
      %swap3A_2224 = vector.shape_cast %add3A_2219 : vector<16xi32> to vector<1x16xi32>
      tpu.vector_store %arg13[%swap3A_2220, %swap3A_2221], %swap3A_2224 {strides = array<i32>} : memref<157x128xi32, #tpu.memory_space<vmem>>, vector<1x16xi32>,
      %shift_right_arithmetic3A_2225 = arith.constant 3 : i32
      %shift_right_arithmetic3A_2226 = vector.broadcast %shift_right_arithmetic3A_2225 : i32 to vector<16xi32>
      %shift_right_arithmetic3A_2227 = arith.shrsi %get3A_2184, %shift_right_arithmetic3A_2226 : vector<16xi32>
      %mul3A_2228 = arith.constant 81 : i32
      %mul3A_2229 = vector.broadcast %mul3A_2228 : i32 to vector<16xi32>
      %mul3A_2230 = arith.muli %shift_right_arithmetic3A_2227, %mul3A_2229 : vector<16xi32>
      %shift_right_arithmetic3A_2231 = arith.constant 7 : i32
      %shift_right_arithmetic3A_2232 = vector.broadcast %shift_right_arithmetic3A_2231 : i32 to vector<16xi32>
      %shift_right_arithmetic3A_2233 = arith.shrsi %get3A_2189, %shift_right_arithmetic3A_2232 : vector<16xi32>
      %add3A_2234 = arith.addi %mul3A_2230, %shift_right_arithmetic3A_2233 : vector<16xi32>
      %mul3A_2235 = arith.constant 1024 : i32
      %mul3A_2236 = vector.broadcast %mul3A_2235 : i32 to vector<16xi32>
      %mul3A_2237 = arith.muli %add3A_2234, %mul3A_2236 : vector<16xi32>
      %and3A_2238 = arith.constant 7 : i32
      %and3A_2239 = vector.broadcast %and3A_2238 : i32 to vector<16xi32>
      %and3A_2240 = arith.andi %get3A_2184, %and3A_2239 : vector<16xi32>
      %shift_left3A_2241 = arith.constant 7 : i32
      %shift_left3A_2242 = vector.broadcast %shift_left3A_2241 : i32 to vector<16xi32>
      %shift_left3A_2243 = arith.shli %and3A_2240, %shift_left3A_2242 : vector<16xi32>
      %add3A_2244 = arith.addi %mul3A_2237, %shift_left3A_2243 : vector<16xi32>
      %and3A_2245 = arith.constant 127 : i32
      %and3A_2246 = vector.broadcast %and3A_2245 : i32 to vector<16xi32>
      %and3A_2247 = arith.andi %get3A_2189, %and3A_2246 : vector<16xi32>
      %add3A_2248 = arith.addi %add3A_2244, %and3A_2247 : vector<16xi32>
      %add3A_2249 = arith.constant 16 : i32
      %add3A_2250 = arith.addi %mul3A_2195, %add3A_2249 : i32
      %swap3A_2251 = arith.index_cast %shift_right_arithmetic3A_2191 : i32 to index
      %swap3A_2252 = arith.index_cast %add3A_2250 : i32 to index
      %swap3A_2253 = tpu.vector_load %arg13[%swap3A_2251, %swap3A_2252] {strides = array<i32>} : memref<157x128xi32, #tpu.memory_space<vmem>>, vector<1x16xi32>,
      %swap3A_2254 = vector.shape_cast %swap3A_2253 : vector<1x16xi32> to vector<16xi32>
      %swap3A_2255 = vector.shape_cast %add3A_2248 : vector<16xi32> to vector<1x16xi32>
      tpu.vector_store %arg13[%swap3A_2251, %swap3A_2252], %swap3A_2255 {strides = array<i32>} : memref<157x128xi32, #tpu.memory_space<vmem>>, vector<1x16xi32>,
    }
    %scan3A_17 = arith.constant 625 : i32
    %add3A_18 = arith.constant 0 : i32
    %add3A_19 = arith.addi %mul3A_2, %add3A_18 : i32
    %add3A_20 = arith.constant 10320 : i32
    %add3A_21 = vector.broadcast %add3A_20 : i32 to vector<16xi32>
    %add3A_22 = arith.addi %add3A_21, %iota3A : vector<16xi32>
    %shift_right_arithmetic3A = arith.constant 3 : i32
    %shift_right_arithmetic3A_23 = arith.shrsi %add3A_19, %shift_right_arithmetic3A : i32
    %mul3A_24 = arith.constant 81 : i32
    %mul3A_25 = arith.muli %shift_right_arithmetic3A_23, %mul3A_24 : i32
    %shift_right_arithmetic3A_26 = arith.constant 7 : i32
    %shift_right_arithmetic3A_27 = vector.broadcast %shift_right_arithmetic3A_26 : i32 to vector<16xi32>
    %shift_right_arithmetic3A_28 = arith.shrsi %add3A_22, %shift_right_arithmetic3A_27 : vector<16xi32>
    %add3A_29 = vector.broadcast %mul3A_25 : i32 to vector<16xi32>
    %add3A_30 = arith.addi %add3A_29, %shift_right_arithmetic3A_28 : vector<16xi32>
    %mul3A_31 = arith.constant 1024 : i32
    %mul3A_32 = vector.broadcast %mul3A_31 : i32 to vector<16xi32>
    %mul3A_33 = arith.muli %add3A_30, %mul3A_32 : vector<16xi32>
    %and3A = arith.constant 7 : i32
    %and3A_34 = arith.andi %add3A_19, %and3A : i32
    %shift_left3A = arith.constant 7 : i32
    %shift_left3A_35 = arith.shli %and3A_34, %shift_left3A : i32
    %add3A_36 = vector.broadcast %shift_left3A_35 : i32 to vector<16xi32>
    %add3A_37 = arith.addi %mul3A_33, %add3A_36 : vector<16xi32>
    %and3A_38 = arith.constant 127 : i32
    %and3A_39 = vector.broadcast %and3A_38 : i32 to vector<16xi32>
    %and3A_40 = arith.andi %add3A_22, %and3A_39 : vector<16xi32>
    %add3A_41 = arith.addi %add3A_37, %and3A_40 : vector<16xi32>
    %swap3A = arith.constant 156 : i32
    %swap3A_42 = arith.index_cast %swap3A : i32 to index
    %swap3A_43 = arith.constant 32 : index
    %swap3A_44 = tpu.vector_load %arg13[%swap3A_42, %swap3A_43] {strides = array<i32>} : memref<157x128xi32, #tpu.memory_space<vmem>>, vector<1x16xi32>,
    %swap3A_45 = vector.shape_cast %swap3A_44 : vector<1x16xi32> to vector<16xi32>
    %swap3A_46 = vector.shape_cast %add3A_41 : vector<16xi32> to vector<1x16xi32>
    tpu.vector_store %arg13[%swap3A_42, %swap3A_43], %swap3A_46 {strides = array<i32>} : memref<157x128xi32, #tpu.memory_space<vmem>>, vector<1x16xi32>,
    %add3A_47 = arith.constant 1 : i32
    %add3A_48 = arith.addi %mul3A_2, %add3A_47 : i32
    %add3A_49 = arith.constant 10320 : i32
    %add3A_50 = vector.broadcast %add3A_49 : i32 to vector<16xi32>
    %add3A_51 = arith.addi %add3A_50, %iota3A : vector<16xi32>
    %shift_right_arithmetic3A_52 = arith.constant 3 : i32
    %shift_right_arithmetic3A_53 = arith.shrsi %add3A_48, %shift_right_arithmetic3A_52 : i32
    %mul3A_54 = arith.constant 81 : i32
    %mul3A_55 = arith.muli %shift_right_arithmetic3A_53, %mul3A_54 : i32
    %shift_right_arithmetic3A_56 = arith.constant 7 : i32
    %shift_right_arithmetic3A_57 = vector.broadcast %shift_right_arithmetic3A_56 : i32 to vector<16xi32>
    %shift_right_arithmetic3A_58 = arith.shrsi %add3A_51, %shift_right_arithmetic3A_57 : vector<16xi32>
    %add3A_59 = vector.broadcast %mul3A_55 : i32 to vector<16xi32>
    %add3A_60 = arith.addi %add3A_59, %shift_right_arithmetic3A_58 : vector<16xi32>
    %mul3A_61 = arith.constant 1024 : i32
    %mul3A_62 = vector.broadcast %mul3A_61 : i32 to vector<16xi32>
    %mul3A_63 = arith.muli %add3A_60, %mul3A_62 : vector<16xi32>
    %and3A_64 = arith.constant 7 : i32
    %and3A_65 = arith.andi %add3A_48, %and3A_64 : i32
    %shift_left3A_66 = arith.constant 7 : i32
    %shift_left3A_67 = arith.shli %and3A_65, %shift_left3A_66 : i32
    %add3A_68 = vector.broadcast %shift_left3A_67 : i32 to vector<16xi32>
    %add3A_69 = arith.addi %mul3A_63, %add3A_68 : vector<16xi32>
    %and3A_70 = arith.constant 127 : i32
    %and3A_71 = vector.broadcast %and3A_70 : i32 to vector<16xi32>
    %and3A_72 = arith.andi %add3A_51, %and3A_71 : vector<16xi32>
    %add3A_73 = arith.addi %add3A_69, %and3A_72 : vector<16xi32>
    %swap3A_74 = arith.constant 156 : i32
    %swap3A_75 = arith.index_cast %swap3A_74 : i32 to index
    %swap3A_76 = arith.constant 48 : index
    %swap3A_77 = tpu.vector_load %arg13[%swap3A_75, %swap3A_76] {strides = array<i32>} : memref<157x128xi32, #tpu.memory_space<vmem>>, vector<1x16xi32>,
    %swap3A_78 = vector.shape_cast %swap3A_77 : vector<1x16xi32> to vector<16xi32>
    %swap3A_79 = vector.shape_cast %add3A_73 : vector<16xi32> to vector<1x16xi32>
    tpu.vector_store %arg13[%swap3A_75, %swap3A_76], %swap3A_79 {strides = array<i32>} : memref<157x128xi32, #tpu.memory_space<vmem>>, vector<1x16xi32>,
    %add3A_80 = arith.constant 2 : i32
    %add3A_81 = arith.addi %mul3A_2, %add3A_80 : i32
    %add3A_82 = arith.constant 10320 : i32
    %add3A_83 = vector.broadcast %add3A_82 : i32 to vector<16xi32>
    %add3A_84 = arith.addi %add3A_83, %iota3A : vector<16xi32>
    %shift_right_arithmetic3A_85 = arith.constant 3 : i32
    %shift_right_arithmetic3A_86 = arith.shrsi %add3A_81, %shift_right_arithmetic3A_85 : i32
    %mul3A_87 = arith.constant 81 : i32
    %mul3A_88 = arith.muli %shift_right_arithmetic3A_86, %mul3A_87 : i32
    %shift_right_arithmetic3A_89 = arith.constant 7 : i32
    %shift_right_arithmetic3A_90 = vector.broadcast %shift_right_arithmetic3A_89 : i32 to vector<16xi32>
    %shift_right_arithmetic3A_91 = arith.shrsi %add3A_84, %shift_right_arithmetic3A_90 : vector<16xi32>
    %add3A_92 = vector.broadcast %mul3A_88 : i32 to vector<16xi32>
    %add3A_93 = arith.addi %add3A_92, %shift_right_arithmetic3A_91 : vector<16xi32>
    %mul3A_94 = arith.constant 1024 : i32
    %mul3A_95 = vector.broadcast %mul3A_94 : i32 to vector<16xi32>
    %mul3A_96 = arith.muli %add3A_93, %mul3A_95 : vector<16xi32>
    %and3A_97 = arith.constant 7 : i32
    %and3A_98 = arith.andi %add3A_81, %and3A_97 : i32
    %shift_left3A_99 = arith.constant 7 : i32
    %shift_left3A_100 = arith.shli %and3A_98, %shift_left3A_99 : i32
    %add3A_101 = vector.broadcast %shift_left3A_100 : i32 to vector<16xi32>
    %add3A_102 = arith.addi %mul3A_96, %add3A_101 : vector<16xi32>
    %and3A_103 = arith.constant 127 : i32
    %and3A_104 = vector.broadcast %and3A_103 : i32 to vector<16xi32>
    %and3A_105 = arith.andi %add3A_84, %and3A_104 : vector<16xi32>
    %add3A_106 = arith.addi %add3A_102, %and3A_105 : vector<16xi32>
    %swap3A_107 = arith.constant 156 : i32
    %swap3A_108 = arith.index_cast %swap3A_107 : i32 to index
    %swap3A_109 = arith.constant 64 : index
    %swap3A_110 = tpu.vector_load %arg13[%swap3A_108, %swap3A_109] {strides = array<i32>} : memref<157x128xi32, #tpu.memory_space<vmem>>, vector<1x16xi32>,
    %swap3A_111 = vector.shape_cast %swap3A_110 : vector<1x16xi32> to vector<16xi32>
    %swap3A_112 = vector.shape_cast %add3A_106 : vector<16xi32> to vector<1x16xi32>
    tpu.vector_store %arg13[%swap3A_108, %swap3A_109], %swap3A_112 {strides = array<i32>} : memref<157x128xi32, #tpu.memory_space<vmem>>, vector<1x16xi32>,
    %add3A_113 = arith.constant 3 : i32
    %add3A_114 = arith.addi %mul3A_2, %add3A_113 : i32
    %add3A_115 = arith.constant 10320 : i32
    %add3A_116 = vector.broadcast %add3A_115 : i32 to vector<16xi32>
    %add3A_117 = arith.addi %add3A_116, %iota3A : vector<16xi32>
    %shift_right_arithmetic3A_118 = arith.constant 3 : i32
    %shift_right_arithmetic3A_119 = arith.shrsi %add3A_114, %shift_right_arithmetic3A_118 : i32
    %mul3A_120 = arith.constant 81 : i32
    %mul3A_121 = arith.muli %shift_right_arithmetic3A_119, %mul3A_120 : i32
    %shift_right_arithmetic3A_122 = arith.constant 7 : i32
    %shift_right_arithmetic3A_123 = vector.broadcast %shift_right_arithmetic3A_122 : i32 to vector<16xi32>
    %shift_right_arithmetic3A_124 = arith.shrsi %add3A_117, %shift_right_arithmetic3A_123 : vector<16xi32>
    %add3A_125 = vector.broadcast %mul3A_121 : i32 to vector<16xi32>
    %add3A_126 = arith.addi %add3A_125, %shift_right_arithmetic3A_124 : vector<16xi32>
    %mul3A_127 = arith.constant 1024 : i32
    %mul3A_128 = vector.broadcast %mul3A_127 : i32 to vector<16xi32>
    %mul3A_129 = arith.muli %add3A_126, %mul3A_128 : vector<16xi32>
    %and3A_130 = arith.constant 7 : i32
    %and3A_131 = arith.andi %add3A_114, %and3A_130 : i32
    %shift_left3A_132 = arith.constant 7 : i32
    %shift_left3A_133 = arith.shli %and3A_131, %shift_left3A_132 : i32
    %add3A_134 = vector.broadcast %shift_left3A_133 : i32 to vector<16xi32>
    %add3A_135 = arith.addi %mul3A_129, %add3A_134 : vector<16xi32>
    %and3A_136 = arith.constant 127 : i32
    %and3A_137 = vector.broadcast %and3A_136 : i32 to vector<16xi32>
    %and3A_138 = arith.andi %add3A_117, %and3A_137 : vector<16xi32>
    %add3A_139 = arith.addi %add3A_135, %and3A_138 : vector<16xi32>
    %swap3A_140 = arith.constant 156 : i32
    %swap3A_141 = arith.index_cast %swap3A_140 : i32 to index
    %swap3A_142 = arith.constant 80 : index
    %swap3A_143 = tpu.vector_load %arg13[%swap3A_141, %swap3A_142] {strides = array<i32>} : memref<157x128xi32, #tpu.memory_space<vmem>>, vector<1x16xi32>,
    %swap3A_144 = vector.shape_cast %swap3A_143 : vector<1x16xi32> to vector<16xi32>
    %swap3A_145 = vector.shape_cast %add3A_139 : vector<16xi32> to vector<1x16xi32>
    tpu.vector_store %arg13[%swap3A_141, %swap3A_142], %swap3A_145 {strides = array<i32>} : memref<157x128xi32, #tpu.memory_space<vmem>>, vector<1x16xi32>,
    %add3A_146 = arith.constant 4 : i32
    %add3A_147 = arith.addi %mul3A_2, %add3A_146 : i32
    %add3A_148 = arith.constant 10320 : i32
    %add3A_149 = vector.broadcast %add3A_148 : i32 to vector<16xi32>
    %add3A_150 = arith.addi %add3A_149, %iota3A : vector<16xi32>
    %shift_right_arithmetic3A_151 = arith.constant 3 : i32
    %shift_right_arithmetic3A_152 = arith.shrsi %add3A_147, %shift_right_arithmetic3A_151 : i32
    %mul3A_153 = arith.constant 81 : i32
    %mul3A_154 = arith.muli %shift_right_arithmetic3A_152, %mul3A_153 : i32
    %shift_right_arithmetic3A_155 = arith.constant 7 : i32
    %shift_right_arithmetic3A_156 = vector.broadcast %shift_right_arithmetic3A_155 : i32 to vector<16xi32>
    %shift_right_arithmetic3A_157 = arith.shrsi %add3A_150, %shift_right_arithmetic3A_156 : vector<16xi32>
    %add3A_158 = vector.broadcast %mul3A_154 : i32 to vector<16xi32>
    %add3A_159 = arith.addi %add3A_158, %shift_right_arithmetic3A_157 : vector<16xi32>
    %mul3A_160 = arith.constant 1024 : i32
    %mul3A_161 = vector.broadcast %mul3A_160 : i32 to vector<16xi32>
    %mul3A_162 = arith.muli %add3A_159, %mul3A_161 : vector<16xi32>
    %and3A_163 = arith.constant 7 : i32
    %and3A_164 = arith.andi %add3A_147, %and3A_163 : i32
    %shift_left3A_165 = arith.constant 7 : i32
    %shift_left3A_166 = arith.shli %and3A_164, %shift_left3A_165 : i32
    %add3A_167 = vector.broadcast %shift_left3A_166 : i32 to vector<16xi32>
    %add3A_168 = arith.addi %mul3A_162, %add3A_167 : vector<16xi32>
    %and3A_169 = arith.constant 127 : i32
    %and3A_170 = vector.broadcast %and3A_169 : i32 to vector<16xi32>
    %and3A_171 = arith.andi %add3A_150, %and3A_170 : vector<16xi32>
    %add3A_172 = arith.addi %add3A_168, %and3A_171 : vector<16xi32>
    %swap3A_173 = arith.constant 156 : i32
    %swap3A_174 = arith.index_cast %swap3A_173 : i32 to index
    %swap3A_175 = arith.constant 96 : index
    %swap3A_176 = tpu.vector_load %arg13[%swap3A_174, %swap3A_175] {strides = array<i32>} : memref<157x128xi32, #tpu.memory_space<vmem>>, vector<1x16xi32>,
    %swap3A_177 = vector.shape_cast %swap3A_176 : vector<1x16xi32> to vector<16xi32>
    %swap3A_178 = vector.shape_cast %add3A_172 : vector<16xi32> to vector<1x16xi32>
    tpu.vector_store %arg13[%swap3A_174, %swap3A_175], %swap3A_178 {strides = array<i32>} : memref<157x128xi32, #tpu.memory_space<vmem>>, vector<1x16xi32>,
    %add3A_179 = arith.constant 5 : i32
    %add3A_180 = arith.addi %mul3A_2, %add3A_179 : i32
    %add3A_181 = arith.constant 10320 : i32
    %add3A_182 = vector.broadcast %add3A_181 : i32 to vector<16xi32>
    %add3A_183 = arith.addi %add3A_182, %iota3A : vector<16xi32>
    %shift_right_arithmetic3A_184 = arith.constant 3 : i32
    %shift_right_arithmetic3A_185 = arith.shrsi %add3A_180, %shift_right_arithmetic3A_184 : i32
    %mul3A_186 = arith.constant 81 : i32
    %mul3A_187 = arith.muli %shift_right_arithmetic3A_185, %mul3A_186 : i32
    %shift_right_arithmetic3A_188 = arith.constant 7 : i32
    %shift_right_arithmetic3A_189 = vector.broadcast %shift_right_arithmetic3A_188 : i32 to vector<16xi32>
    %shift_right_arithmetic3A_190 = arith.shrsi %add3A_183, %shift_right_arithmetic3A_189 : vector<16xi32>
    %add3A_191 = vector.broadcast %mul3A_187 : i32 to vector<16xi32>
    %add3A_192 = arith.addi %add3A_191, %shift_right_arithmetic3A_190 : vector<16xi32>
    %mul3A_193 = arith.constant 1024 : i32
    %mul3A_194 = vector.broadcast %mul3A_193 : i32 to vector<16xi32>
    %mul3A_195 = arith.muli %add3A_192, %mul3A_194 : vector<16xi32>
    %and3A_196 = arith.constant 7 : i32
    %and3A_197 = arith.andi %add3A_180, %and3A_196 : i32
    %shift_left3A_198 = arith.constant 7 : i32
    %shift_left3A_199 = arith.shli %and3A_197, %shift_left3A_198 : i32
    %add3A_200 = vector.broadcast %shift_left3A_199 : i32 to vector<16xi32>
    %add3A_201 = arith.addi %mul3A_195, %add3A_200 : vector<16xi32>
    %and3A_202 = arith.constant 127 : i32
    %and3A_203 = vector.broadcast %and3A_202 : i32 to vector<16xi32>
    %and3A_204 = arith.andi %add3A_183, %and3A_203 : vector<16xi32>
    %add3A_205 = arith.addi %add3A_201, %and3A_204 : vector<16xi32>
    %swap3A_206 = arith.constant 156 : i32
    %swap3A_207 = arith.index_cast %swap3A_206 : i32 to index
    %swap3A_208 = arith.constant 112 : index
    %swap3A_209 = tpu.vector_load %arg13[%swap3A_207, %swap3A_208] {strides = array<i32>} : memref<157x128xi32, #tpu.memory_space<vmem>>, vector<1x16xi32>,
    %swap3A_210 = vector.shape_cast %swap3A_209 : vector<1x16xi32> to vector<16xi32>
    %swap3A_211 = vector.shape_cast %add3A_205 : vector<16xi32> to vector<1x16xi32>
    tpu.vector_store %arg13[%swap3A_207, %swap3A_208], %swap3A_211 {strides = array<i32>} : memref<157x128xi32, #tpu.memory_space<vmem>>, vector<1x16xi32>,
    %mul3A_212 = arith.constant 320 : i32
    %mul3A_213 = arith.muli %add3A, %mul3A_212 : i32
    "tpu.region"() ({
      %run_scoped3A = tpu.sem_alloc : memref<!tpu.dma_semaphore, #tpu.memory_space<semaphore_mem>>
      %dma_start3A = tpu.memref_slice %arg4[%mul3A_213] : memref<10240xi32, #tpu.memory_space<hbm>> -> memref<320xi32, #tpu.memory_space<hbm>>
      %dma_start3A_2179 = tpu.memref_slice %arg4[%mul3A_213] : memref<10240xi32, #tpu.memory_space<hbm>> -> memref<320xi32, #tpu.memory_space<hbm>>
      tpu.enqueue_dma source(%dma_start3A_2179 : memref<320xi32, #tpu.memory_space<hbm>>) target(%arg16 : memref<320xi32, #tpu.memory_space<vmem>>) target_semaphore(%run_scoped3A : memref<!tpu.dma_semaphore, #tpu.memory_space<semaphore_mem>>)
      %dma_wait3A = tpu.memref_slice %arg4[%mul3A_213] : memref<10240xi32, #tpu.memory_space<hbm>> -> memref<320xi32, #tpu.memory_space<hbm>>
      %dma_wait3A_2180 = tpu.memref_slice %arg4[%mul3A_213] : memref<10240xi32, #tpu.memory_space<hbm>> -> memref<320xi32, #tpu.memory_space<hbm>>
      tpu.wait_dma2 semaphore(%run_scoped3A : memref<!tpu.dma_semaphore, #tpu.memory_space<semaphore_mem>>) src(%dma_wait3A_2180 : memref<320xi32, #tpu.memory_space<hbm>>) dst(%arg16 : memref<320xi32, #tpu.memory_space<vmem>>)
      tpu.yield
    }) : () -> ()
    %add3A_214 = arith.constant 0 : i32
    %add3A_215 = arith.addi %add3A_214, %mul3A_213 : i32
    "tpu.region"() ({
      %run_scoped3A = tpu.sem_alloc : memref<!tpu.dma_semaphore, #tpu.memory_space<semaphore_mem>>
      %dma_start3A = tpu.memref_slice %arg5[%add3A_215] : memref<81920xf32, #tpu.memory_space<hbm>> -> memref<320xf32, #tpu.memory_space<hbm>>
      %dma_start3A_2179 = tpu.memref_slice %arg5[%add3A_215] : memref<81920xf32, #tpu.memory_space<hbm>> -> memref<320xf32, #tpu.memory_space<hbm>>
      tpu.enqueue_dma source(%dma_start3A_2179 : memref<320xf32, #tpu.memory_space<hbm>>) target(%arg17 : memref<320xf32, #tpu.memory_space<vmem>>) target_semaphore(%run_scoped3A : memref<!tpu.dma_semaphore, #tpu.memory_space<semaphore_mem>>)
      %dma_wait3A = tpu.memref_slice %arg5[%add3A_215] : memref<81920xf32, #tpu.memory_space<hbm>> -> memref<320xf32, #tpu.memory_space<hbm>>
      %dma_wait3A_2180 = tpu.memref_slice %arg5[%add3A_215] : memref<81920xf32, #tpu.memory_space<hbm>> -> memref<320xf32, #tpu.memory_space<hbm>>
      tpu.wait_dma2 semaphore(%run_scoped3A : memref<!tpu.dma_semaphore, #tpu.memory_space<semaphore_mem>>) src(%dma_wait3A_2180 : memref<320xf32, #tpu.memory_space<hbm>>) dst(%arg17 : memref<320xf32, #tpu.memory_space<vmem>>)
      tpu.yield
    }) : () -> ()
    %scan3A_216 = arith.constant 0 : i32
    %scan3A_217 = arith.constant 0 : i32
    %scan3A_218 = arith.constant 20 : i32
    %scan3A_219 = arith.addi %scan3A_217, %scan3A_218 : i32
    %scan3A_220 = arith.constant 1 : i32
    scf.for %scan3A_2179 = %scan3A_217 to %scan3A_219 step %scan3A_220  : i32 {
      %mul3A_2180 = arith.constant 16 : i32
      %mul3A_2181 = arith.muli %scan3A_2179, %mul3A_2180 : i32
      %add3A_2182 = arith.addi %mul3A_213, %mul3A_2181 : i32
      %add3A_2183 = vector.broadcast %add3A_2182 : i32 to vector<16xi32>
      %add3A_2184 = arith.addi %add3A_2183, %iota3A : vector<16xi32>
      %mul3A_2185 = arith.constant 16 : i32
      %mul3A_2186 = arith.muli %scan3A_2179, %mul3A_2185 : i32
      %get3A_2187 = arith.index_cast %mul3A_2186 : i32 to index
      %get3A_2188 = tpu.vector_load %arg16[%get3A_2187] {strides = array<i32>} : memref<320xi32, #tpu.memory_space<vmem>>, vector<16xi32>,
      %get3A_2189 = vector.shape_cast %get3A_2188 : vector<16xi32> to vector<16xi32>
      %mul3A_2190 = arith.constant 16 : i32
      %mul3A_2191 = arith.muli %scan3A_2179, %mul3A_2190 : i32
      %get3A_2192 = arith.index_cast %mul3A_2191 : i32 to index
      %get3A_2193 = tpu.vector_load %arg17[%get3A_2192] {strides = array<i32>} : memref<320xf32, #tpu.memory_space<vmem>>, vector<16xf32>,
      %get3A_2194 = vector.shape_cast %get3A_2193 : vector<16xf32> to vector<16xf32>
      %ge3A_2195 = arith.constant 0.000000e+00 : f32
      %ge3A_2196 = vector.broadcast %ge3A_2195 : f32 to vector<16xf32>
      %ge3A_2197 = arith.cmpf oge, %get3A_2194, %ge3A_2196 : vector<16xf32>
      %mul3A_2198 = arith.constant 5 : i32
      %mul3A_2199 = vector.broadcast %mul3A_2198 : i32 to vector<16xi32>
      %mul3A_2200 = arith.muli %mul3A_2199, %get3A_2189 : vector<16xi32>
      %add3A_2201 = arith.constant 10000 : i32
      %add3A_2202 = vector.broadcast %add3A_2201 : i32 to vector<16xi32>
      %add3A_2203 = arith.addi %add3A_2202, %mul3A_2200 : vector<16xi32>
      %add3A_2204 = arith.constant 0 : i32
      %add3A_2205 = vector.broadcast %add3A_2204 : i32 to vector<16xi32>
      %add3A_2206 = arith.addi %add3A_2203, %add3A_2205 : vector<16xi32>
      %mul3A_2207 = arith.constant 5 : i32
      %mul3A_2208 = arith.muli %scan3A_2179, %mul3A_2207 : i32
      %add3A_2209 = arith.constant 0 : i32
      %add3A_2210 = arith.addi %mul3A_2208, %add3A_2209 : i32
      %mul3A_2211 = arith.constant 2 : i32
      %mul3A_2212 = arith.muli %add3A_2210, %mul3A_2211 : i32
      %add3A_2213 = arith.addi %mul3A_2, %mul3A_2212 : i32
      %add3A_2214 = arith.constant 10320 : i32
      %add3A_2215 = vector.broadcast %add3A_2214 : i32 to vector<16xi32>
      %add3A_2216 = arith.addi %add3A_2215, %iota3A : vector<16xi32>
      %shift_right_arithmetic3A_2217 = arith.constant 3 : i32
      %shift_right_arithmetic3A_2218 = arith.shrsi %add3A_2213, %shift_right_arithmetic3A_2217 : i32
      %mul3A_2219 = arith.constant 81 : i32
      %mul3A_2220 = arith.muli %shift_right_arithmetic3A_2218, %mul3A_2219 : i32
      %shift_right_arithmetic3A_2221 = arith.constant 7 : i32
      %shift_right_arithmetic3A_2222 = vector.broadcast %shift_right_arithmetic3A_2221 : i32 to vector<16xi32>
      %shift_right_arithmetic3A_2223 = arith.shrsi %add3A_2216, %shift_right_arithmetic3A_2222 : vector<16xi32>
      %add3A_2224 = vector.broadcast %mul3A_2220 : i32 to vector<16xi32>
      %add3A_2225 = arith.addi %add3A_2224, %shift_right_arithmetic3A_2223 : vector<16xi32>
      %mul3A_2226 = arith.constant 1024 : i32
      %mul3A_2227 = vector.broadcast %mul3A_2226 : i32 to vector<16xi32>
      %mul3A_2228 = arith.muli %add3A_2225, %mul3A_2227 : vector<16xi32>
      %and3A_2229 = arith.constant 7 : i32
      %and3A_2230 = arith.andi %add3A_2213, %and3A_2229 : i32
      %shift_left3A_2231 = arith.constant 7 : i32
      %shift_left3A_2232 = arith.shli %and3A_2230, %shift_left3A_2231 : i32
      %add3A_2233 = vector.broadcast %shift_left3A_2232 : i32 to vector<16xi32>
      %add3A_2234 = arith.addi %mul3A_2228, %add3A_2233 : vector<16xi32>
      %and3A_2235 = arith.constant 127 : i32
      %and3A_2236 = vector.broadcast %and3A_2235 : i32 to vector<16xi32>
      %and3A_2237 = arith.andi %add3A_2216, %and3A_2236 : vector<16xi32>
      %add3A_2238 = arith.addi %add3A_2234, %and3A_2237 : vector<16xi32>
      %shift_right_arithmetic3A_2239 = arith.constant 3 : i32
      %shift_right_arithmetic3A_2240 = vector.broadcast %shift_right_arithmetic3A_2239 : i32 to vector<16xi32>
      %shift_right_arithmetic3A_2241 = arith.shrsi %add3A_2206, %shift_right_arithmetic3A_2240 : vector<16xi32>
      %mul3A_2242 = arith.constant 81 : i32
      %mul3A_2243 = vector.broadcast %mul3A_2242 : i32 to vector<16xi32>
      %mul3A_2244 = arith.muli %shift_right_arithmetic3A_2241, %mul3A_2243 : vector<16xi32>
      %shift_right_arithmetic3A_2245 = arith.constant 7 : i32
      %shift_right_arithmetic3A_2246 = vector.broadcast %shift_right_arithmetic3A_2245 : i32 to vector<16xi32>
      %shift_right_arithmetic3A_2247 = arith.shrsi %add3A_2184, %shift_right_arithmetic3A_2246 : vector<16xi32>
      %add3A_2248 = arith.addi %mul3A_2244, %shift_right_arithmetic3A_2247 : vector<16xi32>
      %mul3A_2249 = arith.constant 1024 : i32
      %mul3A_2250 = vector.broadcast %mul3A_2249 : i32 to vector<16xi32>
      %mul3A_2251 = arith.muli %add3A_2248, %mul3A_2250 : vector<16xi32>
      %and3A_2252 = arith.constant 7 : i32
      %and3A_2253 = vector.broadcast %and3A_2252 : i32 to vector<16xi32>
      %and3A_2254 = arith.andi %add3A_2206, %and3A_2253 : vector<16xi32>
      %shift_left3A_2255 = arith.constant 7 : i32
      %shift_left3A_2256 = vector.broadcast %shift_left3A_2255 : i32 to vector<16xi32>
      %shift_left3A_2257 = arith.shli %and3A_2254, %shift_left3A_2256 : vector<16xi32>
      %add3A_2258 = arith.addi %mul3A_2251, %shift_left3A_2257 : vector<16xi32>
      %and3A_2259 = arith.constant 127 : i32
      %and3A_2260 = vector.broadcast %and3A_2259 : i32 to vector<16xi32>
      %and3A_2261 = arith.andi %add3A_2184, %and3A_2260 : vector<16xi32>
      %add3A_2262 = arith.addi %add3A_2258, %and3A_2261 : vector<16xi32>
      %select_n3A_2263 = arith.select %ge3A_2197, %add3A_2262, %add3A_2238 : vector<16xi1>, vector<16xi32>
      %shift_right_arithmetic3A_2264 = arith.constant 3 : i32
      %shift_right_arithmetic3A_2265 = vector.broadcast %shift_right_arithmetic3A_2264 : i32 to vector<16xi32>
      %shift_right_arithmetic3A_2266 = arith.shrsi %add3A_2184, %shift_right_arithmetic3A_2265 : vector<16xi32>
      %mul3A_2267 = arith.constant 81 : i32
      %mul3A_2268 = vector.broadcast %mul3A_2267 : i32 to vector<16xi32>
      %mul3A_2269 = arith.muli %shift_right_arithmetic3A_2266, %mul3A_2268 : vector<16xi32>
      %shift_right_arithmetic3A_2270 = arith.constant 7 : i32
      %shift_right_arithmetic3A_2271 = vector.broadcast %shift_right_arithmetic3A_2270 : i32 to vector<16xi32>
      %shift_right_arithmetic3A_2272 = arith.shrsi %add3A_2206, %shift_right_arithmetic3A_2271 : vector<16xi32>
      %add3A_2273 = arith.addi %mul3A_2269, %shift_right_arithmetic3A_2272 : vector<16xi32>
      %mul3A_2274 = arith.constant 1024 : i32
      %mul3A_2275 = vector.broadcast %mul3A_2274 : i32 to vector<16xi32>
      %mul3A_2276 = arith.muli %add3A_2273, %mul3A_2275 : vector<16xi32>
      %and3A_2277 = arith.constant 7 : i32
      %and3A_2278 = vector.broadcast %and3A_2277 : i32 to vector<16xi32>
      %and3A_2279 = arith.andi %add3A_2184, %and3A_2278 : vector<16xi32>
      %shift_left3A_2280 = arith.constant 7 : i32
      %shift_left3A_2281 = vector.broadcast %shift_left3A_2280 : i32 to vector<16xi32>
      %shift_left3A_2282 = arith.shli %and3A_2279, %shift_left3A_2281 : vector<16xi32>
      %add3A_2283 = arith.addi %mul3A_2276, %shift_left3A_2282 : vector<16xi32>
      %and3A_2284 = arith.constant 127 : i32
      %and3A_2285 = vector.broadcast %and3A_2284 : i32 to vector<16xi32>
      %and3A_2286 = arith.andi %add3A_2206, %and3A_2285 : vector<16xi32>
      %add3A_2287 = arith.addi %add3A_2283, %and3A_2286 : vector<16xi32>
      %add3A_2288 = arith.constant 1 : i32
      %add3A_2289 = arith.addi %mul3A_2212, %add3A_2288 : i32
      %add3A_2290 = arith.addi %mul3A_2, %add3A_2289 : i32
      %add3A_2291 = arith.constant 10320 : i32
      %add3A_2292 = vector.broadcast %add3A_2291 : i32 to vector<16xi32>
      %add3A_2293 = arith.addi %add3A_2292, %iota3A : vector<16xi32>
      %shift_right_arithmetic3A_2294 = arith.constant 3 : i32
      %shift_right_arithmetic3A_2295 = arith.shrsi %add3A_2290, %shift_right_arithmetic3A_2294 : i32
      %mul3A_2296 = arith.constant 81 : i32
      %mul3A_2297 = arith.muli %shift_right_arithmetic3A_2295, %mul3A_2296 : i32
      %shift_right_arithmetic3A_2298 = arith.constant 7 : i32
      %shift_right_arithmetic3A_2299 = vector.broadcast %shift_right_arithmetic3A_2298 : i32 to vector<16xi32>
      %shift_right_arithmetic3A_2300 = arith.shrsi %add3A_2293, %shift_right_arithmetic3A_2299 : vector<16xi32>
      %add3A_2301 = vector.broadcast %mul3A_2297 : i32 to vector<16xi32>
      %add3A_2302 = arith.addi %add3A_2301, %shift_right_arithmetic3A_2300 : vector<16xi32>
      %mul3A_2303 = arith.constant 1024 : i32
      %mul3A_2304 = vector.broadcast %mul3A_2303 : i32 to vector<16xi32>
      %mul3A_2305 = arith.muli %add3A_2302, %mul3A_2304 : vector<16xi32>
      %and3A_2306 = arith.constant 7 : i32
      %and3A_2307 = arith.andi %add3A_2290, %and3A_2306 : i32
      %shift_left3A_2308 = arith.constant 7 : i32
      %shift_left3A_2309 = arith.shli %and3A_2307, %shift_left3A_2308 : i32
      %add3A_2310 = vector.broadcast %shift_left3A_2309 : i32 to vector<16xi32>
      %add3A_2311 = arith.addi %mul3A_2305, %add3A_2310 : vector<16xi32>
      %and3A_2312 = arith.constant 127 : i32
      %and3A_2313 = vector.broadcast %and3A_2312 : i32 to vector<16xi32>
      %and3A_2314 = arith.andi %add3A_2293, %and3A_2313 : vector<16xi32>
      %add3A_2315 = arith.addi %add3A_2311, %and3A_2314 : vector<16xi32>
      %select_n3A_2316 = arith.select %ge3A_2197, %add3A_2287, %add3A_2315 : vector<16xi1>, vector<16xi32>
      %shift_right_arithmetic3A_2317 = arith.constant 3 : i32
      %shift_right_arithmetic3A_2318 = arith.shrsi %mul3A_2212, %shift_right_arithmetic3A_2317 : i32
      %and3A_2319 = arith.constant 7 : i32
      %and3A_2320 = arith.andi %mul3A_2212, %and3A_2319 : i32
      %mul3A_2321 = arith.constant 16 : i32
      %mul3A_2322 = arith.muli %and3A_2320, %mul3A_2321 : i32
      %swap3A_2323 = arith.index_cast %shift_right_arithmetic3A_2318 : i32 to index
      %swap3A_2324 = arith.index_cast %mul3A_2322 : i32 to index
      %swap3A_2325 = tpu.vector_load %arg14[%swap3A_2323, %swap3A_2324] {strides = array<i32>} : memref<29x128xi32, #tpu.memory_space<vmem>>, vector<1x16xi32>,
      %swap3A_2326 = vector.shape_cast %swap3A_2325 : vector<1x16xi32> to vector<16xi32>
      %swap3A_2327 = vector.shape_cast %select_n3A_2263 : vector<16xi32> to vector<1x16xi32>
      tpu.vector_store %arg14[%swap3A_2323, %swap3A_2324], %swap3A_2327 {strides = array<i32>} : memref<29x128xi32, #tpu.memory_space<vmem>>, vector<1x16xi32>,
      %add3A_2328 = arith.constant 1 : i32
      %add3A_2329 = arith.addi %mul3A_2212, %add3A_2328 : i32
      %shift_right_arithmetic3A_2330 = arith.constant 3 : i32
      %shift_right_arithmetic3A_2331 = arith.shrsi %add3A_2329, %shift_right_arithmetic3A_2330 : i32
      %add3A_2332 = arith.constant 1 : i32
      %add3A_2333 = arith.addi %mul3A_2212, %add3A_2332 : i32
      %and3A_2334 = arith.constant 7 : i32
      %and3A_2335 = arith.andi %add3A_2333, %and3A_2334 : i32
      %mul3A_2336 = arith.constant 16 : i32
      %mul3A_2337 = arith.muli %and3A_2335, %mul3A_2336 : i32
      %swap3A_2338 = arith.index_cast %shift_right_arithmetic3A_2331 : i32 to index
      %swap3A_2339 = arith.index_cast %mul3A_2337 : i32 to index
      %swap3A_2340 = tpu.vector_load %arg14[%swap3A_2338, %swap3A_2339] {strides = array<i32>} : memref<29x128xi32, #tpu.memory_space<vmem>>, vector<1x16xi32>,
      %swap3A_2341 = vector.shape_cast %swap3A_2340 : vector<1x16xi32> to vector<16xi32>
      %swap3A_2342 = vector.shape_cast %select_n3A_2316 : vector<16xi32> to vector<1x16xi32>
      tpu.vector_store %arg14[%swap3A_2338, %swap3A_2339], %swap3A_2342 {strides = array<i32>} : memref<29x128xi32, #tpu.memory_space<vmem>>, vector<1x16xi32>,
    }
    %scan3A_221 = arith.constant 20 : i32
    %add3A_222 = arith.constant 10240 : i32
    %add3A_223 = arith.addi %add3A_222, %mul3A_213 : i32
    "tpu.region"() ({
      %run_scoped3A = tpu.sem_alloc : memref<!tpu.dma_semaphore, #tpu.memory_space<semaphore_mem>>
      %dma_start3A = tpu.memref_slice %arg5[%add3A_223] : memref<81920xf32, #tpu.memory_space<hbm>> -> memref<320xf32, #tpu.memory_space<hbm>>
      %dma_start3A_2179 = tpu.memref_slice %arg5[%add3A_223] : memref<81920xf32, #tpu.memory_space<hbm>> -> memref<320xf32, #tpu.memory_space<hbm>>
      tpu.enqueue_dma source(%dma_start3A_2179 : memref<320xf32, #tpu.memory_space<hbm>>) target(%arg17 : memref<320xf32, #tpu.memory_space<vmem>>) target_semaphore(%run_scoped3A : memref<!tpu.dma_semaphore, #tpu.memory_space<semaphore_mem>>)
      %dma_wait3A = tpu.memref_slice %arg5[%add3A_223] : memref<81920xf32, #tpu.memory_space<hbm>> -> memref<320xf32, #tpu.memory_space<hbm>>
      %dma_wait3A_2180 = tpu.memref_slice %arg5[%add3A_223] : memref<81920xf32, #tpu.memory_space<hbm>> -> memref<320xf32, #tpu.memory_space<hbm>>
      tpu.wait_dma2 semaphore(%run_scoped3A : memref<!tpu.dma_semaphore, #tpu.memory_space<semaphore_mem>>) src(%dma_wait3A_2180 : memref<320xf32, #tpu.memory_space<hbm>>) dst(%arg17 : memref<320xf32, #tpu.memory_space<vmem>>)
      tpu.yield
    }) : () -> ()
    %scan3A_224 = arith.constant 0 : i32
    %scan3A_225 = arith.constant 0 : i32
    %scan3A_226 = arith.constant 20 : i32
    %scan3A_227 = arith.addi %scan3A_225, %scan3A_226 : i32
    %scan3A_228 = arith.constant 1 : i32
    scf.for %scan3A_2179 = %scan3A_225 to %scan3A_227 step %scan3A_228  : i32 {
      %mul3A_2180 = arith.constant 16 : i32
      %mul3A_2181 = arith.muli %scan3A_2179, %mul3A_2180 : i32
      %add3A_2182 = arith.addi %mul3A_213, %mul3A_2181 : i32
      %add3A_2183 = vector.broadcast %add3A_2182 : i32 to vector<16xi32>
      %add3A_2184 = arith.addi %add3A_2183, %iota3A : vector<16xi32>
      %mul3A_2185 = arith.constant 16 : i32
      %mul3A_2186 = arith.muli %scan3A_2179, %mul3A_2185 : i32
      %get3A_2187 = arith.index_cast %mul3A_2186 : i32 to index
      %get3A_2188 = tpu.vector_load %arg16[%get3A_2187] {strides = array<i32>} : memref<320xi32, #tpu.memory_space<vmem>>, vector<16xi32>,
      %get3A_2189 = vector.shape_cast %get3A_2188 : vector<16xi32> to vector<16xi32>
      %mul3A_2190 = arith.constant 16 : i32
      %mul3A_2191 = arith.muli %scan3A_2179, %mul3A_2190 : i32
      %get3A_2192 = arith.index_cast %mul3A_2191 : i32 to index
      %get3A_2193 = tpu.vector_load %arg17[%get3A_2192] {strides = array<i32>} : memref<320xf32, #tpu.memory_space<vmem>>, vector<16xf32>,
      %get3A_2194 = vector.shape_cast %get3A_2193 : vector<16xf32> to vector<16xf32>
      %ge3A_2195 = arith.constant 0.000000e+00 : f32
      %ge3A_2196 = vector.broadcast %ge3A_2195 : f32 to vector<16xf32>
      %ge3A_2197 = arith.cmpf oge, %get3A_2194, %ge3A_2196 : vector<16xf32>
      %mul3A_2198 = arith.constant 5 : i32
      %mul3A_2199 = vector.broadcast %mul3A_2198 : i32 to vector<16xi32>
      %mul3A_2200 = arith.muli %mul3A_2199, %get3A_2189 : vector<16xi32>
      %add3A_2201 = arith.constant 10000 : i32
      %add3A_2202 = vector.broadcast %add3A_2201 : i32 to vector<16xi32>
      %add3A_2203 = arith.addi %add3A_2202, %mul3A_2200 : vector<16xi32>
      %add3A_2204 = arith.constant 1 : i32
      %add3A_2205 = vector.broadcast %add3A_2204 : i32 to vector<16xi32>
      %add3A_2206 = arith.addi %add3A_2203, %add3A_2205 : vector<16xi32>
      %mul3A_2207 = arith.constant 5 : i32
      %mul3A_2208 = arith.muli %scan3A_2179, %mul3A_2207 : i32
      %add3A_2209 = arith.constant 1 : i32
      %add3A_2210 = arith.addi %mul3A_2208, %add3A_2209 : i32
      %mul3A_2211 = arith.constant 2 : i32
      %mul3A_2212 = arith.muli %add3A_2210, %mul3A_2211 : i32
      %add3A_2213 = arith.addi %mul3A_2, %mul3A_2212 : i32
      %add3A_2214 = arith.constant 10320 : i32
      %add3A_2215 = vector.broadcast %add3A_2214 : i32 to vector<16xi32>
      %add3A_2216 = arith.addi %add3A_2215, %iota3A : vector<16xi32>
      %shift_right_arithmetic3A_2217 = arith.constant 3 : i32
      %shift_right_arithmetic3A_2218 = arith.shrsi %add3A_2213, %shift_right_arithmetic3A_2217 : i32
      %mul3A_2219 = arith.constant 81 : i32
      %mul3A_2220 = arith.muli %shift_right_arithmetic3A_2218, %mul3A_2219 : i32
      %shift_right_arithmetic3A_2221 = arith.constant 7 : i32
      %shift_right_arithmetic3A_2222 = vector.broadcast %shift_right_arithmetic3A_2221 : i32 to vector<16xi32>
      %shift_right_arithmetic3A_2223 = arith.shrsi %add3A_2216, %shift_right_arithmetic3A_2222 : vector<16xi32>
      %add3A_2224 = vector.broadcast %mul3A_2220 : i32 to vector<16xi32>
      %add3A_2225 = arith.addi %add3A_2224, %shift_right_arithmetic3A_2223 : vector<16xi32>
      %mul3A_2226 = arith.constant 1024 : i32
      %mul3A_2227 = vector.broadcast %mul3A_2226 : i32 to vector<16xi32>
      %mul3A_2228 = arith.muli %add3A_2225, %mul3A_2227 : vector<16xi32>
      %and3A_2229 = arith.constant 7 : i32
      %and3A_2230 = arith.andi %add3A_2213, %and3A_2229 : i32
      %shift_left3A_2231 = arith.constant 7 : i32
      %shift_left3A_2232 = arith.shli %and3A_2230, %shift_left3A_2231 : i32
      %add3A_2233 = vector.broadcast %shift_left3A_2232 : i32 to vector<16xi32>
      %add3A_2234 = arith.addi %mul3A_2228, %add3A_2233 : vector<16xi32>
      %and3A_2235 = arith.constant 127 : i32
      %and3A_2236 = vector.broadcast %and3A_2235 : i32 to vector<16xi32>
      %and3A_2237 = arith.andi %add3A_2216, %and3A_2236 : vector<16xi32>
      %add3A_2238 = arith.addi %add3A_2234, %and3A_2237 : vector<16xi32>
      %shift_right_arithmetic3A_2239 = arith.constant 3 : i32
      %shift_right_arithmetic3A_2240 = vector.broadcast %shift_right_arithmetic3A_2239 : i32 to vector<16xi32>
      %shift_right_arithmetic3A_2241 = arith.shrsi %add3A_2206, %shift_right_arithmetic3A_2240 : vector<16xi32>
      %mul3A_2242 = arith.constant 81 : i32
      %mul3A_2243 = vector.broadcast %mul3A_2242 : i32 to vector<16xi32>
      %mul3A_2244 = arith.muli %shift_right_arithmetic3A_2241, %mul3A_2243 : vector<16xi32>
      %shift_right_arithmetic3A_2245 = arith.constant 7 : i32
      %shift_right_arithmetic3A_2246 = vector.broadcast %shift_right_arithmetic3A_2245 : i32 to vector<16xi32>
      %shift_right_arithmetic3A_2247 = arith.shrsi %add3A_2184, %shift_right_arithmetic3A_2246 : vector<16xi32>
      %add3A_2248 = arith.addi %mul3A_2244, %shift_right_arithmetic3A_2247 : vector<16xi32>
      %mul3A_2249 = arith.constant 1024 : i32
      %mul3A_2250 = vector.broadcast %mul3A_2249 : i32 to vector<16xi32>
      %mul3A_2251 = arith.muli %add3A_2248, %mul3A_2250 : vector<16xi32>
      %and3A_2252 = arith.constant 7 : i32
      %and3A_2253 = vector.broadcast %and3A_2252 : i32 to vector<16xi32>
      %and3A_2254 = arith.andi %add3A_2206, %and3A_2253 : vector<16xi32>
      %shift_left3A_2255 = arith.constant 7 : i32
      %shift_left3A_2256 = vector.broadcast %shift_left3A_2255 : i32 to vector<16xi32>
      %shift_left3A_2257 = arith.shli %and3A_2254, %shift_left3A_2256 : vector<16xi32>
      %add3A_2258 = arith.addi %mul3A_2251, %shift_left3A_2257 : vector<16xi32>
      %and3A_2259 = arith.constant 127 : i32
      %and3A_2260 = vector.broadcast %and3A_2259 : i32 to vector<16xi32>
      %and3A_2261 = arith.andi %add3A_2184, %and3A_2260 : vector<16xi32>
      %add3A_2262 = arith.addi %add3A_2258, %and3A_2261 : vector<16xi32>
      %select_n3A_2263 = arith.select %ge3A_2197, %add3A_2262, %add3A_2238 : vector<16xi1>, vector<16xi32>
      %shift_right_arithmetic3A_2264 = arith.constant 3 : i32
      %shift_right_arithmetic3A_2265 = vector.broadcast %shift_right_arithmetic3A_2264 : i32 to vector<16xi32>
      %shift_right_arithmetic3A_2266 = arith.shrsi %add3A_2184, %shift_right_arithmetic3A_2265 : vector<16xi32>
      %mul3A_2267 = arith.constant 81 : i32
      %mul3A_2268 = vector.broadcast %mul3A_2267 : i32 to vector<16xi32>
      %mul3A_2269 = arith.muli %shift_right_arithmetic3A_2266, %mul3A_2268 : vector<16xi32>
      %shift_right_arithmetic3A_2270 = arith.constant 7 : i32
      %shift_right_arithmetic3A_2271 = vector.broadcast %shift_right_arithmetic3A_2270 : i32 to vector<16xi32>
      %shift_right_arithmetic3A_2272 = arith.shrsi %add3A_2206, %shift_right_arithmetic3A_2271 : vector<16xi32>
      %add3A_2273 = arith.addi %mul3A_2269, %shift_right_arithmetic3A_2272 : vector<16xi32>
      %mul3A_2274 = arith.constant 1024 : i32
      %mul3A_2275 = vector.broadcast %mul3A_2274 : i32 to vector<16xi32>
      %mul3A_2276 = arith.muli %add3A_2273, %mul3A_2275 : vector<16xi32>
      %and3A_2277 = arith.constant 7 : i32
      %and3A_2278 = vector.broadcast %and3A_2277 : i32 to vector<16xi32>
      %and3A_2279 = arith.andi %add3A_2184, %and3A_2278 : vector<16xi32>
      %shift_left3A_2280 = arith.constant 7 : i32
      %shift_left3A_2281 = vector.broadcast %shift_left3A_2280 : i32 to vector<16xi32>
      %shift_left3A_2282 = arith.shli %and3A_2279, %shift_left3A_2281 : vector<16xi32>
      %add3A_2283 = arith.addi %mul3A_2276, %shift_left3A_2282 : vector<16xi32>
      %and3A_2284 = arith.constant 127 : i32
      %and3A_2285 = vector.broadcast %and3A_2284 : i32 to vector<16xi32>
      %and3A_2286 = arith.andi %add3A_2206, %and3A_2285 : vector<16xi32>
      %add3A_2287 = arith.addi %add3A_2283, %and3A_2286 : vector<16xi32>
      %add3A_2288 = arith.constant 1 : i32
      %add3A_2289 = arith.addi %mul3A_2212, %add3A_2288 : i32
      %add3A_2290 = arith.addi %mul3A_2, %add3A_2289 : i32
      %add3A_2291 = arith.constant 10320 : i32
      %add3A_2292 = vector.broadcast %add3A_2291 : i32 to vector<16xi32>
      %add3A_2293 = arith.addi %add3A_2292, %iota3A : vector<16xi32>
      %shift_right_arithmetic3A_2294 = arith.constant 3 : i32
      %shift_right_arithmetic3A_2295 = arith.shrsi %add3A_2290, %shift_right_arithmetic3A_2294 : i32
      %mul3A_2296 = arith.constant 81 : i32
      %mul3A_2297 = arith.muli %shift_right_arithmetic3A_2295, %mul3A_2296 : i32
      %shift_right_arithmetic3A_2298 = arith.constant 7 : i32
      %shift_right_arithmetic3A_2299 = vector.broadcast %shift_right_arithmetic3A_2298 : i32 to vector<16xi32>
      %shift_right_arithmetic3A_2300 = arith.shrsi %add3A_2293, %shift_right_arithmetic3A_2299 : vector<16xi32>
      %add3A_2301 = vector.broadcast %mul3A_2297 : i32 to vector<16xi32>
      %add3A_2302 = arith.addi %add3A_2301, %shift_right_arithmetic3A_2300 : vector<16xi32>
      %mul3A_2303 = arith.constant 1024 : i32
      %mul3A_2304 = vector.broadcast %mul3A_2303 : i32 to vector<16xi32>
      %mul3A_2305 = arith.muli %add3A_2302, %mul3A_2304 : vector<16xi32>
      %and3A_2306 = arith.constant 7 : i32
      %and3A_2307 = arith.andi %add3A_2290, %and3A_2306 : i32
      %shift_left3A_2308 = arith.constant 7 : i32
      %shift_left3A_2309 = arith.shli %and3A_2307, %shift_left3A_2308 : i32
      %add3A_2310 = vector.broadcast %shift_left3A_2309 : i32 to vector<16xi32>
      %add3A_2311 = arith.addi %mul3A_2305, %add3A_2310 : vector<16xi32>
      %and3A_2312 = arith.constant 127 : i32
      %and3A_2313 = vector.broadcast %and3A_2312 : i32 to vector<16xi32>
      %and3A_2314 = arith.andi %add3A_2293, %and3A_2313 : vector<16xi32>
      %add3A_2315 = arith.addi %add3A_2311, %and3A_2314 : vector<16xi32>
      %select_n3A_2316 = arith.select %ge3A_2197, %add3A_2287, %add3A_2315 : vector<16xi1>, vector<16xi32>
      %shift_right_arithmetic3A_2317 = arith.constant 3 : i32
      %shift_right_arithmetic3A_2318 = arith.shrsi %mul3A_2212, %shift_right_arithmetic3A_2317 : i32
      %and3A_2319 = arith.constant 7 : i32
      %and3A_2320 = arith.andi %mul3A_2212, %and3A_2319 : i32
      %mul3A_2321 = arith.constant 16 : i32
      %mul3A_2322 = arith.muli %and3A_2320, %mul3A_2321 : i32
      %swap3A_2323 = arith.index_cast %shift_right_arithmetic3A_2318 : i32 to index
      %swap3A_2324 = arith.index_cast %mul3A_2322 : i32 to index
      %swap3A_2325 = tpu.vector_load %arg14[%swap3A_2323, %swap3A_2324] {strides = array<i32>} : memref<29x128xi32, #tpu.memory_space<vmem>>, vector<1x16xi32>,
      %swap3A_2326 = vector.shape_cast %swap3A_2325 : vector<1x16xi32> to vector<16xi32>
      %swap3A_2327 = vector.shape_cast %select_n3A_2263 : vector<16xi32> to vector<1x16xi32>
      tpu.vector_store %arg14[%swap3A_2323, %swap3A_2324], %swap3A_2327 {strides = array<i32>} : memref<29x128xi32, #tpu.memory_space<vmem>>, vector<1x16xi32>,
      %add3A_2328 = arith.constant 1 : i32
      %add3A_2329 = arith.addi %mul3A_2212, %add3A_2328 : i32
      %shift_right_arithmetic3A_2330 = arith.constant 3 : i32
      %shift_right_arithmetic3A_2331 = arith.shrsi %add3A_2329, %shift_right_arithmetic3A_2330 : i32
      %add3A_2332 = arith.constant 1 : i32
      %add3A_2333 = arith.addi %mul3A_2212, %add3A_2332 : i32
      %and3A_2334 = arith.constant 7 : i32
      %and3A_2335 = arith.andi %add3A_2333, %and3A_2334 : i32
      %mul3A_2336 = arith.constant 16 : i32
      %mul3A_2337 = arith.muli %and3A_2335, %mul3A_2336 : i32
      %swap3A_2338 = arith.index_cast %shift_right_arithmetic3A_2331 : i32 to index
      %swap3A_2339 = arith.index_cast %mul3A_2337 : i32 to index
      %swap3A_2340 = tpu.vector_load %arg14[%swap3A_2338, %swap3A_2339] {strides = array<i32>} : memref<29x128xi32, #tpu.memory_space<vmem>>, vector<1x16xi32>,
      %swap3A_2341 = vector.shape_cast %swap3A_2340 : vector<1x16xi32> to vector<16xi32>
      %swap3A_2342 = vector.shape_cast %select_n3A_2316 : vector<16xi32> to vector<1x16xi32>
      tpu.vector_store %arg14[%swap3A_2338, %swap3A_2339], %swap3A_2342 {strides = array<i32>} : memref<29x128xi32, #tpu.memory_space<vmem>>, vector<1x16xi32>,
    }
    %scan3A_229 = arith.constant 20 : i32
    %add3A_230 = arith.constant 20480 : i32
    %add3A_231 = arith.addi %add3A_230, %mul3A_213 : i32
    "tpu.region"() ({
      %run_scoped3A = tpu.sem_alloc : memref<!tpu.dma_semaphore, #tpu.memory_space<semaphore_mem>>
      %dma_start3A = tpu.memref_slice %arg5[%add3A_231] : memref<81920xf32, #tpu.memory_space<hbm>> -> memref<320xf32, #tpu.memory_space<hbm>>
      %dma_start3A_2179 = tpu.memref_slice %arg5[%add3A_231] : memref<81920xf32, #tpu.memory_space<hbm>> -> memref<320xf32, #tpu.memory_space<hbm>>
      tpu.enqueue_dma source(%dma_start3A_2179 : memref<320xf32, #tpu.memory_space<hbm>>) target(%arg17 : memref<320xf32, #tpu.memory_space<vmem>>) target_semaphore(%run_scoped3A : memref<!tpu.dma_semaphore, #tpu.memory_space<semaphore_mem>>)
      %dma_wait3A = tpu.memref_slice %arg5[%add3A_231] : memref<81920xf32, #tpu.memory_space<hbm>> -> memref<320xf32, #tpu.memory_space<hbm>>
      %dma_wait3A_2180 = tpu.memref_slice %arg5[%add3A_231] : memref<81920xf32, #tpu.memory_space<hbm>> -> memref<320xf32, #tpu.memory_space<hbm>>
      tpu.wait_dma2 semaphore(%run_scoped3A : memref<!tpu.dma_semaphore, #tpu.memory_space<semaphore_mem>>) src(%dma_wait3A_2180 : memref<320xf32, #tpu.memory_space<hbm>>) dst(%arg17 : memref<320xf32, #tpu.memory_space<vmem>>)
      tpu.yield
    }) : () -> ()
    %scan3A_232 = arith.constant 0 : i32
    %scan3A_233 = arith.constant 0 : i32
    %scan3A_234 = arith.constant 20 : i32
    %scan3A_235 = arith.addi %scan3A_233, %scan3A_234 : i32
    %scan3A_236 = arith.constant 1 : i32
    scf.for %scan3A_2179 = %scan3A_233 to %scan3A_235 step %scan3A_236  : i32 {
      %mul3A_2180 = arith.constant 16 : i32
      %mul3A_2181 = arith.muli %scan3A_2179, %mul3A_2180 : i32
      %add3A_2182 = arith.addi %mul3A_213, %mul3A_2181 : i32
      %add3A_2183 = vector.broadcast %add3A_2182 : i32 to vector<16xi32>
      %add3A_2184 = arith.addi %add3A_2183, %iota3A : vector<16xi32>
      %mul3A_2185 = arith.constant 16 : i32
      %mul3A_2186 = arith.muli %scan3A_2179, %mul3A_2185 : i32
      %get3A_2187 = arith.index_cast %mul3A_2186 : i32 to index
      %get3A_2188 = tpu.vector_load %arg16[%get3A_2187] {strides = array<i32>} : memref<320xi32, #tpu.memory_space<vmem>>, vector<16xi32>,
      %get3A_2189 = vector.shape_cast %get3A_2188 : vector<16xi32> to vector<16xi32>
      %mul3A_2190 = arith.constant 16 : i32
      %mul3A_2191 = arith.muli %scan3A_2179, %mul3A_2190 : i32
      %get3A_2192 = arith.index_cast %mul3A_2191 : i32 to index
      %get3A_2193 = tpu.vector_load %arg17[%get3A_2192] {strides = array<i32>} : memref<320xf32, #tpu.memory_space<vmem>>, vector<16xf32>,
      %get3A_2194 = vector.shape_cast %get3A_2193 : vector<16xf32> to vector<16xf32>
      %ge3A_2195 = arith.constant 0.000000e+00 : f32
      %ge3A_2196 = vector.broadcast %ge3A_2195 : f32 to vector<16xf32>
      %ge3A_2197 = arith.cmpf oge, %get3A_2194, %ge3A_2196 : vector<16xf32>
      %mul3A_2198 = arith.constant 5 : i32
      %mul3A_2199 = vector.broadcast %mul3A_2198 : i32 to vector<16xi32>
      %mul3A_2200 = arith.muli %mul3A_2199, %get3A_2189 : vector<16xi32>
      %add3A_2201 = arith.constant 10000 : i32
      %add3A_2202 = vector.broadcast %add3A_2201 : i32 to vector<16xi32>
      %add3A_2203 = arith.addi %add3A_2202, %mul3A_2200 : vector<16xi32>
      %add3A_2204 = arith.constant 2 : i32
      %add3A_2205 = vector.broadcast %add3A_2204 : i32 to vector<16xi32>
      %add3A_2206 = arith.addi %add3A_2203, %add3A_2205 : vector<16xi32>
      %mul3A_2207 = arith.constant 5 : i32
      %mul3A_2208 = arith.muli %scan3A_2179, %mul3A_2207 : i32
      %add3A_2209 = arith.constant 2 : i32
      %add3A_2210 = arith.addi %mul3A_2208, %add3A_2209 : i32
      %mul3A_2211 = arith.constant 2 : i32
      %mul3A_2212 = arith.muli %add3A_2210, %mul3A_2211 : i32
      %add3A_2213 = arith.addi %mul3A_2, %mul3A_2212 : i32
      %add3A_2214 = arith.constant 10320 : i32
      %add3A_2215 = vector.broadcast %add3A_2214 : i32 to vector<16xi32>
      %add3A_2216 = arith.addi %add3A_2215, %iota3A : vector<16xi32>
      %shift_right_arithmetic3A_2217 = arith.constant 3 : i32
      %shift_right_arithmetic3A_2218 = arith.shrsi %add3A_2213, %shift_right_arithmetic3A_2217 : i32
      %mul3A_2219 = arith.constant 81 : i32
      %mul3A_2220 = arith.muli %shift_right_arithmetic3A_2218, %mul3A_2219 : i32
      %shift_right_arithmetic3A_2221 = arith.constant 7 : i32
      %shift_right_arithmetic3A_2222 = vector.broadcast %shift_right_arithmetic3A_2221 : i32 to vector<16xi32>
      %shift_right_arithmetic3A_2223 = arith.shrsi %add3A_2216, %shift_right_arithmetic3A_2222 : vector<16xi32>
      %add3A_2224 = vector.broadcast %mul3A_2220 : i32 to vector<16xi32>
      %add3A_2225 = arith.addi %add3A_2224, %shift_right_arithmetic3A_2223 : vector<16xi32>
      %mul3A_2226 = arith.constant 1024 : i32
      %mul3A_2227 = vector.broadcast %mul3A_2226 : i32 to vector<16xi32>
      %mul3A_2228 = arith.muli %add3A_2225, %mul3A_2227 : vector<16xi32>
      %and3A_2229 = arith.constant 7 : i32
      %and3A_2230 = arith.andi %add3A_2213, %and3A_2229 : i32
      %shift_left3A_2231 = arith.constant 7 : i32
      %shift_left3A_2232 = arith.shli %and3A_2230, %shift_left3A_2231 : i32
      %add3A_2233 = vector.broadcast %shift_left3A_2232 : i32 to vector<16xi32>
      %add3A_2234 = arith.addi %mul3A_2228, %add3A_2233 : vector<16xi32>
      %and3A_2235 = arith.constant 127 : i32
      %and3A_2236 = vector.broadcast %and3A_2235 : i32 to vector<16xi32>
      %and3A_2237 = arith.andi %add3A_2216, %and3A_2236 : vector<16xi32>
      %add3A_2238 = arith.addi %add3A_2234, %and3A_2237 : vector<16xi32>
      %shift_right_arithmetic3A_2239 = arith.constant 3 : i32
      %shift_right_arithmetic3A_2240 = vector.broadcast %shift_right_arithmetic3A_2239 : i32 to vector<16xi32>
      %shift_right_arithmetic3A_2241 = arith.shrsi %add3A_2206, %shift_right_arithmetic3A_2240 : vector<16xi32>
      %mul3A_2242 = arith.constant 81 : i32
      %mul3A_2243 = vector.broadcast %mul3A_2242 : i32 to vector<16xi32>
      %mul3A_2244 = arith.muli %shift_right_arithmetic3A_2241, %mul3A_2243 : vector<16xi32>
      %shift_right_arithmetic3A_2245 = arith.constant 7 : i32
      %shift_right_arithmetic3A_2246 = vector.broadcast %shift_right_arithmetic3A_2245 : i32 to vector<16xi32>
      %shift_right_arithmetic3A_2247 = arith.shrsi %add3A_2184, %shift_right_arithmetic3A_2246 : vector<16xi32>
      %add3A_2248 = arith.addi %mul3A_2244, %shift_right_arithmetic3A_2247 : vector<16xi32>
      %mul3A_2249 = arith.constant 1024 : i32
      %mul3A_2250 = vector.broadcast %mul3A_2249 : i32 to vector<16xi32>
      %mul3A_2251 = arith.muli %add3A_2248, %mul3A_2250 : vector<16xi32>
      %and3A_2252 = arith.constant 7 : i32
      %and3A_2253 = vector.broadcast %and3A_2252 : i32 to vector<16xi32>
      %and3A_2254 = arith.andi %add3A_2206, %and3A_2253 : vector<16xi32>
      %shift_left3A_2255 = arith.constant 7 : i32
      %shift_left3A_2256 = vector.broadcast %shift_left3A_2255 : i32 to vector<16xi32>
      %shift_left3A_2257 = arith.shli %and3A_2254, %shift_left3A_2256 : vector<16xi32>
      %add3A_2258 = arith.addi %mul3A_2251, %shift_left3A_2257 : vector<16xi32>
      %and3A_2259 = arith.constant 127 : i32
      %and3A_2260 = vector.broadcast %and3A_2259 : i32 to vector<16xi32>
      %and3A_2261 = arith.andi %add3A_2184, %and3A_2260 : vector<16xi32>
      %add3A_2262 = arith.addi %add3A_2258, %and3A_2261 : vector<16xi32>
      %select_n3A_2263 = arith.select %ge3A_2197, %add3A_2262, %add3A_2238 : vector<16xi1>, vector<16xi32>
      %shift_right_arithmetic3A_2264 = arith.constant 3 : i32
      %shift_right_arithmetic3A_2265 = vector.broadcast %shift_right_arithmetic3A_2264 : i32 to vector<16xi32>
      %shift_right_arithmetic3A_2266 = arith.shrsi %add3A_2184, %shift_right_arithmetic3A_2265 : vector<16xi32>
      %mul3A_2267 = arith.constant 81 : i32
      %mul3A_2268 = vector.broadcast %mul3A_2267 : i32 to vector<16xi32>
      %mul3A_2269 = arith.muli %shift_right_arithmetic3A_2266, %mul3A_2268 : vector<16xi32>
      %shift_right_arithmetic3A_2270 = arith.constant 7 : i32
      %shift_right_arithmetic3A_2271 = vector.broadcast %shift_right_arithmetic3A_2270 : i32 to vector<16xi32>
      %shift_right_arithmetic3A_2272 = arith.shrsi %add3A_2206, %shift_right_arithmetic3A_2271 : vector<16xi32>
      %add3A_2273 = arith.addi %mul3A_2269, %shift_right_arithmetic3A_2272 : vector<16xi32>
      %mul3A_2274 = arith.constant 1024 : i32
      %mul3A_2275 = vector.broadcast %mul3A_2274 : i32 to vector<16xi32>
      %mul3A_2276 = arith.muli %add3A_2273, %mul3A_2275 : vector<16xi32>
      %and3A_2277 = arith.constant 7 : i32
      %and3A_2278 = vector.broadcast %and3A_2277 : i32 to vector<16xi32>
      %and3A_2279 = arith.andi %add3A_2184, %and3A_2278 : vector<16xi32>
      %shift_left3A_2280 = arith.constant 7 : i32
      %shift_left3A_2281 = vector.broadcast %shift_left3A_2280 : i32 to vector<16xi32>
      %shift_left3A_2282 = arith.shli %and3A_2279, %shift_left3A_2281 : vector<16xi32>
      %add3A_2283 = arith.addi %mul3A_2276, %shift_left3A_2282 : vector<16xi32>
      %and3A_2284 = arith.constant 127 : i32
      %and3A_2285 = vector.broadcast %and3A_2284 : i32 to vector<16xi32>
      %and3A_2286 = arith.andi %add3A_2206, %and3A_2285 : vector<16xi32>
      %add3A_2287 = arith.addi %add3A_2283, %and3A_2286 : vector<16xi32>
      %add3A_2288 = arith.constant 1 : i32
      %add3A_2289 = arith.addi %mul3A_2212, %add3A_2288 : i32
      %add3A_2290 = arith.addi %mul3A_2, %add3A_2289 : i32
      %add3A_2291 = arith.constant 10320 : i32
      %add3A_2292 = vector.broadcast %add3A_2291 : i32 to vector<16xi32>
      %add3A_2293 = arith.addi %add3A_2292, %iota3A : vector<16xi32>
      %shift_right_arithmetic3A_2294 = arith.constant 3 : i32
      %shift_right_arithmetic3A_2295 = arith.shrsi %add3A_2290, %shift_right_arithmetic3A_2294 : i32
      %mul3A_2296 = arith.constant 81 : i32
      %mul3A_2297 = arith.muli %shift_right_arithmetic3A_2295, %mul3A_2296 : i32
      %shift_right_arithmetic3A_2298 = arith.constant 7 : i32
      %shift_right_arithmetic3A_2299 = vector.broadcast %shift_right_arithmetic3A_2298 : i32 to vector<16xi32>
      %shift_right_arithmetic3A_2300 = arith.shrsi %add3A_2293, %shift_right_arithmetic3A_2299 : vector<16xi32>
      %add3A_2301 = vector.broadcast %mul3A_2297 : i32 to vector<16xi32>
      %add3A_2302 = arith.addi %add3A_2301, %shift_right_arithmetic3A_2300 : vector<16xi32>
      %mul3A_2303 = arith.constant 1024 : i32
      %mul3A_2304 = vector.broadcast %mul3A_2303 : i32 to vector<16xi32>
      %mul3A_2305 = arith.muli %add3A_2302, %mul3A_2304 : vector<16xi32>
      %and3A_2306 = arith.constant 7 : i32
      %and3A_2307 = arith.andi %add3A_2290, %and3A_2306 : i32
      %shift_left3A_2308 = arith.constant 7 : i32
      %shift_left3A_2309 = arith.shli %and3A_2307, %shift_left3A_2308 : i32
      %add3A_2310 = vector.broadcast %shift_left3A_2309 : i32 to vector<16xi32>
      %add3A_2311 = arith.addi %mul3A_2305, %add3A_2310 : vector<16xi32>
      %and3A_2312 = arith.constant 127 : i32
      %and3A_2313 = vector.broadcast %and3A_2312 : i32 to vector<16xi32>
      %and3A_2314 = arith.andi %add3A_2293, %and3A_2313 : vector<16xi32>
      %add3A_2315 = arith.addi %add3A_2311, %and3A_2314 : vector<16xi32>
      %select_n3A_2316 = arith.select %ge3A_2197, %add3A_2287, %add3A_2315 : vector<16xi1>, vector<16xi32>
      %shift_right_arithmetic3A_2317 = arith.constant 3 : i32
      %shift_right_arithmetic3A_2318 = arith.shrsi %mul3A_2212, %shift_right_arithmetic3A_2317 : i32
      %and3A_2319 = arith.constant 7 : i32
      %and3A_2320 = arith.andi %mul3A_2212, %and3A_2319 : i32
      %mul3A_2321 = arith.constant 16 : i32
      %mul3A_2322 = arith.muli %and3A_2320, %mul3A_2321 : i32
      %swap3A_2323 = arith.index_cast %shift_right_arithmetic3A_2318 : i32 to index
      %swap3A_2324 = arith.index_cast %mul3A_2322 : i32 to index
      %swap3A_2325 = tpu.vector_load %arg14[%swap3A_2323, %swap3A_2324] {strides = array<i32>} : memref<29x128xi32, #tpu.memory_space<vmem>>, vector<1x16xi32>,
      %swap3A_2326 = vector.shape_cast %swap3A_2325 : vector<1x16xi32> to vector<16xi32>
      %swap3A_2327 = vector.shape_cast %select_n3A_2263 : vector<16xi32> to vector<1x16xi32>
      tpu.vector_store %arg14[%swap3A_2323, %swap3A_2324], %swap3A_2327 {strides = array<i32>} : memref<29x128xi32, #tpu.memory_space<vmem>>, vector<1x16xi32>,
      %add3A_2328 = arith.constant 1 : i32
      %add3A_2329 = arith.addi %mul3A_2212, %add3A_2328 : i32
      %shift_right_arithmetic3A_2330 = arith.constant 3 : i32
      %shift_right_arithmetic3A_2331 = arith.shrsi %add3A_2329, %shift_right_arithmetic3A_2330 : i32
      %add3A_2332 = arith.constant 1 : i32
      %add3A_2333 = arith.addi %mul3A_2212, %add3A_2332 : i32
      %and3A_2334 = arith.constant 7 : i32
      %and3A_2335 = arith.andi %add3A_2333, %and3A_2334 : i32
      %mul3A_2336 = arith.constant 16 : i32
      %mul3A_2337 = arith.muli %and3A_2335, %mul3A_2336 : i32
      %swap3A_2338 = arith.index_cast %shift_right_arithmetic3A_2331 : i32 to index
      %swap3A_2339 = arith.index_cast %mul3A_2337 : i32 to index
      %swap3A_2340 = tpu.vector_load %arg14[%swap3A_2338, %swap3A_2339] {strides = array<i32>} : memref<29x128xi32, #tpu.memory_space<vmem>>, vector<1x16xi32>,
      %swap3A_2341 = vector.shape_cast %swap3A_2340 : vector<1x16xi32> to vector<16xi32>
      %swap3A_2342 = vector.shape_cast %select_n3A_2316 : vector<16xi32> to vector<1x16xi32>
      tpu.vector_store %arg14[%swap3A_2338, %swap3A_2339], %swap3A_2342 {strides = array<i32>} : memref<29x128xi32, #tpu.memory_space<vmem>>, vector<1x16xi32>,
    }
    %scan3A_237 = arith.constant 20 : i32
    %add3A_238 = arith.constant 30720 : i32
    %add3A_239 = arith.addi %add3A_238, %mul3A_213 : i32
    "tpu.region"() ({
      %run_scoped3A = tpu.sem_alloc : memref<!tpu.dma_semaphore, #tpu.memory_space<semaphore_mem>>
      %dma_start3A = tpu.memref_slice %arg5[%add3A_239] : memref<81920xf32, #tpu.memory_space<hbm>> -> memref<320xf32, #tpu.memory_space<hbm>>
      %dma_start3A_2179 = tpu.memref_slice %arg5[%add3A_239] : memref<81920xf32, #tpu.memory_space<hbm>> -> memref<320xf32, #tpu.memory_space<hbm>>
      tpu.enqueue_dma source(%dma_start3A_2179 : memref<320xf32, #tpu.memory_space<hbm>>) target(%arg17 : memref<320xf32, #tpu.memory_space<vmem>>) target_semaphore(%run_scoped3A : memref<!tpu.dma_semaphore, #tpu.memory_space<semaphore_mem>>)
      %dma_wait3A = tpu.memref_slice %arg5[%add3A_239] : memref<81920xf32, #tpu.memory_space<hbm>> -> memref<320xf32, #tpu.memory_space<hbm>>
      %dma_wait3A_2180 = tpu.memref_slice %arg5[%add3A_239] : memref<81920xf32, #tpu.memory_space<hbm>> -> memref<320xf32, #tpu.memory_space<hbm>>
      tpu.wait_dma2 semaphore(%run_scoped3A : memref<!tpu.dma_semaphore, #tpu.memory_space<semaphore_mem>>) src(%dma_wait3A_2180 : memref<320xf32, #tpu.memory_space<hbm>>) dst(%arg17 : memref<320xf32, #tpu.memory_space<vmem>>)
      tpu.yield
    }) : () -> ()
    %scan3A_240 = arith.constant 0 : i32
    %scan3A_241 = arith.constant 0 : i32
    %scan3A_242 = arith.constant 20 : i32
    %scan3A_243 = arith.addi %scan3A_241, %scan3A_242 : i32
    %scan3A_244 = arith.constant 1 : i32
    scf.for %scan3A_2179 = %scan3A_241 to %scan3A_243 step %scan3A_244  : i32 {
      %mul3A_2180 = arith.constant 16 : i32
      %mul3A_2181 = arith.muli %scan3A_2179, %mul3A_2180 : i32
      %add3A_2182 = arith.addi %mul3A_213, %mul3A_2181 : i32
      %add3A_2183 = vector.broadcast %add3A_2182 : i32 to vector<16xi32>
      %add3A_2184 = arith.addi %add3A_2183, %iota3A : vector<16xi32>
      %mul3A_2185 = arith.constant 16 : i32
      %mul3A_2186 = arith.muli %scan3A_2179, %mul3A_2185 : i32
      %get3A_2187 = arith.index_cast %mul3A_2186 : i32 to index
      %get3A_2188 = tpu.vector_load %arg16[%get3A_2187] {strides = array<i32>} : memref<320xi32, #tpu.memory_space<vmem>>, vector<16xi32>,
      %get3A_2189 = vector.shape_cast %get3A_2188 : vector<16xi32> to vector<16xi32>
      %mul3A_2190 = arith.constant 16 : i32
      %mul3A_2191 = arith.muli %scan3A_2179, %mul3A_2190 : i32
      %get3A_2192 = arith.index_cast %mul3A_2191 : i32 to index
      %get3A_2193 = tpu.vector_load %arg17[%get3A_2192] {strides = array<i32>} : memref<320xf32, #tpu.memory_space<vmem>>, vector<16xf32>,
      %get3A_2194 = vector.shape_cast %get3A_2193 : vector<16xf32> to vector<16xf32>
      %ge3A_2195 = arith.constant 0.000000e+00 : f32
      %ge3A_2196 = vector.broadcast %ge3A_2195 : f32 to vector<16xf32>
      %ge3A_2197 = arith.cmpf oge, %get3A_2194, %ge3A_2196 : vector<16xf32>
      %mul3A_2198 = arith.constant 5 : i32
      %mul3A_2199 = vector.broadcast %mul3A_2198 : i32 to vector<16xi32>
      %mul3A_2200 = arith.muli %mul3A_2199, %get3A_2189 : vector<16xi32>
      %add3A_2201 = arith.constant 10000 : i32
      %add3A_2202 = vector.broadcast %add3A_2201 : i32 to vector<16xi32>
      %add3A_2203 = arith.addi %add3A_2202, %mul3A_2200 : vector<16xi32>
      %add3A_2204 = arith.constant 3 : i32
      %add3A_2205 = vector.broadcast %add3A_2204 : i32 to vector<16xi32>
      %add3A_2206 = arith.addi %add3A_2203, %add3A_2205 : vector<16xi32>
      %mul3A_2207 = arith.constant 5 : i32
      %mul3A_2208 = arith.muli %scan3A_2179, %mul3A_2207 : i32
      %add3A_2209 = arith.constant 3 : i32
      %add3A_2210 = arith.addi %mul3A_2208, %add3A_2209 : i32
      %mul3A_2211 = arith.constant 2 : i32
      %mul3A_2212 = arith.muli %add3A_2210, %mul3A_2211 : i32
      %add3A_2213 = arith.addi %mul3A_2, %mul3A_2212 : i32
      %add3A_2214 = arith.constant 10320 : i32
      %add3A_2215 = vector.broadcast %add3A_2214 : i32 to vector<16xi32>
      %add3A_2216 = arith.addi %add3A_2215, %iota3A : vector<16xi32>
      %shift_right_arithmetic3A_2217 = arith.constant 3 : i32
      %shift_right_arithmetic3A_2218 = arith.shrsi %add3A_2213, %shift_right_arithmetic3A_2217 : i32
      %mul3A_2219 = arith.constant 81 : i32
      %mul3A_2220 = arith.muli %shift_right_arithmetic3A_2218, %mul3A_2219 : i32
      %shift_right_arithmetic3A_2221 = arith.constant 7 : i32
      %shift_right_arithmetic3A_2222 = vector.broadcast %shift_right_arithmetic3A_2221 : i32 to vector<16xi32>
      %shift_right_arithmetic3A_2223 = arith.shrsi %add3A_2216, %shift_right_arithmetic3A_2222 : vector<16xi32>
      %add3A_2224 = vector.broadcast %mul3A_2220 : i32 to vector<16xi32>
      %add3A_2225 = arith.addi %add3A_2224, %shift_right_arithmetic3A_2223 : vector<16xi32>
      %mul3A_2226 = arith.constant 1024 : i32
      %mul3A_2227 = vector.broadcast %mul3A_2226 : i32 to vector<16xi32>
      %mul3A_2228 = arith.muli %add3A_2225, %mul3A_2227 : vector<16xi32>
      %and3A_2229 = arith.constant 7 : i32
      %and3A_2230 = arith.andi %add3A_2213, %and3A_2229 : i32
      %shift_left3A_2231 = arith.constant 7 : i32
      %shift_left3A_2232 = arith.shli %and3A_2230, %shift_left3A_2231 : i32
      %add3A_2233 = vector.broadcast %shift_left3A_2232 : i32 to vector<16xi32>
      %add3A_2234 = arith.addi %mul3A_2228, %add3A_2233 : vector<16xi32>
      %and3A_2235 = arith.constant 127 : i32
      %and3A_2236 = vector.broadcast %and3A_2235 : i32 to vector<16xi32>
      %and3A_2237 = arith.andi %add3A_2216, %and3A_2236 : vector<16xi32>
      %add3A_2238 = arith.addi %add3A_2234, %and3A_2237 : vector<16xi32>
      %shift_right_arithmetic3A_2239 = arith.constant 3 : i32
      %shift_right_arithmetic3A_2240 = vector.broadcast %shift_right_arithmetic3A_2239 : i32 to vector<16xi32>
      %shift_right_arithmetic3A_2241 = arith.shrsi %add3A_2206, %shift_right_arithmetic3A_2240 : vector<16xi32>
      %mul3A_2242 = arith.constant 81 : i32
      %mul3A_2243 = vector.broadcast %mul3A_2242 : i32 to vector<16xi32>
      %mul3A_2244 = arith.muli %shift_right_arithmetic3A_2241, %mul3A_2243 : vector<16xi32>
      %shift_right_arithmetic3A_2245 = arith.constant 7 : i32
      %shift_right_arithmetic3A_2246 = vector.broadcast %shift_right_arithmetic3A_2245 : i32 to vector<16xi32>
      %shift_right_arithmetic3A_2247 = arith.shrsi %add3A_2184, %shift_right_arithmetic3A_2246 : vector<16xi32>
      %add3A_2248 = arith.addi %mul3A_2244, %shift_right_arithmetic3A_2247 : vector<16xi32>
      %mul3A_2249 = arith.constant 1024 : i32
      %mul3A_2250 = vector.broadcast %mul3A_2249 : i32 to vector<16xi32>
      %mul3A_2251 = arith.muli %add3A_2248, %mul3A_2250 : vector<16xi32>
      %and3A_2252 = arith.constant 7 : i32
      %and3A_2253 = vector.broadcast %and3A_2252 : i32 to vector<16xi32>
      %and3A_2254 = arith.andi %add3A_2206, %and3A_2253 : vector<16xi32>
      %shift_left3A_2255 = arith.constant 7 : i32
      %shift_left3A_2256 = vector.broadcast %shift_left3A_2255 : i32 to vector<16xi32>
      %shift_left3A_2257 = arith.shli %and3A_2254, %shift_left3A_2256 : vector<16xi32>
      %add3A_2258 = arith.addi %mul3A_2251, %shift_left3A_2257 : vector<16xi32>
      %and3A_2259 = arith.constant 127 : i32
      %and3A_2260 = vector.broadcast %and3A_2259 : i32 to vector<16xi32>
      %and3A_2261 = arith.andi %add3A_2184, %and3A_2260 : vector<16xi32>
      %add3A_2262 = arith.addi %add3A_2258, %and3A_2261 : vector<16xi32>
      %select_n3A_2263 = arith.select %ge3A_2197, %add3A_2262, %add3A_2238 : vector<16xi1>, vector<16xi32>
      %shift_right_arithmetic3A_2264 = arith.constant 3 : i32
      %shift_right_arithmetic3A_2265 = vector.broadcast %shift_right_arithmetic3A_2264 : i32 to vector<16xi32>
      %shift_right_arithmetic3A_2266 = arith.shrsi %add3A_2184, %shift_right_arithmetic3A_2265 : vector<16xi32>
      %mul3A_2267 = arith.constant 81 : i32
      %mul3A_2268 = vector.broadcast %mul3A_2267 : i32 to vector<16xi32>
      %mul3A_2269 = arith.muli %shift_right_arithmetic3A_2266, %mul3A_2268 : vector<16xi32>
      %shift_right_arithmetic3A_2270 = arith.constant 7 : i32
      %shift_right_arithmetic3A_2271 = vector.broadcast %shift_right_arithmetic3A_2270 : i32 to vector<16xi32>
      %shift_right_arithmetic3A_2272 = arith.shrsi %add3A_2206, %shift_right_arithmetic3A_2271 : vector<16xi32>
      %add3A_2273 = arith.addi %mul3A_2269, %shift_right_arithmetic3A_2272 : vector<16xi32>
      %mul3A_2274 = arith.constant 1024 : i32
      %mul3A_2275 = vector.broadcast %mul3A_2274 : i32 to vector<16xi32>
      %mul3A_2276 = arith.muli %add3A_2273, %mul3A_2275 : vector<16xi32>
      %and3A_2277 = arith.constant 7 : i32
      %and3A_2278 = vector.broadcast %and3A_2277 : i32 to vector<16xi32>
      %and3A_2279 = arith.andi %add3A_2184, %and3A_2278 : vector<16xi32>
      %shift_left3A_2280 = arith.constant 7 : i32
      %shift_left3A_2281 = vector.broadcast %shift_left3A_2280 : i32 to vector<16xi32>
      %shift_left3A_2282 = arith.shli %and3A_2279, %shift_left3A_2281 : vector<16xi32>
      %add3A_2283 = arith.addi %mul3A_2276, %shift_left3A_2282 : vector<16xi32>
      %and3A_2284 = arith.constant 127 : i32
      %and3A_2285 = vector.broadcast %and3A_2284 : i32 to vector<16xi32>
      %and3A_2286 = arith.andi %add3A_2206, %and3A_2285 : vector<16xi32>
      %add3A_2287 = arith.addi %add3A_2283, %and3A_2286 : vector<16xi32>
      %add3A_2288 = arith.constant 1 : i32
      %add3A_2289 = arith.addi %mul3A_2212, %add3A_2288 : i32
      %add3A_2290 = arith.addi %mul3A_2, %add3A_2289 : i32
      %add3A_2291 = arith.constant 10320 : i32
      %add3A_2292 = vector.broadcast %add3A_2291 : i32 to vector<16xi32>
      %add3A_2293 = arith.addi %add3A_2292, %iota3A : vector<16xi32>
      %shift_right_arithmetic3A_2294 = arith.constant 3 : i32
      %shift_right_arithmetic3A_2295 = arith.shrsi %add3A_2290, %shift_right_arithmetic3A_2294 : i32
      %mul3A_2296 = arith.constant 81 : i32
      %mul3A_2297 = arith.muli %shift_right_arithmetic3A_2295, %mul3A_2296 : i32
      %shift_right_arithmetic3A_2298 = arith.constant 7 : i32
      %shift_right_arithmetic3A_2299 = vector.broadcast %shift_right_arithmetic3A_2298 : i32 to vector<16xi32>
      %shift_right_arithmetic3A_2300 = arith.shrsi %add3A_2293, %shift_right_arithmetic3A_2299 : vector<16xi32>
      %add3A_2301 = vector.broadcast %mul3A_2297 : i32 to vector<16xi32>
      %add3A_2302 = arith.addi %add3A_2301, %shift_right_arithmetic3A_2300 : vector<16xi32>
      %mul3A_2303 = arith.constant 1024 : i32
      %mul3A_2304 = vector.broadcast %mul3A_2303 : i32 to vector<16xi32>
      %mul3A_2305 = arith.muli %add3A_2302, %mul3A_2304 : vector<16xi32>
      %and3A_2306 = arith.constant 7 : i32
      %and3A_2307 = arith.andi %add3A_2290, %and3A_2306 : i32
      %shift_left3A_2308 = arith.constant 7 : i32
      %shift_left3A_2309 = arith.shli %and3A_2307, %shift_left3A_2308 : i32
      %add3A_2310 = vector.broadcast %shift_left3A_2309 : i32 to vector<16xi32>
      %add3A_2311 = arith.addi %mul3A_2305, %add3A_2310 : vector<16xi32>
      %and3A_2312 = arith.constant 127 : i32
      %and3A_2313 = vector.broadcast %and3A_2312 : i32 to vector<16xi32>
      %and3A_2314 = arith.andi %add3A_2293, %and3A_2313 : vector<16xi32>
      %add3A_2315 = arith.addi %add3A_2311, %and3A_2314 : vector<16xi32>
      %select_n3A_2316 = arith.select %ge3A_2197, %add3A_2287, %add3A_2315 : vector<16xi1>, vector<16xi32>
      %shift_right_arithmetic3A_2317 = arith.constant 3 : i32
      %shift_right_arithmetic3A_2318 = arith.shrsi %mul3A_2212, %shift_right_arithmetic3A_2317 : i32
      %and3A_2319 = arith.constant 7 : i32
      %and3A_2320 = arith.andi %mul3A_2212, %and3A_2319 : i32
      %mul3A_2321 = arith.constant 16 : i32
      %mul3A_2322 = arith.muli %and3A_2320, %mul3A_2321 : i32
      %swap3A_2323 = arith.index_cast %shift_right_arithmetic3A_2318 : i32 to index
      %swap3A_2324 = arith.index_cast %mul3A_2322 : i32 to index
      %swap3A_2325 = tpu.vector_load %arg14[%swap3A_2323, %swap3A_2324] {strides = array<i32>} : memref<29x128xi32, #tpu.memory_space<vmem>>, vector<1x16xi32>,
      %swap3A_2326 = vector.shape_cast %swap3A_2325 : vector<1x16xi32> to vector<16xi32>
      %swap3A_2327 = vector.shape_cast %select_n3A_2263 : vector<16xi32> to vector<1x16xi32>
      tpu.vector_store %arg14[%swap3A_2323, %swap3A_2324], %swap3A_2327 {strides = array<i32>} : memref<29x128xi32, #tpu.memory_space<vmem>>, vector<1x16xi32>,
      %add3A_2328 = arith.constant 1 : i32
      %add3A_2329 = arith.addi %mul3A_2212, %add3A_2328 : i32
      %shift_right_arithmetic3A_2330 = arith.constant 3 : i32
      %shift_right_arithmetic3A_2331 = arith.shrsi %add3A_2329, %shift_right_arithmetic3A_2330 : i32
      %add3A_2332 = arith.constant 1 : i32
      %add3A_2333 = arith.addi %mul3A_2212, %add3A_2332 : i32
      %and3A_2334 = arith.constant 7 : i32
      %and3A_2335 = arith.andi %add3A_2333, %and3A_2334 : i32
      %mul3A_2336 = arith.constant 16 : i32
      %mul3A_2337 = arith.muli %and3A_2335, %mul3A_2336 : i32
      %swap3A_2338 = arith.index_cast %shift_right_arithmetic3A_2331 : i32 to index
      %swap3A_2339 = arith.index_cast %mul3A_2337 : i32 to index
      %swap3A_2340 = tpu.vector_load %arg14[%swap3A_2338, %swap3A_2339] {strides = array<i32>} : memref<29x128xi32, #tpu.memory_space<vmem>>, vector<1x16xi32>,
      %swap3A_2341 = vector.shape_cast %swap3A_2340 : vector<1x16xi32> to vector<16xi32>
      %swap3A_2342 = vector.shape_cast %select_n3A_2316 : vector<16xi32> to vector<1x16xi32>
      tpu.vector_store %arg14[%swap3A_2338, %swap3A_2339], %swap3A_2342 {strides = array<i32>} : memref<29x128xi32, #tpu.memory_space<vmem>>, vector<1x16xi32>,
    }
    %scan3A_245 = arith.constant 20 : i32
    %add3A_246 = arith.constant 40960 : i32
    %add3A_247 = arith.addi %add3A_246, %mul3A_213 : i32
    "tpu.region"() ({
      %run_scoped3A = tpu.sem_alloc : memref<!tpu.dma_semaphore, #tpu.memory_space<semaphore_mem>>
      %dma_start3A = tpu.memref_slice %arg5[%add3A_247] : memref<81920xf32, #tpu.memory_space<hbm>> -> memref<320xf32, #tpu.memory_space<hbm>>
      %dma_start3A_2179 = tpu.memref_slice %arg5[%add3A_247] : memref<81920xf32, #tpu.memory_space<hbm>> -> memref<320xf32, #tpu.memory_space<hbm>>
      tpu.enqueue_dma source(%dma_start3A_2179 : memref<320xf32, #tpu.memory_space<hbm>>) target(%arg17 : memref<320xf32, #tpu.memory_space<vmem>>) target_semaphore(%run_scoped3A : memref<!tpu.dma_semaphore, #tpu.memory_space<semaphore_mem>>)
      %dma_wait3A = tpu.memref_slice %arg5[%add3A_247] : memref<81920xf32, #tpu.memory_space<hbm>> -> memref<320xf32, #tpu.memory_space<hbm>>
      %dma_wait3A_2180 = tpu.memref_slice %arg5[%add3A_247] : memref<81920xf32, #tpu.memory_space<hbm>> -> memref<320xf32, #tpu.memory_space<hbm>>
      tpu.wait_dma2 semaphore(%run_scoped3A : memref<!tpu.dma_semaphore, #tpu.memory_space<semaphore_mem>>) src(%dma_wait3A_2180 : memref<320xf32, #tpu.memory_space<hbm>>) dst(%arg17 : memref<320xf32, #tpu.memory_space<vmem>>)
      tpu.yield
    }) : () -> ()
    %scan3A_248 = arith.constant 0 : i32
    %scan3A_249 = arith.constant 0 : i32
    %scan3A_250 = arith.constant 20 : i32
    %scan3A_251 = arith.addi %scan3A_249, %scan3A_250 : i32
    %scan3A_252 = arith.constant 1 : i32
    scf.for %scan3A_2179 = %scan3A_249 to %scan3A_251 step %scan3A_252  : i32 {
      %mul3A_2180 = arith.constant 16 : i32
      %mul3A_2181 = arith.muli %scan3A_2179, %mul3A_2180 : i32
      %add3A_2182 = arith.addi %mul3A_213, %mul3A_2181 : i32
      %add3A_2183 = vector.broadcast %add3A_2182 : i32 to vector<16xi32>
      %add3A_2184 = arith.addi %add3A_2183, %iota3A : vector<16xi32>
      %mul3A_2185 = arith.constant 16 : i32
      %mul3A_2186 = arith.muli %scan3A_2179, %mul3A_2185 : i32
      %get3A_2187 = arith.index_cast %mul3A_2186 : i32 to index
      %get3A_2188 = tpu.vector_load %arg16[%get3A_2187] {strides = array<i32>} : memref<320xi32, #tpu.memory_space<vmem>>, vector<16xi32>,
      %get3A_2189 = vector.shape_cast %get3A_2188 : vector<16xi32> to vector<16xi32>
      %mul3A_2190 = arith.constant 16 : i32
      %mul3A_2191 = arith.muli %scan3A_2179, %mul3A_2190 : i32
      %get3A_2192 = arith.index_cast %mul3A_2191 : i32 to index
      %get3A_2193 = tpu.vector_load %arg17[%get3A_2192] {strides = array<i32>} : memref<320xf32, #tpu.memory_space<vmem>>, vector<16xf32>,
      %get3A_2194 = vector.shape_cast %get3A_2193 : vector<16xf32> to vector<16xf32>
      %ge3A_2195 = arith.constant 0.000000e+00 : f32
      %ge3A_2196 = vector.broadcast %ge3A_2195 : f32 to vector<16xf32>
      %ge3A_2197 = arith.cmpf oge, %get3A_2194, %ge3A_2196 : vector<16xf32>
      %mul3A_2198 = arith.constant 5 : i32
      %mul3A_2199 = vector.broadcast %mul3A_2198 : i32 to vector<16xi32>
      %mul3A_2200 = arith.muli %mul3A_2199, %get3A_2189 : vector<16xi32>
      %add3A_2201 = arith.constant 10000 : i32
      %add3A_2202 = vector.broadcast %add3A_2201 : i32 to vector<16xi32>
      %add3A_2203 = arith.addi %add3A_2202, %mul3A_2200 : vector<16xi32>
      %add3A_2204 = arith.constant 4 : i32
      %add3A_2205 = vector.broadcast %add3A_2204 : i32 to vector<16xi32>
      %add3A_2206 = arith.addi %add3A_2203, %add3A_2205 : vector<16xi32>
      %mul3A_2207 = arith.constant 5 : i32
      %mul3A_2208 = arith.muli %scan3A_2179, %mul3A_2207 : i32
      %add3A_2209 = arith.constant 4 : i32
      %add3A_2210 = arith.addi %mul3A_2208, %add3A_2209 : i32
      %mul3A_2211 = arith.constant 2 : i32
      %mul3A_2212 = arith.muli %add3A_2210, %mul3A_2211 : i32
      %add3A_2213 = arith.addi %mul3A_2, %mul3A_2212 : i32
      %add3A_2214 = arith.constant 10320 : i32
      %add3A_2215 = vector.broadcast %add3A_2214 : i32 to vector<16xi32>
      %add3A_2216 = arith.addi %add3A_2215, %iota3A : vector<16xi32>
      %shift_right_arithmetic3A_2217 = arith.constant 3 : i32
      %shift_right_arithmetic3A_2218 = arith.shrsi %add3A_2213, %shift_right_arithmetic3A_2217 : i32
      %mul3A_2219 = arith.constant 81 : i32
      %mul3A_2220 = arith.muli %shift_right_arithmetic3A_2218, %mul3A_2219 : i32
      %shift_right_arithmetic3A_2221 = arith.constant 7 : i32
      %shift_right_arithmetic3A_2222 = vector.broadcast %shift_right_arithmetic3A_2221 : i32 to vector<16xi32>
      %shift_right_arithmetic3A_2223 = arith.shrsi %add3A_2216, %shift_right_arithmetic3A_2222 : vector<16xi32>
      %add3A_2224 = vector.broadcast %mul3A_2220 : i32 to vector<16xi32>
      %add3A_2225 = arith.addi %add3A_2224, %shift_right_arithmetic3A_2223 : vector<16xi32>
      %mul3A_2226 = arith.constant 1024 : i32
      %mul3A_2227 = vector.broadcast %mul3A_2226 : i32 to vector<16xi32>
      %mul3A_2228 = arith.muli %add3A_2225, %mul3A_2227 : vector<16xi32>
      %and3A_2229 = arith.constant 7 : i32
      %and3A_2230 = arith.andi %add3A_2213, %and3A_2229 : i32
      %shift_left3A_2231 = arith.constant 7 : i32
      %shift_left3A_2232 = arith.shli %and3A_2230, %shift_left3A_2231 : i32
      %add3A_2233 = vector.broadcast %shift_left3A_2232 : i32 to vector<16xi32>
      %add3A_2234 = arith.addi %mul3A_2228, %add3A_2233 : vector<16xi32>
      %and3A_2235 = arith.constant 127 : i32
      %and3A_2236 = vector.broadcast %and3A_2235 : i32 to vector<16xi32>
      %and3A_2237 = arith.andi %add3A_2216, %and3A_2236 : vector<16xi32>
      %add3A_2238 = arith.addi %add3A_2234, %and3A_2237 : vector<16xi32>
      %shift_right_arithmetic3A_2239 = arith.constant 3 : i32
      %shift_right_arithmetic3A_2240 = vector.broadcast %shift_right_arithmetic3A_2239 : i32 to vector<16xi32>
      %shift_right_arithmetic3A_2241 = arith.shrsi %add3A_2206, %shift_right_arithmetic3A_2240 : vector<16xi32>
      %mul3A_2242 = arith.constant 81 : i32
      %mul3A_2243 = vector.broadcast %mul3A_2242 : i32 to vector<16xi32>
      %mul3A_2244 = arith.muli %shift_right_arithmetic3A_2241, %mul3A_2243 : vector<16xi32>
      %shift_right_arithmetic3A_2245 = arith.constant 7 : i32
      %shift_right_arithmetic3A_2246 = vector.broadcast %shift_right_arithmetic3A_2245 : i32 to vector<16xi32>
      %shift_right_arithmetic3A_2247 = arith.shrsi %add3A_2184, %shift_right_arithmetic3A_2246 : vector<16xi32>
      %add3A_2248 = arith.addi %mul3A_2244, %shift_right_arithmetic3A_2247 : vector<16xi32>
      %mul3A_2249 = arith.constant 1024 : i32
      %mul3A_2250 = vector.broadcast %mul3A_2249 : i32 to vector<16xi32>
      %mul3A_2251 = arith.muli %add3A_2248, %mul3A_2250 : vector<16xi32>
      %and3A_2252 = arith.constant 7 : i32
      %and3A_2253 = vector.broadcast %and3A_2252 : i32 to vector<16xi32>
      %and3A_2254 = arith.andi %add3A_2206, %and3A_2253 : vector<16xi32>
      %shift_left3A_2255 = arith.constant 7 : i32
      %shift_left3A_2256 = vector.broadcast %shift_left3A_2255 : i32 to vector<16xi32>
      %shift_left3A_2257 = arith.shli %and3A_2254, %shift_left3A_2256 : vector<16xi32>
      %add3A_2258 = arith.addi %mul3A_2251, %shift_left3A_2257 : vector<16xi32>
      %and3A_2259 = arith.constant 127 : i32
      %and3A_2260 = vector.broadcast %and3A_2259 : i32 to vector<16xi32>
      %and3A_2261 = arith.andi %add3A_2184, %and3A_2260 : vector<16xi32>
      %add3A_2262 = arith.addi %add3A_2258, %and3A_2261 : vector<16xi32>
      %select_n3A_2263 = arith.select %ge3A_2197, %add3A_2262, %add3A_2238 : vector<16xi1>, vector<16xi32>
      %shift_right_arithmetic3A_2264 = arith.constant 3 : i32
      %shift_right_arithmetic3A_2265 = vector.broadcast %shift_right_arithmetic3A_2264 : i32 to vector<16xi32>
      %shift_right_arithmetic3A_2266 = arith.shrsi %add3A_2184, %shift_right_arithmetic3A_2265 : vector<16xi32>
      %mul3A_2267 = arith.constant 81 : i32
      %mul3A_2268 = vector.broadcast %mul3A_2267 : i32 to vector<16xi32>
      %mul3A_2269 = arith.muli %shift_right_arithmetic3A_2266, %mul3A_2268 : vector<16xi32>
      %shift_right_arithmetic3A_2270 = arith.constant 7 : i32
      %shift_right_arithmetic3A_2271 = vector.broadcast %shift_right_arithmetic3A_2270 : i32 to vector<16xi32>
      %shift_right_arithmetic3A_2272 = arith.shrsi %add3A_2206, %shift_right_arithmetic3A_2271 : vector<16xi32>
      %add3A_2273 = arith.addi %mul3A_2269, %shift_right_arithmetic3A_2272 : vector<16xi32>
      %mul3A_2274 = arith.constant 1024 : i32
      %mul3A_2275 = vector.broadcast %mul3A_2274 : i32 to vector<16xi32>
      %mul3A_2276 = arith.muli %add3A_2273, %mul3A_2275 : vector<16xi32>
      %and3A_2277 = arith.constant 7 : i32
      %and3A_2278 = vector.broadcast %and3A_2277 : i32 to vector<16xi32>
      %and3A_2279 = arith.andi %add3A_2184, %and3A_2278 : vector<16xi32>
      %shift_left3A_2280 = arith.constant 7 : i32
      %shift_left3A_2281 = vector.broadcast %shift_left3A_2280 : i32 to vector<16xi32>
      %shift_left3A_2282 = arith.shli %and3A_2279, %shift_left3A_2281 : vector<16xi32>
      %add3A_2283 = arith.addi %mul3A_2276, %shift_left3A_2282 : vector<16xi32>
      %and3A_2284 = arith.constant 127 : i32
      %and3A_2285 = vector.broadcast %and3A_2284 : i32 to vector<16xi32>
      %and3A_2286 = arith.andi %add3A_2206, %and3A_2285 : vector<16xi32>
      %add3A_2287 = arith.addi %add3A_2283, %and3A_2286 : vector<16xi32>
      %add3A_2288 = arith.constant 1 : i32
      %add3A_2289 = arith.addi %mul3A_2212, %add3A_2288 : i32
      %add3A_2290 = arith.addi %mul3A_2, %add3A_2289 : i32
      %add3A_2291 = arith.constant 10320 : i32
      %add3A_2292 = vector.broadcast %add3A_2291 : i32 to vector<16xi32>
      %add3A_2293 = arith.addi %add3A_2292, %iota3A : vector<16xi32>
      %shift_right_arithmetic3A_2294 = arith.constant 3 : i32
      %shift_right_arithmetic3A_2295 = arith.shrsi %add3A_2290, %shift_right_arithmetic3A_2294 : i32
      %mul3A_2296 = arith.constant 81 : i32
      %mul3A_2297 = arith.muli %shift_right_arithmetic3A_2295, %mul3A_2296 : i32
      %shift_right_arithmetic3A_2298 = arith.constant 7 : i32
      %shift_right_arithmetic3A_2299 = vector.broadcast %shift_right_arithmetic3A_2298 : i32 to vector<16xi32>
      %shift_right_arithmetic3A_2300 = arith.shrsi %add3A_2293, %shift_right_arithmetic3A_2299 : vector<16xi32>
      %add3A_2301 = vector.broadcast %mul3A_2297 : i32 to vector<16xi32>
      %add3A_2302 = arith.addi %add3A_2301, %shift_right_arithmetic3A_2300 : vector<16xi32>
      %mul3A_2303 = arith.constant 1024 : i32
      %mul3A_2304 = vector.broadcast %mul3A_2303 : i32 to vector<16xi32>
      %mul3A_2305 = arith.muli %add3A_2302, %mul3A_2304 : vector<16xi32>
      %and3A_2306 = arith.constant 7 : i32
      %and3A_2307 = arith.andi %add3A_2290, %and3A_2306 : i32
      %shift_left3A_2308 = arith.constant 7 : i32
      %shift_left3A_2309 = arith.shli %and3A_2307, %shift_left3A_2308 : i32
      %add3A_2310 = vector.broadcast %shift_left3A_2309 : i32 to vector<16xi32>
      %add3A_2311 = arith.addi %mul3A_2305, %add3A_2310 : vector<16xi32>
      %and3A_2312 = arith.constant 127 : i32
      %and3A_2313 = vector.broadcast %and3A_2312 : i32 to vector<16xi32>
      %and3A_2314 = arith.andi %add3A_2293, %and3A_2313 : vector<16xi32>
      %add3A_2315 = arith.addi %add3A_2311, %and3A_2314 : vector<16xi32>
      %select_n3A_2316 = arith.select %ge3A_2197, %add3A_2287, %add3A_2315 : vector<16xi1>, vector<16xi32>
      %shift_right_arithmetic3A_2317 = arith.constant 3 : i32
      %shift_right_arithmetic3A_2318 = arith.shrsi %mul3A_2212, %shift_right_arithmetic3A_2317 : i32
      %and3A_2319 = arith.constant 7 : i32
      %and3A_2320 = arith.andi %mul3A_2212, %and3A_2319 : i32
      %mul3A_2321 = arith.constant 16 : i32
      %mul3A_2322 = arith.muli %and3A_2320, %mul3A_2321 : i32
      %swap3A_2323 = arith.index_cast %shift_right_arithmetic3A_2318 : i32 to index
      %swap3A_2324 = arith.index_cast %mul3A_2322 : i32 to index
      %swap3A_2325 = tpu.vector_load %arg14[%swap3A_2323, %swap3A_2324] {strides = array<i32>} : memref<29x128xi32, #tpu.memory_space<vmem>>, vector<1x16xi32>,
      %swap3A_2326 = vector.shape_cast %swap3A_2325 : vector<1x16xi32> to vector<16xi32>
      %swap3A_2327 = vector.shape_cast %select_n3A_2263 : vector<16xi32> to vector<1x16xi32>
      tpu.vector_store %arg14[%swap3A_2323, %swap3A_2324], %swap3A_2327 {strides = array<i32>} : memref<29x128xi32, #tpu.memory_space<vmem>>, vector<1x16xi32>,
      %add3A_2328 = arith.constant 1 : i32
      %add3A_2329 = arith.addi %mul3A_2212, %add3A_2328 : i32
      %shift_right_arithmetic3A_2330 = arith.constant 3 : i32
      %shift_right_arithmetic3A_2331 = arith.shrsi %add3A_2329, %shift_right_arithmetic3A_2330 : i32
      %add3A_2332 = arith.constant 1 : i32
      %add3A_2333 = arith.addi %mul3A_2212, %add3A_2332 : i32
      %and3A_2334 = arith.constant 7 : i32
      %and3A_2335 = arith.andi %add3A_2333, %and3A_2334 : i32
      %mul3A_2336 = arith.constant 16 : i32
      %mul3A_2337 = arith.muli %and3A_2335, %mul3A_2336 : i32
      %swap3A_2338 = arith.index_cast %shift_right_arithmetic3A_2331 : i32 to index
      %swap3A_2339 = arith.index_cast %mul3A_2337 : i32 to index
      %swap3A_2340 = tpu.vector_load %arg14[%swap3A_2338, %swap3A_2339] {strides = array<i32>} : memref<29x128xi32, #tpu.memory_space<vmem>>, vector<1x16xi32>,
      %swap3A_2341 = vector.shape_cast %swap3A_2340 : vector<1x16xi32> to vector<16xi32>
      %swap3A_2342 = vector.shape_cast %select_n3A_2316 : vector<16xi32> to vector<1x16xi32>
      tpu.vector_store %arg14[%swap3A_2338, %swap3A_2339], %swap3A_2342 {strides = array<i32>} : memref<29x128xi32, #tpu.memory_space<vmem>>, vector<1x16xi32>,
    }
    %scan3A_253 = arith.constant 20 : i32
    %add3A_254 = arith.constant 0 : i32
    %add3A_255 = arith.addi %mul3A_2, %add3A_254 : i32
    %add3A_256 = vector.broadcast %add3A_255 : i32 to vector<16xi32>
    %add3A_257 = arith.addi %add3A_256, %iota3A : vector<16xi32>
    %lt3A = arith.constant 10368 : i32
    %lt3A_258 = vector.broadcast %lt3A : i32 to vector<16xi32>
    %lt3A_259 = arith.cmpi slt, %add3A_257, %lt3A_258 : vector<16xi32>
    %shift_right_arithmetic3A_260 = arith.constant 3 : i32
    %shift_right_arithmetic3A_261 = vector.broadcast %shift_right_arithmetic3A_260 : i32 to vector<16xi32>
    %shift_right_arithmetic3A_262 = arith.shrsi %add3A_257, %shift_right_arithmetic3A_261 : vector<16xi32>
    %mul3A_263 = arith.constant 81 : i32
    %mul3A_264 = vector.broadcast %mul3A_263 : i32 to vector<16xi32>
    %mul3A_265 = arith.muli %shift_right_arithmetic3A_262, %mul3A_264 : vector<16xi32>
    %shift_right_arithmetic3A_266 = arith.constant 7 : i32
    %shift_right_arithmetic3A_267 = vector.broadcast %shift_right_arithmetic3A_266 : i32 to vector<16xi32>
    %shift_right_arithmetic3A_268 = arith.shrsi %add3A_257, %shift_right_arithmetic3A_267 : vector<16xi32>
    %add3A_269 = arith.addi %mul3A_265, %shift_right_arithmetic3A_268 : vector<16xi32>
    %mul3A_270 = arith.constant 1024 : i32
    %mul3A_271 = vector.broadcast %mul3A_270 : i32 to vector<16xi32>
    %mul3A_272 = arith.muli %add3A_269, %mul3A_271 : vector<16xi32>
    %and3A_273 = arith.constant 7 : i32
    %and3A_274 = vector.broadcast %and3A_273 : i32 to vector<16xi32>
    %and3A_275 = arith.andi %add3A_257, %and3A_274 : vector<16xi32>
    %shift_left3A_276 = arith.constant 7 : i32
    %shift_left3A_277 = vector.broadcast %shift_left3A_276 : i32 to vector<16xi32>
    %shift_left3A_278 = arith.shli %and3A_275, %shift_left3A_277 : vector<16xi32>
    %add3A_279 = arith.addi %mul3A_272, %shift_left3A_278 : vector<16xi32>
    %and3A_280 = arith.constant 127 : i32
    %and3A_281 = vector.broadcast %and3A_280 : i32 to vector<16xi32>
    %and3A_282 = arith.andi %add3A_257, %and3A_281 : vector<16xi32>
    %add3A_283 = arith.addi %add3A_279, %and3A_282 : vector<16xi32>
    %add3A_284 = arith.constant 0 : i32
    %add3A_285 = arith.addi %mul3A_2, %add3A_284 : i32
    %add3A_286 = arith.constant 10320 : i32
    %add3A_287 = vector.broadcast %add3A_286 : i32 to vector<16xi32>
    %add3A_288 = arith.addi %add3A_287, %iota3A : vector<16xi32>
    %shift_right_arithmetic3A_289 = arith.constant 3 : i32
    %shift_right_arithmetic3A_290 = arith.shrsi %add3A_285, %shift_right_arithmetic3A_289 : i32
    %mul3A_291 = arith.constant 81 : i32
    %mul3A_292 = arith.muli %shift_right_arithmetic3A_290, %mul3A_291 : i32
    %shift_right_arithmetic3A_293 = arith.constant 7 : i32
    %shift_right_arithmetic3A_294 = vector.broadcast %shift_right_arithmetic3A_293 : i32 to vector<16xi32>
    %shift_right_arithmetic3A_295 = arith.shrsi %add3A_288, %shift_right_arithmetic3A_294 : vector<16xi32>
    %add3A_296 = vector.broadcast %mul3A_292 : i32 to vector<16xi32>
    %add3A_297 = arith.addi %add3A_296, %shift_right_arithmetic3A_295 : vector<16xi32>
    %mul3A_298 = arith.constant 1024 : i32
    %mul3A_299 = vector.broadcast %mul3A_298 : i32 to vector<16xi32>
    %mul3A_300 = arith.muli %add3A_297, %mul3A_299 : vector<16xi32>
    %and3A_301 = arith.constant 7 : i32
    %and3A_302 = arith.andi %add3A_285, %and3A_301 : i32
    %shift_left3A_303 = arith.constant 7 : i32
    %shift_left3A_304 = arith.shli %and3A_302, %shift_left3A_303 : i32
    %add3A_305 = vector.broadcast %shift_left3A_304 : i32 to vector<16xi32>
    %add3A_306 = arith.addi %mul3A_300, %add3A_305 : vector<16xi32>
    %and3A_307 = arith.constant 127 : i32
    %and3A_308 = vector.broadcast %and3A_307 : i32 to vector<16xi32>
    %and3A_309 = arith.andi %add3A_288, %and3A_308 : vector<16xi32>
    %add3A_310 = arith.addi %add3A_306, %and3A_309 : vector<16xi32>
    %select_n3A = arith.select %lt3A_259, %add3A_283, %add3A_310 : vector<16xi1>, vector<16xi32>
    %swap3A_311 = arith.constant 25 : i32
    %swap3A_312 = arith.index_cast %swap3A_311 : i32 to index
    %swap3A_313 = arith.constant 0 : index
    %swap3A_314 = tpu.vector_load %arg14[%swap3A_312, %swap3A_313] {strides = array<i32>} : memref<29x128xi32, #tpu.memory_space<vmem>>, vector<1x16xi32>,
    %swap3A_315 = vector.shape_cast %swap3A_314 : vector<1x16xi32> to vector<16xi32>
    %swap3A_316 = vector.shape_cast %select_n3A : vector<16xi32> to vector<1x16xi32>
    tpu.vector_store %arg14[%swap3A_312, %swap3A_313], %swap3A_316 {strides = array<i32>} : memref<29x128xi32, #tpu.memory_space<vmem>>, vector<1x16xi32>,
    %add3A_317 = arith.constant 16 : i32
    %add3A_318 = arith.addi %mul3A_2, %add3A_317 : i32
    %add3A_319 = vector.broadcast %add3A_318 : i32 to vector<16xi32>
    %add3A_320 = arith.addi %add3A_319, %iota3A : vector<16xi32>
    %lt3A_321 = arith.constant 10368 : i32
    %lt3A_322 = vector.broadcast %lt3A_321 : i32 to vector<16xi32>
    %lt3A_323 = arith.cmpi slt, %add3A_320, %lt3A_322 : vector<16xi32>
    %shift_right_arithmetic3A_324 = arith.constant 3 : i32
    %shift_right_arithmetic3A_325 = vector.broadcast %shift_right_arithmetic3A_324 : i32 to vector<16xi32>
    %shift_right_arithmetic3A_326 = arith.shrsi %add3A_320, %shift_right_arithmetic3A_325 : vector<16xi32>
    %mul3A_327 = arith.constant 81 : i32
    %mul3A_328 = vector.broadcast %mul3A_327 : i32 to vector<16xi32>
    %mul3A_329 = arith.muli %shift_right_arithmetic3A_326, %mul3A_328 : vector<16xi32>
    %shift_right_arithmetic3A_330 = arith.constant 7 : i32
    %shift_right_arithmetic3A_331 = vector.broadcast %shift_right_arithmetic3A_330 : i32 to vector<16xi32>
    %shift_right_arithmetic3A_332 = arith.shrsi %add3A_320, %shift_right_arithmetic3A_331 : vector<16xi32>
    %add3A_333 = arith.addi %mul3A_329, %shift_right_arithmetic3A_332 : vector<16xi32>
    %mul3A_334 = arith.constant 1024 : i32
    %mul3A_335 = vector.broadcast %mul3A_334 : i32 to vector<16xi32>
    %mul3A_336 = arith.muli %add3A_333, %mul3A_335 : vector<16xi32>
    %and3A_337 = arith.constant 7 : i32
    %and3A_338 = vector.broadcast %and3A_337 : i32 to vector<16xi32>
    %and3A_339 = arith.andi %add3A_320, %and3A_338 : vector<16xi32>
    %shift_left3A_340 = arith.constant 7 : i32
    %shift_left3A_341 = vector.broadcast %shift_left3A_340 : i32 to vector<16xi32>
    %shift_left3A_342 = arith.shli %and3A_339, %shift_left3A_341 : vector<16xi32>
    %add3A_343 = arith.addi %mul3A_336, %shift_left3A_342 : vector<16xi32>
    %and3A_344 = arith.constant 127 : i32
    %and3A_345 = vector.broadcast %and3A_344 : i32 to vector<16xi32>
    %and3A_346 = arith.andi %add3A_320, %and3A_345 : vector<16xi32>
    %add3A_347 = arith.addi %add3A_343, %and3A_346 : vector<16xi32>
    %add3A_348 = arith.constant 1 : i32
    %add3A_349 = arith.addi %mul3A_2, %add3A_348 : i32
    %add3A_350 = arith.constant 10320 : i32
    %add3A_351 = vector.broadcast %add3A_350 : i32 to vector<16xi32>
    %add3A_352 = arith.addi %add3A_351, %iota3A : vector<16xi32>
    %shift_right_arithmetic3A_353 = arith.constant 3 : i32
    %shift_right_arithmetic3A_354 = arith.shrsi %add3A_349, %shift_right_arithmetic3A_353 : i32
    %mul3A_355 = arith.constant 81 : i32
    %mul3A_356 = arith.muli %shift_right_arithmetic3A_354, %mul3A_355 : i32
    %shift_right_arithmetic3A_357 = arith.constant 7 : i32
    %shift_right_arithmetic3A_358 = vector.broadcast %shift_right_arithmetic3A_357 : i32 to vector<16xi32>
    %shift_right_arithmetic3A_359 = arith.shrsi %add3A_352, %shift_right_arithmetic3A_358 : vector<16xi32>
    %add3A_360 = vector.broadcast %mul3A_356 : i32 to vector<16xi32>
    %add3A_361 = arith.addi %add3A_360, %shift_right_arithmetic3A_359 : vector<16xi32>
    %mul3A_362 = arith.constant 1024 : i32
    %mul3A_363 = vector.broadcast %mul3A_362 : i32 to vector<16xi32>
    %mul3A_364 = arith.muli %add3A_361, %mul3A_363 : vector<16xi32>
    %and3A_365 = arith.constant 7 : i32
    %and3A_366 = arith.andi %add3A_349, %and3A_365 : i32
    %shift_left3A_367 = arith.constant 7 : i32
    %shift_left3A_368 = arith.shli %and3A_366, %shift_left3A_367 : i32
    %add3A_369 = vector.broadcast %shift_left3A_368 : i32 to vector<16xi32>
    %add3A_370 = arith.addi %mul3A_364, %add3A_369 : vector<16xi32>
    %and3A_371 = arith.constant 127 : i32
    %and3A_372 = vector.broadcast %and3A_371 : i32 to vector<16xi32>
    %and3A_373 = arith.andi %add3A_352, %and3A_372 : vector<16xi32>
    %add3A_374 = arith.addi %add3A_370, %and3A_373 : vector<16xi32>
    %select_n3A_375 = arith.select %lt3A_323, %add3A_347, %add3A_374 : vector<16xi1>, vector<16xi32>
    %swap3A_376 = arith.constant 25 : i32
    %swap3A_377 = arith.index_cast %swap3A_376 : i32 to index
    %swap3A_378 = arith.constant 16 : index
    %swap3A_379 = tpu.vector_load %arg14[%swap3A_377, %swap3A_378] {strides = array<i32>} : memref<29x128xi32, #tpu.memory_space<vmem>>, vector<1x16xi32>,
    %swap3A_380 = vector.shape_cast %swap3A_379 : vector<1x16xi32> to vector<16xi32>
    %swap3A_381 = vector.shape_cast %select_n3A_375 : vector<16xi32> to vector<1x16xi32>
    tpu.vector_store %arg14[%swap3A_377, %swap3A_378], %swap3A_381 {strides = array<i32>} : memref<29x128xi32, #tpu.memory_space<vmem>>, vector<1x16xi32>,
    %add3A_382 = arith.constant 32 : i32
    %add3A_383 = arith.addi %mul3A_2, %add3A_382 : i32
    %add3A_384 = vector.broadcast %add3A_383 : i32 to vector<16xi32>
    %add3A_385 = arith.addi %add3A_384, %iota3A : vector<16xi32>
    %lt3A_386 = arith.constant 10368 : i32
    %lt3A_387 = vector.broadcast %lt3A_386 : i32 to vector<16xi32>
    %lt3A_388 = arith.cmpi slt, %add3A_385, %lt3A_387 : vector<16xi32>
    %shift_right_arithmetic3A_389 = arith.constant 3 : i32
    %shift_right_arithmetic3A_390 = vector.broadcast %shift_right_arithmetic3A_389 : i32 to vector<16xi32>
    %shift_right_arithmetic3A_391 = arith.shrsi %add3A_385, %shift_right_arithmetic3A_390 : vector<16xi32>
    %mul3A_392 = arith.constant 81 : i32
    %mul3A_393 = vector.broadcast %mul3A_392 : i32 to vector<16xi32>
    %mul3A_394 = arith.muli %shift_right_arithmetic3A_391, %mul3A_393 : vector<16xi32>
    %shift_right_arithmetic3A_395 = arith.constant 7 : i32
    %shift_right_arithmetic3A_396 = vector.broadcast %shift_right_arithmetic3A_395 : i32 to vector<16xi32>
    %shift_right_arithmetic3A_397 = arith.shrsi %add3A_385, %shift_right_arithmetic3A_396 : vector<16xi32>
    %add3A_398 = arith.addi %mul3A_394, %shift_right_arithmetic3A_397 : vector<16xi32>
    %mul3A_399 = arith.constant 1024 : i32
    %mul3A_400 = vector.broadcast %mul3A_399 : i32 to vector<16xi32>
    %mul3A_401 = arith.muli %add3A_398, %mul3A_400 : vector<16xi32>
    %and3A_402 = arith.constant 7 : i32
    %and3A_403 = vector.broadcast %and3A_402 : i32 to vector<16xi32>
    %and3A_404 = arith.andi %add3A_385, %and3A_403 : vector<16xi32>
    %shift_left3A_405 = arith.constant 7 : i32
    %shift_left3A_406 = vector.broadcast %shift_left3A_405 : i32 to vector<16xi32>
    %shift_left3A_407 = arith.shli %and3A_404, %shift_left3A_406 : vector<16xi32>
    %add3A_408 = arith.addi %mul3A_401, %shift_left3A_407 : vector<16xi32>
    %and3A_409 = arith.constant 127 : i32
    %and3A_410 = vector.broadcast %and3A_409 : i32 to vector<16xi32>
    %and3A_411 = arith.andi %add3A_385, %and3A_410 : vector<16xi32>
    %add3A_412 = arith.addi %add3A_408, %and3A_411 : vector<16xi32>
    %add3A_413 = arith.constant 2 : i32
    %add3A_414 = arith.addi %mul3A_2, %add3A_413 : i32
    %add3A_415 = arith.constant 10320 : i32
    %add3A_416 = vector.broadcast %add3A_415 : i32 to vector<16xi32>
    %add3A_417 = arith.addi %add3A_416, %iota3A : vector<16xi32>
    %shift_right_arithmetic3A_418 = arith.constant 3 : i32
    %shift_right_arithmetic3A_419 = arith.shrsi %add3A_414, %shift_right_arithmetic3A_418 : i32
    %mul3A_420 = arith.constant 81 : i32
    %mul3A_421 = arith.muli %shift_right_arithmetic3A_419, %mul3A_420 : i32
    %shift_right_arithmetic3A_422 = arith.constant 7 : i32
    %shift_right_arithmetic3A_423 = vector.broadcast %shift_right_arithmetic3A_422 : i32 to vector<16xi32>
    %shift_right_arithmetic3A_424 = arith.shrsi %add3A_417, %shift_right_arithmetic3A_423 : vector<16xi32>
    %add3A_425 = vector.broadcast %mul3A_421 : i32 to vector<16xi32>
    %add3A_426 = arith.addi %add3A_425, %shift_right_arithmetic3A_424 : vector<16xi32>
    %mul3A_427 = arith.constant 1024 : i32
    %mul3A_428 = vector.broadcast %mul3A_427 : i32 to vector<16xi32>
    %mul3A_429 = arith.muli %add3A_426, %mul3A_428 : vector<16xi32>
    %and3A_430 = arith.constant 7 : i32
    %and3A_431 = arith.andi %add3A_414, %and3A_430 : i32
    %shift_left3A_432 = arith.constant 7 : i32
    %shift_left3A_433 = arith.shli %and3A_431, %shift_left3A_432 : i32
    %add3A_434 = vector.broadcast %shift_left3A_433 : i32 to vector<16xi32>
    %add3A_435 = arith.addi %mul3A_429, %add3A_434 : vector<16xi32>
    %and3A_436 = arith.constant 127 : i32
    %and3A_437 = vector.broadcast %and3A_436 : i32 to vector<16xi32>
    %and3A_438 = arith.andi %add3A_417, %and3A_437 : vector<16xi32>
    %add3A_439 = arith.addi %add3A_435, %and3A_438 : vector<16xi32>
    %select_n3A_440 = arith.select %lt3A_388, %add3A_412, %add3A_439 : vector<16xi1>, vector<16xi32>
    %swap3A_441 = arith.constant 25 : i32
    %swap3A_442 = arith.index_cast %swap3A_441 : i32 to index
    %swap3A_443 = arith.constant 32 : index
    %swap3A_444 = tpu.vector_load %arg14[%swap3A_442, %swap3A_443] {strides = array<i32>} : memref<29x128xi32, #tpu.memory_space<vmem>>, vector<1x16xi32>,
    %swap3A_445 = vector.shape_cast %swap3A_444 : vector<1x16xi32> to vector<16xi32>
    %swap3A_446 = vector.shape_cast %select_n3A_440 : vector<16xi32> to vector<1x16xi32>
    tpu.vector_store %arg14[%swap3A_442, %swap3A_443], %swap3A_446 {strides = array<i32>} : memref<29x128xi32, #tpu.memory_space<vmem>>, vector<1x16xi32>,
    %add3A_447 = arith.constant 48 : i32
    %add3A_448 = arith.addi %mul3A_2, %add3A_447 : i32
    %add3A_449 = vector.broadcast %add3A_448 : i32 to vector<16xi32>
    %add3A_450 = arith.addi %add3A_449, %iota3A : vector<16xi32>
    %lt3A_451 = arith.constant 10368 : i32
    %lt3A_452 = vector.broadcast %lt3A_451 : i32 to vector<16xi32>
    %lt3A_453 = arith.cmpi slt, %add3A_450, %lt3A_452 : vector<16xi32>
    %shift_right_arithmetic3A_454 = arith.constant 3 : i32
    %shift_right_arithmetic3A_455 = vector.broadcast %shift_right_arithmetic3A_454 : i32 to vector<16xi32>
    %shift_right_arithmetic3A_456 = arith.shrsi %add3A_450, %shift_right_arithmetic3A_455 : vector<16xi32>
    %mul3A_457 = arith.constant 81 : i32
    %mul3A_458 = vector.broadcast %mul3A_457 : i32 to vector<16xi32>
    %mul3A_459 = arith.muli %shift_right_arithmetic3A_456, %mul3A_458 : vector<16xi32>
    %shift_right_arithmetic3A_460 = arith.constant 7 : i32
    %shift_right_arithmetic3A_461 = vector.broadcast %shift_right_arithmetic3A_460 : i32 to vector<16xi32>
    %shift_right_arithmetic3A_462 = arith.shrsi %add3A_450, %shift_right_arithmetic3A_461 : vector<16xi32>
    %add3A_463 = arith.addi %mul3A_459, %shift_right_arithmetic3A_462 : vector<16xi32>
    %mul3A_464 = arith.constant 1024 : i32
    %mul3A_465 = vector.broadcast %mul3A_464 : i32 to vector<16xi32>
    %mul3A_466 = arith.muli %add3A_463, %mul3A_465 : vector<16xi32>
    %and3A_467 = arith.constant 7 : i32
    %and3A_468 = vector.broadcast %and3A_467 : i32 to vector<16xi32>
    %and3A_469 = arith.andi %add3A_450, %and3A_468 : vector<16xi32>
    %shift_left3A_470 = arith.constant 7 : i32
    %shift_left3A_471 = vector.broadcast %shift_left3A_470 : i32 to vector<16xi32>
    %shift_left3A_472 = arith.shli %and3A_469, %shift_left3A_471 : vector<16xi32>
    %add3A_473 = arith.addi %mul3A_466, %shift_left3A_472 : vector<16xi32>
    %and3A_474 = arith.constant 127 : i32
    %and3A_475 = vector.broadcast %and3A_474 : i32 to vector<16xi32>
    %and3A_476 = arith.andi %add3A_450, %and3A_475 : vector<16xi32>
    %add3A_477 = arith.addi %add3A_473, %and3A_476 : vector<16xi32>
    %add3A_478 = arith.constant 3 : i32
    %add3A_479 = arith.addi %mul3A_2, %add3A_478 : i32
    %add3A_480 = arith.constant 10320 : i32
    %add3A_481 = vector.broadcast %add3A_480 : i32 to vector<16xi32>
    %add3A_482 = arith.addi %add3A_481, %iota3A : vector<16xi32>
    %shift_right_arithmetic3A_483 = arith.constant 3 : i32
    %shift_right_arithmetic3A_484 = arith.shrsi %add3A_479, %shift_right_arithmetic3A_483 : i32
    %mul3A_485 = arith.constant 81 : i32
    %mul3A_486 = arith.muli %shift_right_arithmetic3A_484, %mul3A_485 : i32
    %shift_right_arithmetic3A_487 = arith.constant 7 : i32
    %shift_right_arithmetic3A_488 = vector.broadcast %shift_right_arithmetic3A_487 : i32 to vector<16xi32>
    %shift_right_arithmetic3A_489 = arith.shrsi %add3A_482, %shift_right_arithmetic3A_488 : vector<16xi32>
    %add3A_490 = vector.broadcast %mul3A_486 : i32 to vector<16xi32>
    %add3A_491 = arith.addi %add3A_490, %shift_right_arithmetic3A_489 : vector<16xi32>
    %mul3A_492 = arith.constant 1024 : i32
    %mul3A_493 = vector.broadcast %mul3A_492 : i32 to vector<16xi32>
    %mul3A_494 = arith.muli %add3A_491, %mul3A_493 : vector<16xi32>
    %and3A_495 = arith.constant 7 : i32
    %and3A_496 = arith.andi %add3A_479, %and3A_495 : i32
    %shift_left3A_497 = arith.constant 7 : i32
    %shift_left3A_498 = arith.shli %and3A_496, %shift_left3A_497 : i32
    %add3A_499 = vector.broadcast %shift_left3A_498 : i32 to vector<16xi32>
    %add3A_500 = arith.addi %mul3A_494, %add3A_499 : vector<16xi32>
    %and3A_501 = arith.constant 127 : i32
    %and3A_502 = vector.broadcast %and3A_501 : i32 to vector<16xi32>
    %and3A_503 = arith.andi %add3A_482, %and3A_502 : vector<16xi32>
    %add3A_504 = arith.addi %add3A_500, %and3A_503 : vector<16xi32>
    %select_n3A_505 = arith.select %lt3A_453, %add3A_477, %add3A_504 : vector<16xi1>, vector<16xi32>
    %swap3A_506 = arith.constant 25 : i32
    %swap3A_507 = arith.index_cast %swap3A_506 : i32 to index
    %swap3A_508 = arith.constant 48 : index
    %swap3A_509 = tpu.vector_load %arg14[%swap3A_507, %swap3A_508] {strides = array<i32>} : memref<29x128xi32, #tpu.memory_space<vmem>>, vector<1x16xi32>,
    %swap3A_510 = vector.shape_cast %swap3A_509 : vector<1x16xi32> to vector<16xi32>
    %swap3A_511 = vector.shape_cast %select_n3A_505 : vector<16xi32> to vector<1x16xi32>
    tpu.vector_store %arg14[%swap3A_507, %swap3A_508], %swap3A_511 {strides = array<i32>} : memref<29x128xi32, #tpu.memory_space<vmem>>, vector<1x16xi32>,
    %add3A_512 = arith.constant 64 : i32
    %add3A_513 = arith.addi %mul3A_2, %add3A_512 : i32
    %add3A_514 = vector.broadcast %add3A_513 : i32 to vector<16xi32>
    %add3A_515 = arith.addi %add3A_514, %iota3A : vector<16xi32>
    %lt3A_516 = arith.constant 10368 : i32
    %lt3A_517 = vector.broadcast %lt3A_516 : i32 to vector<16xi32>
    %lt3A_518 = arith.cmpi slt, %add3A_515, %lt3A_517 : vector<16xi32>
    %shift_right_arithmetic3A_519 = arith.constant 3 : i32
    %shift_right_arithmetic3A_520 = vector.broadcast %shift_right_arithmetic3A_519 : i32 to vector<16xi32>
    %shift_right_arithmetic3A_521 = arith.shrsi %add3A_515, %shift_right_arithmetic3A_520 : vector<16xi32>
    %mul3A_522 = arith.constant 81 : i32
    %mul3A_523 = vector.broadcast %mul3A_522 : i32 to vector<16xi32>
    %mul3A_524 = arith.muli %shift_right_arithmetic3A_521, %mul3A_523 : vector<16xi32>
    %shift_right_arithmetic3A_525 = arith.constant 7 : i32
    %shift_right_arithmetic3A_526 = vector.broadcast %shift_right_arithmetic3A_525 : i32 to vector<16xi32>
    %shift_right_arithmetic3A_527 = arith.shrsi %add3A_515, %shift_right_arithmetic3A_526 : vector<16xi32>
    %add3A_528 = arith.addi %mul3A_524, %shift_right_arithmetic3A_527 : vector<16xi32>
    %mul3A_529 = arith.constant 1024 : i32
    %mul3A_530 = vector.broadcast %mul3A_529 : i32 to vector<16xi32>
    %mul3A_531 = arith.muli %add3A_528, %mul3A_530 : vector<16xi32>
    %and3A_532 = arith.constant 7 : i32
    %and3A_533 = vector.broadcast %and3A_532 : i32 to vector<16xi32>
    %and3A_534 = arith.andi %add3A_515, %and3A_533 : vector<16xi32>
    %shift_left3A_535 = arith.constant 7 : i32
    %shift_left3A_536 = vector.broadcast %shift_left3A_535 : i32 to vector<16xi32>
    %shift_left3A_537 = arith.shli %and3A_534, %shift_left3A_536 : vector<16xi32>
    %add3A_538 = arith.addi %mul3A_531, %shift_left3A_537 : vector<16xi32>
    %and3A_539 = arith.constant 127 : i32
    %and3A_540 = vector.broadcast %and3A_539 : i32 to vector<16xi32>
    %and3A_541 = arith.andi %add3A_515, %and3A_540 : vector<16xi32>
    %add3A_542 = arith.addi %add3A_538, %and3A_541 : vector<16xi32>
    %add3A_543 = arith.constant 4 : i32
    %add3A_544 = arith.addi %mul3A_2, %add3A_543 : i32
    %add3A_545 = arith.constant 10320 : i32
    %add3A_546 = vector.broadcast %add3A_545 : i32 to vector<16xi32>
    %add3A_547 = arith.addi %add3A_546, %iota3A : vector<16xi32>
    %shift_right_arithmetic3A_548 = arith.constant 3 : i32
    %shift_right_arithmetic3A_549 = arith.shrsi %add3A_544, %shift_right_arithmetic3A_548 : i32
    %mul3A_550 = arith.constant 81 : i32
    %mul3A_551 = arith.muli %shift_right_arithmetic3A_549, %mul3A_550 : i32
    %shift_right_arithmetic3A_552 = arith.constant 7 : i32
    %shift_right_arithmetic3A_553 = vector.broadcast %shift_right_arithmetic3A_552 : i32 to vector<16xi32>
    %shift_right_arithmetic3A_554 = arith.shrsi %add3A_547, %shift_right_arithmetic3A_553 : vector<16xi32>
    %add3A_555 = vector.broadcast %mul3A_551 : i32 to vector<16xi32>
    %add3A_556 = arith.addi %add3A_555, %shift_right_arithmetic3A_554 : vector<16xi32>
    %mul3A_557 = arith.constant 1024 : i32
    %mul3A_558 = vector.broadcast %mul3A_557 : i32 to vector<16xi32>
    %mul3A_559 = arith.muli %add3A_556, %mul3A_558 : vector<16xi32>
    %and3A_560 = arith.constant 7 : i32
    %and3A_561 = arith.andi %add3A_544, %and3A_560 : i32
    %shift_left3A_562 = arith.constant 7 : i32
    %shift_left3A_563 = arith.shli %and3A_561, %shift_left3A_562 : i32
    %add3A_564 = vector.broadcast %shift_left3A_563 : i32 to vector<16xi32>
    %add3A_565 = arith.addi %mul3A_559, %add3A_564 : vector<16xi32>
    %and3A_566 = arith.constant 127 : i32
    %and3A_567 = vector.broadcast %and3A_566 : i32 to vector<16xi32>
    %and3A_568 = arith.andi %add3A_547, %and3A_567 : vector<16xi32>
    %add3A_569 = arith.addi %add3A_565, %and3A_568 : vector<16xi32>
    %select_n3A_570 = arith.select %lt3A_518, %add3A_542, %add3A_569 : vector<16xi1>, vector<16xi32>
    %swap3A_571 = arith.constant 25 : i32
    %swap3A_572 = arith.index_cast %swap3A_571 : i32 to index
    %swap3A_573 = arith.constant 64 : index
    %swap3A_574 = tpu.vector_load %arg14[%swap3A_572, %swap3A_573] {strides = array<i32>} : memref<29x128xi32, #tpu.memory_space<vmem>>, vector<1x16xi32>,
    %swap3A_575 = vector.shape_cast %swap3A_574 : vector<1x16xi32> to vector<16xi32>
    %swap3A_576 = vector.shape_cast %select_n3A_570 : vector<16xi32> to vector<1x16xi32>
    tpu.vector_store %arg14[%swap3A_572, %swap3A_573], %swap3A_576 {strides = array<i32>} : memref<29x128xi32, #tpu.memory_space<vmem>>, vector<1x16xi32>,
    %add3A_577 = arith.constant 80 : i32
    %add3A_578 = arith.addi %mul3A_2, %add3A_577 : i32
    %add3A_579 = vector.broadcast %add3A_578 : i32 to vector<16xi32>
    %add3A_580 = arith.addi %add3A_579, %iota3A : vector<16xi32>
    %lt3A_581 = arith.constant 10368 : i32
    %lt3A_582 = vector.broadcast %lt3A_581 : i32 to vector<16xi32>
    %lt3A_583 = arith.cmpi slt, %add3A_580, %lt3A_582 : vector<16xi32>
    %shift_right_arithmetic3A_584 = arith.constant 3 : i32
    %shift_right_arithmetic3A_585 = vector.broadcast %shift_right_arithmetic3A_584 : i32 to vector<16xi32>
    %shift_right_arithmetic3A_586 = arith.shrsi %add3A_580, %shift_right_arithmetic3A_585 : vector<16xi32>
    %mul3A_587 = arith.constant 81 : i32
    %mul3A_588 = vector.broadcast %mul3A_587 : i32 to vector<16xi32>
    %mul3A_589 = arith.muli %shift_right_arithmetic3A_586, %mul3A_588 : vector<16xi32>
    %shift_right_arithmetic3A_590 = arith.constant 7 : i32
    %shift_right_arithmetic3A_591 = vector.broadcast %shift_right_arithmetic3A_590 : i32 to vector<16xi32>
    %shift_right_arithmetic3A_592 = arith.shrsi %add3A_580, %shift_right_arithmetic3A_591 : vector<16xi32>
    %add3A_593 = arith.addi %mul3A_589, %shift_right_arithmetic3A_592 : vector<16xi32>
    %mul3A_594 = arith.constant 1024 : i32
    %mul3A_595 = vector.broadcast %mul3A_594 : i32 to vector<16xi32>
    %mul3A_596 = arith.muli %add3A_593, %mul3A_595 : vector<16xi32>
    %and3A_597 = arith.constant 7 : i32
    %and3A_598 = vector.broadcast %and3A_597 : i32 to vector<16xi32>
    %and3A_599 = arith.andi %add3A_580, %and3A_598 : vector<16xi32>
    %shift_left3A_600 = arith.constant 7 : i32
    %shift_left3A_601 = vector.broadcast %shift_left3A_600 : i32 to vector<16xi32>
    %shift_left3A_602 = arith.shli %and3A_599, %shift_left3A_601 : vector<16xi32>
    %add3A_603 = arith.addi %mul3A_596, %shift_left3A_602 : vector<16xi32>
    %and3A_604 = arith.constant 127 : i32
    %and3A_605 = vector.broadcast %and3A_604 : i32 to vector<16xi32>
    %and3A_606 = arith.andi %add3A_580, %and3A_605 : vector<16xi32>
    %add3A_607 = arith.addi %add3A_603, %and3A_606 : vector<16xi32>
    %add3A_608 = arith.constant 5 : i32
    %add3A_609 = arith.addi %mul3A_2, %add3A_608 : i32
    %add3A_610 = arith.constant 10320 : i32
    %add3A_611 = vector.broadcast %add3A_610 : i32 to vector<16xi32>
    %add3A_612 = arith.addi %add3A_611, %iota3A : vector<16xi32>
    %shift_right_arithmetic3A_613 = arith.constant 3 : i32
    %shift_right_arithmetic3A_614 = arith.shrsi %add3A_609, %shift_right_arithmetic3A_613 : i32
    %mul3A_615 = arith.constant 81 : i32
    %mul3A_616 = arith.muli %shift_right_arithmetic3A_614, %mul3A_615 : i32
    %shift_right_arithmetic3A_617 = arith.constant 7 : i32
    %shift_right_arithmetic3A_618 = vector.broadcast %shift_right_arithmetic3A_617 : i32 to vector<16xi32>
    %shift_right_arithmetic3A_619 = arith.shrsi %add3A_612, %shift_right_arithmetic3A_618 : vector<16xi32>
    %add3A_620 = vector.broadcast %mul3A_616 : i32 to vector<16xi32>
    %add3A_621 = arith.addi %add3A_620, %shift_right_arithmetic3A_619 : vector<16xi32>
    %mul3A_622 = arith.constant 1024 : i32
    %mul3A_623 = vector.broadcast %mul3A_622 : i32 to vector<16xi32>
    %mul3A_624 = arith.muli %add3A_621, %mul3A_623 : vector<16xi32>
    %and3A_625 = arith.constant 7 : i32
    %and3A_626 = arith.andi %add3A_609, %and3A_625 : i32
    %shift_left3A_627 = arith.constant 7 : i32
    %shift_left3A_628 = arith.shli %and3A_626, %shift_left3A_627 : i32
    %add3A_629 = vector.broadcast %shift_left3A_628 : i32 to vector<16xi32>
    %add3A_630 = arith.addi %mul3A_624, %add3A_629 : vector<16xi32>
    %and3A_631 = arith.constant 127 : i32
    %and3A_632 = vector.broadcast %and3A_631 : i32 to vector<16xi32>
    %and3A_633 = arith.andi %add3A_612, %and3A_632 : vector<16xi32>
    %add3A_634 = arith.addi %add3A_630, %and3A_633 : vector<16xi32>
    %select_n3A_635 = arith.select %lt3A_583, %add3A_607, %add3A_634 : vector<16xi1>, vector<16xi32>
    %swap3A_636 = arith.constant 25 : i32
    %swap3A_637 = arith.index_cast %swap3A_636 : i32 to index
    %swap3A_638 = arith.constant 80 : index
    %swap3A_639 = tpu.vector_load %arg14[%swap3A_637, %swap3A_638] {strides = array<i32>} : memref<29x128xi32, #tpu.memory_space<vmem>>, vector<1x16xi32>,
    %swap3A_640 = vector.shape_cast %swap3A_639 : vector<1x16xi32> to vector<16xi32>
    %swap3A_641 = vector.shape_cast %select_n3A_635 : vector<16xi32> to vector<1x16xi32>
    tpu.vector_store %arg14[%swap3A_637, %swap3A_638], %swap3A_641 {strides = array<i32>} : memref<29x128xi32, #tpu.memory_space<vmem>>, vector<1x16xi32>,
    %add3A_642 = arith.constant 96 : i32
    %add3A_643 = arith.addi %mul3A_2, %add3A_642 : i32
    %add3A_644 = vector.broadcast %add3A_643 : i32 to vector<16xi32>
    %add3A_645 = arith.addi %add3A_644, %iota3A : vector<16xi32>
    %lt3A_646 = arith.constant 10368 : i32
    %lt3A_647 = vector.broadcast %lt3A_646 : i32 to vector<16xi32>
    %lt3A_648 = arith.cmpi slt, %add3A_645, %lt3A_647 : vector<16xi32>
    %shift_right_arithmetic3A_649 = arith.constant 3 : i32
    %shift_right_arithmetic3A_650 = vector.broadcast %shift_right_arithmetic3A_649 : i32 to vector<16xi32>
    %shift_right_arithmetic3A_651 = arith.shrsi %add3A_645, %shift_right_arithmetic3A_650 : vector<16xi32>
    %mul3A_652 = arith.constant 81 : i32
    %mul3A_653 = vector.broadcast %mul3A_652 : i32 to vector<16xi32>
    %mul3A_654 = arith.muli %shift_right_arithmetic3A_651, %mul3A_653 : vector<16xi32>
    %shift_right_arithmetic3A_655 = arith.constant 7 : i32
    %shift_right_arithmetic3A_656 = vector.broadcast %shift_right_arithmetic3A_655 : i32 to vector<16xi32>
    %shift_right_arithmetic3A_657 = arith.shrsi %add3A_645, %shift_right_arithmetic3A_656 : vector<16xi32>
    %add3A_658 = arith.addi %mul3A_654, %shift_right_arithmetic3A_657 : vector<16xi32>
    %mul3A_659 = arith.constant 1024 : i32
    %mul3A_660 = vector.broadcast %mul3A_659 : i32 to vector<16xi32>
    %mul3A_661 = arith.muli %add3A_658, %mul3A_660 : vector<16xi32>
    %and3A_662 = arith.constant 7 : i32
    %and3A_663 = vector.broadcast %and3A_662 : i32 to vector<16xi32>
    %and3A_664 = arith.andi %add3A_645, %and3A_663 : vector<16xi32>
    %shift_left3A_665 = arith.constant 7 : i32
    %shift_left3A_666 = vector.broadcast %shift_left3A_665 : i32 to vector<16xi32>
    %shift_left3A_667 = arith.shli %and3A_664, %shift_left3A_666 : vector<16xi32>
    %add3A_668 = arith.addi %mul3A_661, %shift_left3A_667 : vector<16xi32>
    %and3A_669 = arith.constant 127 : i32
    %and3A_670 = vector.broadcast %and3A_669 : i32 to vector<16xi32>
    %and3A_671 = arith.andi %add3A_645, %and3A_670 : vector<16xi32>
    %add3A_672 = arith.addi %add3A_668, %and3A_671 : vector<16xi32>
    %add3A_673 = arith.constant 6 : i32
    %add3A_674 = arith.addi %mul3A_2, %add3A_673 : i32
    %add3A_675 = arith.constant 10320 : i32
    %add3A_676 = vector.broadcast %add3A_675 : i32 to vector<16xi32>
    %add3A_677 = arith.addi %add3A_676, %iota3A : vector<16xi32>
    %shift_right_arithmetic3A_678 = arith.constant 3 : i32
    %shift_right_arithmetic3A_679 = arith.shrsi %add3A_674, %shift_right_arithmetic3A_678 : i32
    %mul3A_680 = arith.constant 81 : i32
    %mul3A_681 = arith.muli %shift_right_arithmetic3A_679, %mul3A_680 : i32
    %shift_right_arithmetic3A_682 = arith.constant 7 : i32
    %shift_right_arithmetic3A_683 = vector.broadcast %shift_right_arithmetic3A_682 : i32 to vector<16xi32>
    %shift_right_arithmetic3A_684 = arith.shrsi %add3A_677, %shift_right_arithmetic3A_683 : vector<16xi32>
    %add3A_685 = vector.broadcast %mul3A_681 : i32 to vector<16xi32>
    %add3A_686 = arith.addi %add3A_685, %shift_right_arithmetic3A_684 : vector<16xi32>
    %mul3A_687 = arith.constant 1024 : i32
    %mul3A_688 = vector.broadcast %mul3A_687 : i32 to vector<16xi32>
    %mul3A_689 = arith.muli %add3A_686, %mul3A_688 : vector<16xi32>
    %and3A_690 = arith.constant 7 : i32
    %and3A_691 = arith.andi %add3A_674, %and3A_690 : i32
    %shift_left3A_692 = arith.constant 7 : i32
    %shift_left3A_693 = arith.shli %and3A_691, %shift_left3A_692 : i32
    %add3A_694 = vector.broadcast %shift_left3A_693 : i32 to vector<16xi32>
    %add3A_695 = arith.addi %mul3A_689, %add3A_694 : vector<16xi32>
    %and3A_696 = arith.constant 127 : i32
    %and3A_697 = vector.broadcast %and3A_696 : i32 to vector<16xi32>
    %and3A_698 = arith.andi %add3A_677, %and3A_697 : vector<16xi32>
    %add3A_699 = arith.addi %add3A_695, %and3A_698 : vector<16xi32>
    %select_n3A_700 = arith.select %lt3A_648, %add3A_672, %add3A_699 : vector<16xi1>, vector<16xi32>
    %swap3A_701 = arith.constant 25 : i32
    %swap3A_702 = arith.index_cast %swap3A_701 : i32 to index
    %swap3A_703 = arith.constant 96 : index
    %swap3A_704 = tpu.vector_load %arg14[%swap3A_702, %swap3A_703] {strides = array<i32>} : memref<29x128xi32, #tpu.memory_space<vmem>>, vector<1x16xi32>,
    %swap3A_705 = vector.shape_cast %swap3A_704 : vector<1x16xi32> to vector<16xi32>
    %swap3A_706 = vector.shape_cast %select_n3A_700 : vector<16xi32> to vector<1x16xi32>
    tpu.vector_store %arg14[%swap3A_702, %swap3A_703], %swap3A_706 {strides = array<i32>} : memref<29x128xi32, #tpu.memory_space<vmem>>, vector<1x16xi32>,
    %add3A_707 = arith.constant 112 : i32
    %add3A_708 = arith.addi %mul3A_2, %add3A_707 : i32
    %add3A_709 = vector.broadcast %add3A_708 : i32 to vector<16xi32>
    %add3A_710 = arith.addi %add3A_709, %iota3A : vector<16xi32>
    %lt3A_711 = arith.constant 10368 : i32
    %lt3A_712 = vector.broadcast %lt3A_711 : i32 to vector<16xi32>
    %lt3A_713 = arith.cmpi slt, %add3A_710, %lt3A_712 : vector<16xi32>
    %shift_right_arithmetic3A_714 = arith.constant 3 : i32
    %shift_right_arithmetic3A_715 = vector.broadcast %shift_right_arithmetic3A_714 : i32 to vector<16xi32>
    %shift_right_arithmetic3A_716 = arith.shrsi %add3A_710, %shift_right_arithmetic3A_715 : vector<16xi32>
    %mul3A_717 = arith.constant 81 : i32
    %mul3A_718 = vector.broadcast %mul3A_717 : i32 to vector<16xi32>
    %mul3A_719 = arith.muli %shift_right_arithmetic3A_716, %mul3A_718 : vector<16xi32>
    %shift_right_arithmetic3A_720 = arith.constant 7 : i32
    %shift_right_arithmetic3A_721 = vector.broadcast %shift_right_arithmetic3A_720 : i32 to vector<16xi32>
    %shift_right_arithmetic3A_722 = arith.shrsi %add3A_710, %shift_right_arithmetic3A_721 : vector<16xi32>
    %add3A_723 = arith.addi %mul3A_719, %shift_right_arithmetic3A_722 : vector<16xi32>
    %mul3A_724 = arith.constant 1024 : i32
    %mul3A_725 = vector.broadcast %mul3A_724 : i32 to vector<16xi32>
    %mul3A_726 = arith.muli %add3A_723, %mul3A_725 : vector<16xi32>
    %and3A_727 = arith.constant 7 : i32
    %and3A_728 = vector.broadcast %and3A_727 : i32 to vector<16xi32>
    %and3A_729 = arith.andi %add3A_710, %and3A_728 : vector<16xi32>
    %shift_left3A_730 = arith.constant 7 : i32
    %shift_left3A_731 = vector.broadcast %shift_left3A_730 : i32 to vector<16xi32>
    %shift_left3A_732 = arith.shli %and3A_729, %shift_left3A_731 : vector<16xi32>
    %add3A_733 = arith.addi %mul3A_726, %shift_left3A_732 : vector<16xi32>
    %and3A_734 = arith.constant 127 : i32
    %and3A_735 = vector.broadcast %and3A_734 : i32 to vector<16xi32>
    %and3A_736 = arith.andi %add3A_710, %and3A_735 : vector<16xi32>
    %add3A_737 = arith.addi %add3A_733, %and3A_736 : vector<16xi32>
    %add3A_738 = arith.constant 7 : i32
    %add3A_739 = arith.addi %mul3A_2, %add3A_738 : i32
    %add3A_740 = arith.constant 10320 : i32
    %add3A_741 = vector.broadcast %add3A_740 : i32 to vector<16xi32>
    %add3A_742 = arith.addi %add3A_741, %iota3A : vector<16xi32>
    %shift_right_arithmetic3A_743 = arith.constant 3 : i32
    %shift_right_arithmetic3A_744 = arith.shrsi %add3A_739, %shift_right_arithmetic3A_743 : i32
    %mul3A_745 = arith.constant 81 : i32
    %mul3A_746 = arith.muli %shift_right_arithmetic3A_744, %mul3A_745 : i32
    %shift_right_arithmetic3A_747 = arith.constant 7 : i32
    %shift_right_arithmetic3A_748 = vector.broadcast %shift_right_arithmetic3A_747 : i32 to vector<16xi32>
    %shift_right_arithmetic3A_749 = arith.shrsi %add3A_742, %shift_right_arithmetic3A_748 : vector<16xi32>
    %add3A_750 = vector.broadcast %mul3A_746 : i32 to vector<16xi32>
    %add3A_751 = arith.addi %add3A_750, %shift_right_arithmetic3A_749 : vector<16xi32>
    %mul3A_752 = arith.constant 1024 : i32
    %mul3A_753 = vector.broadcast %mul3A_752 : i32 to vector<16xi32>
    %mul3A_754 = arith.muli %add3A_751, %mul3A_753 : vector<16xi32>
    %and3A_755 = arith.constant 7 : i32
    %and3A_756 = arith.andi %add3A_739, %and3A_755 : i32
    %shift_left3A_757 = arith.constant 7 : i32
    %shift_left3A_758 = arith.shli %and3A_756, %shift_left3A_757 : i32
    %add3A_759 = vector.broadcast %shift_left3A_758 : i32 to vector<16xi32>
    %add3A_760 = arith.addi %mul3A_754, %add3A_759 : vector<16xi32>
    %and3A_761 = arith.constant 127 : i32
    %and3A_762 = vector.broadcast %and3A_761 : i32 to vector<16xi32>
    %and3A_763 = arith.andi %add3A_742, %and3A_762 : vector<16xi32>
    %add3A_764 = arith.addi %add3A_760, %and3A_763 : vector<16xi32>
    %select_n3A_765 = arith.select %lt3A_713, %add3A_737, %add3A_764 : vector<16xi1>, vector<16xi32>
    %swap3A_766 = arith.constant 25 : i32
    %swap3A_767 = arith.index_cast %swap3A_766 : i32 to index
    %swap3A_768 = arith.constant 112 : index
    %swap3A_769 = tpu.vector_load %arg14[%swap3A_767, %swap3A_768] {strides = array<i32>} : memref<29x128xi32, #tpu.memory_space<vmem>>, vector<1x16xi32>,
    %swap3A_770 = vector.shape_cast %swap3A_769 : vector<1x16xi32> to vector<16xi32>
    %swap3A_771 = vector.shape_cast %select_n3A_765 : vector<16xi32> to vector<1x16xi32>
    tpu.vector_store %arg14[%swap3A_767, %swap3A_768], %swap3A_771 {strides = array<i32>} : memref<29x128xi32, #tpu.memory_space<vmem>>, vector<1x16xi32>,
    %add3A_772 = arith.constant 128 : i32
    %add3A_773 = arith.addi %mul3A_2, %add3A_772 : i32
    %add3A_774 = vector.broadcast %add3A_773 : i32 to vector<16xi32>
    %add3A_775 = arith.addi %add3A_774, %iota3A : vector<16xi32>
    %lt3A_776 = arith.constant 10368 : i32
    %lt3A_777 = vector.broadcast %lt3A_776 : i32 to vector<16xi32>
    %lt3A_778 = arith.cmpi slt, %add3A_775, %lt3A_777 : vector<16xi32>
    %shift_right_arithmetic3A_779 = arith.constant 3 : i32
    %shift_right_arithmetic3A_780 = vector.broadcast %shift_right_arithmetic3A_779 : i32 to vector<16xi32>
    %shift_right_arithmetic3A_781 = arith.shrsi %add3A_775, %shift_right_arithmetic3A_780 : vector<16xi32>
    %mul3A_782 = arith.constant 81 : i32
    %mul3A_783 = vector.broadcast %mul3A_782 : i32 to vector<16xi32>
    %mul3A_784 = arith.muli %shift_right_arithmetic3A_781, %mul3A_783 : vector<16xi32>
    %shift_right_arithmetic3A_785 = arith.constant 7 : i32
    %shift_right_arithmetic3A_786 = vector.broadcast %shift_right_arithmetic3A_785 : i32 to vector<16xi32>
    %shift_right_arithmetic3A_787 = arith.shrsi %add3A_775, %shift_right_arithmetic3A_786 : vector<16xi32>
    %add3A_788 = arith.addi %mul3A_784, %shift_right_arithmetic3A_787 : vector<16xi32>
    %mul3A_789 = arith.constant 1024 : i32
    %mul3A_790 = vector.broadcast %mul3A_789 : i32 to vector<16xi32>
    %mul3A_791 = arith.muli %add3A_788, %mul3A_790 : vector<16xi32>
    %and3A_792 = arith.constant 7 : i32
    %and3A_793 = vector.broadcast %and3A_792 : i32 to vector<16xi32>
    %and3A_794 = arith.andi %add3A_775, %and3A_793 : vector<16xi32>
    %shift_left3A_795 = arith.constant 7 : i32
    %shift_left3A_796 = vector.broadcast %shift_left3A_795 : i32 to vector<16xi32>
    %shift_left3A_797 = arith.shli %and3A_794, %shift_left3A_796 : vector<16xi32>
    %add3A_798 = arith.addi %mul3A_791, %shift_left3A_797 : vector<16xi32>
    %and3A_799 = arith.constant 127 : i32
    %and3A_800 = vector.broadcast %and3A_799 : i32 to vector<16xi32>
    %and3A_801 = arith.andi %add3A_775, %and3A_800 : vector<16xi32>
    %add3A_802 = arith.addi %add3A_798, %and3A_801 : vector<16xi32>
    %add3A_803 = arith.constant 8 : i32
    %add3A_804 = arith.addi %mul3A_2, %add3A_803 : i32
    %add3A_805 = arith.constant 10320 : i32
    %add3A_806 = vector.broadcast %add3A_805 : i32 to vector<16xi32>
    %add3A_807 = arith.addi %add3A_806, %iota3A : vector<16xi32>
    %shift_right_arithmetic3A_808 = arith.constant 3 : i32
    %shift_right_arithmetic3A_809 = arith.shrsi %add3A_804, %shift_right_arithmetic3A_808 : i32
    %mul3A_810 = arith.constant 81 : i32
    %mul3A_811 = arith.muli %shift_right_arithmetic3A_809, %mul3A_810 : i32
    %shift_right_arithmetic3A_812 = arith.constant 7 : i32
    %shift_right_arithmetic3A_813 = vector.broadcast %shift_right_arithmetic3A_812 : i32 to vector<16xi32>
    %shift_right_arithmetic3A_814 = arith.shrsi %add3A_807, %shift_right_arithmetic3A_813 : vector<16xi32>
    %add3A_815 = vector.broadcast %mul3A_811 : i32 to vector<16xi32>
    %add3A_816 = arith.addi %add3A_815, %shift_right_arithmetic3A_814 : vector<16xi32>
    %mul3A_817 = arith.constant 1024 : i32
    %mul3A_818 = vector.broadcast %mul3A_817 : i32 to vector<16xi32>
    %mul3A_819 = arith.muli %add3A_816, %mul3A_818 : vector<16xi32>
    %and3A_820 = arith.constant 7 : i32
    %and3A_821 = arith.andi %add3A_804, %and3A_820 : i32
    %shift_left3A_822 = arith.constant 7 : i32
    %shift_left3A_823 = arith.shli %and3A_821, %shift_left3A_822 : i32
    %add3A_824 = vector.broadcast %shift_left3A_823 : i32 to vector<16xi32>
    %add3A_825 = arith.addi %mul3A_819, %add3A_824 : vector<16xi32>
    %and3A_826 = arith.constant 127 : i32
    %and3A_827 = vector.broadcast %and3A_826 : i32 to vector<16xi32>
    %and3A_828 = arith.andi %add3A_807, %and3A_827 : vector<16xi32>
    %add3A_829 = arith.addi %add3A_825, %and3A_828 : vector<16xi32>
    %select_n3A_830 = arith.select %lt3A_778, %add3A_802, %add3A_829 : vector<16xi1>, vector<16xi32>
    %swap3A_831 = arith.constant 26 : i32
    %swap3A_832 = arith.index_cast %swap3A_831 : i32 to index
    %swap3A_833 = arith.constant 0 : index
    %swap3A_834 = tpu.vector_load %arg14[%swap3A_832, %swap3A_833] {strides = array<i32>} : memref<29x128xi32, #tpu.memory_space<vmem>>, vector<1x16xi32>,
    %swap3A_835 = vector.shape_cast %swap3A_834 : vector<1x16xi32> to vector<16xi32>
    %swap3A_836 = vector.shape_cast %select_n3A_830 : vector<16xi32> to vector<1x16xi32>
    tpu.vector_store %arg14[%swap3A_832, %swap3A_833], %swap3A_836 {strides = array<i32>} : memref<29x128xi32, #tpu.memory_space<vmem>>, vector<1x16xi32>,
    %add3A_837 = arith.constant 144 : i32
    %add3A_838 = arith.addi %mul3A_2, %add3A_837 : i32
    %add3A_839 = vector.broadcast %add3A_838 : i32 to vector<16xi32>
    %add3A_840 = arith.addi %add3A_839, %iota3A : vector<16xi32>
    %lt3A_841 = arith.constant 10368 : i32
    %lt3A_842 = vector.broadcast %lt3A_841 : i32 to vector<16xi32>
    %lt3A_843 = arith.cmpi slt, %add3A_840, %lt3A_842 : vector<16xi32>
    %shift_right_arithmetic3A_844 = arith.constant 3 : i32
    %shift_right_arithmetic3A_845 = vector.broadcast %shift_right_arithmetic3A_844 : i32 to vector<16xi32>
    %shift_right_arithmetic3A_846 = arith.shrsi %add3A_840, %shift_right_arithmetic3A_845 : vector<16xi32>
    %mul3A_847 = arith.constant 81 : i32
    %mul3A_848 = vector.broadcast %mul3A_847 : i32 to vector<16xi32>
    %mul3A_849 = arith.muli %shift_right_arithmetic3A_846, %mul3A_848 : vector<16xi32>
    %shift_right_arithmetic3A_850 = arith.constant 7 : i32
    %shift_right_arithmetic3A_851 = vector.broadcast %shift_right_arithmetic3A_850 : i32 to vector<16xi32>
    %shift_right_arithmetic3A_852 = arith.shrsi %add3A_840, %shift_right_arithmetic3A_851 : vector<16xi32>
    %add3A_853 = arith.addi %mul3A_849, %shift_right_arithmetic3A_852 : vector<16xi32>
    %mul3A_854 = arith.constant 1024 : i32
    %mul3A_855 = vector.broadcast %mul3A_854 : i32 to vector<16xi32>
    %mul3A_856 = arith.muli %add3A_853, %mul3A_855 : vector<16xi32>
    %and3A_857 = arith.constant 7 : i32
    %and3A_858 = vector.broadcast %and3A_857 : i32 to vector<16xi32>
    %and3A_859 = arith.andi %add3A_840, %and3A_858 : vector<16xi32>
    %shift_left3A_860 = arith.constant 7 : i32
    %shift_left3A_861 = vector.broadcast %shift_left3A_860 : i32 to vector<16xi32>
    %shift_left3A_862 = arith.shli %and3A_859, %shift_left3A_861 : vector<16xi32>
    %add3A_863 = arith.addi %mul3A_856, %shift_left3A_862 : vector<16xi32>
    %and3A_864 = arith.constant 127 : i32
    %and3A_865 = vector.broadcast %and3A_864 : i32 to vector<16xi32>
    %and3A_866 = arith.andi %add3A_840, %and3A_865 : vector<16xi32>
    %add3A_867 = arith.addi %add3A_863, %and3A_866 : vector<16xi32>
    %add3A_868 = arith.constant 9 : i32
    %add3A_869 = arith.addi %mul3A_2, %add3A_868 : i32
    %add3A_870 = arith.constant 10320 : i32
    %add3A_871 = vector.broadcast %add3A_870 : i32 to vector<16xi32>
    %add3A_872 = arith.addi %add3A_871, %iota3A : vector<16xi32>
    %shift_right_arithmetic3A_873 = arith.constant 3 : i32
    %shift_right_arithmetic3A_874 = arith.shrsi %add3A_869, %shift_right_arithmetic3A_873 : i32
    %mul3A_875 = arith.constant 81 : i32
    %mul3A_876 = arith.muli %shift_right_arithmetic3A_874, %mul3A_875 : i32
    %shift_right_arithmetic3A_877 = arith.constant 7 : i32
    %shift_right_arithmetic3A_878 = vector.broadcast %shift_right_arithmetic3A_877 : i32 to vector<16xi32>
    %shift_right_arithmetic3A_879 = arith.shrsi %add3A_872, %shift_right_arithmetic3A_878 : vector<16xi32>
    %add3A_880 = vector.broadcast %mul3A_876 : i32 to vector<16xi32>
    %add3A_881 = arith.addi %add3A_880, %shift_right_arithmetic3A_879 : vector<16xi32>
    %mul3A_882 = arith.constant 1024 : i32
    %mul3A_883 = vector.broadcast %mul3A_882 : i32 to vector<16xi32>
    %mul3A_884 = arith.muli %add3A_881, %mul3A_883 : vector<16xi32>
    %and3A_885 = arith.constant 7 : i32
    %and3A_886 = arith.andi %add3A_869, %and3A_885 : i32
    %shift_left3A_887 = arith.constant 7 : i32
    %shift_left3A_888 = arith.shli %and3A_886, %shift_left3A_887 : i32
    %add3A_889 = vector.broadcast %shift_left3A_888 : i32 to vector<16xi32>
    %add3A_890 = arith.addi %mul3A_884, %add3A_889 : vector<16xi32>
    %and3A_891 = arith.constant 127 : i32
    %and3A_892 = vector.broadcast %and3A_891 : i32 to vector<16xi32>
    %and3A_893 = arith.andi %add3A_872, %and3A_892 : vector<16xi32>
    %add3A_894 = arith.addi %add3A_890, %and3A_893 : vector<16xi32>
    %select_n3A_895 = arith.select %lt3A_843, %add3A_867, %add3A_894 : vector<16xi1>, vector<16xi32>
    %swap3A_896 = arith.constant 26 : i32
    %swap3A_897 = arith.index_cast %swap3A_896 : i32 to index
    %swap3A_898 = arith.constant 16 : index
    %swap3A_899 = tpu.vector_load %arg14[%swap3A_897, %swap3A_898] {strides = array<i32>} : memref<29x128xi32, #tpu.memory_space<vmem>>, vector<1x16xi32>,
    %swap3A_900 = vector.shape_cast %swap3A_899 : vector<1x16xi32> to vector<16xi32>
    %swap3A_901 = vector.shape_cast %select_n3A_895 : vector<16xi32> to vector<1x16xi32>
    tpu.vector_store %arg14[%swap3A_897, %swap3A_898], %swap3A_901 {strides = array<i32>} : memref<29x128xi32, #tpu.memory_space<vmem>>, vector<1x16xi32>,
    %add3A_902 = arith.constant 160 : i32
    %add3A_903 = arith.addi %mul3A_2, %add3A_902 : i32
    %add3A_904 = vector.broadcast %add3A_903 : i32 to vector<16xi32>
    %add3A_905 = arith.addi %add3A_904, %iota3A : vector<16xi32>
    %lt3A_906 = arith.constant 10368 : i32
    %lt3A_907 = vector.broadcast %lt3A_906 : i32 to vector<16xi32>
    %lt3A_908 = arith.cmpi slt, %add3A_905, %lt3A_907 : vector<16xi32>
    %shift_right_arithmetic3A_909 = arith.constant 3 : i32
    %shift_right_arithmetic3A_910 = vector.broadcast %shift_right_arithmetic3A_909 : i32 to vector<16xi32>
    %shift_right_arithmetic3A_911 = arith.shrsi %add3A_905, %shift_right_arithmetic3A_910 : vector<16xi32>
    %mul3A_912 = arith.constant 81 : i32
    %mul3A_913 = vector.broadcast %mul3A_912 : i32 to vector<16xi32>
    %mul3A_914 = arith.muli %shift_right_arithmetic3A_911, %mul3A_913 : vector<16xi32>
    %shift_right_arithmetic3A_915 = arith.constant 7 : i32
    %shift_right_arithmetic3A_916 = vector.broadcast %shift_right_arithmetic3A_915 : i32 to vector<16xi32>
    %shift_right_arithmetic3A_917 = arith.shrsi %add3A_905, %shift_right_arithmetic3A_916 : vector<16xi32>
    %add3A_918 = arith.addi %mul3A_914, %shift_right_arithmetic3A_917 : vector<16xi32>
    %mul3A_919 = arith.constant 1024 : i32
    %mul3A_920 = vector.broadcast %mul3A_919 : i32 to vector<16xi32>
    %mul3A_921 = arith.muli %add3A_918, %mul3A_920 : vector<16xi32>
    %and3A_922 = arith.constant 7 : i32
    %and3A_923 = vector.broadcast %and3A_922 : i32 to vector<16xi32>
    %and3A_924 = arith.andi %add3A_905, %and3A_923 : vector<16xi32>
    %shift_left3A_925 = arith.constant 7 : i32
    %shift_left3A_926 = vector.broadcast %shift_left3A_925 : i32 to vector<16xi32>
    %shift_left3A_927 = arith.shli %and3A_924, %shift_left3A_926 : vector<16xi32>
    %add3A_928 = arith.addi %mul3A_921, %shift_left3A_927 : vector<16xi32>
    %and3A_929 = arith.constant 127 : i32
    %and3A_930 = vector.broadcast %and3A_929 : i32 to vector<16xi32>
    %and3A_931 = arith.andi %add3A_905, %and3A_930 : vector<16xi32>
    %add3A_932 = arith.addi %add3A_928, %and3A_931 : vector<16xi32>
    %add3A_933 = arith.constant 10 : i32
    %add3A_934 = arith.addi %mul3A_2, %add3A_933 : i32
    %add3A_935 = arith.constant 10320 : i32
    %add3A_936 = vector.broadcast %add3A_935 : i32 to vector<16xi32>
    %add3A_937 = arith.addi %add3A_936, %iota3A : vector<16xi32>
    %shift_right_arithmetic3A_938 = arith.constant 3 : i32
    %shift_right_arithmetic3A_939 = arith.shrsi %add3A_934, %shift_right_arithmetic3A_938 : i32
    %mul3A_940 = arith.constant 81 : i32
    %mul3A_941 = arith.muli %shift_right_arithmetic3A_939, %mul3A_940 : i32
    %shift_right_arithmetic3A_942 = arith.constant 7 : i32
    %shift_right_arithmetic3A_943 = vector.broadcast %shift_right_arithmetic3A_942 : i32 to vector<16xi32>
    %shift_right_arithmetic3A_944 = arith.shrsi %add3A_937, %shift_right_arithmetic3A_943 : vector<16xi32>
    %add3A_945 = vector.broadcast %mul3A_941 : i32 to vector<16xi32>
    %add3A_946 = arith.addi %add3A_945, %shift_right_arithmetic3A_944 : vector<16xi32>
    %mul3A_947 = arith.constant 1024 : i32
    %mul3A_948 = vector.broadcast %mul3A_947 : i32 to vector<16xi32>
    %mul3A_949 = arith.muli %add3A_946, %mul3A_948 : vector<16xi32>
    %and3A_950 = arith.constant 7 : i32
    %and3A_951 = arith.andi %add3A_934, %and3A_950 : i32
    %shift_left3A_952 = arith.constant 7 : i32
    %shift_left3A_953 = arith.shli %and3A_951, %shift_left3A_952 : i32
    %add3A_954 = vector.broadcast %shift_left3A_953 : i32 to vector<16xi32>
    %add3A_955 = arith.addi %mul3A_949, %add3A_954 : vector<16xi32>
    %and3A_956 = arith.constant 127 : i32
    %and3A_957 = vector.broadcast %and3A_956 : i32 to vector<16xi32>
    %and3A_958 = arith.andi %add3A_937, %and3A_957 : vector<16xi32>
    %add3A_959 = arith.addi %add3A_955, %and3A_958 : vector<16xi32>
    %select_n3A_960 = arith.select %lt3A_908, %add3A_932, %add3A_959 : vector<16xi1>, vector<16xi32>
    %swap3A_961 = arith.constant 26 : i32
    %swap3A_962 = arith.index_cast %swap3A_961 : i32 to index
    %swap3A_963 = arith.constant 32 : index
    %swap3A_964 = tpu.vector_load %arg14[%swap3A_962, %swap3A_963] {strides = array<i32>} : memref<29x128xi32, #tpu.memory_space<vmem>>, vector<1x16xi32>,
    %swap3A_965 = vector.shape_cast %swap3A_964 : vector<1x16xi32> to vector<16xi32>
    %swap3A_966 = vector.shape_cast %select_n3A_960 : vector<16xi32> to vector<1x16xi32>
    tpu.vector_store %arg14[%swap3A_962, %swap3A_963], %swap3A_966 {strides = array<i32>} : memref<29x128xi32, #tpu.memory_space<vmem>>, vector<1x16xi32>,
    %add3A_967 = arith.constant 176 : i32
    %add3A_968 = arith.addi %mul3A_2, %add3A_967 : i32
    %add3A_969 = vector.broadcast %add3A_968 : i32 to vector<16xi32>
    %add3A_970 = arith.addi %add3A_969, %iota3A : vector<16xi32>
    %lt3A_971 = arith.constant 10368 : i32
    %lt3A_972 = vector.broadcast %lt3A_971 : i32 to vector<16xi32>
    %lt3A_973 = arith.cmpi slt, %add3A_970, %lt3A_972 : vector<16xi32>
    %shift_right_arithmetic3A_974 = arith.constant 3 : i32
    %shift_right_arithmetic3A_975 = vector.broadcast %shift_right_arithmetic3A_974 : i32 to vector<16xi32>
    %shift_right_arithmetic3A_976 = arith.shrsi %add3A_970, %shift_right_arithmetic3A_975 : vector<16xi32>
    %mul3A_977 = arith.constant 81 : i32
    %mul3A_978 = vector.broadcast %mul3A_977 : i32 to vector<16xi32>
    %mul3A_979 = arith.muli %shift_right_arithmetic3A_976, %mul3A_978 : vector<16xi32>
    %shift_right_arithmetic3A_980 = arith.constant 7 : i32
    %shift_right_arithmetic3A_981 = vector.broadcast %shift_right_arithmetic3A_980 : i32 to vector<16xi32>
    %shift_right_arithmetic3A_982 = arith.shrsi %add3A_970, %shift_right_arithmetic3A_981 : vector<16xi32>
    %add3A_983 = arith.addi %mul3A_979, %shift_right_arithmetic3A_982 : vector<16xi32>
    %mul3A_984 = arith.constant 1024 : i32
    %mul3A_985 = vector.broadcast %mul3A_984 : i32 to vector<16xi32>
    %mul3A_986 = arith.muli %add3A_983, %mul3A_985 : vector<16xi32>
    %and3A_987 = arith.constant 7 : i32
    %and3A_988 = vector.broadcast %and3A_987 : i32 to vector<16xi32>
    %and3A_989 = arith.andi %add3A_970, %and3A_988 : vector<16xi32>
    %shift_left3A_990 = arith.constant 7 : i32
    %shift_left3A_991 = vector.broadcast %shift_left3A_990 : i32 to vector<16xi32>
    %shift_left3A_992 = arith.shli %and3A_989, %shift_left3A_991 : vector<16xi32>
    %add3A_993 = arith.addi %mul3A_986, %shift_left3A_992 : vector<16xi32>
    %and3A_994 = arith.constant 127 : i32
    %and3A_995 = vector.broadcast %and3A_994 : i32 to vector<16xi32>
    %and3A_996 = arith.andi %add3A_970, %and3A_995 : vector<16xi32>
    %add3A_997 = arith.addi %add3A_993, %and3A_996 : vector<16xi32>
    %add3A_998 = arith.constant 11 : i32
    %add3A_999 = arith.addi %mul3A_2, %add3A_998 : i32
    %add3A_1000 = arith.constant 10320 : i32
    %add3A_1001 = vector.broadcast %add3A_1000 : i32 to vector<16xi32>
    %add3A_1002 = arith.addi %add3A_1001, %iota3A : vector<16xi32>
    %shift_right_arithmetic3A_1003 = arith.constant 3 : i32
    %shift_right_arithmetic3A_1004 = arith.shrsi %add3A_999, %shift_right_arithmetic3A_1003 : i32
    %mul3A_1005 = arith.constant 81 : i32
    %mul3A_1006 = arith.muli %shift_right_arithmetic3A_1004, %mul3A_1005 : i32
    %shift_right_arithmetic3A_1007 = arith.constant 7 : i32
    %shift_right_arithmetic3A_1008 = vector.broadcast %shift_right_arithmetic3A_1007 : i32 to vector<16xi32>
    %shift_right_arithmetic3A_1009 = arith.shrsi %add3A_1002, %shift_right_arithmetic3A_1008 : vector<16xi32>
    %add3A_1010 = vector.broadcast %mul3A_1006 : i32 to vector<16xi32>
    %add3A_1011 = arith.addi %add3A_1010, %shift_right_arithmetic3A_1009 : vector<16xi32>
    %mul3A_1012 = arith.constant 1024 : i32
    %mul3A_1013 = vector.broadcast %mul3A_1012 : i32 to vector<16xi32>
    %mul3A_1014 = arith.muli %add3A_1011, %mul3A_1013 : vector<16xi32>
    %and3A_1015 = arith.constant 7 : i32
    %and3A_1016 = arith.andi %add3A_999, %and3A_1015 : i32
    %shift_left3A_1017 = arith.constant 7 : i32
    %shift_left3A_1018 = arith.shli %and3A_1016, %shift_left3A_1017 : i32
    %add3A_1019 = vector.broadcast %shift_left3A_1018 : i32 to vector<16xi32>
    %add3A_1020 = arith.addi %mul3A_1014, %add3A_1019 : vector<16xi32>
    %and3A_1021 = arith.constant 127 : i32
    %and3A_1022 = vector.broadcast %and3A_1021 : i32 to vector<16xi32>
    %and3A_1023 = arith.andi %add3A_1002, %and3A_1022 : vector<16xi32>
    %add3A_1024 = arith.addi %add3A_1020, %and3A_1023 : vector<16xi32>
    %select_n3A_1025 = arith.select %lt3A_973, %add3A_997, %add3A_1024 : vector<16xi1>, vector<16xi32>
    %swap3A_1026 = arith.constant 26 : i32
    %swap3A_1027 = arith.index_cast %swap3A_1026 : i32 to index
    %swap3A_1028 = arith.constant 48 : index
    %swap3A_1029 = tpu.vector_load %arg14[%swap3A_1027, %swap3A_1028] {strides = array<i32>} : memref<29x128xi32, #tpu.memory_space<vmem>>, vector<1x16xi32>,
    %swap3A_1030 = vector.shape_cast %swap3A_1029 : vector<1x16xi32> to vector<16xi32>
    %swap3A_1031 = vector.shape_cast %select_n3A_1025 : vector<16xi32> to vector<1x16xi32>
    tpu.vector_store %arg14[%swap3A_1027, %swap3A_1028], %swap3A_1031 {strides = array<i32>} : memref<29x128xi32, #tpu.memory_space<vmem>>, vector<1x16xi32>,
    %add3A_1032 = arith.constant 192 : i32
    %add3A_1033 = arith.addi %mul3A_2, %add3A_1032 : i32
    %add3A_1034 = vector.broadcast %add3A_1033 : i32 to vector<16xi32>
    %add3A_1035 = arith.addi %add3A_1034, %iota3A : vector<16xi32>
    %lt3A_1036 = arith.constant 10368 : i32
    %lt3A_1037 = vector.broadcast %lt3A_1036 : i32 to vector<16xi32>
    %lt3A_1038 = arith.cmpi slt, %add3A_1035, %lt3A_1037 : vector<16xi32>
    %shift_right_arithmetic3A_1039 = arith.constant 3 : i32
    %shift_right_arithmetic3A_1040 = vector.broadcast %shift_right_arithmetic3A_1039 : i32 to vector<16xi32>
    %shift_right_arithmetic3A_1041 = arith.shrsi %add3A_1035, %shift_right_arithmetic3A_1040 : vector<16xi32>
    %mul3A_1042 = arith.constant 81 : i32
    %mul3A_1043 = vector.broadcast %mul3A_1042 : i32 to vector<16xi32>
    %mul3A_1044 = arith.muli %shift_right_arithmetic3A_1041, %mul3A_1043 : vector<16xi32>
    %shift_right_arithmetic3A_1045 = arith.constant 7 : i32
    %shift_right_arithmetic3A_1046 = vector.broadcast %shift_right_arithmetic3A_1045 : i32 to vector<16xi32>
    %shift_right_arithmetic3A_1047 = arith.shrsi %add3A_1035, %shift_right_arithmetic3A_1046 : vector<16xi32>
    %add3A_1048 = arith.addi %mul3A_1044, %shift_right_arithmetic3A_1047 : vector<16xi32>
    %mul3A_1049 = arith.constant 1024 : i32
    %mul3A_1050 = vector.broadcast %mul3A_1049 : i32 to vector<16xi32>
    %mul3A_1051 = arith.muli %add3A_1048, %mul3A_1050 : vector<16xi32>
    %and3A_1052 = arith.constant 7 : i32
    %and3A_1053 = vector.broadcast %and3A_1052 : i32 to vector<16xi32>
    %and3A_1054 = arith.andi %add3A_1035, %and3A_1053 : vector<16xi32>
    %shift_left3A_1055 = arith.constant 7 : i32
    %shift_left3A_1056 = vector.broadcast %shift_left3A_1055 : i32 to vector<16xi32>
    %shift_left3A_1057 = arith.shli %and3A_1054, %shift_left3A_1056 : vector<16xi32>
    %add3A_1058 = arith.addi %mul3A_1051, %shift_left3A_1057 : vector<16xi32>
    %and3A_1059 = arith.constant 127 : i32
    %and3A_1060 = vector.broadcast %and3A_1059 : i32 to vector<16xi32>
    %and3A_1061 = arith.andi %add3A_1035, %and3A_1060 : vector<16xi32>
    %add3A_1062 = arith.addi %add3A_1058, %and3A_1061 : vector<16xi32>
    %add3A_1063 = arith.constant 12 : i32
    %add3A_1064 = arith.addi %mul3A_2, %add3A_1063 : i32
    %add3A_1065 = arith.constant 10320 : i32
    %add3A_1066 = vector.broadcast %add3A_1065 : i32 to vector<16xi32>
    %add3A_1067 = arith.addi %add3A_1066, %iota3A : vector<16xi32>
    %shift_right_arithmetic3A_1068 = arith.constant 3 : i32
    %shift_right_arithmetic3A_1069 = arith.shrsi %add3A_1064, %shift_right_arithmetic3A_1068 : i32
    %mul3A_1070 = arith.constant 81 : i32
    %mul3A_1071 = arith.muli %shift_right_arithmetic3A_1069, %mul3A_1070 : i32
    %shift_right_arithmetic3A_1072 = arith.constant 7 : i32
    %shift_right_arithmetic3A_1073 = vector.broadcast %shift_right_arithmetic3A_1072 : i32 to vector<16xi32>
    %shift_right_arithmetic3A_1074 = arith.shrsi %add3A_1067, %shift_right_arithmetic3A_1073 : vector<16xi32>
    %add3A_1075 = vector.broadcast %mul3A_1071 : i32 to vector<16xi32>
    %add3A_1076 = arith.addi %add3A_1075, %shift_right_arithmetic3A_1074 : vector<16xi32>
    %mul3A_1077 = arith.constant 1024 : i32
    %mul3A_1078 = vector.broadcast %mul3A_1077 : i32 to vector<16xi32>
    %mul3A_1079 = arith.muli %add3A_1076, %mul3A_1078 : vector<16xi32>
    %and3A_1080 = arith.constant 7 : i32
    %and3A_1081 = arith.andi %add3A_1064, %and3A_1080 : i32
    %shift_left3A_1082 = arith.constant 7 : i32
    %shift_left3A_1083 = arith.shli %and3A_1081, %shift_left3A_1082 : i32
    %add3A_1084 = vector.broadcast %shift_left3A_1083 : i32 to vector<16xi32>
    %add3A_1085 = arith.addi %mul3A_1079, %add3A_1084 : vector<16xi32>
    %and3A_1086 = arith.constant 127 : i32
    %and3A_1087 = vector.broadcast %and3A_1086 : i32 to vector<16xi32>
    %and3A_1088 = arith.andi %add3A_1067, %and3A_1087 : vector<16xi32>
    %add3A_1089 = arith.addi %add3A_1085, %and3A_1088 : vector<16xi32>
    %select_n3A_1090 = arith.select %lt3A_1038, %add3A_1062, %add3A_1089 : vector<16xi1>, vector<16xi32>
    %swap3A_1091 = arith.constant 26 : i32
    %swap3A_1092 = arith.index_cast %swap3A_1091 : i32 to index
    %swap3A_1093 = arith.constant 64 : index
    %swap3A_1094 = tpu.vector_load %arg14[%swap3A_1092, %swap3A_1093] {strides = array<i32>} : memref<29x128xi32, #tpu.memory_space<vmem>>, vector<1x16xi32>,
    %swap3A_1095 = vector.shape_cast %swap3A_1094 : vector<1x16xi32> to vector<16xi32>
    %swap3A_1096 = vector.shape_cast %select_n3A_1090 : vector<16xi32> to vector<1x16xi32>
    tpu.vector_store %arg14[%swap3A_1092, %swap3A_1093], %swap3A_1096 {strides = array<i32>} : memref<29x128xi32, #tpu.memory_space<vmem>>, vector<1x16xi32>,
    %add3A_1097 = arith.constant 208 : i32
    %add3A_1098 = arith.addi %mul3A_2, %add3A_1097 : i32
    %add3A_1099 = vector.broadcast %add3A_1098 : i32 to vector<16xi32>
    %add3A_1100 = arith.addi %add3A_1099, %iota3A : vector<16xi32>
    %lt3A_1101 = arith.constant 10368 : i32
    %lt3A_1102 = vector.broadcast %lt3A_1101 : i32 to vector<16xi32>
    %lt3A_1103 = arith.cmpi slt, %add3A_1100, %lt3A_1102 : vector<16xi32>
    %shift_right_arithmetic3A_1104 = arith.constant 3 : i32
    %shift_right_arithmetic3A_1105 = vector.broadcast %shift_right_arithmetic3A_1104 : i32 to vector<16xi32>
    %shift_right_arithmetic3A_1106 = arith.shrsi %add3A_1100, %shift_right_arithmetic3A_1105 : vector<16xi32>
    %mul3A_1107 = arith.constant 81 : i32
    %mul3A_1108 = vector.broadcast %mul3A_1107 : i32 to vector<16xi32>
    %mul3A_1109 = arith.muli %shift_right_arithmetic3A_1106, %mul3A_1108 : vector<16xi32>
    %shift_right_arithmetic3A_1110 = arith.constant 7 : i32
    %shift_right_arithmetic3A_1111 = vector.broadcast %shift_right_arithmetic3A_1110 : i32 to vector<16xi32>
    %shift_right_arithmetic3A_1112 = arith.shrsi %add3A_1100, %shift_right_arithmetic3A_1111 : vector<16xi32>
    %add3A_1113 = arith.addi %mul3A_1109, %shift_right_arithmetic3A_1112 : vector<16xi32>
    %mul3A_1114 = arith.constant 1024 : i32
    %mul3A_1115 = vector.broadcast %mul3A_1114 : i32 to vector<16xi32>
    %mul3A_1116 = arith.muli %add3A_1113, %mul3A_1115 : vector<16xi32>
    %and3A_1117 = arith.constant 7 : i32
    %and3A_1118 = vector.broadcast %and3A_1117 : i32 to vector<16xi32>
    %and3A_1119 = arith.andi %add3A_1100, %and3A_1118 : vector<16xi32>
    %shift_left3A_1120 = arith.constant 7 : i32
    %shift_left3A_1121 = vector.broadcast %shift_left3A_1120 : i32 to vector<16xi32>
    %shift_left3A_1122 = arith.shli %and3A_1119, %shift_left3A_1121 : vector<16xi32>
    %add3A_1123 = arith.addi %mul3A_1116, %shift_left3A_1122 : vector<16xi32>
    %and3A_1124 = arith.constant 127 : i32
    %and3A_1125 = vector.broadcast %and3A_1124 : i32 to vector<16xi32>
    %and3A_1126 = arith.andi %add3A_1100, %and3A_1125 : vector<16xi32>
    %add3A_1127 = arith.addi %add3A_1123, %and3A_1126 : vector<16xi32>
    %add3A_1128 = arith.constant 13 : i32
    %add3A_1129 = arith.addi %mul3A_2, %add3A_1128 : i32
    %add3A_1130 = arith.constant 10320 : i32
    %add3A_1131 = vector.broadcast %add3A_1130 : i32 to vector<16xi32>
    %add3A_1132 = arith.addi %add3A_1131, %iota3A : vector<16xi32>
    %shift_right_arithmetic3A_1133 = arith.constant 3 : i32
    %shift_right_arithmetic3A_1134 = arith.shrsi %add3A_1129, %shift_right_arithmetic3A_1133 : i32
    %mul3A_1135 = arith.constant 81 : i32
    %mul3A_1136 = arith.muli %shift_right_arithmetic3A_1134, %mul3A_1135 : i32
    %shift_right_arithmetic3A_1137 = arith.constant 7 : i32
    %shift_right_arithmetic3A_1138 = vector.broadcast %shift_right_arithmetic3A_1137 : i32 to vector<16xi32>
    %shift_right_arithmetic3A_1139 = arith.shrsi %add3A_1132, %shift_right_arithmetic3A_1138 : vector<16xi32>
    %add3A_1140 = vector.broadcast %mul3A_1136 : i32 to vector<16xi32>
    %add3A_1141 = arith.addi %add3A_1140, %shift_right_arithmetic3A_1139 : vector<16xi32>
    %mul3A_1142 = arith.constant 1024 : i32
    %mul3A_1143 = vector.broadcast %mul3A_1142 : i32 to vector<16xi32>
    %mul3A_1144 = arith.muli %add3A_1141, %mul3A_1143 : vector<16xi32>
    %and3A_1145 = arith.constant 7 : i32
    %and3A_1146 = arith.andi %add3A_1129, %and3A_1145 : i32
    %shift_left3A_1147 = arith.constant 7 : i32
    %shift_left3A_1148 = arith.shli %and3A_1146, %shift_left3A_1147 : i32
    %add3A_1149 = vector.broadcast %shift_left3A_1148 : i32 to vector<16xi32>
    %add3A_1150 = arith.addi %mul3A_1144, %add3A_1149 : vector<16xi32>
    %and3A_1151 = arith.constant 127 : i32
    %and3A_1152 = vector.broadcast %and3A_1151 : i32 to vector<16xi32>
    %and3A_1153 = arith.andi %add3A_1132, %and3A_1152 : vector<16xi32>
    %add3A_1154 = arith.addi %add3A_1150, %and3A_1153 : vector<16xi32>
    %select_n3A_1155 = arith.select %lt3A_1103, %add3A_1127, %add3A_1154 : vector<16xi1>, vector<16xi32>
    %swap3A_1156 = arith.constant 26 : i32
    %swap3A_1157 = arith.index_cast %swap3A_1156 : i32 to index
    %swap3A_1158 = arith.constant 80 : index
    %swap3A_1159 = tpu.vector_load %arg14[%swap3A_1157, %swap3A_1158] {strides = array<i32>} : memref<29x128xi32, #tpu.memory_space<vmem>>, vector<1x16xi32>,
    %swap3A_1160 = vector.shape_cast %swap3A_1159 : vector<1x16xi32> to vector<16xi32>
    %swap3A_1161 = vector.shape_cast %select_n3A_1155 : vector<16xi32> to vector<1x16xi32>
    tpu.vector_store %arg14[%swap3A_1157, %swap3A_1158], %swap3A_1161 {strides = array<i32>} : memref<29x128xi32, #tpu.memory_space<vmem>>, vector<1x16xi32>,
    %add3A_1162 = arith.constant 224 : i32
    %add3A_1163 = arith.addi %mul3A_2, %add3A_1162 : i32
    %add3A_1164 = vector.broadcast %add3A_1163 : i32 to vector<16xi32>
    %add3A_1165 = arith.addi %add3A_1164, %iota3A : vector<16xi32>
    %lt3A_1166 = arith.constant 10368 : i32
    %lt3A_1167 = vector.broadcast %lt3A_1166 : i32 to vector<16xi32>
    %lt3A_1168 = arith.cmpi slt, %add3A_1165, %lt3A_1167 : vector<16xi32>
    %shift_right_arithmetic3A_1169 = arith.constant 3 : i32
    %shift_right_arithmetic3A_1170 = vector.broadcast %shift_right_arithmetic3A_1169 : i32 to vector<16xi32>
    %shift_right_arithmetic3A_1171 = arith.shrsi %add3A_1165, %shift_right_arithmetic3A_1170 : vector<16xi32>
    %mul3A_1172 = arith.constant 81 : i32
    %mul3A_1173 = vector.broadcast %mul3A_1172 : i32 to vector<16xi32>
    %mul3A_1174 = arith.muli %shift_right_arithmetic3A_1171, %mul3A_1173 : vector<16xi32>
    %shift_right_arithmetic3A_1175 = arith.constant 7 : i32
    %shift_right_arithmetic3A_1176 = vector.broadcast %shift_right_arithmetic3A_1175 : i32 to vector<16xi32>
    %shift_right_arithmetic3A_1177 = arith.shrsi %add3A_1165, %shift_right_arithmetic3A_1176 : vector<16xi32>
    %add3A_1178 = arith.addi %mul3A_1174, %shift_right_arithmetic3A_1177 : vector<16xi32>
    %mul3A_1179 = arith.constant 1024 : i32
    %mul3A_1180 = vector.broadcast %mul3A_1179 : i32 to vector<16xi32>
    %mul3A_1181 = arith.muli %add3A_1178, %mul3A_1180 : vector<16xi32>
    %and3A_1182 = arith.constant 7 : i32
    %and3A_1183 = vector.broadcast %and3A_1182 : i32 to vector<16xi32>
    %and3A_1184 = arith.andi %add3A_1165, %and3A_1183 : vector<16xi32>
    %shift_left3A_1185 = arith.constant 7 : i32
    %shift_left3A_1186 = vector.broadcast %shift_left3A_1185 : i32 to vector<16xi32>
    %shift_left3A_1187 = arith.shli %and3A_1184, %shift_left3A_1186 : vector<16xi32>
    %add3A_1188 = arith.addi %mul3A_1181, %shift_left3A_1187 : vector<16xi32>
    %and3A_1189 = arith.constant 127 : i32
    %and3A_1190 = vector.broadcast %and3A_1189 : i32 to vector<16xi32>
    %and3A_1191 = arith.andi %add3A_1165, %and3A_1190 : vector<16xi32>
    %add3A_1192 = arith.addi %add3A_1188, %and3A_1191 : vector<16xi32>
    %add3A_1193 = arith.constant 14 : i32
    %add3A_1194 = arith.addi %mul3A_2, %add3A_1193 : i32
    %add3A_1195 = arith.constant 10320 : i32
    %add3A_1196 = vector.broadcast %add3A_1195 : i32 to vector<16xi32>
    %add3A_1197 = arith.addi %add3A_1196, %iota3A : vector<16xi32>
    %shift_right_arithmetic3A_1198 = arith.constant 3 : i32
    %shift_right_arithmetic3A_1199 = arith.shrsi %add3A_1194, %shift_right_arithmetic3A_1198 : i32
    %mul3A_1200 = arith.constant 81 : i32
    %mul3A_1201 = arith.muli %shift_right_arithmetic3A_1199, %mul3A_1200 : i32
    %shift_right_arithmetic3A_1202 = arith.constant 7 : i32
    %shift_right_arithmetic3A_1203 = vector.broadcast %shift_right_arithmetic3A_1202 : i32 to vector<16xi32>
    %shift_right_arithmetic3A_1204 = arith.shrsi %add3A_1197, %shift_right_arithmetic3A_1203 : vector<16xi32>
    %add3A_1205 = vector.broadcast %mul3A_1201 : i32 to vector<16xi32>
    %add3A_1206 = arith.addi %add3A_1205, %shift_right_arithmetic3A_1204 : vector<16xi32>
    %mul3A_1207 = arith.constant 1024 : i32
    %mul3A_1208 = vector.broadcast %mul3A_1207 : i32 to vector<16xi32>
    %mul3A_1209 = arith.muli %add3A_1206, %mul3A_1208 : vector<16xi32>
    %and3A_1210 = arith.constant 7 : i32
    %and3A_1211 = arith.andi %add3A_1194, %and3A_1210 : i32
    %shift_left3A_1212 = arith.constant 7 : i32
    %shift_left3A_1213 = arith.shli %and3A_1211, %shift_left3A_1212 : i32
    %add3A_1214 = vector.broadcast %shift_left3A_1213 : i32 to vector<16xi32>
    %add3A_1215 = arith.addi %mul3A_1209, %add3A_1214 : vector<16xi32>
    %and3A_1216 = arith.constant 127 : i32
    %and3A_1217 = vector.broadcast %and3A_1216 : i32 to vector<16xi32>
    %and3A_1218 = arith.andi %add3A_1197, %and3A_1217 : vector<16xi32>
    %add3A_1219 = arith.addi %add3A_1215, %and3A_1218 : vector<16xi32>
    %select_n3A_1220 = arith.select %lt3A_1168, %add3A_1192, %add3A_1219 : vector<16xi1>, vector<16xi32>
    %swap3A_1221 = arith.constant 26 : i32
    %swap3A_1222 = arith.index_cast %swap3A_1221 : i32 to index
    %swap3A_1223 = arith.constant 96 : index
    %swap3A_1224 = tpu.vector_load %arg14[%swap3A_1222, %swap3A_1223] {strides = array<i32>} : memref<29x128xi32, #tpu.memory_space<vmem>>, vector<1x16xi32>,
    %swap3A_1225 = vector.shape_cast %swap3A_1224 : vector<1x16xi32> to vector<16xi32>
    %swap3A_1226 = vector.shape_cast %select_n3A_1220 : vector<16xi32> to vector<1x16xi32>
    tpu.vector_store %arg14[%swap3A_1222, %swap3A_1223], %swap3A_1226 {strides = array<i32>} : memref<29x128xi32, #tpu.memory_space<vmem>>, vector<1x16xi32>,
    %add3A_1227 = arith.constant 240 : i32
    %add3A_1228 = arith.addi %mul3A_2, %add3A_1227 : i32
    %add3A_1229 = vector.broadcast %add3A_1228 : i32 to vector<16xi32>
    %add3A_1230 = arith.addi %add3A_1229, %iota3A : vector<16xi32>
    %lt3A_1231 = arith.constant 10368 : i32
    %lt3A_1232 = vector.broadcast %lt3A_1231 : i32 to vector<16xi32>
    %lt3A_1233 = arith.cmpi slt, %add3A_1230, %lt3A_1232 : vector<16xi32>
    %shift_right_arithmetic3A_1234 = arith.constant 3 : i32
    %shift_right_arithmetic3A_1235 = vector.broadcast %shift_right_arithmetic3A_1234 : i32 to vector<16xi32>
    %shift_right_arithmetic3A_1236 = arith.shrsi %add3A_1230, %shift_right_arithmetic3A_1235 : vector<16xi32>
    %mul3A_1237 = arith.constant 81 : i32
    %mul3A_1238 = vector.broadcast %mul3A_1237 : i32 to vector<16xi32>
    %mul3A_1239 = arith.muli %shift_right_arithmetic3A_1236, %mul3A_1238 : vector<16xi32>
    %shift_right_arithmetic3A_1240 = arith.constant 7 : i32
    %shift_right_arithmetic3A_1241 = vector.broadcast %shift_right_arithmetic3A_1240 : i32 to vector<16xi32>
    %shift_right_arithmetic3A_1242 = arith.shrsi %add3A_1230, %shift_right_arithmetic3A_1241 : vector<16xi32>
    %add3A_1243 = arith.addi %mul3A_1239, %shift_right_arithmetic3A_1242 : vector<16xi32>
    %mul3A_1244 = arith.constant 1024 : i32
    %mul3A_1245 = vector.broadcast %mul3A_1244 : i32 to vector<16xi32>
    %mul3A_1246 = arith.muli %add3A_1243, %mul3A_1245 : vector<16xi32>
    %and3A_1247 = arith.constant 7 : i32
    %and3A_1248 = vector.broadcast %and3A_1247 : i32 to vector<16xi32>
    %and3A_1249 = arith.andi %add3A_1230, %and3A_1248 : vector<16xi32>
    %shift_left3A_1250 = arith.constant 7 : i32
    %shift_left3A_1251 = vector.broadcast %shift_left3A_1250 : i32 to vector<16xi32>
    %shift_left3A_1252 = arith.shli %and3A_1249, %shift_left3A_1251 : vector<16xi32>
    %add3A_1253 = arith.addi %mul3A_1246, %shift_left3A_1252 : vector<16xi32>
    %and3A_1254 = arith.constant 127 : i32
    %and3A_1255 = vector.broadcast %and3A_1254 : i32 to vector<16xi32>
    %and3A_1256 = arith.andi %add3A_1230, %and3A_1255 : vector<16xi32>
    %add3A_1257 = arith.addi %add3A_1253, %and3A_1256 : vector<16xi32>
    %add3A_1258 = arith.constant 15 : i32
    %add3A_1259 = arith.addi %mul3A_2, %add3A_1258 : i32
    %add3A_1260 = arith.constant 10320 : i32
    %add3A_1261 = vector.broadcast %add3A_1260 : i32 to vector<16xi32>
    %add3A_1262 = arith.addi %add3A_1261, %iota3A : vector<16xi32>
    %shift_right_arithmetic3A_1263 = arith.constant 3 : i32
    %shift_right_arithmetic3A_1264 = arith.shrsi %add3A_1259, %shift_right_arithmetic3A_1263 : i32
    %mul3A_1265 = arith.constant 81 : i32
    %mul3A_1266 = arith.muli %shift_right_arithmetic3A_1264, %mul3A_1265 : i32
    %shift_right_arithmetic3A_1267 = arith.constant 7 : i32
    %shift_right_arithmetic3A_1268 = vector.broadcast %shift_right_arithmetic3A_1267 : i32 to vector<16xi32>
    %shift_right_arithmetic3A_1269 = arith.shrsi %add3A_1262, %shift_right_arithmetic3A_1268 : vector<16xi32>
    %add3A_1270 = vector.broadcast %mul3A_1266 : i32 to vector<16xi32>
    %add3A_1271 = arith.addi %add3A_1270, %shift_right_arithmetic3A_1269 : vector<16xi32>
    %mul3A_1272 = arith.constant 1024 : i32
    %mul3A_1273 = vector.broadcast %mul3A_1272 : i32 to vector<16xi32>
    %mul3A_1274 = arith.muli %add3A_1271, %mul3A_1273 : vector<16xi32>
    %and3A_1275 = arith.constant 7 : i32
    %and3A_1276 = arith.andi %add3A_1259, %and3A_1275 : i32
    %shift_left3A_1277 = arith.constant 7 : i32
    %shift_left3A_1278 = arith.shli %and3A_1276, %shift_left3A_1277 : i32
    %add3A_1279 = vector.broadcast %shift_left3A_1278 : i32 to vector<16xi32>
    %add3A_1280 = arith.addi %mul3A_1274, %add3A_1279 : vector<16xi32>
    %and3A_1281 = arith.constant 127 : i32
    %and3A_1282 = vector.broadcast %and3A_1281 : i32 to vector<16xi32>
    %and3A_1283 = arith.andi %add3A_1262, %and3A_1282 : vector<16xi32>
    %add3A_1284 = arith.addi %add3A_1280, %and3A_1283 : vector<16xi32>
    %select_n3A_1285 = arith.select %lt3A_1233, %add3A_1257, %add3A_1284 : vector<16xi1>, vector<16xi32>
    %swap3A_1286 = arith.constant 26 : i32
    %swap3A_1287 = arith.index_cast %swap3A_1286 : i32 to index
    %swap3A_1288 = arith.constant 112 : index
    %swap3A_1289 = tpu.vector_load %arg14[%swap3A_1287, %swap3A_1288] {strides = array<i32>} : memref<29x128xi32, #tpu.memory_space<vmem>>, vector<1x16xi32>,
    %swap3A_1290 = vector.shape_cast %swap3A_1289 : vector<1x16xi32> to vector<16xi32>
    %swap3A_1291 = vector.shape_cast %select_n3A_1285 : vector<16xi32> to vector<1x16xi32>
    tpu.vector_store %arg14[%swap3A_1287, %swap3A_1288], %swap3A_1291 {strides = array<i32>} : memref<29x128xi32, #tpu.memory_space<vmem>>, vector<1x16xi32>,
    %add3A_1292 = arith.constant 256 : i32
    %add3A_1293 = arith.addi %mul3A_2, %add3A_1292 : i32
    %add3A_1294 = vector.broadcast %add3A_1293 : i32 to vector<16xi32>
    %add3A_1295 = arith.addi %add3A_1294, %iota3A : vector<16xi32>
    %lt3A_1296 = arith.constant 10368 : i32
    %lt3A_1297 = vector.broadcast %lt3A_1296 : i32 to vector<16xi32>
    %lt3A_1298 = arith.cmpi slt, %add3A_1295, %lt3A_1297 : vector<16xi32>
    %shift_right_arithmetic3A_1299 = arith.constant 3 : i32
    %shift_right_arithmetic3A_1300 = vector.broadcast %shift_right_arithmetic3A_1299 : i32 to vector<16xi32>
    %shift_right_arithmetic3A_1301 = arith.shrsi %add3A_1295, %shift_right_arithmetic3A_1300 : vector<16xi32>
    %mul3A_1302 = arith.constant 81 : i32
    %mul3A_1303 = vector.broadcast %mul3A_1302 : i32 to vector<16xi32>
    %mul3A_1304 = arith.muli %shift_right_arithmetic3A_1301, %mul3A_1303 : vector<16xi32>
    %shift_right_arithmetic3A_1305 = arith.constant 7 : i32
    %shift_right_arithmetic3A_1306 = vector.broadcast %shift_right_arithmetic3A_1305 : i32 to vector<16xi32>
    %shift_right_arithmetic3A_1307 = arith.shrsi %add3A_1295, %shift_right_arithmetic3A_1306 : vector<16xi32>
    %add3A_1308 = arith.addi %mul3A_1304, %shift_right_arithmetic3A_1307 : vector<16xi32>
    %mul3A_1309 = arith.constant 1024 : i32
    %mul3A_1310 = vector.broadcast %mul3A_1309 : i32 to vector<16xi32>
    %mul3A_1311 = arith.muli %add3A_1308, %mul3A_1310 : vector<16xi32>
    %and3A_1312 = arith.constant 7 : i32
    %and3A_1313 = vector.broadcast %and3A_1312 : i32 to vector<16xi32>
    %and3A_1314 = arith.andi %add3A_1295, %and3A_1313 : vector<16xi32>
    %shift_left3A_1315 = arith.constant 7 : i32
    %shift_left3A_1316 = vector.broadcast %shift_left3A_1315 : i32 to vector<16xi32>
    %shift_left3A_1317 = arith.shli %and3A_1314, %shift_left3A_1316 : vector<16xi32>
    %add3A_1318 = arith.addi %mul3A_1311, %shift_left3A_1317 : vector<16xi32>
    %and3A_1319 = arith.constant 127 : i32
    %and3A_1320 = vector.broadcast %and3A_1319 : i32 to vector<16xi32>
    %and3A_1321 = arith.andi %add3A_1295, %and3A_1320 : vector<16xi32>
    %add3A_1322 = arith.addi %add3A_1318, %and3A_1321 : vector<16xi32>
    %add3A_1323 = arith.constant 16 : i32
    %add3A_1324 = arith.addi %mul3A_2, %add3A_1323 : i32
    %add3A_1325 = arith.constant 10320 : i32
    %add3A_1326 = vector.broadcast %add3A_1325 : i32 to vector<16xi32>
    %add3A_1327 = arith.addi %add3A_1326, %iota3A : vector<16xi32>
    %shift_right_arithmetic3A_1328 = arith.constant 3 : i32
    %shift_right_arithmetic3A_1329 = arith.shrsi %add3A_1324, %shift_right_arithmetic3A_1328 : i32
    %mul3A_1330 = arith.constant 81 : i32
    %mul3A_1331 = arith.muli %shift_right_arithmetic3A_1329, %mul3A_1330 : i32
    %shift_right_arithmetic3A_1332 = arith.constant 7 : i32
    %shift_right_arithmetic3A_1333 = vector.broadcast %shift_right_arithmetic3A_1332 : i32 to vector<16xi32>
    %shift_right_arithmetic3A_1334 = arith.shrsi %add3A_1327, %shift_right_arithmetic3A_1333 : vector<16xi32>
    %add3A_1335 = vector.broadcast %mul3A_1331 : i32 to vector<16xi32>
    %add3A_1336 = arith.addi %add3A_1335, %shift_right_arithmetic3A_1334 : vector<16xi32>
    %mul3A_1337 = arith.constant 1024 : i32
    %mul3A_1338 = vector.broadcast %mul3A_1337 : i32 to vector<16xi32>
    %mul3A_1339 = arith.muli %add3A_1336, %mul3A_1338 : vector<16xi32>
    %and3A_1340 = arith.constant 7 : i32
    %and3A_1341 = arith.andi %add3A_1324, %and3A_1340 : i32
    %shift_left3A_1342 = arith.constant 7 : i32
    %shift_left3A_1343 = arith.shli %and3A_1341, %shift_left3A_1342 : i32
    %add3A_1344 = vector.broadcast %shift_left3A_1343 : i32 to vector<16xi32>
    %add3A_1345 = arith.addi %mul3A_1339, %add3A_1344 : vector<16xi32>
    %and3A_1346 = arith.constant 127 : i32
    %and3A_1347 = vector.broadcast %and3A_1346 : i32 to vector<16xi32>
    %and3A_1348 = arith.andi %add3A_1327, %and3A_1347 : vector<16xi32>
    %add3A_1349 = arith.addi %add3A_1345, %and3A_1348 : vector<16xi32>
    %select_n3A_1350 = arith.select %lt3A_1298, %add3A_1322, %add3A_1349 : vector<16xi1>, vector<16xi32>
    %swap3A_1351 = arith.constant 27 : i32
    %swap3A_1352 = arith.index_cast %swap3A_1351 : i32 to index
    %swap3A_1353 = arith.constant 0 : index
    %swap3A_1354 = tpu.vector_load %arg14[%swap3A_1352, %swap3A_1353] {strides = array<i32>} : memref<29x128xi32, #tpu.memory_space<vmem>>, vector<1x16xi32>,
    %swap3A_1355 = vector.shape_cast %swap3A_1354 : vector<1x16xi32> to vector<16xi32>
    %swap3A_1356 = vector.shape_cast %select_n3A_1350 : vector<16xi32> to vector<1x16xi32>
    tpu.vector_store %arg14[%swap3A_1352, %swap3A_1353], %swap3A_1356 {strides = array<i32>} : memref<29x128xi32, #tpu.memory_space<vmem>>, vector<1x16xi32>,
    %add3A_1357 = arith.constant 272 : i32
    %add3A_1358 = arith.addi %mul3A_2, %add3A_1357 : i32
    %add3A_1359 = vector.broadcast %add3A_1358 : i32 to vector<16xi32>
    %add3A_1360 = arith.addi %add3A_1359, %iota3A : vector<16xi32>
    %lt3A_1361 = arith.constant 10368 : i32
    %lt3A_1362 = vector.broadcast %lt3A_1361 : i32 to vector<16xi32>
    %lt3A_1363 = arith.cmpi slt, %add3A_1360, %lt3A_1362 : vector<16xi32>
    %shift_right_arithmetic3A_1364 = arith.constant 3 : i32
    %shift_right_arithmetic3A_1365 = vector.broadcast %shift_right_arithmetic3A_1364 : i32 to vector<16xi32>
    %shift_right_arithmetic3A_1366 = arith.shrsi %add3A_1360, %shift_right_arithmetic3A_1365 : vector<16xi32>
    %mul3A_1367 = arith.constant 81 : i32
    %mul3A_1368 = vector.broadcast %mul3A_1367 : i32 to vector<16xi32>
    %mul3A_1369 = arith.muli %shift_right_arithmetic3A_1366, %mul3A_1368 : vector<16xi32>
    %shift_right_arithmetic3A_1370 = arith.constant 7 : i32
    %shift_right_arithmetic3A_1371 = vector.broadcast %shift_right_arithmetic3A_1370 : i32 to vector<16xi32>
    %shift_right_arithmetic3A_1372 = arith.shrsi %add3A_1360, %shift_right_arithmetic3A_1371 : vector<16xi32>
    %add3A_1373 = arith.addi %mul3A_1369, %shift_right_arithmetic3A_1372 : vector<16xi32>
    %mul3A_1374 = arith.constant 1024 : i32
    %mul3A_1375 = vector.broadcast %mul3A_1374 : i32 to vector<16xi32>
    %mul3A_1376 = arith.muli %add3A_1373, %mul3A_1375 : vector<16xi32>
    %and3A_1377 = arith.constant 7 : i32
    %and3A_1378 = vector.broadcast %and3A_1377 : i32 to vector<16xi32>
    %and3A_1379 = arith.andi %add3A_1360, %and3A_1378 : vector<16xi32>
    %shift_left3A_1380 = arith.constant 7 : i32
    %shift_left3A_1381 = vector.broadcast %shift_left3A_1380 : i32 to vector<16xi32>
    %shift_left3A_1382 = arith.shli %and3A_1379, %shift_left3A_1381 : vector<16xi32>
    %add3A_1383 = arith.addi %mul3A_1376, %shift_left3A_1382 : vector<16xi32>
    %and3A_1384 = arith.constant 127 : i32
    %and3A_1385 = vector.broadcast %and3A_1384 : i32 to vector<16xi32>
    %and3A_1386 = arith.andi %add3A_1360, %and3A_1385 : vector<16xi32>
    %add3A_1387 = arith.addi %add3A_1383, %and3A_1386 : vector<16xi32>
    %add3A_1388 = arith.constant 17 : i32
    %add3A_1389 = arith.addi %mul3A_2, %add3A_1388 : i32
    %add3A_1390 = arith.constant 10320 : i32
    %add3A_1391 = vector.broadcast %add3A_1390 : i32 to vector<16xi32>
    %add3A_1392 = arith.addi %add3A_1391, %iota3A : vector<16xi32>
    %shift_right_arithmetic3A_1393 = arith.constant 3 : i32
    %shift_right_arithmetic3A_1394 = arith.shrsi %add3A_1389, %shift_right_arithmetic3A_1393 : i32
    %mul3A_1395 = arith.constant 81 : i32
    %mul3A_1396 = arith.muli %shift_right_arithmetic3A_1394, %mul3A_1395 : i32
    %shift_right_arithmetic3A_1397 = arith.constant 7 : i32
    %shift_right_arithmetic3A_1398 = vector.broadcast %shift_right_arithmetic3A_1397 : i32 to vector<16xi32>
    %shift_right_arithmetic3A_1399 = arith.shrsi %add3A_1392, %shift_right_arithmetic3A_1398 : vector<16xi32>
    %add3A_1400 = vector.broadcast %mul3A_1396 : i32 to vector<16xi32>
    %add3A_1401 = arith.addi %add3A_1400, %shift_right_arithmetic3A_1399 : vector<16xi32>
    %mul3A_1402 = arith.constant 1024 : i32
    %mul3A_1403 = vector.broadcast %mul3A_1402 : i32 to vector<16xi32>
    %mul3A_1404 = arith.muli %add3A_1401, %mul3A_1403 : vector<16xi32>
    %and3A_1405 = arith.constant 7 : i32
    %and3A_1406 = arith.andi %add3A_1389, %and3A_1405 : i32
    %shift_left3A_1407 = arith.constant 7 : i32
    %shift_left3A_1408 = arith.shli %and3A_1406, %shift_left3A_1407 : i32
    %add3A_1409 = vector.broadcast %shift_left3A_1408 : i32 to vector<16xi32>
    %add3A_1410 = arith.addi %mul3A_1404, %add3A_1409 : vector<16xi32>
    %and3A_1411 = arith.constant 127 : i32
    %and3A_1412 = vector.broadcast %and3A_1411 : i32 to vector<16xi32>
    %and3A_1413 = arith.andi %add3A_1392, %and3A_1412 : vector<16xi32>
    %add3A_1414 = arith.addi %add3A_1410, %and3A_1413 : vector<16xi32>
    %select_n3A_1415 = arith.select %lt3A_1363, %add3A_1387, %add3A_1414 : vector<16xi1>, vector<16xi32>
    %swap3A_1416 = arith.constant 27 : i32
    %swap3A_1417 = arith.index_cast %swap3A_1416 : i32 to index
    %swap3A_1418 = arith.constant 16 : index
    %swap3A_1419 = tpu.vector_load %arg14[%swap3A_1417, %swap3A_1418] {strides = array<i32>} : memref<29x128xi32, #tpu.memory_space<vmem>>, vector<1x16xi32>,
    %swap3A_1420 = vector.shape_cast %swap3A_1419 : vector<1x16xi32> to vector<16xi32>
    %swap3A_1421 = vector.shape_cast %select_n3A_1415 : vector<16xi32> to vector<1x16xi32>
    tpu.vector_store %arg14[%swap3A_1417, %swap3A_1418], %swap3A_1421 {strides = array<i32>} : memref<29x128xi32, #tpu.memory_space<vmem>>, vector<1x16xi32>,
    %add3A_1422 = arith.constant 288 : i32
    %add3A_1423 = arith.addi %mul3A_2, %add3A_1422 : i32
    %add3A_1424 = vector.broadcast %add3A_1423 : i32 to vector<16xi32>
    %add3A_1425 = arith.addi %add3A_1424, %iota3A : vector<16xi32>
    %lt3A_1426 = arith.constant 10368 : i32
    %lt3A_1427 = vector.broadcast %lt3A_1426 : i32 to vector<16xi32>
    %lt3A_1428 = arith.cmpi slt, %add3A_1425, %lt3A_1427 : vector<16xi32>
    %shift_right_arithmetic3A_1429 = arith.constant 3 : i32
    %shift_right_arithmetic3A_1430 = vector.broadcast %shift_right_arithmetic3A_1429 : i32 to vector<16xi32>
    %shift_right_arithmetic3A_1431 = arith.shrsi %add3A_1425, %shift_right_arithmetic3A_1430 : vector<16xi32>
    %mul3A_1432 = arith.constant 81 : i32
    %mul3A_1433 = vector.broadcast %mul3A_1432 : i32 to vector<16xi32>
    %mul3A_1434 = arith.muli %shift_right_arithmetic3A_1431, %mul3A_1433 : vector<16xi32>
    %shift_right_arithmetic3A_1435 = arith.constant 7 : i32
    %shift_right_arithmetic3A_1436 = vector.broadcast %shift_right_arithmetic3A_1435 : i32 to vector<16xi32>
    %shift_right_arithmetic3A_1437 = arith.shrsi %add3A_1425, %shift_right_arithmetic3A_1436 : vector<16xi32>
    %add3A_1438 = arith.addi %mul3A_1434, %shift_right_arithmetic3A_1437 : vector<16xi32>
    %mul3A_1439 = arith.constant 1024 : i32
    %mul3A_1440 = vector.broadcast %mul3A_1439 : i32 to vector<16xi32>
    %mul3A_1441 = arith.muli %add3A_1438, %mul3A_1440 : vector<16xi32>
    %and3A_1442 = arith.constant 7 : i32
    %and3A_1443 = vector.broadcast %and3A_1442 : i32 to vector<16xi32>
    %and3A_1444 = arith.andi %add3A_1425, %and3A_1443 : vector<16xi32>
    %shift_left3A_1445 = arith.constant 7 : i32
    %shift_left3A_1446 = vector.broadcast %shift_left3A_1445 : i32 to vector<16xi32>
    %shift_left3A_1447 = arith.shli %and3A_1444, %shift_left3A_1446 : vector<16xi32>
    %add3A_1448 = arith.addi %mul3A_1441, %shift_left3A_1447 : vector<16xi32>
    %and3A_1449 = arith.constant 127 : i32
    %and3A_1450 = vector.broadcast %and3A_1449 : i32 to vector<16xi32>
    %and3A_1451 = arith.andi %add3A_1425, %and3A_1450 : vector<16xi32>
    %add3A_1452 = arith.addi %add3A_1448, %and3A_1451 : vector<16xi32>
    %add3A_1453 = arith.constant 18 : i32
    %add3A_1454 = arith.addi %mul3A_2, %add3A_1453 : i32
    %add3A_1455 = arith.constant 10320 : i32
    %add3A_1456 = vector.broadcast %add3A_1455 : i32 to vector<16xi32>
    %add3A_1457 = arith.addi %add3A_1456, %iota3A : vector<16xi32>
    %shift_right_arithmetic3A_1458 = arith.constant 3 : i32
    %shift_right_arithmetic3A_1459 = arith.shrsi %add3A_1454, %shift_right_arithmetic3A_1458 : i32
    %mul3A_1460 = arith.constant 81 : i32
    %mul3A_1461 = arith.muli %shift_right_arithmetic3A_1459, %mul3A_1460 : i32
    %shift_right_arithmetic3A_1462 = arith.constant 7 : i32
    %shift_right_arithmetic3A_1463 = vector.broadcast %shift_right_arithmetic3A_1462 : i32 to vector<16xi32>
    %shift_right_arithmetic3A_1464 = arith.shrsi %add3A_1457, %shift_right_arithmetic3A_1463 : vector<16xi32>
    %add3A_1465 = vector.broadcast %mul3A_1461 : i32 to vector<16xi32>
    %add3A_1466 = arith.addi %add3A_1465, %shift_right_arithmetic3A_1464 : vector<16xi32>
    %mul3A_1467 = arith.constant 1024 : i32
    %mul3A_1468 = vector.broadcast %mul3A_1467 : i32 to vector<16xi32>
    %mul3A_1469 = arith.muli %add3A_1466, %mul3A_1468 : vector<16xi32>
    %and3A_1470 = arith.constant 7 : i32
    %and3A_1471 = arith.andi %add3A_1454, %and3A_1470 : i32
    %shift_left3A_1472 = arith.constant 7 : i32
    %shift_left3A_1473 = arith.shli %and3A_1471, %shift_left3A_1472 : i32
    %add3A_1474 = vector.broadcast %shift_left3A_1473 : i32 to vector<16xi32>
    %add3A_1475 = arith.addi %mul3A_1469, %add3A_1474 : vector<16xi32>
    %and3A_1476 = arith.constant 127 : i32
    %and3A_1477 = vector.broadcast %and3A_1476 : i32 to vector<16xi32>
    %and3A_1478 = arith.andi %add3A_1457, %and3A_1477 : vector<16xi32>
    %add3A_1479 = arith.addi %add3A_1475, %and3A_1478 : vector<16xi32>
    %select_n3A_1480 = arith.select %lt3A_1428, %add3A_1452, %add3A_1479 : vector<16xi1>, vector<16xi32>
    %swap3A_1481 = arith.constant 27 : i32
    %swap3A_1482 = arith.index_cast %swap3A_1481 : i32 to index
    %swap3A_1483 = arith.constant 32 : index
    %swap3A_1484 = tpu.vector_load %arg14[%swap3A_1482, %swap3A_1483] {strides = array<i32>} : memref<29x128xi32, #tpu.memory_space<vmem>>, vector<1x16xi32>,
    %swap3A_1485 = vector.shape_cast %swap3A_1484 : vector<1x16xi32> to vector<16xi32>
    %swap3A_1486 = vector.shape_cast %select_n3A_1480 : vector<16xi32> to vector<1x16xi32>
    tpu.vector_store %arg14[%swap3A_1482, %swap3A_1483], %swap3A_1486 {strides = array<i32>} : memref<29x128xi32, #tpu.memory_space<vmem>>, vector<1x16xi32>,
    %add3A_1487 = arith.constant 304 : i32
    %add3A_1488 = arith.addi %mul3A_2, %add3A_1487 : i32
    %add3A_1489 = vector.broadcast %add3A_1488 : i32 to vector<16xi32>
    %add3A_1490 = arith.addi %add3A_1489, %iota3A : vector<16xi32>
    %lt3A_1491 = arith.constant 10368 : i32
    %lt3A_1492 = vector.broadcast %lt3A_1491 : i32 to vector<16xi32>
    %lt3A_1493 = arith.cmpi slt, %add3A_1490, %lt3A_1492 : vector<16xi32>
    %shift_right_arithmetic3A_1494 = arith.constant 3 : i32
    %shift_right_arithmetic3A_1495 = vector.broadcast %shift_right_arithmetic3A_1494 : i32 to vector<16xi32>
    %shift_right_arithmetic3A_1496 = arith.shrsi %add3A_1490, %shift_right_arithmetic3A_1495 : vector<16xi32>
    %mul3A_1497 = arith.constant 81 : i32
    %mul3A_1498 = vector.broadcast %mul3A_1497 : i32 to vector<16xi32>
    %mul3A_1499 = arith.muli %shift_right_arithmetic3A_1496, %mul3A_1498 : vector<16xi32>
    %shift_right_arithmetic3A_1500 = arith.constant 7 : i32
    %shift_right_arithmetic3A_1501 = vector.broadcast %shift_right_arithmetic3A_1500 : i32 to vector<16xi32>
    %shift_right_arithmetic3A_1502 = arith.shrsi %add3A_1490, %shift_right_arithmetic3A_1501 : vector<16xi32>
    %add3A_1503 = arith.addi %mul3A_1499, %shift_right_arithmetic3A_1502 : vector<16xi32>
    %mul3A_1504 = arith.constant 1024 : i32
    %mul3A_1505 = vector.broadcast %mul3A_1504 : i32 to vector<16xi32>
    %mul3A_1506 = arith.muli %add3A_1503, %mul3A_1505 : vector<16xi32>
    %and3A_1507 = arith.constant 7 : i32
    %and3A_1508 = vector.broadcast %and3A_1507 : i32 to vector<16xi32>
    %and3A_1509 = arith.andi %add3A_1490, %and3A_1508 : vector<16xi32>
    %shift_left3A_1510 = arith.constant 7 : i32
    %shift_left3A_1511 = vector.broadcast %shift_left3A_1510 : i32 to vector<16xi32>
    %shift_left3A_1512 = arith.shli %and3A_1509, %shift_left3A_1511 : vector<16xi32>
    %add3A_1513 = arith.addi %mul3A_1506, %shift_left3A_1512 : vector<16xi32>
    %and3A_1514 = arith.constant 127 : i32
    %and3A_1515 = vector.broadcast %and3A_1514 : i32 to vector<16xi32>
    %and3A_1516 = arith.andi %add3A_1490, %and3A_1515 : vector<16xi32>
    %add3A_1517 = arith.addi %add3A_1513, %and3A_1516 : vector<16xi32>
    %add3A_1518 = arith.constant 19 : i32
    %add3A_1519 = arith.addi %mul3A_2, %add3A_1518 : i32
    %add3A_1520 = arith.constant 10320 : i32
    %add3A_1521 = vector.broadcast %add3A_1520 : i32 to vector<16xi32>
    %add3A_1522 = arith.addi %add3A_1521, %iota3A : vector<16xi32>
    %shift_right_arithmetic3A_1523 = arith.constant 3 : i32
    %shift_right_arithmetic3A_1524 = arith.shrsi %add3A_1519, %shift_right_arithmetic3A_1523 : i32
    %mul3A_1525 = arith.constant 81 : i32
    %mul3A_1526 = arith.muli %shift_right_arithmetic3A_1524, %mul3A_1525 : i32
    %shift_right_arithmetic3A_1527 = arith.constant 7 : i32
    %shift_right_arithmetic3A_1528 = vector.broadcast %shift_right_arithmetic3A_1527 : i32 to vector<16xi32>
    %shift_right_arithmetic3A_1529 = arith.shrsi %add3A_1522, %shift_right_arithmetic3A_1528 : vector<16xi32>
    %add3A_1530 = vector.broadcast %mul3A_1526 : i32 to vector<16xi32>
    %add3A_1531 = arith.addi %add3A_1530, %shift_right_arithmetic3A_1529 : vector<16xi32>
    %mul3A_1532 = arith.constant 1024 : i32
    %mul3A_1533 = vector.broadcast %mul3A_1532 : i32 to vector<16xi32>
    %mul3A_1534 = arith.muli %add3A_1531, %mul3A_1533 : vector<16xi32>
    %and3A_1535 = arith.constant 7 : i32
    %and3A_1536 = arith.andi %add3A_1519, %and3A_1535 : i32
    %shift_left3A_1537 = arith.constant 7 : i32
    %shift_left3A_1538 = arith.shli %and3A_1536, %shift_left3A_1537 : i32
    %add3A_1539 = vector.broadcast %shift_left3A_1538 : i32 to vector<16xi32>
    %add3A_1540 = arith.addi %mul3A_1534, %add3A_1539 : vector<16xi32>
    %and3A_1541 = arith.constant 127 : i32
    %and3A_1542 = vector.broadcast %and3A_1541 : i32 to vector<16xi32>
    %and3A_1543 = arith.andi %add3A_1522, %and3A_1542 : vector<16xi32>
    %add3A_1544 = arith.addi %add3A_1540, %and3A_1543 : vector<16xi32>
    %select_n3A_1545 = arith.select %lt3A_1493, %add3A_1517, %add3A_1544 : vector<16xi1>, vector<16xi32>
    %swap3A_1546 = arith.constant 27 : i32
    %swap3A_1547 = arith.index_cast %swap3A_1546 : i32 to index
    %swap3A_1548 = arith.constant 48 : index
    %swap3A_1549 = tpu.vector_load %arg14[%swap3A_1547, %swap3A_1548] {strides = array<i32>} : memref<29x128xi32, #tpu.memory_space<vmem>>, vector<1x16xi32>,
    %swap3A_1550 = vector.shape_cast %swap3A_1549 : vector<1x16xi32> to vector<16xi32>
    %swap3A_1551 = vector.shape_cast %select_n3A_1545 : vector<16xi32> to vector<1x16xi32>
    tpu.vector_store %arg14[%swap3A_1547, %swap3A_1548], %swap3A_1551 {strides = array<i32>} : memref<29x128xi32, #tpu.memory_space<vmem>>, vector<1x16xi32>,
    %add3A_1552 = arith.constant 320 : i32
    %add3A_1553 = arith.addi %mul3A_2, %add3A_1552 : i32
    %add3A_1554 = vector.broadcast %add3A_1553 : i32 to vector<16xi32>
    %add3A_1555 = arith.addi %add3A_1554, %iota3A : vector<16xi32>
    %lt3A_1556 = arith.constant 10368 : i32
    %lt3A_1557 = vector.broadcast %lt3A_1556 : i32 to vector<16xi32>
    %lt3A_1558 = arith.cmpi slt, %add3A_1555, %lt3A_1557 : vector<16xi32>
    %shift_right_arithmetic3A_1559 = arith.constant 3 : i32
    %shift_right_arithmetic3A_1560 = vector.broadcast %shift_right_arithmetic3A_1559 : i32 to vector<16xi32>
    %shift_right_arithmetic3A_1561 = arith.shrsi %add3A_1555, %shift_right_arithmetic3A_1560 : vector<16xi32>
    %mul3A_1562 = arith.constant 81 : i32
    %mul3A_1563 = vector.broadcast %mul3A_1562 : i32 to vector<16xi32>
    %mul3A_1564 = arith.muli %shift_right_arithmetic3A_1561, %mul3A_1563 : vector<16xi32>
    %shift_right_arithmetic3A_1565 = arith.constant 7 : i32
    %shift_right_arithmetic3A_1566 = vector.broadcast %shift_right_arithmetic3A_1565 : i32 to vector<16xi32>
    %shift_right_arithmetic3A_1567 = arith.shrsi %add3A_1555, %shift_right_arithmetic3A_1566 : vector<16xi32>
    %add3A_1568 = arith.addi %mul3A_1564, %shift_right_arithmetic3A_1567 : vector<16xi32>
    %mul3A_1569 = arith.constant 1024 : i32
    %mul3A_1570 = vector.broadcast %mul3A_1569 : i32 to vector<16xi32>
    %mul3A_1571 = arith.muli %add3A_1568, %mul3A_1570 : vector<16xi32>
    %and3A_1572 = arith.constant 7 : i32
    %and3A_1573 = vector.broadcast %and3A_1572 : i32 to vector<16xi32>
    %and3A_1574 = arith.andi %add3A_1555, %and3A_1573 : vector<16xi32>
    %shift_left3A_1575 = arith.constant 7 : i32
    %shift_left3A_1576 = vector.broadcast %shift_left3A_1575 : i32 to vector<16xi32>
    %shift_left3A_1577 = arith.shli %and3A_1574, %shift_left3A_1576 : vector<16xi32>
    %add3A_1578 = arith.addi %mul3A_1571, %shift_left3A_1577 : vector<16xi32>
    %and3A_1579 = arith.constant 127 : i32
    %and3A_1580 = vector.broadcast %and3A_1579 : i32 to vector<16xi32>
    %and3A_1581 = arith.andi %add3A_1555, %and3A_1580 : vector<16xi32>
    %add3A_1582 = arith.addi %add3A_1578, %and3A_1581 : vector<16xi32>
    %add3A_1583 = arith.constant 20 : i32
    %add3A_1584 = arith.addi %mul3A_2, %add3A_1583 : i32
    %add3A_1585 = arith.constant 10320 : i32
    %add3A_1586 = vector.broadcast %add3A_1585 : i32 to vector<16xi32>
    %add3A_1587 = arith.addi %add3A_1586, %iota3A : vector<16xi32>
    %shift_right_arithmetic3A_1588 = arith.constant 3 : i32
    %shift_right_arithmetic3A_1589 = arith.shrsi %add3A_1584, %shift_right_arithmetic3A_1588 : i32
    %mul3A_1590 = arith.constant 81 : i32
    %mul3A_1591 = arith.muli %shift_right_arithmetic3A_1589, %mul3A_1590 : i32
    %shift_right_arithmetic3A_1592 = arith.constant 7 : i32
    %shift_right_arithmetic3A_1593 = vector.broadcast %shift_right_arithmetic3A_1592 : i32 to vector<16xi32>
    %shift_right_arithmetic3A_1594 = arith.shrsi %add3A_1587, %shift_right_arithmetic3A_1593 : vector<16xi32>
    %add3A_1595 = vector.broadcast %mul3A_1591 : i32 to vector<16xi32>
    %add3A_1596 = arith.addi %add3A_1595, %shift_right_arithmetic3A_1594 : vector<16xi32>
    %mul3A_1597 = arith.constant 1024 : i32
    %mul3A_1598 = vector.broadcast %mul3A_1597 : i32 to vector<16xi32>
    %mul3A_1599 = arith.muli %add3A_1596, %mul3A_1598 : vector<16xi32>
    %and3A_1600 = arith.constant 7 : i32
    %and3A_1601 = arith.andi %add3A_1584, %and3A_1600 : i32
    %shift_left3A_1602 = arith.constant 7 : i32
    %shift_left3A_1603 = arith.shli %and3A_1601, %shift_left3A_1602 : i32
    %add3A_1604 = vector.broadcast %shift_left3A_1603 : i32 to vector<16xi32>
    %add3A_1605 = arith.addi %mul3A_1599, %add3A_1604 : vector<16xi32>
    %and3A_1606 = arith.constant 127 : i32
    %and3A_1607 = vector.broadcast %and3A_1606 : i32 to vector<16xi32>
    %and3A_1608 = arith.andi %add3A_1587, %and3A_1607 : vector<16xi32>
    %add3A_1609 = arith.addi %add3A_1605, %and3A_1608 : vector<16xi32>
    %select_n3A_1610 = arith.select %lt3A_1558, %add3A_1582, %add3A_1609 : vector<16xi1>, vector<16xi32>
    %swap3A_1611 = arith.constant 27 : i32
    %swap3A_1612 = arith.index_cast %swap3A_1611 : i32 to index
    %swap3A_1613 = arith.constant 64 : index
    %swap3A_1614 = tpu.vector_load %arg14[%swap3A_1612, %swap3A_1613] {strides = array<i32>} : memref<29x128xi32, #tpu.memory_space<vmem>>, vector<1x16xi32>,
    %swap3A_1615 = vector.shape_cast %swap3A_1614 : vector<1x16xi32> to vector<16xi32>
    %swap3A_1616 = vector.shape_cast %select_n3A_1610 : vector<16xi32> to vector<1x16xi32>
    tpu.vector_store %arg14[%swap3A_1612, %swap3A_1613], %swap3A_1616 {strides = array<i32>} : memref<29x128xi32, #tpu.memory_space<vmem>>, vector<1x16xi32>,
    "tpu.region"() ({
      %run_scoped3A = tpu.sem_alloc : memref<!tpu.dma_semaphore, #tpu.memory_space<semaphore_mem>>
      tpu.enqueue_dma source(%arg7 : memref<32xi32, #tpu.memory_space<hbm>>) target(%arg18 : memref<32xi32, #tpu.memory_space<vmem>>) target_semaphore(%run_scoped3A : memref<!tpu.dma_semaphore, #tpu.memory_space<semaphore_mem>>)
      tpu.wait_dma2 semaphore(%run_scoped3A : memref<!tpu.dma_semaphore, #tpu.memory_space<semaphore_mem>>) src(%arg7 : memref<32xi32, #tpu.memory_space<hbm>>) dst(%arg18 : memref<32xi32, #tpu.memory_space<vmem>>)
      tpu.yield
    }) : () -> ()
    "tpu.region"() ({
      %run_scoped3A = tpu.sem_alloc : memref<!tpu.dma_semaphore, #tpu.memory_space<semaphore_mem>>
      tpu.enqueue_dma source(%arg8 : memref<32xi32, #tpu.memory_space<hbm>>) target(%arg19 : memref<32xi32, #tpu.memory_space<vmem>>) target_semaphore(%run_scoped3A : memref<!tpu.dma_semaphore, #tpu.memory_space<semaphore_mem>>)
      tpu.wait_dma2 semaphore(%run_scoped3A : memref<!tpu.dma_semaphore, #tpu.memory_space<semaphore_mem>>) src(%arg8 : memref<32xi32, #tpu.memory_space<hbm>>) dst(%arg19 : memref<32xi32, #tpu.memory_space<vmem>>)
      tpu.yield
    }) : () -> ()
    "tpu.region"() ({
      %run_scoped3A = tpu.sem_alloc : memref<!tpu.dma_semaphore, #tpu.memory_space<semaphore_mem>>
      tpu.enqueue_dma source(%arg6 : memref<32xf32, #tpu.memory_space<hbm>>) target(%arg20 : memref<32xf32, #tpu.memory_space<vmem>>) target_semaphore(%run_scoped3A : memref<!tpu.dma_semaphore, #tpu.memory_space<semaphore_mem>>)
      tpu.wait_dma2 semaphore(%run_scoped3A : memref<!tpu.dma_semaphore, #tpu.memory_space<semaphore_mem>>) src(%arg6 : memref<32xf32, #tpu.memory_space<hbm>>) dst(%arg20 : memref<32xf32, #tpu.memory_space<vmem>>)
      tpu.yield
    }) : () -> ()
    %mul3A_1617 = arith.constant 2 : i32
    %mul3A_1618 = arith.muli %add3A, %mul3A_1617 : i32
    %add3A_1619 = arith.constant 0 : i32
    %add3A_1620 = arith.addi %mul3A_1618, %add3A_1619 : i32
    %mul3A_1621 = arith.constant 5 : i32
    %mul3A_1622 = arith.muli %mul3A_1621, %add3A_1620 : i32
    %add3A_1623 = arith.constant 10000 : i32
    %add3A_1624 = arith.addi %add3A_1623, %mul3A_1622 : i32
    %get3A = arith.constant 0 : index
    %get3A_1625 = tpu.vector_load %arg18[%get3A] {strides = array<i32>} : memref<32xi32, #tpu.memory_space<vmem>>, vector<16xi32>,
    %get3A_1626 = vector.shape_cast %get3A_1625 : vector<16xi32> to vector<16xi32>
    %get3A_1627 = arith.constant 0 : index
    %get3A_1628 = tpu.vector_load %arg19[%get3A_1627] {strides = array<i32>} : memref<32xi32, #tpu.memory_space<vmem>>, vector<16xi32>,
    %get3A_1629 = vector.shape_cast %get3A_1628 : vector<16xi32> to vector<16xi32>
    %get3A_1630 = arith.constant 0 : index
    %get3A_1631 = tpu.vector_load %arg20[%get3A_1630] {strides = array<i32>} : memref<32xf32, #tpu.memory_space<vmem>>, vector<16xf32>,
    %get3A_1632 = vector.shape_cast %get3A_1631 : vector<16xf32> to vector<16xf32>
    %add3A_1633 = vector.broadcast %add3A_1624 : i32 to vector<16xi32>
    %add3A_1634 = arith.addi %add3A_1633, %get3A_1626 : vector<16xi32>
    %ge3A = arith.constant 0.000000e+00 : f32
    %ge3A_1635 = vector.broadcast %ge3A : f32 to vector<16xf32>
    %ge3A_1636 = arith.cmpf oge, %get3A_1632, %ge3A_1635 : vector<16xf32>
    %add3A_1637 = vector.broadcast %add3A_1624 : i32 to vector<16xi32>
    %add3A_1638 = arith.addi %add3A_1637, %get3A_1629 : vector<16xi32>
    %shift_right_arithmetic3A_1639 = arith.constant 3 : i32
    %shift_right_arithmetic3A_1640 = vector.broadcast %shift_right_arithmetic3A_1639 : i32 to vector<16xi32>
    %shift_right_arithmetic3A_1641 = arith.shrsi %add3A_1634, %shift_right_arithmetic3A_1640 : vector<16xi32>
    %mul3A_1642 = arith.constant 81 : i32
    %mul3A_1643 = vector.broadcast %mul3A_1642 : i32 to vector<16xi32>
    %mul3A_1644 = arith.muli %shift_right_arithmetic3A_1641, %mul3A_1643 : vector<16xi32>
    %shift_right_arithmetic3A_1645 = arith.constant 7 : i32
    %shift_right_arithmetic3A_1646 = vector.broadcast %shift_right_arithmetic3A_1645 : i32 to vector<16xi32>
    %shift_right_arithmetic3A_1647 = arith.shrsi %add3A_1638, %shift_right_arithmetic3A_1646 : vector<16xi32>
    %add3A_1648 = arith.addi %mul3A_1644, %shift_right_arithmetic3A_1647 : vector<16xi32>
    %mul3A_1649 = arith.constant 1024 : i32
    %mul3A_1650 = vector.broadcast %mul3A_1649 : i32 to vector<16xi32>
    %mul3A_1651 = arith.muli %add3A_1648, %mul3A_1650 : vector<16xi32>
    %and3A_1652 = arith.constant 7 : i32
    %and3A_1653 = vector.broadcast %and3A_1652 : i32 to vector<16xi32>
    %and3A_1654 = arith.andi %add3A_1634, %and3A_1653 : vector<16xi32>
    %shift_left3A_1655 = arith.constant 7 : i32
    %shift_left3A_1656 = vector.broadcast %shift_left3A_1655 : i32 to vector<16xi32>
    %shift_left3A_1657 = arith.shli %and3A_1654, %shift_left3A_1656 : vector<16xi32>
    %add3A_1658 = arith.addi %mul3A_1651, %shift_left3A_1657 : vector<16xi32>
    %and3A_1659 = arith.constant 127 : i32
    %and3A_1660 = vector.broadcast %and3A_1659 : i32 to vector<16xi32>
    %and3A_1661 = arith.andi %add3A_1638, %and3A_1660 : vector<16xi32>
    %add3A_1662 = arith.addi %add3A_1658, %and3A_1661 : vector<16xi32>
    %add3A_1663 = arith.constant 32 : i32
    %add3A_1664 = arith.addi %mul3A_2, %add3A_1663 : i32
    %add3A_1665 = arith.constant 10320 : i32
    %add3A_1666 = vector.broadcast %add3A_1665 : i32 to vector<16xi32>
    %add3A_1667 = arith.addi %add3A_1666, %iota3A : vector<16xi32>
    %shift_right_arithmetic3A_1668 = arith.constant 3 : i32
    %shift_right_arithmetic3A_1669 = arith.shrsi %add3A_1664, %shift_right_arithmetic3A_1668 : i32
    %mul3A_1670 = arith.constant 81 : i32
    %mul3A_1671 = arith.muli %shift_right_arithmetic3A_1669, %mul3A_1670 : i32
    %shift_right_arithmetic3A_1672 = arith.constant 7 : i32
    %shift_right_arithmetic3A_1673 = vector.broadcast %shift_right_arithmetic3A_1672 : i32 to vector<16xi32>
    %shift_right_arithmetic3A_1674 = arith.shrsi %add3A_1667, %shift_right_arithmetic3A_1673 : vector<16xi32>
    %add3A_1675 = vector.broadcast %mul3A_1671 : i32 to vector<16xi32>
    %add3A_1676 = arith.addi %add3A_1675, %shift_right_arithmetic3A_1674 : vector<16xi32>
    %mul3A_1677 = arith.constant 1024 : i32
    %mul3A_1678 = vector.broadcast %mul3A_1677 : i32 to vector<16xi32>
    %mul3A_1679 = arith.muli %add3A_1676, %mul3A_1678 : vector<16xi32>
    %and3A_1680 = arith.constant 7 : i32
    %and3A_1681 = arith.andi %add3A_1664, %and3A_1680 : i32
    %shift_left3A_1682 = arith.constant 7 : i32
    %shift_left3A_1683 = arith.shli %and3A_1681, %shift_left3A_1682 : i32
    %add3A_1684 = vector.broadcast %shift_left3A_1683 : i32 to vector<16xi32>
    %add3A_1685 = arith.addi %mul3A_1679, %add3A_1684 : vector<16xi32>
    %and3A_1686 = arith.constant 127 : i32
    %and3A_1687 = vector.broadcast %and3A_1686 : i32 to vector<16xi32>
    %and3A_1688 = arith.andi %add3A_1667, %and3A_1687 : vector<16xi32>
    %add3A_1689 = arith.addi %add3A_1685, %and3A_1688 : vector<16xi32>
    %select_n3A_1690 = arith.select %ge3A_1636, %add3A_1662, %add3A_1689 : vector<16xi1>, vector<16xi32>
    %swap3A_1691 = arith.constant 27 : i32
    %swap3A_1692 = arith.index_cast %swap3A_1691 : i32 to index
    %swap3A_1693 = arith.constant 80 : index
    %swap3A_1694 = tpu.vector_load %arg14[%swap3A_1692, %swap3A_1693] {strides = array<i32>} : memref<29x128xi32, #tpu.memory_space<vmem>>, vector<1x16xi32>,
    %swap3A_1695 = vector.shape_cast %swap3A_1694 : vector<1x16xi32> to vector<16xi32>
    %swap3A_1696 = vector.shape_cast %select_n3A_1690 : vector<16xi32> to vector<1x16xi32>
    tpu.vector_store %arg14[%swap3A_1692, %swap3A_1693], %swap3A_1696 {strides = array<i32>} : memref<29x128xi32, #tpu.memory_space<vmem>>, vector<1x16xi32>,
    %get3A_1697 = arith.constant 16 : index
    %get3A_1698 = tpu.vector_load %arg18[%get3A_1697] {strides = array<i32>} : memref<32xi32, #tpu.memory_space<vmem>>, vector<16xi32>,
    %get3A_1699 = vector.shape_cast %get3A_1698 : vector<16xi32> to vector<16xi32>
    %get3A_1700 = arith.constant 16 : index
    %get3A_1701 = tpu.vector_load %arg19[%get3A_1700] {strides = array<i32>} : memref<32xi32, #tpu.memory_space<vmem>>, vector<16xi32>,
    %get3A_1702 = vector.shape_cast %get3A_1701 : vector<16xi32> to vector<16xi32>
    %get3A_1703 = arith.constant 16 : index
    %get3A_1704 = tpu.vector_load %arg20[%get3A_1703] {strides = array<i32>} : memref<32xf32, #tpu.memory_space<vmem>>, vector<16xf32>,
    %get3A_1705 = vector.shape_cast %get3A_1704 : vector<16xf32> to vector<16xf32>
    %add3A_1706 = vector.broadcast %add3A_1624 : i32 to vector<16xi32>
    %add3A_1707 = arith.addi %add3A_1706, %get3A_1699 : vector<16xi32>
    %ge3A_1708 = arith.constant 0.000000e+00 : f32
    %ge3A_1709 = vector.broadcast %ge3A_1708 : f32 to vector<16xf32>
    %ge3A_1710 = arith.cmpf oge, %get3A_1705, %ge3A_1709 : vector<16xf32>
    %add3A_1711 = vector.broadcast %add3A_1624 : i32 to vector<16xi32>
    %add3A_1712 = arith.addi %add3A_1711, %get3A_1702 : vector<16xi32>
    %shift_right_arithmetic3A_1713 = arith.constant 3 : i32
    %shift_right_arithmetic3A_1714 = vector.broadcast %shift_right_arithmetic3A_1713 : i32 to vector<16xi32>
    %shift_right_arithmetic3A_1715 = arith.shrsi %add3A_1707, %shift_right_arithmetic3A_1714 : vector<16xi32>
    %mul3A_1716 = arith.constant 81 : i32
    %mul3A_1717 = vector.broadcast %mul3A_1716 : i32 to vector<16xi32>
    %mul3A_1718 = arith.muli %shift_right_arithmetic3A_1715, %mul3A_1717 : vector<16xi32>
    %shift_right_arithmetic3A_1719 = arith.constant 7 : i32
    %shift_right_arithmetic3A_1720 = vector.broadcast %shift_right_arithmetic3A_1719 : i32 to vector<16xi32>
    %shift_right_arithmetic3A_1721 = arith.shrsi %add3A_1712, %shift_right_arithmetic3A_1720 : vector<16xi32>
    %add3A_1722 = arith.addi %mul3A_1718, %shift_right_arithmetic3A_1721 : vector<16xi32>
    %mul3A_1723 = arith.constant 1024 : i32
    %mul3A_1724 = vector.broadcast %mul3A_1723 : i32 to vector<16xi32>
    %mul3A_1725 = arith.muli %add3A_1722, %mul3A_1724 : vector<16xi32>
    %and3A_1726 = arith.constant 7 : i32
    %and3A_1727 = vector.broadcast %and3A_1726 : i32 to vector<16xi32>
    %and3A_1728 = arith.andi %add3A_1707, %and3A_1727 : vector<16xi32>
    %shift_left3A_1729 = arith.constant 7 : i32
    %shift_left3A_1730 = vector.broadcast %shift_left3A_1729 : i32 to vector<16xi32>
    %shift_left3A_1731 = arith.shli %and3A_1728, %shift_left3A_1730 : vector<16xi32>
    %add3A_1732 = arith.addi %mul3A_1725, %shift_left3A_1731 : vector<16xi32>
    %and3A_1733 = arith.constant 127 : i32
    %and3A_1734 = vector.broadcast %and3A_1733 : i32 to vector<16xi32>
    %and3A_1735 = arith.andi %add3A_1712, %and3A_1734 : vector<16xi32>
    %add3A_1736 = arith.addi %add3A_1732, %and3A_1735 : vector<16xi32>
    %add3A_1737 = arith.constant 33 : i32
    %add3A_1738 = arith.addi %mul3A_2, %add3A_1737 : i32
    %add3A_1739 = arith.constant 10320 : i32
    %add3A_1740 = vector.broadcast %add3A_1739 : i32 to vector<16xi32>
    %add3A_1741 = arith.addi %add3A_1740, %iota3A : vector<16xi32>
    %shift_right_arithmetic3A_1742 = arith.constant 3 : i32
    %shift_right_arithmetic3A_1743 = arith.shrsi %add3A_1738, %shift_right_arithmetic3A_1742 : i32
    %mul3A_1744 = arith.constant 81 : i32
    %mul3A_1745 = arith.muli %shift_right_arithmetic3A_1743, %mul3A_1744 : i32
    %shift_right_arithmetic3A_1746 = arith.constant 7 : i32
    %shift_right_arithmetic3A_1747 = vector.broadcast %shift_right_arithmetic3A_1746 : i32 to vector<16xi32>
    %shift_right_arithmetic3A_1748 = arith.shrsi %add3A_1741, %shift_right_arithmetic3A_1747 : vector<16xi32>
    %add3A_1749 = vector.broadcast %mul3A_1745 : i32 to vector<16xi32>
    %add3A_1750 = arith.addi %add3A_1749, %shift_right_arithmetic3A_1748 : vector<16xi32>
    %mul3A_1751 = arith.constant 1024 : i32
    %mul3A_1752 = vector.broadcast %mul3A_1751 : i32 to vector<16xi32>
    %mul3A_1753 = arith.muli %add3A_1750, %mul3A_1752 : vector<16xi32>
    %and3A_1754 = arith.constant 7 : i32
    %and3A_1755 = arith.andi %add3A_1738, %and3A_1754 : i32
    %shift_left3A_1756 = arith.constant 7 : i32
    %shift_left3A_1757 = arith.shli %and3A_1755, %shift_left3A_1756 : i32
    %add3A_1758 = vector.broadcast %shift_left3A_1757 : i32 to vector<16xi32>
    %add3A_1759 = arith.addi %mul3A_1753, %add3A_1758 : vector<16xi32>
    %and3A_1760 = arith.constant 127 : i32
    %and3A_1761 = vector.broadcast %and3A_1760 : i32 to vector<16xi32>
    %and3A_1762 = arith.andi %add3A_1741, %and3A_1761 : vector<16xi32>
    %add3A_1763 = arith.addi %add3A_1759, %and3A_1762 : vector<16xi32>
    %select_n3A_1764 = arith.select %ge3A_1710, %add3A_1736, %add3A_1763 : vector<16xi1>, vector<16xi32>
    %swap3A_1765 = arith.constant 27 : i32
    %swap3A_1766 = arith.index_cast %swap3A_1765 : i32 to index
    %swap3A_1767 = arith.constant 96 : index
    %swap3A_1768 = tpu.vector_load %arg14[%swap3A_1766, %swap3A_1767] {strides = array<i32>} : memref<29x128xi32, #tpu.memory_space<vmem>>, vector<1x16xi32>,
    %swap3A_1769 = vector.shape_cast %swap3A_1768 : vector<1x16xi32> to vector<16xi32>
    %swap3A_1770 = vector.shape_cast %select_n3A_1764 : vector<16xi32> to vector<1x16xi32>
    tpu.vector_store %arg14[%swap3A_1766, %swap3A_1767], %swap3A_1770 {strides = array<i32>} : memref<29x128xi32, #tpu.memory_space<vmem>>, vector<1x16xi32>,
    %mul3A_1771 = arith.constant 2 : i32
    %mul3A_1772 = arith.muli %add3A, %mul3A_1771 : i32
    %add3A_1773 = arith.constant 1 : i32
    %add3A_1774 = arith.addi %mul3A_1772, %add3A_1773 : i32
    %mul3A_1775 = arith.constant 5 : i32
    %mul3A_1776 = arith.muli %mul3A_1775, %add3A_1774 : i32
    %add3A_1777 = arith.constant 10000 : i32
    %add3A_1778 = arith.addi %add3A_1777, %mul3A_1776 : i32
    %get3A_1779 = arith.constant 0 : index
    %get3A_1780 = tpu.vector_load %arg18[%get3A_1779] {strides = array<i32>} : memref<32xi32, #tpu.memory_space<vmem>>, vector<16xi32>,
    %get3A_1781 = vector.shape_cast %get3A_1780 : vector<16xi32> to vector<16xi32>
    %get3A_1782 = arith.constant 0 : index
    %get3A_1783 = tpu.vector_load %arg19[%get3A_1782] {strides = array<i32>} : memref<32xi32, #tpu.memory_space<vmem>>, vector<16xi32>,
    %get3A_1784 = vector.shape_cast %get3A_1783 : vector<16xi32> to vector<16xi32>
    %get3A_1785 = arith.constant 0 : index
    %get3A_1786 = tpu.vector_load %arg20[%get3A_1785] {strides = array<i32>} : memref<32xf32, #tpu.memory_space<vmem>>, vector<16xf32>,
    %get3A_1787 = vector.shape_cast %get3A_1786 : vector<16xf32> to vector<16xf32>
    %add3A_1788 = vector.broadcast %add3A_1778 : i32 to vector<16xi32>
    %add3A_1789 = arith.addi %add3A_1788, %get3A_1781 : vector<16xi32>
    %ge3A_1790 = arith.constant 0.000000e+00 : f32
    %ge3A_1791 = vector.broadcast %ge3A_1790 : f32 to vector<16xf32>
    %ge3A_1792 = arith.cmpf oge, %get3A_1787, %ge3A_1791 : vector<16xf32>
    %add3A_1793 = vector.broadcast %add3A_1778 : i32 to vector<16xi32>
    %add3A_1794 = arith.addi %add3A_1793, %get3A_1784 : vector<16xi32>
    %shift_right_arithmetic3A_1795 = arith.constant 3 : i32
    %shift_right_arithmetic3A_1796 = vector.broadcast %shift_right_arithmetic3A_1795 : i32 to vector<16xi32>
    %shift_right_arithmetic3A_1797 = arith.shrsi %add3A_1789, %shift_right_arithmetic3A_1796 : vector<16xi32>
    %mul3A_1798 = arith.constant 81 : i32
    %mul3A_1799 = vector.broadcast %mul3A_1798 : i32 to vector<16xi32>
    %mul3A_1800 = arith.muli %shift_right_arithmetic3A_1797, %mul3A_1799 : vector<16xi32>
    %shift_right_arithmetic3A_1801 = arith.constant 7 : i32
    %shift_right_arithmetic3A_1802 = vector.broadcast %shift_right_arithmetic3A_1801 : i32 to vector<16xi32>
    %shift_right_arithmetic3A_1803 = arith.shrsi %add3A_1794, %shift_right_arithmetic3A_1802 : vector<16xi32>
    %add3A_1804 = arith.addi %mul3A_1800, %shift_right_arithmetic3A_1803 : vector<16xi32>
    %mul3A_1805 = arith.constant 1024 : i32
    %mul3A_1806 = vector.broadcast %mul3A_1805 : i32 to vector<16xi32>
    %mul3A_1807 = arith.muli %add3A_1804, %mul3A_1806 : vector<16xi32>
    %and3A_1808 = arith.constant 7 : i32
    %and3A_1809 = vector.broadcast %and3A_1808 : i32 to vector<16xi32>
    %and3A_1810 = arith.andi %add3A_1789, %and3A_1809 : vector<16xi32>
    %shift_left3A_1811 = arith.constant 7 : i32
    %shift_left3A_1812 = vector.broadcast %shift_left3A_1811 : i32 to vector<16xi32>
    %shift_left3A_1813 = arith.shli %and3A_1810, %shift_left3A_1812 : vector<16xi32>
    %add3A_1814 = arith.addi %mul3A_1807, %shift_left3A_1813 : vector<16xi32>
    %and3A_1815 = arith.constant 127 : i32
    %and3A_1816 = vector.broadcast %and3A_1815 : i32 to vector<16xi32>
    %and3A_1817 = arith.andi %add3A_1794, %and3A_1816 : vector<16xi32>
    %add3A_1818 = arith.addi %add3A_1814, %and3A_1817 : vector<16xi32>
    %add3A_1819 = arith.constant 34 : i32
    %add3A_1820 = arith.addi %mul3A_2, %add3A_1819 : i32
    %add3A_1821 = arith.constant 10320 : i32
    %add3A_1822 = vector.broadcast %add3A_1821 : i32 to vector<16xi32>
    %add3A_1823 = arith.addi %add3A_1822, %iota3A : vector<16xi32>
    %shift_right_arithmetic3A_1824 = arith.constant 3 : i32
    %shift_right_arithmetic3A_1825 = arith.shrsi %add3A_1820, %shift_right_arithmetic3A_1824 : i32
    %mul3A_1826 = arith.constant 81 : i32
    %mul3A_1827 = arith.muli %shift_right_arithmetic3A_1825, %mul3A_1826 : i32
    %shift_right_arithmetic3A_1828 = arith.constant 7 : i32
    %shift_right_arithmetic3A_1829 = vector.broadcast %shift_right_arithmetic3A_1828 : i32 to vector<16xi32>
    %shift_right_arithmetic3A_1830 = arith.shrsi %add3A_1823, %shift_right_arithmetic3A_1829 : vector<16xi32>
    %add3A_1831 = vector.broadcast %mul3A_1827 : i32 to vector<16xi32>
    %add3A_1832 = arith.addi %add3A_1831, %shift_right_arithmetic3A_1830 : vector<16xi32>
    %mul3A_1833 = arith.constant 1024 : i32
    %mul3A_1834 = vector.broadcast %mul3A_1833 : i32 to vector<16xi32>
    %mul3A_1835 = arith.muli %add3A_1832, %mul3A_1834 : vector<16xi32>
    %and3A_1836 = arith.constant 7 : i32
    %and3A_1837 = arith.andi %add3A_1820, %and3A_1836 : i32
    %shift_left3A_1838 = arith.constant 7 : i32
    %shift_left3A_1839 = arith.shli %and3A_1837, %shift_left3A_1838 : i32
    %add3A_1840 = vector.broadcast %shift_left3A_1839 : i32 to vector<16xi32>
    %add3A_1841 = arith.addi %mul3A_1835, %add3A_1840 : vector<16xi32>
    %and3A_1842 = arith.constant 127 : i32
    %and3A_1843 = vector.broadcast %and3A_1842 : i32 to vector<16xi32>
    %and3A_1844 = arith.andi %add3A_1823, %and3A_1843 : vector<16xi32>
    %add3A_1845 = arith.addi %add3A_1841, %and3A_1844 : vector<16xi32>
    %select_n3A_1846 = arith.select %ge3A_1792, %add3A_1818, %add3A_1845 : vector<16xi1>, vector<16xi32>
    %swap3A_1847 = arith.constant 27 : i32
    %swap3A_1848 = arith.index_cast %swap3A_1847 : i32 to index
    %swap3A_1849 = arith.constant 112 : index
    %swap3A_1850 = tpu.vector_load %arg14[%swap3A_1848, %swap3A_1849] {strides = array<i32>} : memref<29x128xi32, #tpu.memory_space<vmem>>, vector<1x16xi32>,
    %swap3A_1851 = vector.shape_cast %swap3A_1850 : vector<1x16xi32> to vector<16xi32>
    %swap3A_1852 = vector.shape_cast %select_n3A_1846 : vector<16xi32> to vector<1x16xi32>
    tpu.vector_store %arg14[%swap3A_1848, %swap3A_1849], %swap3A_1852 {strides = array<i32>} : memref<29x128xi32, #tpu.memory_space<vmem>>, vector<1x16xi32>,
    %get3A_1853 = arith.constant 16 : index
    %get3A_1854 = tpu.vector_load %arg18[%get3A_1853] {strides = array<i32>} : memref<32xi32, #tpu.memory_space<vmem>>, vector<16xi32>,
    %get3A_1855 = vector.shape_cast %get3A_1854 : vector<16xi32> to vector<16xi32>
    %get3A_1856 = arith.constant 16 : index
    %get3A_1857 = tpu.vector_load %arg19[%get3A_1856] {strides = array<i32>} : memref<32xi32, #tpu.memory_space<vmem>>, vector<16xi32>,
    %get3A_1858 = vector.shape_cast %get3A_1857 : vector<16xi32> to vector<16xi32>
    %get3A_1859 = arith.constant 16 : index
    %get3A_1860 = tpu.vector_load %arg20[%get3A_1859] {strides = array<i32>} : memref<32xf32, #tpu.memory_space<vmem>>, vector<16xf32>,
    %get3A_1861 = vector.shape_cast %get3A_1860 : vector<16xf32> to vector<16xf32>
    %add3A_1862 = vector.broadcast %add3A_1778 : i32 to vector<16xi32>
    %add3A_1863 = arith.addi %add3A_1862, %get3A_1855 : vector<16xi32>
    %ge3A_1864 = arith.constant 0.000000e+00 : f32
    %ge3A_1865 = vector.broadcast %ge3A_1864 : f32 to vector<16xf32>
    %ge3A_1866 = arith.cmpf oge, %get3A_1861, %ge3A_1865 : vector<16xf32>
    %add3A_1867 = vector.broadcast %add3A_1778 : i32 to vector<16xi32>
    %add3A_1868 = arith.addi %add3A_1867, %get3A_1858 : vector<16xi32>
    %shift_right_arithmetic3A_1869 = arith.constant 3 : i32
    %shift_right_arithmetic3A_1870 = vector.broadcast %shift_right_arithmetic3A_1869 : i32 to vector<16xi32>
    %shift_right_arithmetic3A_1871 = arith.shrsi %add3A_1863, %shift_right_arithmetic3A_1870 : vector<16xi32>
    %mul3A_1872 = arith.constant 81 : i32
    %mul3A_1873 = vector.broadcast %mul3A_1872 : i32 to vector<16xi32>
    %mul3A_1874 = arith.muli %shift_right_arithmetic3A_1871, %mul3A_1873 : vector<16xi32>
    %shift_right_arithmetic3A_1875 = arith.constant 7 : i32
    %shift_right_arithmetic3A_1876 = vector.broadcast %shift_right_arithmetic3A_1875 : i32 to vector<16xi32>
    %shift_right_arithmetic3A_1877 = arith.shrsi %add3A_1868, %shift_right_arithmetic3A_1876 : vector<16xi32>
    %add3A_1878 = arith.addi %mul3A_1874, %shift_right_arithmetic3A_1877 : vector<16xi32>
    %mul3A_1879 = arith.constant 1024 : i32
    %mul3A_1880 = vector.broadcast %mul3A_1879 : i32 to vector<16xi32>
    %mul3A_1881 = arith.muli %add3A_1878, %mul3A_1880 : vector<16xi32>
    %and3A_1882 = arith.constant 7 : i32
    %and3A_1883 = vector.broadcast %and3A_1882 : i32 to vector<16xi32>
    %and3A_1884 = arith.andi %add3A_1863, %and3A_1883 : vector<16xi32>
    %shift_left3A_1885 = arith.constant 7 : i32
    %shift_left3A_1886 = vector.broadcast %shift_left3A_1885 : i32 to vector<16xi32>
    %shift_left3A_1887 = arith.shli %and3A_1884, %shift_left3A_1886 : vector<16xi32>
    %add3A_1888 = arith.addi %mul3A_1881, %shift_left3A_1887 : vector<16xi32>
    %and3A_1889 = arith.constant 127 : i32
    %and3A_1890 = vector.broadcast %and3A_1889 : i32 to vector<16xi32>
    %and3A_1891 = arith.andi %add3A_1868, %and3A_1890 : vector<16xi32>
    %add3A_1892 = arith.addi %add3A_1888, %and3A_1891 : vector<16xi32>
    %add3A_1893 = arith.constant 35 : i32
    %add3A_1894 = arith.addi %mul3A_2, %add3A_1893 : i32
    %add3A_1895 = arith.constant 10320 : i32
    %add3A_1896 = vector.broadcast %add3A_1895 : i32 to vector<16xi32>
    %add3A_1897 = arith.addi %add3A_1896, %iota3A : vector<16xi32>
    %shift_right_arithmetic3A_1898 = arith.constant 3 : i32
    %shift_right_arithmetic3A_1899 = arith.shrsi %add3A_1894, %shift_right_arithmetic3A_1898 : i32
    %mul3A_1900 = arith.constant 81 : i32
    %mul3A_1901 = arith.muli %shift_right_arithmetic3A_1899, %mul3A_1900 : i32
    %shift_right_arithmetic3A_1902 = arith.constant 7 : i32
    %shift_right_arithmetic3A_1903 = vector.broadcast %shift_right_arithmetic3A_1902 : i32 to vector<16xi32>
    %shift_right_arithmetic3A_1904 = arith.shrsi %add3A_1897, %shift_right_arithmetic3A_1903 : vector<16xi32>
    %add3A_1905 = vector.broadcast %mul3A_1901 : i32 to vector<16xi32>
    %add3A_1906 = arith.addi %add3A_1905, %shift_right_arithmetic3A_1904 : vector<16xi32>
    %mul3A_1907 = arith.constant 1024 : i32
    %mul3A_1908 = vector.broadcast %mul3A_1907 : i32 to vector<16xi32>
    %mul3A_1909 = arith.muli %add3A_1906, %mul3A_1908 : vector<16xi32>
    %and3A_1910 = arith.constant 7 : i32
    %and3A_1911 = arith.andi %add3A_1894, %and3A_1910 : i32
    %shift_left3A_1912 = arith.constant 7 : i32
    %shift_left3A_1913 = arith.shli %and3A_1911, %shift_left3A_1912 : i32
    %add3A_1914 = vector.broadcast %shift_left3A_1913 : i32 to vector<16xi32>
    %add3A_1915 = arith.addi %mul3A_1909, %add3A_1914 : vector<16xi32>
    %and3A_1916 = arith.constant 127 : i32
    %and3A_1917 = vector.broadcast %and3A_1916 : i32 to vector<16xi32>
    %and3A_1918 = arith.andi %add3A_1897, %and3A_1917 : vector<16xi32>
    %add3A_1919 = arith.addi %add3A_1915, %and3A_1918 : vector<16xi32>
    %select_n3A_1920 = arith.select %ge3A_1866, %add3A_1892, %add3A_1919 : vector<16xi1>, vector<16xi32>
    %swap3A_1921 = arith.constant 28 : i32
    %swap3A_1922 = arith.index_cast %swap3A_1921 : i32 to index
    %swap3A_1923 = arith.constant 0 : index
    %swap3A_1924 = tpu.vector_load %arg14[%swap3A_1922, %swap3A_1923] {strides = array<i32>} : memref<29x128xi32, #tpu.memory_space<vmem>>, vector<1x16xi32>,
    %swap3A_1925 = vector.shape_cast %swap3A_1924 : vector<1x16xi32> to vector<16xi32>
    %swap3A_1926 = vector.shape_cast %select_n3A_1920 : vector<16xi32> to vector<1x16xi32>
    tpu.vector_store %arg14[%swap3A_1922, %swap3A_1923], %swap3A_1926 {strides = array<i32>} : memref<29x128xi32, #tpu.memory_space<vmem>>, vector<1x16xi32>,
    %add3A_1927 = arith.constant 40 : i32
    %add3A_1928 = arith.addi %mul3A_2, %add3A_1927 : i32
    %add3A_1929 = arith.constant 10320 : i32
    %add3A_1930 = vector.broadcast %add3A_1929 : i32 to vector<16xi32>
    %add3A_1931 = arith.addi %add3A_1930, %iota3A : vector<16xi32>
    %shift_right_arithmetic3A_1932 = arith.constant 3 : i32
    %shift_right_arithmetic3A_1933 = arith.shrsi %add3A_1928, %shift_right_arithmetic3A_1932 : i32
    %mul3A_1934 = arith.constant 81 : i32
    %mul3A_1935 = arith.muli %shift_right_arithmetic3A_1933, %mul3A_1934 : i32
    %shift_right_arithmetic3A_1936 = arith.constant 7 : i32
    %shift_right_arithmetic3A_1937 = vector.broadcast %shift_right_arithmetic3A_1936 : i32 to vector<16xi32>
    %shift_right_arithmetic3A_1938 = arith.shrsi %add3A_1931, %shift_right_arithmetic3A_1937 : vector<16xi32>
    %add3A_1939 = vector.broadcast %mul3A_1935 : i32 to vector<16xi32>
    %add3A_1940 = arith.addi %add3A_1939, %shift_right_arithmetic3A_1938 : vector<16xi32>
    %mul3A_1941 = arith.constant 1024 : i32
    %mul3A_1942 = vector.broadcast %mul3A_1941 : i32 to vector<16xi32>
    %mul3A_1943 = arith.muli %add3A_1940, %mul3A_1942 : vector<16xi32>
    %and3A_1944 = arith.constant 7 : i32
    %and3A_1945 = arith.andi %add3A_1928, %and3A_1944 : i32
    %shift_left3A_1946 = arith.constant 7 : i32
    %shift_left3A_1947 = arith.shli %and3A_1945, %shift_left3A_1946 : i32
    %add3A_1948 = vector.broadcast %shift_left3A_1947 : i32 to vector<16xi32>
    %add3A_1949 = arith.addi %mul3A_1943, %add3A_1948 : vector<16xi32>
    %and3A_1950 = arith.constant 127 : i32
    %and3A_1951 = vector.broadcast %and3A_1950 : i32 to vector<16xi32>
    %and3A_1952 = arith.andi %add3A_1931, %and3A_1951 : vector<16xi32>
    %add3A_1953 = arith.addi %add3A_1949, %and3A_1952 : vector<16xi32>
    %swap3A_1954 = arith.constant 28 : i32
    %swap3A_1955 = arith.index_cast %swap3A_1954 : i32 to index
    %swap3A_1956 = arith.constant 16 : index
    %swap3A_1957 = tpu.vector_load %arg14[%swap3A_1955, %swap3A_1956] {strides = array<i32>} : memref<29x128xi32, #tpu.memory_space<vmem>>, vector<1x16xi32>,
    %swap3A_1958 = vector.shape_cast %swap3A_1957 : vector<1x16xi32> to vector<16xi32>
    %swap3A_1959 = vector.shape_cast %add3A_1953 : vector<16xi32> to vector<1x16xi32>
    tpu.vector_store %arg14[%swap3A_1955, %swap3A_1956], %swap3A_1959 {strides = array<i32>} : memref<29x128xi32, #tpu.memory_space<vmem>>, vector<1x16xi32>,
    %add3A_1960 = arith.constant 41 : i32
    %add3A_1961 = arith.addi %mul3A_2, %add3A_1960 : i32
    %add3A_1962 = arith.constant 10320 : i32
    %add3A_1963 = vector.broadcast %add3A_1962 : i32 to vector<16xi32>
    %add3A_1964 = arith.addi %add3A_1963, %iota3A : vector<16xi32>
    %shift_right_arithmetic3A_1965 = arith.constant 3 : i32
    %shift_right_arithmetic3A_1966 = arith.shrsi %add3A_1961, %shift_right_arithmetic3A_1965 : i32
    %mul3A_1967 = arith.constant 81 : i32
    %mul3A_1968 = arith.muli %shift_right_arithmetic3A_1966, %mul3A_1967 : i32
    %shift_right_arithmetic3A_1969 = arith.constant 7 : i32
    %shift_right_arithmetic3A_1970 = vector.broadcast %shift_right_arithmetic3A_1969 : i32 to vector<16xi32>
    %shift_right_arithmetic3A_1971 = arith.shrsi %add3A_1964, %shift_right_arithmetic3A_1970 : vector<16xi32>
    %add3A_1972 = vector.broadcast %mul3A_1968 : i32 to vector<16xi32>
    %add3A_1973 = arith.addi %add3A_1972, %shift_right_arithmetic3A_1971 : vector<16xi32>
    %mul3A_1974 = arith.constant 1024 : i32
    %mul3A_1975 = vector.broadcast %mul3A_1974 : i32 to vector<16xi32>
    %mul3A_1976 = arith.muli %add3A_1973, %mul3A_1975 : vector<16xi32>
    %and3A_1977 = arith.constant 7 : i32
    %and3A_1978 = arith.andi %add3A_1961, %and3A_1977 : i32
    %shift_left3A_1979 = arith.constant 7 : i32
    %shift_left3A_1980 = arith.shli %and3A_1978, %shift_left3A_1979 : i32
    %add3A_1981 = vector.broadcast %shift_left3A_1980 : i32 to vector<16xi32>
    %add3A_1982 = arith.addi %mul3A_1976, %add3A_1981 : vector<16xi32>
    %and3A_1983 = arith.constant 127 : i32
    %and3A_1984 = vector.broadcast %and3A_1983 : i32 to vector<16xi32>
    %and3A_1985 = arith.andi %add3A_1964, %and3A_1984 : vector<16xi32>
    %add3A_1986 = arith.addi %add3A_1982, %and3A_1985 : vector<16xi32>
    %swap3A_1987 = arith.constant 28 : i32
    %swap3A_1988 = arith.index_cast %swap3A_1987 : i32 to index
    %swap3A_1989 = arith.constant 32 : index
    %swap3A_1990 = tpu.vector_load %arg14[%swap3A_1988, %swap3A_1989] {strides = array<i32>} : memref<29x128xi32, #tpu.memory_space<vmem>>, vector<1x16xi32>,
    %swap3A_1991 = vector.shape_cast %swap3A_1990 : vector<1x16xi32> to vector<16xi32>
    %swap3A_1992 = vector.shape_cast %add3A_1986 : vector<16xi32> to vector<1x16xi32>
    tpu.vector_store %arg14[%swap3A_1988, %swap3A_1989], %swap3A_1992 {strides = array<i32>} : memref<29x128xi32, #tpu.memory_space<vmem>>, vector<1x16xi32>,
    %add3A_1993 = arith.constant 42 : i32
    %add3A_1994 = arith.addi %mul3A_2, %add3A_1993 : i32
    %add3A_1995 = arith.constant 10320 : i32
    %add3A_1996 = vector.broadcast %add3A_1995 : i32 to vector<16xi32>
    %add3A_1997 = arith.addi %add3A_1996, %iota3A : vector<16xi32>
    %shift_right_arithmetic3A_1998 = arith.constant 3 : i32
    %shift_right_arithmetic3A_1999 = arith.shrsi %add3A_1994, %shift_right_arithmetic3A_1998 : i32
    %mul3A_2000 = arith.constant 81 : i32
    %mul3A_2001 = arith.muli %shift_right_arithmetic3A_1999, %mul3A_2000 : i32
    %shift_right_arithmetic3A_2002 = arith.constant 7 : i32
    %shift_right_arithmetic3A_2003 = vector.broadcast %shift_right_arithmetic3A_2002 : i32 to vector<16xi32>
    %shift_right_arithmetic3A_2004 = arith.shrsi %add3A_1997, %shift_right_arithmetic3A_2003 : vector<16xi32>
    %add3A_2005 = vector.broadcast %mul3A_2001 : i32 to vector<16xi32>
    %add3A_2006 = arith.addi %add3A_2005, %shift_right_arithmetic3A_2004 : vector<16xi32>
    %mul3A_2007 = arith.constant 1024 : i32
    %mul3A_2008 = vector.broadcast %mul3A_2007 : i32 to vector<16xi32>
    %mul3A_2009 = arith.muli %add3A_2006, %mul3A_2008 : vector<16xi32>
    %and3A_2010 = arith.constant 7 : i32
    %and3A_2011 = arith.andi %add3A_1994, %and3A_2010 : i32
    %shift_left3A_2012 = arith.constant 7 : i32
    %shift_left3A_2013 = arith.shli %and3A_2011, %shift_left3A_2012 : i32
    %add3A_2014 = vector.broadcast %shift_left3A_2013 : i32 to vector<16xi32>
    %add3A_2015 = arith.addi %mul3A_2009, %add3A_2014 : vector<16xi32>
    %and3A_2016 = arith.constant 127 : i32
    %and3A_2017 = vector.broadcast %and3A_2016 : i32 to vector<16xi32>
    %and3A_2018 = arith.andi %add3A_1997, %and3A_2017 : vector<16xi32>
    %add3A_2019 = arith.addi %add3A_2015, %and3A_2018 : vector<16xi32>
    %swap3A_2020 = arith.constant 28 : i32
    %swap3A_2021 = arith.index_cast %swap3A_2020 : i32 to index
    %swap3A_2022 = arith.constant 48 : index
    %swap3A_2023 = tpu.vector_load %arg14[%swap3A_2021, %swap3A_2022] {strides = array<i32>} : memref<29x128xi32, #tpu.memory_space<vmem>>, vector<1x16xi32>,
    %swap3A_2024 = vector.shape_cast %swap3A_2023 : vector<1x16xi32> to vector<16xi32>
    %swap3A_2025 = vector.shape_cast %add3A_2019 : vector<16xi32> to vector<1x16xi32>
    tpu.vector_store %arg14[%swap3A_2021, %swap3A_2022], %swap3A_2025 {strides = array<i32>} : memref<29x128xi32, #tpu.memory_space<vmem>>, vector<1x16xi32>,
    %add3A_2026 = arith.constant 43 : i32
    %add3A_2027 = arith.addi %mul3A_2, %add3A_2026 : i32
    %add3A_2028 = arith.constant 10320 : i32
    %add3A_2029 = vector.broadcast %add3A_2028 : i32 to vector<16xi32>
    %add3A_2030 = arith.addi %add3A_2029, %iota3A : vector<16xi32>
    %shift_right_arithmetic3A_2031 = arith.constant 3 : i32
    %shift_right_arithmetic3A_2032 = arith.shrsi %add3A_2027, %shift_right_arithmetic3A_2031 : i32
    %mul3A_2033 = arith.constant 81 : i32
    %mul3A_2034 = arith.muli %shift_right_arithmetic3A_2032, %mul3A_2033 : i32
    %shift_right_arithmetic3A_2035 = arith.constant 7 : i32
    %shift_right_arithmetic3A_2036 = vector.broadcast %shift_right_arithmetic3A_2035 : i32 to vector<16xi32>
    %shift_right_arithmetic3A_2037 = arith.shrsi %add3A_2030, %shift_right_arithmetic3A_2036 : vector<16xi32>
    %add3A_2038 = vector.broadcast %mul3A_2034 : i32 to vector<16xi32>
    %add3A_2039 = arith.addi %add3A_2038, %shift_right_arithmetic3A_2037 : vector<16xi32>
    %mul3A_2040 = arith.constant 1024 : i32
    %mul3A_2041 = vector.broadcast %mul3A_2040 : i32 to vector<16xi32>
    %mul3A_2042 = arith.muli %add3A_2039, %mul3A_2041 : vector<16xi32>
    %and3A_2043 = arith.constant 7 : i32
    %and3A_2044 = arith.andi %add3A_2027, %and3A_2043 : i32
    %shift_left3A_2045 = arith.constant 7 : i32
    %shift_left3A_2046 = arith.shli %and3A_2044, %shift_left3A_2045 : i32
    %add3A_2047 = vector.broadcast %shift_left3A_2046 : i32 to vector<16xi32>
    %add3A_2048 = arith.addi %mul3A_2042, %add3A_2047 : vector<16xi32>
    %and3A_2049 = arith.constant 127 : i32
    %and3A_2050 = vector.broadcast %and3A_2049 : i32 to vector<16xi32>
    %and3A_2051 = arith.andi %add3A_2030, %and3A_2050 : vector<16xi32>
    %add3A_2052 = arith.addi %add3A_2048, %and3A_2051 : vector<16xi32>
    %swap3A_2053 = arith.constant 28 : i32
    %swap3A_2054 = arith.index_cast %swap3A_2053 : i32 to index
    %swap3A_2055 = arith.constant 64 : index
    %swap3A_2056 = tpu.vector_load %arg14[%swap3A_2054, %swap3A_2055] {strides = array<i32>} : memref<29x128xi32, #tpu.memory_space<vmem>>, vector<1x16xi32>,
    %swap3A_2057 = vector.shape_cast %swap3A_2056 : vector<1x16xi32> to vector<16xi32>
    %swap3A_2058 = vector.shape_cast %add3A_2052 : vector<16xi32> to vector<1x16xi32>
    tpu.vector_store %arg14[%swap3A_2054, %swap3A_2055], %swap3A_2058 {strides = array<i32>} : memref<29x128xi32, #tpu.memory_space<vmem>>, vector<1x16xi32>,
    %add3A_2059 = arith.constant 44 : i32
    %add3A_2060 = arith.addi %mul3A_2, %add3A_2059 : i32
    %add3A_2061 = arith.constant 10320 : i32
    %add3A_2062 = vector.broadcast %add3A_2061 : i32 to vector<16xi32>
    %add3A_2063 = arith.addi %add3A_2062, %iota3A : vector<16xi32>
    %shift_right_arithmetic3A_2064 = arith.constant 3 : i32
    %shift_right_arithmetic3A_2065 = arith.shrsi %add3A_2060, %shift_right_arithmetic3A_2064 : i32
    %mul3A_2066 = arith.constant 81 : i32
    %mul3A_2067 = arith.muli %shift_right_arithmetic3A_2065, %mul3A_2066 : i32
    %shift_right_arithmetic3A_2068 = arith.constant 7 : i32
    %shift_right_arithmetic3A_2069 = vector.broadcast %shift_right_arithmetic3A_2068 : i32 to vector<16xi32>
    %shift_right_arithmetic3A_2070 = arith.shrsi %add3A_2063, %shift_right_arithmetic3A_2069 : vector<16xi32>
    %add3A_2071 = vector.broadcast %mul3A_2067 : i32 to vector<16xi32>
    %add3A_2072 = arith.addi %add3A_2071, %shift_right_arithmetic3A_2070 : vector<16xi32>
    %mul3A_2073 = arith.constant 1024 : i32
    %mul3A_2074 = vector.broadcast %mul3A_2073 : i32 to vector<16xi32>
    %mul3A_2075 = arith.muli %add3A_2072, %mul3A_2074 : vector<16xi32>
    %and3A_2076 = arith.constant 7 : i32
    %and3A_2077 = arith.andi %add3A_2060, %and3A_2076 : i32
    %shift_left3A_2078 = arith.constant 7 : i32
    %shift_left3A_2079 = arith.shli %and3A_2077, %shift_left3A_2078 : i32
    %add3A_2080 = vector.broadcast %shift_left3A_2079 : i32 to vector<16xi32>
    %add3A_2081 = arith.addi %mul3A_2075, %add3A_2080 : vector<16xi32>
    %and3A_2082 = arith.constant 127 : i32
    %and3A_2083 = vector.broadcast %and3A_2082 : i32 to vector<16xi32>
    %and3A_2084 = arith.andi %add3A_2063, %and3A_2083 : vector<16xi32>
    %add3A_2085 = arith.addi %add3A_2081, %and3A_2084 : vector<16xi32>
    %swap3A_2086 = arith.constant 28 : i32
    %swap3A_2087 = arith.index_cast %swap3A_2086 : i32 to index
    %swap3A_2088 = arith.constant 80 : index
    %swap3A_2089 = tpu.vector_load %arg14[%swap3A_2087, %swap3A_2088] {strides = array<i32>} : memref<29x128xi32, #tpu.memory_space<vmem>>, vector<1x16xi32>,
    %swap3A_2090 = vector.shape_cast %swap3A_2089 : vector<1x16xi32> to vector<16xi32>
    %swap3A_2091 = vector.shape_cast %add3A_2085 : vector<16xi32> to vector<1x16xi32>
    tpu.vector_store %arg14[%swap3A_2087, %swap3A_2088], %swap3A_2091 {strides = array<i32>} : memref<29x128xi32, #tpu.memory_space<vmem>>, vector<1x16xi32>,
    %add3A_2092 = arith.constant 45 : i32
    %add3A_2093 = arith.addi %mul3A_2, %add3A_2092 : i32
    %add3A_2094 = arith.constant 10320 : i32
    %add3A_2095 = vector.broadcast %add3A_2094 : i32 to vector<16xi32>
    %add3A_2096 = arith.addi %add3A_2095, %iota3A : vector<16xi32>
    %shift_right_arithmetic3A_2097 = arith.constant 3 : i32
    %shift_right_arithmetic3A_2098 = arith.shrsi %add3A_2093, %shift_right_arithmetic3A_2097 : i32
    %mul3A_2099 = arith.constant 81 : i32
    %mul3A_2100 = arith.muli %shift_right_arithmetic3A_2098, %mul3A_2099 : i32
    %shift_right_arithmetic3A_2101 = arith.constant 7 : i32
    %shift_right_arithmetic3A_2102 = vector.broadcast %shift_right_arithmetic3A_2101 : i32 to vector<16xi32>
    %shift_right_arithmetic3A_2103 = arith.shrsi %add3A_2096, %shift_right_arithmetic3A_2102 : vector<16xi32>
    %add3A_2104 = vector.broadcast %mul3A_2100 : i32 to vector<16xi32>
    %add3A_2105 = arith.addi %add3A_2104, %shift_right_arithmetic3A_2103 : vector<16xi32>
    %mul3A_2106 = arith.constant 1024 : i32
    %mul3A_2107 = vector.broadcast %mul3A_2106 : i32 to vector<16xi32>
    %mul3A_2108 = arith.muli %add3A_2105, %mul3A_2107 : vector<16xi32>
    %and3A_2109 = arith.constant 7 : i32
    %and3A_2110 = arith.andi %add3A_2093, %and3A_2109 : i32
    %shift_left3A_2111 = arith.constant 7 : i32
    %shift_left3A_2112 = arith.shli %and3A_2110, %shift_left3A_2111 : i32
    %add3A_2113 = vector.broadcast %shift_left3A_2112 : i32 to vector<16xi32>
    %add3A_2114 = arith.addi %mul3A_2108, %add3A_2113 : vector<16xi32>
    %and3A_2115 = arith.constant 127 : i32
    %and3A_2116 = vector.broadcast %and3A_2115 : i32 to vector<16xi32>
    %and3A_2117 = arith.andi %add3A_2096, %and3A_2116 : vector<16xi32>
    %add3A_2118 = arith.addi %add3A_2114, %and3A_2117 : vector<16xi32>
    %swap3A_2119 = arith.constant 28 : i32
    %swap3A_2120 = arith.index_cast %swap3A_2119 : i32 to index
    %swap3A_2121 = arith.constant 96 : index
    %swap3A_2122 = tpu.vector_load %arg14[%swap3A_2120, %swap3A_2121] {strides = array<i32>} : memref<29x128xi32, #tpu.memory_space<vmem>>, vector<1x16xi32>,
    %swap3A_2123 = vector.shape_cast %swap3A_2122 : vector<1x16xi32> to vector<16xi32>
    %swap3A_2124 = vector.shape_cast %add3A_2118 : vector<16xi32> to vector<1x16xi32>
    tpu.vector_store %arg14[%swap3A_2120, %swap3A_2121], %swap3A_2124 {strides = array<i32>} : memref<29x128xi32, #tpu.memory_space<vmem>>, vector<1x16xi32>,
    %add3A_2125 = arith.constant 46 : i32
    %add3A_2126 = arith.addi %mul3A_2, %add3A_2125 : i32
    %add3A_2127 = arith.constant 10320 : i32
    %add3A_2128 = vector.broadcast %add3A_2127 : i32 to vector<16xi32>
    %add3A_2129 = arith.addi %add3A_2128, %iota3A : vector<16xi32>
    %shift_right_arithmetic3A_2130 = arith.constant 3 : i32
    %shift_right_arithmetic3A_2131 = arith.shrsi %add3A_2126, %shift_right_arithmetic3A_2130 : i32
    %mul3A_2132 = arith.constant 81 : i32
    %mul3A_2133 = arith.muli %shift_right_arithmetic3A_2131, %mul3A_2132 : i32
    %shift_right_arithmetic3A_2134 = arith.constant 7 : i32
    %shift_right_arithmetic3A_2135 = vector.broadcast %shift_right_arithmetic3A_2134 : i32 to vector<16xi32>
    %shift_right_arithmetic3A_2136 = arith.shrsi %add3A_2129, %shift_right_arithmetic3A_2135 : vector<16xi32>
    %add3A_2137 = vector.broadcast %mul3A_2133 : i32 to vector<16xi32>
    %add3A_2138 = arith.addi %add3A_2137, %shift_right_arithmetic3A_2136 : vector<16xi32>
    %mul3A_2139 = arith.constant 1024 : i32
    %mul3A_2140 = vector.broadcast %mul3A_2139 : i32 to vector<16xi32>
    %mul3A_2141 = arith.muli %add3A_2138, %mul3A_2140 : vector<16xi32>
    %and3A_2142 = arith.constant 7 : i32
    %and3A_2143 = arith.andi %add3A_2126, %and3A_2142 : i32
    %shift_left3A_2144 = arith.constant 7 : i32
    %shift_left3A_2145 = arith.shli %and3A_2143, %shift_left3A_2144 : i32
    %add3A_2146 = vector.broadcast %shift_left3A_2145 : i32 to vector<16xi32>
    %add3A_2147 = arith.addi %mul3A_2141, %add3A_2146 : vector<16xi32>
    %and3A_2148 = arith.constant 127 : i32
    %and3A_2149 = vector.broadcast %and3A_2148 : i32 to vector<16xi32>
    %and3A_2150 = arith.andi %add3A_2129, %and3A_2149 : vector<16xi32>
    %add3A_2151 = arith.addi %add3A_2147, %and3A_2150 : vector<16xi32>
    %swap3A_2152 = arith.constant 28 : i32
    %swap3A_2153 = arith.index_cast %swap3A_2152 : i32 to index
    %swap3A_2154 = arith.constant 112 : index
    %swap3A_2155 = tpu.vector_load %arg14[%swap3A_2153, %swap3A_2154] {strides = array<i32>} : memref<29x128xi32, #tpu.memory_space<vmem>>, vector<1x16xi32>,
    %swap3A_2156 = vector.shape_cast %swap3A_2155 : vector<1x16xi32> to vector<16xi32>
    %swap3A_2157 = vector.shape_cast %add3A_2151 : vector<16xi32> to vector<1x16xi32>
    tpu.vector_store %arg14[%swap3A_2153, %swap3A_2154], %swap3A_2157 {strides = array<i32>} : memref<29x128xi32, #tpu.memory_space<vmem>>, vector<1x16xi32>,
    %scan3A_2158 = arith.constant 0 : i32
    %scan3A_2159 = arith.constant 0 : i32
    %scan3A_2160 = arith.constant 0 : i32
    %scan3A_2161 = arith.constant 157 : i32
    %scan3A_2162 = arith.addi %scan3A_2160, %scan3A_2161 : i32
    %scan3A_2163 = arith.constant 1 : i32
    scf.for %scan3A_2179 = %scan3A_2160 to %scan3A_2162 step %scan3A_2163  : i32 {
      %dma_start3A = arith.constant 0 : i32
      %dma_start3A_2180 = tpu.memref_slice %arg15[%scan3A_2159, %dma_start3A] : memref<157x128xf32, #tpu.memory_space<vmem>> -> memref<1x128xf32, #tpu.memory_space<vmem>>
      %dma_start3A_2181 = tpu.memref_squeeze %dma_start3A_2180 : memref<1x128xf32, #tpu.memory_space<vmem>> -> memref<128xf32, #tpu.memory_space<vmem>>
      %dma_start3A_2182 = arith.constant 0 : i32
      %dma_start3A_2183 = tpu.memref_slice %arg13[%scan3A_2179, %dma_start3A_2182] : memref<157x128xi32, #tpu.memory_space<vmem>> -> memref<1x128xi32, #tpu.memory_space<vmem>>
      %dma_start3A_2184 = tpu.memref_squeeze %dma_start3A_2183 : memref<1x128xi32, #tpu.memory_space<vmem>> -> memref<128xi32, #tpu.memory_space<vmem>>
      %dma_start3A_2185 = arith.constant 0 : i32
      %dma_start3A_2186 = tpu.memref_slice %arg9[%dma_start3A_2185] : memref<107495424xf32, #tpu.memory_space<hbm>> -> memref<107495424xf32, #tpu.memory_space<hbm>>
      tpu.enqueue_indirect_dma source(%dma_start3A_2181 : memref<128xf32, #tpu.memory_space<vmem>>) target(%dma_start3A_2186 : memref<107495424xf32, #tpu.memory_space<hbm>>) offsets(%dma_start3A_2184 : memref<128xi32, #tpu.memory_space<vmem>>) semaphore(%arg21 : memref<!tpu.dma_semaphore, #tpu.memory_space<semaphore_mem>>)
    }
    %scan3A_2164 = arith.constant 157 : i32
    %scan3A_2165 = arith.constant 0 : i32
    %scan3A_2166 = arith.constant 0 : i32
    %scan3A_2167 = arith.constant 0 : i32
    %scan3A_2168 = arith.constant 29 : i32
    %scan3A_2169 = arith.addi %scan3A_2167, %scan3A_2168 : i32
    %scan3A_2170 = arith.constant 1 : i32
    scf.for %scan3A_2179 = %scan3A_2167 to %scan3A_2169 step %scan3A_2170  : i32 {
      %dma_start3A = arith.constant 0 : i32
      %dma_start3A_2180 = tpu.memref_slice %arg15[%scan3A_2166, %dma_start3A] : memref<157x128xf32, #tpu.memory_space<vmem>> -> memref<1x128xf32, #tpu.memory_space<vmem>>
      %dma_start3A_2181 = tpu.memref_squeeze %dma_start3A_2180 : memref<1x128xf32, #tpu.memory_space<vmem>> -> memref<128xf32, #tpu.memory_space<vmem>>
      %dma_start3A_2182 = arith.constant 0 : i32
      %dma_start3A_2183 = tpu.memref_slice %arg14[%scan3A_2179, %dma_start3A_2182] : memref<29x128xi32, #tpu.memory_space<vmem>> -> memref<1x128xi32, #tpu.memory_space<vmem>>
      %dma_start3A_2184 = tpu.memref_squeeze %dma_start3A_2183 : memref<1x128xi32, #tpu.memory_space<vmem>> -> memref<128xi32, #tpu.memory_space<vmem>>
      %dma_start3A_2185 = arith.constant 0 : i32
      %dma_start3A_2186 = tpu.memref_slice %arg9[%dma_start3A_2185] : memref<107495424xf32, #tpu.memory_space<hbm>> -> memref<107495424xf32, #tpu.memory_space<hbm>>
      tpu.enqueue_indirect_dma source(%dma_start3A_2181 : memref<128xf32, #tpu.memory_space<vmem>>) target(%dma_start3A_2186 : memref<107495424xf32, #tpu.memory_space<hbm>>) offsets(%dma_start3A_2184 : memref<128xi32, #tpu.memory_space<vmem>>) semaphore(%arg21 : memref<!tpu.dma_semaphore, #tpu.memory_space<semaphore_mem>>)
    }
    %scan3A_2171 = arith.constant 29 : i32
    %scan3A_2172 = arith.constant 0 : i32
    %scan3A_2173 = arith.constant 0 : i32
    %scan3A_2174 = arith.constant 0 : i32
    %scan3A_2175 = arith.constant 186 : i32
    %scan3A_2176 = arith.addi %scan3A_2174, %scan3A_2175 : i32
    %scan3A_2177 = arith.constant 1 : i32
    scf.for %scan3A_2179 = %scan3A_2174 to %scan3A_2176 step %scan3A_2177  : i32 {
      %dma_wait3A = arith.constant 0 : i32
      %dma_wait3A_2180 = arith.constant 0 : i32
      %dma_wait3A_2181 = tpu.memref_slice %arg15[%scan3A_2173, %dma_wait3A_2180] : memref<157x128xf32, #tpu.memory_space<vmem>> -> memref<1x128xf32, #tpu.memory_space<vmem>>
      %dma_wait3A_2182 = tpu.memref_squeeze %dma_wait3A_2181 : memref<1x128xf32, #tpu.memory_space<vmem>> -> memref<128xf32, #tpu.memory_space<vmem>>
      %dma_wait3A_2183 = arith.constant 0 : i32
      %dma_wait3A_2184 = tpu.memref_slice %arg13[%dma_wait3A, %dma_wait3A_2183] : memref<157x128xi32, #tpu.memory_space<vmem>> -> memref<1x128xi32, #tpu.memory_space<vmem>>
      %dma_wait3A_2185 = tpu.memref_squeeze %dma_wait3A_2184 : memref<1x128xi32, #tpu.memory_space<vmem>> -> memref<128xi32, #tpu.memory_space<vmem>>
      %dma_wait3A_2186 = arith.constant 0 : i32
      %dma_wait3A_2187 = tpu.memref_slice %arg9[%dma_wait3A_2186] : memref<107495424xf32, #tpu.memory_space<hbm>> -> memref<107495424xf32, #tpu.memory_space<hbm>>
      tpu.wait_indirect_dma semaphore(%arg21 : memref<!tpu.dma_semaphore, #tpu.memory_space<semaphore_mem>>) src(%dma_wait3A_2182 : memref<128xf32, #tpu.memory_space<vmem>>) dst(%dma_wait3A_2187 : memref<107495424xf32, #tpu.memory_space<hbm>>)
    }
    %scan3A_2178 = arith.constant 186 : i32
    return
  }
}

module attributes {stable_mosaic.version = 14 : i64} {
  func.func @_sim_body(%arg0: i32, %arg1: memref<8x128xf32, #tpu.memory_space<vmem>>, %arg2: memref<1280x128xf32, #tpu.memory_space<vmem>>, %arg3: memref<8x1280xf32, #tpu.memory_space<vmem>>, %arg4: memref<8x128xf32, #tpu.memory_space<vmem>>) attributes {dimension_semantics = [#tpu.dimension_semantics<arbitrary>], iteration_bounds = array<i64: 8>, scalar_prefetch = 0 : i64, scratch_operands = 0 : i64, tpu.core_type = #tpu.core_type<tc>, window_params = [{pipeline_mode = #tpu.pipeline_mode<synchronous>, transform_indices = @transform_0, window_bounds = array<i64: 8, 128>}, {transform_indices = @transform_1, window_bounds = array<i64: 1280, 128>}, {transform_indices = @transform_2, window_bounds = array<i64: 8, 1280>}, {pipeline_mode = #tpu.pipeline_mode<synchronous>, transform_indices = @transform_3, window_bounds = array<i64: 8, 128>}]} {
    %get3A = arith.constant 0 : index
    %get3A_0 = arith.constant 0 : index
    %get3A_1 = vector.load %arg1[%get3A, %get3A_0] : memref<8x128xf32, #tpu.memory_space<vmem>>, vector<8x128xf32>
    %get3A_2 = arith.constant 0 : index
    %get3A_3 = arith.constant 0 : index
    %get3A_4 = vector.load %arg2[%get3A_2, %get3A_3] : memref<1280x128xf32, #tpu.memory_space<vmem>>, vector<1280x128xf32>
    %dot_general3A = arith.constant dense<0.000000e+00> : vector<8x1280xf32>
    %dot_general3A_5 = tpu.matmul %get3A_1, %get3A_4, %dot_general3A {dimension_numbers = #tpu.dot_dimension_numbers<[1], [1], [0], [0], [0, 0, 1, 0], [], []>, transpose_lhs_hint = false} : vector<8x128xf32>, vector<1280x128xf32>, vector<8x1280xf32> -> vector<8x1280xf32>
    %mul3A = arith.constant 1280 : i32
    %mul3A_6 = arith.muli %arg0, %mul3A : i32
    %iota3A = tpu.iota {dimensions = array<i32: 1>} : vector<8x1280xi32>
    %add3A = vector.broadcast %mul3A_6 : i32 to vector<8x1280xi32>
    %add3A_7 = arith.addi %add3A, %iota3A : vector<8x1280xi32>
    %lt3A = arith.constant 10000 : i32
    %lt3A_8 = vector.broadcast %lt3A : i32 to vector<8x1280xi32>
    %lt3A_9 = arith.cmpi slt, %add3A_7, %lt3A_8 : vector<8x1280xi32>
    %jit3A = arith.constant -1.000000e+00 : f32
    %broadcast_in_dim3A = vector.broadcast %jit3A : f32 to vector<8x1280xf32>
    %select_n3A = arith.select %lt3A_9, %dot_general3A_5, %broadcast_in_dim3A : vector<8x1280xi1>, vector<8x1280xf32>
    %swap3A = arith.constant 0 : index
    %swap3A_10 = arith.constant 0 : index
    %swap3A_11 = vector.load %arg3[%swap3A, %swap3A_10] : memref<8x1280xf32, #tpu.memory_space<vmem>>, vector<8x1280xf32>
    tpu.vector_store %arg3[%swap3A, %swap3A_10], %select_n3A {strides = array<i32>} : memref<8x1280xf32, #tpu.memory_space<vmem>>, vector<8x1280xf32>,
    %eq3A = arith.constant 0 : i32
    %eq3A_12 = arith.cmpi eq, %arg0, %eq3A : i32
    %convert_element_type3A = arith.extui %eq3A_12 : i1 to i32
    %cond3A = arith.constant 0 : i32
    %cond3A_13 = arith.cmpi ne, %convert_element_type3A, %cond3A : i32
    scf.if %cond3A_13 {
      %dot_general3A_14 = arith.constant dense<0.000000e+00> : vector<8x8xf32>
      %dot_general3A_15 = tpu.matmul %get3A_1, %get3A_1, %dot_general3A_14 {dimension_numbers = #tpu.dot_dimension_numbers<[1], [1], [0], [0], [0, 0, 1, 0], [], []>, transpose_lhs_hint = false} : vector<8x128xf32>, vector<8x128xf32>, vector<8x8xf32> -> vector<8x8xf32>
      %broadcast_in_dim3A_16 = arith.constant 0.000000e+00 : f32
      %broadcast_in_dim3A_17 = vector.broadcast %broadcast_in_dim3A_16 : f32 to vector<8x120xf32>
      %concatenate3A = tpu.concatenate %dot_general3A_15, %broadcast_in_dim3A_17 in 1 : vector<8x8xf32>, vector<8x120xf32> -> vector<8x128xf32>
      %swap3A_18 = arith.constant 0 : index
      %swap3A_19 = arith.constant 0 : index
      %swap3A_20 = vector.load %arg4[%swap3A_18, %swap3A_19] : memref<8x128xf32, #tpu.memory_space<vmem>>, vector<8x128xf32>
      tpu.vector_store %arg4[%swap3A_18, %swap3A_19], %concatenate3A {strides = array<i32>} : memref<8x128xf32, #tpu.memory_space<vmem>>, vector<8x128xf32>,
    } else {
    }
    return
  }
  func.func @transform_0(%arg0: i32) -> (i32, i32) {
    %c0_i32 = arith.constant 0 : i32
    %c0_i32_0 = arith.constant 0 : i32
    %c0_i32_1 = arith.constant 0 : i32
    return %c0_i32, %c0_i32_0 : i32, i32
  }
  func.func @transform_1(%arg0: i32) -> (i32, i32) {
    %c0_i32 = arith.constant 0 : i32
    %c0_i32_0 = arith.constant 0 : i32
    return %arg0, %c0_i32 : i32, i32
  }
  func.func @transform_2(%arg0: i32) -> (i32, i32) {
    %c0_i32 = arith.constant 0 : i32
    %c0_i32_0 = arith.constant 0 : i32
    return %c0_i32, %arg0 : i32, i32
  }
  func.func @transform_3(%arg0: i32) -> (i32, i32) {
    %c0_i32 = arith.constant 0 : i32
    %c0_i32_0 = arith.constant 0 : i32
    %c0_i32_1 = arith.constant 0 : i32
    return %c0_i32, %c0_i32_0 : i32, i32
  }
}

module attributes {stable_mosaic.version = 14 : i64} {
  func.func @_deg_body(%arg0: i32, %arg1: i32, %arg2: memref<48x3x8x128xf32, #tpu.memory_space<vmem>>, %arg3: memref<384x1xf32, #tpu.memory_space<vmem>>, %arg4: memref<48x3x8x128xbf16, #tpu.memory_space<vmem>>, %arg5: memref<384x1xf32, #tpu.memory_space<vmem>>) attributes {dimension_semantics = [#tpu.dimension_semantics<arbitrary>, #tpu.dimension_semantics<arbitrary>], iteration_bounds = array<i64: 27, 27>, scalar_prefetch = 0 : i64, scratch_operands = 1 : i64, tpu.core_type = #tpu.core_type<tc>, window_params = [{transform_indices = @transform_0, window_bounds = array<i64: 48, 3, 8, 128>}, {transform_indices = @transform_1, window_bounds = array<i64: 384, 1>}, {transform_indices = @transform_2, window_bounds = array<i64: 48, 3, 8, 128>}]} {
    %get3A = arith.constant 0 : index
    %get3A_0 = arith.constant 0 : index
    %get3A_1 = arith.constant 0 : index
    %get3A_2 = arith.constant 0 : index
    %get3A_3 = vector.load %arg2[%get3A, %get3A_0, %get3A_1, %get3A_2] : memref<48x3x8x128xf32, #tpu.memory_space<vmem>>, vector<48x3x8x128xf32>
    %convert_element_type3A = arith.truncf %get3A_3 : vector<48x3x8x128xf32> to vector<48x3x8x128xbf16>
    %swap3A = arith.constant 0 : index
    %swap3A_4 = arith.constant 0 : index
    %swap3A_5 = arith.constant 0 : index
    %swap3A_6 = arith.constant 0 : index
    %swap3A_7 = vector.load %arg4[%swap3A, %swap3A_4, %swap3A_5, %swap3A_6] : memref<48x3x8x128xbf16, #tpu.memory_space<vmem>>, vector<48x3x8x128xbf16>
    tpu.vector_store %arg4[%swap3A, %swap3A_4, %swap3A_5, %swap3A_6], %convert_element_type3A {strides = array<i32>} : memref<48x3x8x128xbf16, #tpu.memory_space<vmem>>, vector<48x3x8x128xbf16>,
    %broadcast_in_dim3A = arith.constant 1.000000e+00 : f32
    %broadcast_in_dim3A_8 = vector.broadcast %broadcast_in_dim3A : f32 to vector<128x1xf32>
    %broadcast_in_dim3A_9 = arith.constant 0.000000e+00 : f32
    %broadcast_in_dim3A_10 = vector.broadcast %broadcast_in_dim3A_9 : f32 to vector<384x1xf32>
    %slice3A = vector.extract_strided_slice %get3A_3 {offsets = [0, 0, 0, 0], sizes = [48, 1, 8, 128], strides = [1, 1, 1, 1]} : vector<48x3x8x128xf32> to vector<48x1x8x128xf32>
    %squeeze3A = vector.shape_cast %slice3A : vector<48x1x8x128xf32> to vector<48x8x128xf32>
    %reshape3A = vector.shape_cast %squeeze3A : vector<48x8x128xf32> to vector<384x128xf32>
    %dot_general3A = arith.constant dense<0.000000e+00> : vector<384x1xf32>
    %dot_general3A_11 = tpu.matmul %reshape3A, %broadcast_in_dim3A_8, %dot_general3A {dimension_numbers = #tpu.dot_dimension_numbers<[1], [0], [0], [1], [0, 0, 1, 1], [], []>, transpose_lhs_hint = false} : vector<384x128xf32>, vector<128x1xf32>, vector<384x1xf32> -> vector<384x1xf32>
    %add3A = arith.addf %broadcast_in_dim3A_10, %dot_general3A_11 : vector<384x1xf32>
    %slice3A_12 = vector.extract_strided_slice %get3A_3 {offsets = [0, 1, 0, 0], sizes = [48, 1, 8, 128], strides = [1, 1, 1, 1]} : vector<48x3x8x128xf32> to vector<48x1x8x128xf32>
    %squeeze3A_13 = vector.shape_cast %slice3A_12 : vector<48x1x8x128xf32> to vector<48x8x128xf32>
    %reshape3A_14 = vector.shape_cast %squeeze3A_13 : vector<48x8x128xf32> to vector<384x128xf32>
    %dot_general3A_15 = arith.constant dense<0.000000e+00> : vector<384x1xf32>
    %dot_general3A_16 = tpu.matmul %reshape3A_14, %broadcast_in_dim3A_8, %dot_general3A_15 {dimension_numbers = #tpu.dot_dimension_numbers<[1], [0], [0], [1], [0, 0, 1, 1], [], []>, transpose_lhs_hint = false} : vector<384x128xf32>, vector<128x1xf32>, vector<384x1xf32> -> vector<384x1xf32>
    %add3A_17 = arith.addf %add3A, %dot_general3A_16 : vector<384x1xf32>
    %slice3A_18 = vector.extract_strided_slice %get3A_3 {offsets = [0, 2, 0, 0], sizes = [48, 1, 8, 128], strides = [1, 1, 1, 1]} : vector<48x3x8x128xf32> to vector<48x1x8x128xf32>
    %squeeze3A_19 = vector.shape_cast %slice3A_18 : vector<48x1x8x128xf32> to vector<48x8x128xf32>
    %reshape3A_20 = vector.shape_cast %squeeze3A_19 : vector<48x8x128xf32> to vector<384x128xf32>
    %dot_general3A_21 = arith.constant dense<0.000000e+00> : vector<384x1xf32>
    %dot_general3A_22 = tpu.matmul %reshape3A_20, %broadcast_in_dim3A_8, %dot_general3A_21 {dimension_numbers = #tpu.dot_dimension_numbers<[1], [0], [0], [1], [0, 0, 1, 1], [], []>, transpose_lhs_hint = false} : vector<384x128xf32>, vector<128x1xf32>, vector<384x1xf32> -> vector<384x1xf32>
    %add3A_23 = arith.addf %add3A_17, %dot_general3A_22 : vector<384x1xf32>
    %eq3A = arith.constant 0 : i32
    %eq3A_24 = arith.cmpi eq, %arg1, %eq3A : i32
    %convert_element_type3A_25 = arith.extui %eq3A_24 : i1 to i32
    %cond3A = arith.constant 0 : i32
    %cond3A_26 = arith.cmpi ne, %convert_element_type3A_25, %cond3A : i32
    scf.if %cond3A_26 {
      %broadcast_in_dim3A_39 = arith.constant 0.000000e+00 : f32
      %broadcast_in_dim3A_40 = vector.broadcast %broadcast_in_dim3A_39 : f32 to vector<384x1xf32>
      %swap3A_41 = arith.constant 0 : index
      %swap3A_42 = arith.constant 0 : index
      %swap3A_43 = vector.load %arg5[%swap3A_41, %swap3A_42] : memref<384x1xf32, #tpu.memory_space<vmem>>, vector<384x1xf32>
      tpu.vector_store %arg5[%swap3A_41, %swap3A_42], %broadcast_in_dim3A_40 {strides = array<i32>} : memref<384x1xf32, #tpu.memory_space<vmem>>, vector<384x1xf32>,
    } else {
    }
    %get3A_27 = arith.constant 0 : index
    %get3A_28 = arith.constant 0 : index
    %get3A_29 = vector.load %arg5[%get3A_27, %get3A_28] : memref<384x1xf32, #tpu.memory_space<vmem>>, vector<384x1xf32>
    %add3A_30 = arith.addf %get3A_29, %add3A_23 : vector<384x1xf32>
    %swap3A_31 = arith.constant 0 : index
    %swap3A_32 = arith.constant 0 : index
    %swap3A_33 = vector.load %arg5[%swap3A_31, %swap3A_32] : memref<384x1xf32, #tpu.memory_space<vmem>>, vector<384x1xf32>
    tpu.vector_store %arg5[%swap3A_31, %swap3A_32], %add3A_30 {strides = array<i32>} : memref<384x1xf32, #tpu.memory_space<vmem>>, vector<384x1xf32>,
    %eq3A_34 = arith.constant 26 : i32
    %eq3A_35 = arith.cmpi eq, %arg1, %eq3A_34 : i32
    %convert_element_type3A_36 = arith.extui %eq3A_35 : i1 to i32
    %cond3A_37 = arith.constant 0 : i32
    %cond3A_38 = arith.cmpi ne, %convert_element_type3A_36, %cond3A_37 : i32
    scf.if %cond3A_38 {
      %slice3A_39 = vector.extract_strided_slice %get3A_3 {offsets = [0, 2, 0, 0], sizes = [48, 1, 8, 128], strides = [1, 1, 1, 1]} : vector<48x3x8x128xf32> to vector<48x1x8x128xf32>
      %squeeze3A_40 = vector.shape_cast %slice3A_39 : vector<48x1x8x128xf32> to vector<48x8x128xf32>
      %reshape3A_41 = vector.shape_cast %squeeze3A_40 : vector<48x8x128xf32> to vector<384x128xf32>
      %slice3A_42 = vector.extract_strided_slice %reshape3A_41 {offsets = [0, 80], sizes = [384, 48], strides = [1, 1]} : vector<384x128xf32> to vector<384x48xf32>
      %reduce_sum3A = arith.constant dense<0.000000e+00> : vector<384xf32>
      %reduce_sum3A_43 = vector.multi_reduction <add>, %slice3A_42, %reduce_sum3A [1] : vector<384x48xf32> to vector<384xf32>
      %broadcast_in_dim3A_44 = vector.shape_cast %reduce_sum3A_43 : vector<384xf32> to vector<384x1xf32>
      %get3A_45 = arith.constant 0 : index
      %get3A_46 = arith.constant 0 : index
      %get3A_47 = vector.load %arg5[%get3A_45, %get3A_46] : memref<384x1xf32, #tpu.memory_space<vmem>>, vector<384x1xf32>
      %add3A_48 = arith.constant 1.000000e+00 : f32
      %add3A_49 = vector.broadcast %add3A_48 : f32 to vector<384x1xf32>
      %add3A_50 = arith.addf %get3A_47, %add3A_49 : vector<384x1xf32>
      %sub3A = arith.subf %add3A_50, %broadcast_in_dim3A_44 : vector<384x1xf32>
      %max3A = arith.constant 9.99999996E-13 : f32
      %max3A_51 = vector.broadcast %max3A : f32 to vector<384x1xf32>
      %max3A_52 = arith.maximumf %sub3A, %max3A_51 : vector<384x1xf32>
      %rsqrt3A = math.rsqrt %max3A_52 : vector<384x1xf32>
      %mul3A = arith.constant 384 : i32
      %mul3A_53 = arith.muli %arg0, %mul3A : i32
      %iota3A = tpu.iota {dimensions = array<i32: 0>} : vector<384x1xi32>
      %add3A_54 = vector.broadcast %mul3A_53 : i32 to vector<384x1xi32>
      %add3A_55 = arith.addi %add3A_54, %iota3A : vector<384x1xi32>
      %lt3A = arith.constant 10320 : i32
      %lt3A_56 = vector.broadcast %lt3A : i32 to vector<384x1xi32>
      %lt3A_57 = arith.cmpi slt, %add3A_55, %lt3A_56 : vector<384x1xi32>
      %jit3A = arith.constant 0.000000e+00 : f32
      %broadcast_in_dim3A_58 = vector.broadcast %jit3A : f32 to vector<384x1xf32>
      %select_n3A = arith.select %lt3A_57, %rsqrt3A, %broadcast_in_dim3A_58 : vector<384x1xi1>, vector<384x1xf32>
      %swap3A_59 = arith.constant 0 : index
      %swap3A_60 = arith.constant 0 : index
      %swap3A_61 = vector.load %arg3[%swap3A_59, %swap3A_60] : memref<384x1xf32, #tpu.memory_space<vmem>>, vector<384x1xf32>
      tpu.vector_store %arg3[%swap3A_59, %swap3A_60], %select_n3A {strides = array<i32>} : memref<384x1xf32, #tpu.memory_space<vmem>>, vector<384x1xf32>,
    } else {
    }
    return
  }
  func.func @transform_0(%arg0: i32, %arg1: i32) -> (i32, i32, i32, i32) {
    %c0_i32 = arith.constant 0 : i32
    %c0_i32_0 = arith.constant 0 : i32
    %c0_i32_1 = arith.constant 0 : i32
    return %arg0, %arg1, %c0_i32, %c0_i32_0 : i32, i32, i32, i32
  }
  func.func @transform_1(%arg0: i32, %arg1: i32) -> (i32, i32) {
    %c0_i32 = arith.constant 0 : i32
    %c0_i32_0 = arith.constant 0 : i32
    return %arg0, %c0_i32 : i32, i32
  }
  func.func @transform_2(%arg0: i32, %arg1: i32) -> (i32, i32, i32, i32) {
    %c0_i32 = arith.constant 0 : i32
    %c0_i32_0 = arith.constant 0 : i32
    %c0_i32_1 = arith.constant 0 : i32
    return %arg0, %arg1, %c0_i32, %c0_i32_0 : i32, i32, i32, i32
  }
}

module attributes {stable_mosaic.version = 14 : i64} {
  func.func @_agg_body(%arg0: i32, %arg1: i32, %arg2: memref<48x3x8x128xbf16, #tpu.memory_space<vmem>>, %arg3: memref<10368x128xf32, #tpu.memory_space<vmem>>, %arg4: memref<128x128xf32, #tpu.memory_space<vmem>>, %arg5: memref<10368x1xf32, #tpu.memory_space<vmem>>, %arg6: memref<1x128xf32, #tpu.memory_space<vmem>>, %arg7: memref<384x128xf32, #tpu.memory_space<vmem>>, %arg8: memref<384x128xf32, #tpu.memory_space<vmem>>, %arg9: memref<10368x128xf32, #tpu.memory_space<vmem>>) attributes {dimension_semantics = [#tpu.dimension_semantics<arbitrary>, #tpu.dimension_semantics<arbitrary>], iteration_bounds = array<i64: 27, 27>, scalar_prefetch = 0 : i64, scratch_operands = 2 : i64, tpu.core_type = #tpu.core_type<tc>, window_params = [{transform_indices = @transform_0, window_bounds = array<i64: 48, 3, 8, 128>}, {pipeline_mode = #tpu.pipeline_mode<synchronous>, transform_indices = @transform_1, window_bounds = array<i64: 10368, 128>}, {pipeline_mode = #tpu.pipeline_mode<synchronous>, transform_indices = @transform_2, window_bounds = array<i64: 128, 128>}, {pipeline_mode = #tpu.pipeline_mode<synchronous>, transform_indices = @transform_3, window_bounds = array<i64: 10368, 1>}, {pipeline_mode = #tpu.pipeline_mode<synchronous>, transform_indices = @transform_4, window_bounds = array<i64: 1, 128>}, {transform_indices = @transform_5, window_bounds = array<i64: 384, 128>}]} {
    %get3A = arith.constant 0 : index
    %get3A_0 = arith.constant 0 : index
    %get3A_1 = arith.constant 0 : index
    %get3A_2 = arith.constant 0 : index
    %get3A_3 = vector.load %arg2[%get3A, %get3A_0, %get3A_1, %get3A_2] : memref<48x3x8x128xbf16, #tpu.memory_space<vmem>>, vector<48x3x8x128xbf16>
    %eq3A = arith.constant 0 : i32
    %eq3A_4 = arith.cmpi eq, %arg0, %eq3A : i32
    %convert_element_type3A = arith.extui %eq3A_4 : i1 to i32
    %cond3A = arith.constant 0 : i32
    %cond3A_5 = arith.cmpi ne, %convert_element_type3A, %cond3A : i32
    scf.if %cond3A_5 {
      %mul3A_65 = arith.constant 384 : i32
      %mul3A_66 = arith.muli %arg1, %mul3A_65 : i32
      %get3A_67 = arith.index_cast %mul3A_66 : i32 to index
      %get3A_68 = arith.constant 0 : index
      %get3A_69 = vector.load %arg3[%get3A_67, %get3A_68] : memref<10368x128xf32, #tpu.memory_space<vmem>>, vector<384x128xf32>
      %mul3A_70 = arith.constant 384 : i32
      %mul3A_71 = arith.muli %arg1, %mul3A_70 : i32
      %get3A_72 = arith.index_cast %mul3A_71 : i32 to index
      %get3A_73 = arith.constant 0 : index
      %get3A_74 = vector.load %arg5[%get3A_72, %get3A_73] : memref<10368x1xf32, #tpu.memory_space<vmem>>, vector<384x1xf32>
      %get3A_75 = arith.constant 0 : index
      %get3A_76 = arith.constant 0 : index
      %get3A_77 = vector.load %arg4[%get3A_75, %get3A_76] : memref<128x128xf32, #tpu.memory_space<vmem>>, vector<128x128xf32>
      %dot_general3A_78 = arith.constant dense<0.000000e+00> : vector<384x128xf32>
      %dot_general3A_79 = tpu.matmul %get3A_69, %get3A_77, %dot_general3A_78 {dimension_numbers = #tpu.dot_dimension_numbers<[1], [0], [0], [1], [0, 0, 1, 1], [], []>, transpose_lhs_hint = false} : vector<384x128xf32>, vector<128x128xf32>, vector<384x128xf32> -> vector<384x128xf32>
      %mul3A_80 = vector.broadcast %get3A_74 : vector<384x1xf32> to vector<384x128xf32>
      %mul3A_81 = arith.mulf %dot_general3A_79, %mul3A_80 : vector<384x128xf32>
      %mul3A_82 = arith.constant 384 : i32
      %mul3A_83 = arith.muli %arg1, %mul3A_82 : i32
      %swap3A_84 = arith.index_cast %mul3A_83 : i32 to index
      %swap3A_85 = arith.constant 0 : index
      %swap3A_86 = vector.load %arg9[%swap3A_84, %swap3A_85] : memref<10368x128xf32, #tpu.memory_space<vmem>>, vector<384x128xf32>
      tpu.vector_store %arg9[%swap3A_84, %swap3A_85], %mul3A_81 {strides = array<i32>} : memref<10368x128xf32, #tpu.memory_space<vmem>>, vector<384x128xf32>,
    } else {
    }
    %eq3A_6 = arith.constant 0 : i32
    %eq3A_7 = arith.cmpi eq, %arg1, %eq3A_6 : i32
    %convert_element_type3A_8 = arith.extui %eq3A_7 : i1 to i32
    %cond3A_9 = arith.constant 0 : i32
    %cond3A_10 = arith.cmpi ne, %convert_element_type3A_8, %cond3A_9 : i32
    scf.if %cond3A_10 {
      %broadcast_in_dim3A_65 = arith.constant 0.000000e+00 : f32
      %broadcast_in_dim3A_66 = vector.broadcast %broadcast_in_dim3A_65 : f32 to vector<384x128xf32>
      %swap3A_67 = arith.constant 0 : index
      %swap3A_68 = arith.constant 0 : index
      %swap3A_69 = vector.load %arg8[%swap3A_67, %swap3A_68] : memref<384x128xf32, #tpu.memory_space<vmem>>, vector<384x128xf32>
      tpu.vector_store %arg8[%swap3A_67, %swap3A_68], %broadcast_in_dim3A_66 {strides = array<i32>} : memref<384x128xf32, #tpu.memory_space<vmem>>, vector<384x128xf32>,
    } else {
    }
    %broadcast_in_dim3A = arith.constant 0.000000e+00 : f32
    %broadcast_in_dim3A_11 = vector.broadcast %broadcast_in_dim3A : f32 to vector<384x128xf32>
    %slice3A = vector.extract_strided_slice %get3A_3 {offsets = [0, 0, 0, 0], sizes = [48, 1, 8, 128], strides = [1, 1, 1, 1]} : vector<48x3x8x128xbf16> to vector<48x1x8x128xbf16>
    %squeeze3A = vector.shape_cast %slice3A : vector<48x1x8x128xbf16> to vector<48x8x128xbf16>
    %reshape3A = vector.shape_cast %squeeze3A : vector<48x8x128xbf16> to vector<384x128xbf16>
    %mul3A = arith.constant 3 : i32
    %mul3A_12 = arith.muli %arg1, %mul3A : i32
    %add3A = arith.constant 0 : i32
    %add3A_13 = arith.addi %mul3A_12, %add3A : i32
    %mul3A_14 = arith.constant 128 : i32
    %mul3A_15 = arith.muli %add3A_13, %mul3A_14 : i32
    %get3A_16 = arith.index_cast %mul3A_15 : i32 to index
    %get3A_17 = arith.constant 0 : index
    %get3A_18 = vector.load %arg9[%get3A_16, %get3A_17] : memref<10368x128xf32, #tpu.memory_space<vmem>>, vector<128x128xf32>
    %convert_element_type3A_19 = arith.truncf %get3A_18 : vector<128x128xf32> to vector<128x128xbf16>
    %dot_general3A = arith.constant dense<0.000000e+00> : vector<384x128xf32>
    %dot_general3A_20 = tpu.matmul %reshape3A, %convert_element_type3A_19, %dot_general3A {dimension_numbers = #tpu.dot_dimension_numbers<[1], [0], [0], [1], [0, 0, 1, 1], [], []>, transpose_lhs_hint = false} : vector<384x128xbf16>, vector<128x128xbf16>, vector<384x128xf32> -> vector<384x128xf32>
    %add3A_21 = arith.addf %broadcast_in_dim3A_11, %dot_general3A_20 : vector<384x128xf32>
    %slice3A_22 = vector.extract_strided_slice %get3A_3 {offsets = [0, 1, 0, 0], sizes = [48, 1, 8, 128], strides = [1, 1, 1, 1]} : vector<48x3x8x128xbf16> to vector<48x1x8x128xbf16>
    %squeeze3A_23 = vector.shape_cast %slice3A_22 : vector<48x1x8x128xbf16> to vector<48x8x128xbf16>
    %reshape3A_24 = vector.shape_cast %squeeze3A_23 : vector<48x8x128xbf16> to vector<384x128xbf16>
    %mul3A_25 = arith.constant 3 : i32
    %mul3A_26 = arith.muli %arg1, %mul3A_25 : i32
    %add3A_27 = arith.constant 1 : i32
    %add3A_28 = arith.addi %mul3A_26, %add3A_27 : i32
    %mul3A_29 = arith.constant 128 : i32
    %mul3A_30 = arith.muli %add3A_28, %mul3A_29 : i32
    %get3A_31 = arith.index_cast %mul3A_30 : i32 to index
    %get3A_32 = arith.constant 0 : index
    %get3A_33 = vector.load %arg9[%get3A_31, %get3A_32] : memref<10368x128xf32, #tpu.memory_space<vmem>>, vector<128x128xf32>
    %convert_element_type3A_34 = arith.truncf %get3A_33 : vector<128x128xf32> to vector<128x128xbf16>
    %dot_general3A_35 = arith.constant dense<0.000000e+00> : vector<384x128xf32>
    %dot_general3A_36 = tpu.matmul %reshape3A_24, %convert_element_type3A_34, %dot_general3A_35 {dimension_numbers = #tpu.dot_dimension_numbers<[1], [0], [0], [1], [0, 0, 1, 1], [], []>, transpose_lhs_hint = false} : vector<384x128xbf16>, vector<128x128xbf16>, vector<384x128xf32> -> vector<384x128xf32>
    %add3A_37 = arith.addf %add3A_21, %dot_general3A_36 : vector<384x128xf32>
    %slice3A_38 = vector.extract_strided_slice %get3A_3 {offsets = [0, 2, 0, 0], sizes = [48, 1, 8, 128], strides = [1, 1, 1, 1]} : vector<48x3x8x128xbf16> to vector<48x1x8x128xbf16>
    %squeeze3A_39 = vector.shape_cast %slice3A_38 : vector<48x1x8x128xbf16> to vector<48x8x128xbf16>
    %reshape3A_40 = vector.shape_cast %squeeze3A_39 : vector<48x8x128xbf16> to vector<384x128xbf16>
    %mul3A_41 = arith.constant 3 : i32
    %mul3A_42 = arith.muli %arg1, %mul3A_41 : i32
    %add3A_43 = arith.constant 2 : i32
    %add3A_44 = arith.addi %mul3A_42, %add3A_43 : i32
    %mul3A_45 = arith.constant 128 : i32
    %mul3A_46 = arith.muli %add3A_44, %mul3A_45 : i32
    %get3A_47 = arith.index_cast %mul3A_46 : i32 to index
    %get3A_48 = arith.constant 0 : index
    %get3A_49 = vector.load %arg9[%get3A_47, %get3A_48] : memref<10368x128xf32, #tpu.memory_space<vmem>>, vector<128x128xf32>
    %convert_element_type3A_50 = arith.truncf %get3A_49 : vector<128x128xf32> to vector<128x128xbf16>
    %dot_general3A_51 = arith.constant dense<0.000000e+00> : vector<384x128xf32>
    %dot_general3A_52 = tpu.matmul %reshape3A_40, %convert_element_type3A_50, %dot_general3A_51 {dimension_numbers = #tpu.dot_dimension_numbers<[1], [0], [0], [1], [0, 0, 1, 1], [], []>, transpose_lhs_hint = false} : vector<384x128xbf16>, vector<128x128xbf16>, vector<384x128xf32> -> vector<384x128xf32>
    %add3A_53 = arith.addf %add3A_37, %dot_general3A_52 : vector<384x128xf32>
    %get3A_54 = arith.constant 0 : index
    %get3A_55 = arith.constant 0 : index
    %get3A_56 = vector.load %arg8[%get3A_54, %get3A_55] : memref<384x128xf32, #tpu.memory_space<vmem>>, vector<384x128xf32>
    %add3A_57 = arith.addf %get3A_56, %add3A_53 : vector<384x128xf32>
    %swap3A = arith.constant 0 : index
    %swap3A_58 = arith.constant 0 : index
    %swap3A_59 = vector.load %arg8[%swap3A, %swap3A_58] : memref<384x128xf32, #tpu.memory_space<vmem>>, vector<384x128xf32>
    tpu.vector_store %arg8[%swap3A, %swap3A_58], %add3A_57 {strides = array<i32>} : memref<384x128xf32, #tpu.memory_space<vmem>>, vector<384x128xf32>,
    %eq3A_60 = arith.constant 26 : i32
    %eq3A_61 = arith.cmpi eq, %arg1, %eq3A_60 : i32
    %convert_element_type3A_62 = arith.extui %eq3A_61 : i1 to i32
    %cond3A_63 = arith.constant 0 : i32
    %cond3A_64 = arith.cmpi ne, %convert_element_type3A_62, %cond3A_63 : i32
    scf.if %cond3A_64 {
      %mul3A_65 = arith.constant 384 : i32
      %mul3A_66 = arith.muli %arg0, %mul3A_65 : i32
      %get3A_67 = arith.index_cast %mul3A_66 : i32 to index
      %get3A_68 = arith.constant 0 : index
      %get3A_69 = vector.load %arg9[%get3A_67, %get3A_68] : memref<10368x128xf32, #tpu.memory_space<vmem>>, vector<384x128xf32>
      %get3A_70 = arith.constant 0 : index
      %get3A_71 = arith.constant 0 : index
      %get3A_72 = vector.load %arg8[%get3A_70, %get3A_71] : memref<384x128xf32, #tpu.memory_space<vmem>>, vector<384x128xf32>
      %add3A_73 = arith.addf %get3A_72, %get3A_69 : vector<384x128xf32>
      %mul3A_74 = arith.constant 384 : i32
      %mul3A_75 = arith.muli %arg0, %mul3A_74 : i32
      %get3A_76 = arith.index_cast %mul3A_75 : i32 to index
      %get3A_77 = arith.constant 0 : index
      %get3A_78 = vector.load %arg5[%get3A_76, %get3A_77] : memref<10368x1xf32, #tpu.memory_space<vmem>>, vector<384x1xf32>
      %mul3A_79 = vector.broadcast %get3A_78 : vector<384x1xf32> to vector<384x128xf32>
      %mul3A_80 = arith.mulf %add3A_73, %mul3A_79 : vector<384x128xf32>
      %get3A_81 = arith.constant 0 : index
      %get3A_82 = arith.constant 0 : index
      %get3A_83 = vector.load %arg6[%get3A_81, %get3A_82] : memref<1x128xf32, #tpu.memory_space<vmem>>, vector<1x128xf32>
      %add3A_84 = vector.broadcast %get3A_83 : vector<1x128xf32> to vector<384x128xf32>
      %add3A_85 = arith.addf %mul3A_80, %add3A_84 : vector<384x128xf32>
      %ge3A = arith.constant 0.000000e+00 : f32
      %ge3A_86 = vector.broadcast %ge3A : f32 to vector<384x128xf32>
      %ge3A_87 = arith.cmpf oge, %add3A_85, %ge3A_86 : vector<384x128xf32>
      %mul3A_88 = arith.constant 0.00999999977 : f32
      %mul3A_89 = vector.broadcast %mul3A_88 : f32 to vector<384x128xf32>
      %mul3A_90 = arith.mulf %mul3A_89, %add3A_85 : vector<384x128xf32>
      %select_n3A = arith.select %ge3A_87, %add3A_85, %mul3A_90 : vector<384x128xi1>, vector<384x128xf32>
      %swap3A_91 = arith.constant 0 : index
      %swap3A_92 = arith.constant 0 : index
      %swap3A_93 = vector.load %arg7[%swap3A_91, %swap3A_92] : memref<384x128xf32, #tpu.memory_space<vmem>>, vector<384x128xf32>
      tpu.vector_store %arg7[%swap3A_91, %swap3A_92], %select_n3A {strides = array<i32>} : memref<384x128xf32, #tpu.memory_space<vmem>>, vector<384x128xf32>,
    } else {
    }
    return
  }
  func.func @transform_0(%arg0: i32, %arg1: i32) -> (i32, i32, i32, i32) {
    %c0_i32 = arith.constant 0 : i32
    %c0_i32_0 = arith.constant 0 : i32
    %c0_i32_1 = arith.constant 0 : i32
    return %arg0, %arg1, %c0_i32, %c0_i32_0 : i32, i32, i32, i32
  }
  func.func @transform_1(%arg0: i32, %arg1: i32) -> (i32, i32) {
    %c0_i32 = arith.constant 0 : i32
    %c0_i32_0 = arith.constant 0 : i32
    %c0_i32_1 = arith.constant 0 : i32
    return %c0_i32, %c0_i32_0 : i32, i32
  }
  func.func @transform_2(%arg0: i32, %arg1: i32) -> (i32, i32) {
    %c0_i32 = arith.constant 0 : i32
    %c0_i32_0 = arith.constant 0 : i32
    %c0_i32_1 = arith.constant 0 : i32
    return %c0_i32, %c0_i32_0 : i32, i32
  }
  func.func @transform_3(%arg0: i32, %arg1: i32) -> (i32, i32) {
    %c0_i32 = arith.constant 0 : i32
    %c0_i32_0 = arith.constant 0 : i32
    %c0_i32_1 = arith.constant 0 : i32
    return %c0_i32, %c0_i32_0 : i32, i32
  }
  func.func @transform_4(%arg0: i32, %arg1: i32) -> (i32, i32) {
    %c0_i32 = arith.constant 0 : i32
    %c0_i32_0 = arith.constant 0 : i32
    %c0_i32_1 = arith.constant 0 : i32
    return %c0_i32, %c0_i32_0 : i32, i32
  }
  func.func @transform_5(%arg0: i32, %arg1: i32) -> (i32, i32) {
    %c0_i32 = arith.constant 0 : i32
    %c0_i32_0 = arith.constant 0 : i32
    return %arg0, %c0_i32 : i32, i32
  }
}

module attributes {stable_mosaic.version = 14 : i64} {
  func.func @_agg_pool_body(%arg0: i32, %arg1: i32, %arg2: memref<48x3x8x128xbf16, #tpu.memory_space<vmem>>, %arg3: memref<10368x128xf32, #tpu.memory_space<vmem>>, %arg4: memref<128x128xf32, #tpu.memory_space<vmem>>, %arg5: memref<10368x1xf32, #tpu.memory_space<vmem>>, %arg6: memref<1x128xf32, #tpu.memory_space<vmem>>, %arg7: memref<1x384xi32, #tpu.memory_space<vmem>>, %arg8: memref<128x128xf32, #tpu.memory_space<vmem>>, %arg9: memref<1x128xf32, #tpu.memory_space<vmem>>, %arg10: memref<384x128xf32, #tpu.memory_space<vmem>>, %arg11: memref<64x128xf32, #tpu.memory_space<vmem>>, %arg12: memref<384x128xf32, #tpu.memory_space<vmem>>, %arg13: memref<10368x128xf32, #tpu.memory_space<vmem>>, %arg14: memref<64x128xf32, #tpu.memory_space<vmem>>, %arg15: memref<64x1xf32, #tpu.memory_space<vmem>>) attributes {dimension_semantics = [#tpu.dimension_semantics<arbitrary>, #tpu.dimension_semantics<arbitrary>], iteration_bounds = array<i64: 27, 27>, scalar_prefetch = 0 : i64, scratch_operands = 4 : i64, tpu.core_type = #tpu.core_type<tc>, window_params = [{transform_indices = @transform_0, window_bounds = array<i64: 48, 3, 8, 128>}, {pipeline_mode = #tpu.pipeline_mode<synchronous>, transform_indices = @transform_1, window_bounds = array<i64: 10368, 128>}, {pipeline_mode = #tpu.pipeline_mode<synchronous>, transform_indices = @transform_2, window_bounds = array<i64: 128, 128>}, {pipeline_mode = #tpu.pipeline_mode<synchronous>, transform_indices = @transform_3, window_bounds = array<i64: 10368, 1>}, {pipeline_mode = #tpu.pipeline_mode<synchronous>, transform_indices = @transform_4, window_bounds = array<i64: 1, 128>}, {transform_indices = @transform_5, window_bounds = array<i64: 1, 384>}, {pipeline_mode = #tpu.pipeline_mode<synchronous>, transform_indices = @transform_6, window_bounds = array<i64: 128, 128>}, {pipeline_mode = #tpu.pipeline_mode<synchronous>, transform_indices = @transform_7, window_bounds = array<i64: 1, 128>}, {transform_indices = @transform_8, window_bounds = array<i64: 384, 128>}, {pipeline_mode = #tpu.pipeline_mode<synchronous>, transform_indices = @transform_9, window_bounds = array<i64: 64, 128>}]} {
    %get3A = arith.constant 0 : index
    %get3A_0 = arith.constant 0 : index
    %get3A_1 = arith.constant 0 : index
    %get3A_2 = arith.constant 0 : index
    %get3A_3 = vector.load %arg2[%get3A, %get3A_0, %get3A_1, %get3A_2] : memref<48x3x8x128xbf16, #tpu.memory_space<vmem>>, vector<48x3x8x128xbf16>
    %eq3A = arith.constant 0 : i32
    %eq3A_4 = arith.cmpi eq, %arg0, %eq3A : i32
    %convert_element_type3A = arith.extui %eq3A_4 : i1 to i32
    %cond3A = arith.constant 0 : i32
    %cond3A_5 = arith.cmpi ne, %convert_element_type3A, %cond3A : i32
    scf.if %cond3A_5 {
      %mul3A_65 = arith.constant 384 : i32
      %mul3A_66 = arith.muli %arg1, %mul3A_65 : i32
      %get3A_67 = arith.index_cast %mul3A_66 : i32 to index
      %get3A_68 = arith.constant 0 : index
      %get3A_69 = vector.load %arg3[%get3A_67, %get3A_68] : memref<10368x128xf32, #tpu.memory_space<vmem>>, vector<384x128xf32>
      %mul3A_70 = arith.constant 384 : i32
      %mul3A_71 = arith.muli %arg1, %mul3A_70 : i32
      %get3A_72 = arith.index_cast %mul3A_71 : i32 to index
      %get3A_73 = arith.constant 0 : index
      %get3A_74 = vector.load %arg5[%get3A_72, %get3A_73] : memref<10368x1xf32, #tpu.memory_space<vmem>>, vector<384x1xf32>
      %get3A_75 = arith.constant 0 : index
      %get3A_76 = arith.constant 0 : index
      %get3A_77 = vector.load %arg4[%get3A_75, %get3A_76] : memref<128x128xf32, #tpu.memory_space<vmem>>, vector<128x128xf32>
      %dot_general3A_78 = arith.constant dense<0.000000e+00> : vector<384x128xf32>
      %dot_general3A_79 = tpu.matmul %get3A_69, %get3A_77, %dot_general3A_78 {dimension_numbers = #tpu.dot_dimension_numbers<[1], [0], [0], [1], [0, 0, 1, 1], [], []>, transpose_lhs_hint = false} : vector<384x128xf32>, vector<128x128xf32>, vector<384x128xf32> -> vector<384x128xf32>
      %mul3A_80 = vector.broadcast %get3A_74 : vector<384x1xf32> to vector<384x128xf32>
      %mul3A_81 = arith.mulf %dot_general3A_79, %mul3A_80 : vector<384x128xf32>
      %mul3A_82 = arith.constant 384 : i32
      %mul3A_83 = arith.muli %arg1, %mul3A_82 : i32
      %swap3A_84 = arith.index_cast %mul3A_83 : i32 to index
      %swap3A_85 = arith.constant 0 : index
      %swap3A_86 = vector.load %arg13[%swap3A_84, %swap3A_85] : memref<10368x128xf32, #tpu.memory_space<vmem>>, vector<384x128xf32>
      tpu.vector_store %arg13[%swap3A_84, %swap3A_85], %mul3A_81 {strides = array<i32>} : memref<10368x128xf32, #tpu.memory_space<vmem>>, vector<384x128xf32>,
    } else {
    }
    %eq3A_6 = arith.constant 0 : i32
    %eq3A_7 = arith.cmpi eq, %arg1, %eq3A_6 : i32
    %convert_element_type3A_8 = arith.extui %eq3A_7 : i1 to i32
    %cond3A_9 = arith.constant 0 : i32
    %cond3A_10 = arith.cmpi ne, %convert_element_type3A_8, %cond3A_9 : i32
    scf.if %cond3A_10 {
      %broadcast_in_dim3A_65 = arith.constant 0.000000e+00 : f32
      %broadcast_in_dim3A_66 = vector.broadcast %broadcast_in_dim3A_65 : f32 to vector<384x128xf32>
      %swap3A_67 = arith.constant 0 : index
      %swap3A_68 = arith.constant 0 : index
      %swap3A_69 = vector.load %arg12[%swap3A_67, %swap3A_68] : memref<384x128xf32, #tpu.memory_space<vmem>>, vector<384x128xf32>
      tpu.vector_store %arg12[%swap3A_67, %swap3A_68], %broadcast_in_dim3A_66 {strides = array<i32>} : memref<384x128xf32, #tpu.memory_space<vmem>>, vector<384x128xf32>,
    } else {
    }
    %broadcast_in_dim3A = arith.constant 0.000000e+00 : f32
    %broadcast_in_dim3A_11 = vector.broadcast %broadcast_in_dim3A : f32 to vector<384x128xf32>
    %slice3A = vector.extract_strided_slice %get3A_3 {offsets = [0, 0, 0, 0], sizes = [48, 1, 8, 128], strides = [1, 1, 1, 1]} : vector<48x3x8x128xbf16> to vector<48x1x8x128xbf16>
    %squeeze3A = vector.shape_cast %slice3A : vector<48x1x8x128xbf16> to vector<48x8x128xbf16>
    %reshape3A = vector.shape_cast %squeeze3A : vector<48x8x128xbf16> to vector<384x128xbf16>
    %mul3A = arith.constant 3 : i32
    %mul3A_12 = arith.muli %arg1, %mul3A : i32
    %add3A = arith.constant 0 : i32
    %add3A_13 = arith.addi %mul3A_12, %add3A : i32
    %mul3A_14 = arith.constant 128 : i32
    %mul3A_15 = arith.muli %add3A_13, %mul3A_14 : i32
    %get3A_16 = arith.index_cast %mul3A_15 : i32 to index
    %get3A_17 = arith.constant 0 : index
    %get3A_18 = vector.load %arg13[%get3A_16, %get3A_17] : memref<10368x128xf32, #tpu.memory_space<vmem>>, vector<128x128xf32>
    %convert_element_type3A_19 = arith.truncf %get3A_18 : vector<128x128xf32> to vector<128x128xbf16>
    %dot_general3A = arith.constant dense<0.000000e+00> : vector<384x128xf32>
    %dot_general3A_20 = tpu.matmul %reshape3A, %convert_element_type3A_19, %dot_general3A {dimension_numbers = #tpu.dot_dimension_numbers<[1], [0], [0], [1], [0, 0, 1, 1], [], []>, transpose_lhs_hint = false} : vector<384x128xbf16>, vector<128x128xbf16>, vector<384x128xf32> -> vector<384x128xf32>
    %add3A_21 = arith.addf %broadcast_in_dim3A_11, %dot_general3A_20 : vector<384x128xf32>
    %slice3A_22 = vector.extract_strided_slice %get3A_3 {offsets = [0, 1, 0, 0], sizes = [48, 1, 8, 128], strides = [1, 1, 1, 1]} : vector<48x3x8x128xbf16> to vector<48x1x8x128xbf16>
    %squeeze3A_23 = vector.shape_cast %slice3A_22 : vector<48x1x8x128xbf16> to vector<48x8x128xbf16>
    %reshape3A_24 = vector.shape_cast %squeeze3A_23 : vector<48x8x128xbf16> to vector<384x128xbf16>
    %mul3A_25 = arith.constant 3 : i32
    %mul3A_26 = arith.muli %arg1, %mul3A_25 : i32
    %add3A_27 = arith.constant 1 : i32
    %add3A_28 = arith.addi %mul3A_26, %add3A_27 : i32
    %mul3A_29 = arith.constant 128 : i32
    %mul3A_30 = arith.muli %add3A_28, %mul3A_29 : i32
    %get3A_31 = arith.index_cast %mul3A_30 : i32 to index
    %get3A_32 = arith.constant 0 : index
    %get3A_33 = vector.load %arg13[%get3A_31, %get3A_32] : memref<10368x128xf32, #tpu.memory_space<vmem>>, vector<128x128xf32>
    %convert_element_type3A_34 = arith.truncf %get3A_33 : vector<128x128xf32> to vector<128x128xbf16>
    %dot_general3A_35 = arith.constant dense<0.000000e+00> : vector<384x128xf32>
    %dot_general3A_36 = tpu.matmul %reshape3A_24, %convert_element_type3A_34, %dot_general3A_35 {dimension_numbers = #tpu.dot_dimension_numbers<[1], [0], [0], [1], [0, 0, 1, 1], [], []>, transpose_lhs_hint = false} : vector<384x128xbf16>, vector<128x128xbf16>, vector<384x128xf32> -> vector<384x128xf32>
    %add3A_37 = arith.addf %add3A_21, %dot_general3A_36 : vector<384x128xf32>
    %slice3A_38 = vector.extract_strided_slice %get3A_3 {offsets = [0, 2, 0, 0], sizes = [48, 1, 8, 128], strides = [1, 1, 1, 1]} : vector<48x3x8x128xbf16> to vector<48x1x8x128xbf16>
    %squeeze3A_39 = vector.shape_cast %slice3A_38 : vector<48x1x8x128xbf16> to vector<48x8x128xbf16>
    %reshape3A_40 = vector.shape_cast %squeeze3A_39 : vector<48x8x128xbf16> to vector<384x128xbf16>
    %mul3A_41 = arith.constant 3 : i32
    %mul3A_42 = arith.muli %arg1, %mul3A_41 : i32
    %add3A_43 = arith.constant 2 : i32
    %add3A_44 = arith.addi %mul3A_42, %add3A_43 : i32
    %mul3A_45 = arith.constant 128 : i32
    %mul3A_46 = arith.muli %add3A_44, %mul3A_45 : i32
    %get3A_47 = arith.index_cast %mul3A_46 : i32 to index
    %get3A_48 = arith.constant 0 : index
    %get3A_49 = vector.load %arg13[%get3A_47, %get3A_48] : memref<10368x128xf32, #tpu.memory_space<vmem>>, vector<128x128xf32>
    %convert_element_type3A_50 = arith.truncf %get3A_49 : vector<128x128xf32> to vector<128x128xbf16>
    %dot_general3A_51 = arith.constant dense<0.000000e+00> : vector<384x128xf32>
    %dot_general3A_52 = tpu.matmul %reshape3A_40, %convert_element_type3A_50, %dot_general3A_51 {dimension_numbers = #tpu.dot_dimension_numbers<[1], [0], [0], [1], [0, 0, 1, 1], [], []>, transpose_lhs_hint = false} : vector<384x128xbf16>, vector<128x128xbf16>, vector<384x128xf32> -> vector<384x128xf32>
    %add3A_53 = arith.addf %add3A_37, %dot_general3A_52 : vector<384x128xf32>
    %get3A_54 = arith.constant 0 : index
    %get3A_55 = arith.constant 0 : index
    %get3A_56 = vector.load %arg12[%get3A_54, %get3A_55] : memref<384x128xf32, #tpu.memory_space<vmem>>, vector<384x128xf32>
    %add3A_57 = arith.addf %get3A_56, %add3A_53 : vector<384x128xf32>
    %swap3A = arith.constant 0 : index
    %swap3A_58 = arith.constant 0 : index
    %swap3A_59 = vector.load %arg12[%swap3A, %swap3A_58] : memref<384x128xf32, #tpu.memory_space<vmem>>, vector<384x128xf32>
    tpu.vector_store %arg12[%swap3A, %swap3A_58], %add3A_57 {strides = array<i32>} : memref<384x128xf32, #tpu.memory_space<vmem>>, vector<384x128xf32>,
    %eq3A_60 = arith.constant 26 : i32
    %eq3A_61 = arith.cmpi eq, %arg1, %eq3A_60 : i32
    %convert_element_type3A_62 = arith.extui %eq3A_61 : i1 to i32
    %cond3A_63 = arith.constant 0 : i32
    %cond3A_64 = arith.cmpi ne, %convert_element_type3A_62, %cond3A_63 : i32
    scf.if %cond3A_64 {
      %mul3A_65 = arith.constant 384 : i32
      %mul3A_66 = arith.muli %arg0, %mul3A_65 : i32
      %get3A_67 = arith.index_cast %mul3A_66 : i32 to index
      %get3A_68 = arith.constant 0 : index
      %get3A_69 = vector.load %arg13[%get3A_67, %get3A_68] : memref<10368x128xf32, #tpu.memory_space<vmem>>, vector<384x128xf32>
      %get3A_70 = arith.constant 0 : index
      %get3A_71 = arith.constant 0 : index
      %get3A_72 = vector.load %arg12[%get3A_70, %get3A_71] : memref<384x128xf32, #tpu.memory_space<vmem>>, vector<384x128xf32>
      %add3A_73 = arith.addf %get3A_72, %get3A_69 : vector<384x128xf32>
      %mul3A_74 = arith.constant 384 : i32
      %mul3A_75 = arith.muli %arg0, %mul3A_74 : i32
      %get3A_76 = arith.index_cast %mul3A_75 : i32 to index
      %get3A_77 = arith.constant 0 : index
      %get3A_78 = vector.load %arg5[%get3A_76, %get3A_77] : memref<10368x1xf32, #tpu.memory_space<vmem>>, vector<384x1xf32>
      %mul3A_79 = vector.broadcast %get3A_78 : vector<384x1xf32> to vector<384x128xf32>
      %mul3A_80 = arith.mulf %add3A_73, %mul3A_79 : vector<384x128xf32>
      %get3A_81 = arith.constant 0 : index
      %get3A_82 = arith.constant 0 : index
      %get3A_83 = vector.load %arg6[%get3A_81, %get3A_82] : memref<1x128xf32, #tpu.memory_space<vmem>>, vector<1x128xf32>
      %add3A_84 = vector.broadcast %get3A_83 : vector<1x128xf32> to vector<384x128xf32>
      %add3A_85 = arith.addf %mul3A_80, %add3A_84 : vector<384x128xf32>
      %swap3A_86 = arith.constant 0 : index
      %swap3A_87 = arith.constant 0 : index
      %swap3A_88 = vector.load %arg10[%swap3A_86, %swap3A_87] : memref<384x128xf32, #tpu.memory_space<vmem>>, vector<384x128xf32>
      tpu.vector_store %arg10[%swap3A_86, %swap3A_87], %add3A_85 {strides = array<i32>} : memref<384x128xf32, #tpu.memory_space<vmem>>, vector<384x128xf32>,
      %eq3A_89 = arith.constant 0 : i32
      %eq3A_90 = arith.cmpi eq, %arg0, %eq3A_89 : i32
      %convert_element_type3A_91 = arith.extui %eq3A_90 : i1 to i32
      %cond3A_92 = arith.constant 0 : i32
      %cond3A_93 = arith.cmpi ne, %convert_element_type3A_91, %cond3A_92 : i32
      scf.if %cond3A_93 {
        %broadcast_in_dim3A_125 = arith.constant 0.000000e+00 : f32
        %broadcast_in_dim3A_126 = vector.broadcast %broadcast_in_dim3A_125 : f32 to vector<64x128xf32>
        %swap3A_127 = arith.constant 0 : index
        %swap3A_128 = arith.constant 0 : index
        %swap3A_129 = vector.load %arg14[%swap3A_127, %swap3A_128] : memref<64x128xf32, #tpu.memory_space<vmem>>, vector<64x128xf32>
        tpu.vector_store %arg14[%swap3A_127, %swap3A_128], %broadcast_in_dim3A_126 {strides = array<i32>} : memref<64x128xf32, #tpu.memory_space<vmem>>, vector<64x128xf32>,
        %broadcast_in_dim3A_130 = arith.constant 0.000000e+00 : f32
        %broadcast_in_dim3A_131 = vector.broadcast %broadcast_in_dim3A_130 : f32 to vector<64x1xf32>
        %swap3A_132 = arith.constant 0 : index
        %swap3A_133 = arith.constant 0 : index
        %swap3A_134 = vector.load %arg15[%swap3A_132, %swap3A_133] : memref<64x1xf32, #tpu.memory_space<vmem>>, vector<64x1xf32>
        tpu.vector_store %arg15[%swap3A_132, %swap3A_133], %broadcast_in_dim3A_131 {strides = array<i32>} : memref<64x1xf32, #tpu.memory_space<vmem>>, vector<64x1xf32>,
      } else {
      }
      %get3A_94 = arith.constant 0 : index
      %get3A_95 = arith.constant 0 : index
      %get3A_96 = vector.load %arg7[%get3A_94, %get3A_95] : memref<1x384xi32, #tpu.memory_space<vmem>>, vector<1x384xi32>
      %iota3A = tpu.iota {dimensions = array<i32: 0>} : vector<64x384xi32>
      %eq3A_97 = vector.broadcast %get3A_96 : vector<1x384xi32> to vector<64x384xi32>
      %eq3A_98 = arith.cmpi eq, %iota3A, %eq3A_97 : vector<64x384xi32>
      %jit3A = arith.constant 1.000000e+00 : f32
      %jit3A_99 = arith.constant 0.000000e+00 : f32
      %broadcast_in_dim3A_100 = vector.broadcast %jit3A : f32 to vector<64x384xf32>
      %broadcast_in_dim3A_101 = vector.broadcast %jit3A_99 : f32 to vector<64x384xf32>
      %select_n3A = arith.select %eq3A_98, %broadcast_in_dim3A_100, %broadcast_in_dim3A_101 : vector<64x384xi1>, vector<64x384xf32>
      %get3A_102 = arith.constant 0 : index
      %get3A_103 = arith.constant 0 : index
      %get3A_104 = vector.load %arg14[%get3A_102, %get3A_103] : memref<64x128xf32, #tpu.memory_space<vmem>>, vector<64x128xf32>
      %dot_general3A_105 = arith.constant dense<0.000000e+00> : vector<64x128xf32>
      %dot_general3A_106 = tpu.matmul %select_n3A, %add3A_85, %dot_general3A_105 {dimension_numbers = #tpu.dot_dimension_numbers<[1], [0], [0], [1], [0, 0, 1, 1], [], []>, transpose_lhs_hint = false} : vector<64x384xf32>, vector<384x128xf32>, vector<64x128xf32> -> vector<64x128xf32>
      %add3A_107 = arith.addf %get3A_104, %dot_general3A_106 : vector<64x128xf32>
      %swap3A_108 = arith.constant 0 : index
      %swap3A_109 = arith.constant 0 : index
      %swap3A_110 = vector.load %arg14[%swap3A_108, %swap3A_109] : memref<64x128xf32, #tpu.memory_space<vmem>>, vector<64x128xf32>
      tpu.vector_store %arg14[%swap3A_108, %swap3A_109], %add3A_107 {strides = array<i32>} : memref<64x128xf32, #tpu.memory_space<vmem>>, vector<64x128xf32>,
      %get3A_111 = arith.constant 0 : index
      %get3A_112 = arith.constant 0 : index
      %get3A_113 = vector.load %arg15[%get3A_111, %get3A_112] : memref<64x1xf32, #tpu.memory_space<vmem>>, vector<64x1xf32>
      %reduce_sum3A = arith.constant dense<0.000000e+00> : vector<64xf32>
      %reduce_sum3A_114 = vector.multi_reduction <add>, %select_n3A, %reduce_sum3A [1] : vector<64x384xf32> to vector<64xf32>
      %broadcast_in_dim3A_115 = vector.shape_cast %reduce_sum3A_114 : vector<64xf32> to vector<64x1xf32>
      %add3A_116 = arith.addf %get3A_113, %broadcast_in_dim3A_115 : vector<64x1xf32>
      %swap3A_117 = arith.constant 0 : index
      %swap3A_118 = arith.constant 0 : index
      %swap3A_119 = vector.load %arg15[%swap3A_117, %swap3A_118] : memref<64x1xf32, #tpu.memory_space<vmem>>, vector<64x1xf32>
      tpu.vector_store %arg15[%swap3A_117, %swap3A_118], %add3A_116 {strides = array<i32>} : memref<64x1xf32, #tpu.memory_space<vmem>>, vector<64x1xf32>,
      %eq3A_120 = arith.constant 26 : i32
      %eq3A_121 = arith.cmpi eq, %arg0, %eq3A_120 : i32
      %convert_element_type3A_122 = arith.extui %eq3A_121 : i1 to i32
      %cond3A_123 = arith.constant 0 : i32
      %cond3A_124 = arith.cmpi ne, %convert_element_type3A_122, %cond3A_123 : i32
      scf.if %cond3A_124 {
        %get3A_125 = arith.constant 0 : index
        %get3A_126 = arith.constant 0 : index
        %get3A_127 = vector.load %arg14[%get3A_125, %get3A_126] : memref<64x128xf32, #tpu.memory_space<vmem>>, vector<64x128xf32>
        %get3A_128 = arith.constant 0 : index
        %get3A_129 = arith.constant 0 : index
        %get3A_130 = vector.load %arg15[%get3A_128, %get3A_129] : memref<64x1xf32, #tpu.memory_space<vmem>>, vector<64x1xf32>
        %max3A = arith.constant 1.000000e+00 : f32
        %max3A_131 = vector.broadcast %max3A : f32 to vector<64x1xf32>
        %max3A_132 = arith.maximumf %get3A_130, %max3A_131 : vector<64x1xf32>
        %div3A = vector.broadcast %max3A_132 : vector<64x1xf32> to vector<64x128xf32>
        %div3A_133 = arith.divf %get3A_127, %div3A : vector<64x128xf32>
        %get3A_134 = arith.constant 0 : index
        %get3A_135 = arith.constant 0 : index
        %get3A_136 = vector.load %arg8[%get3A_134, %get3A_135] : memref<128x128xf32, #tpu.memory_space<vmem>>, vector<128x128xf32>
        %dot_general3A_137 = arith.constant dense<0.000000e+00> : vector<64x128xf32>
        %dot_general3A_138 = tpu.matmul %div3A_133, %get3A_136, %dot_general3A_137 {dimension_numbers = #tpu.dot_dimension_numbers<[1], [0], [0], [1], [0, 0, 1, 1], [], []>, transpose_lhs_hint = false} : vector<64x128xf32>, vector<128x128xf32>, vector<64x128xf32> -> vector<64x128xf32>
        %get3A_139 = arith.constant 0 : index
        %get3A_140 = arith.constant 0 : index
        %get3A_141 = vector.load %arg9[%get3A_139, %get3A_140] : memref<1x128xf32, #tpu.memory_space<vmem>>, vector<1x128xf32>
        %add3A_142 = vector.broadcast %get3A_141 : vector<1x128xf32> to vector<64x128xf32>
        %add3A_143 = arith.addf %dot_general3A_138, %add3A_142 : vector<64x128xf32>
        %iota3A_144 = tpu.iota {dimensions = array<i32: 1>} : vector<64x128xi32>
        %lt3A = arith.constant 2 : i32
        %lt3A_145 = vector.broadcast %lt3A : i32 to vector<64x128xi32>
        %lt3A_146 = arith.cmpi slt, %iota3A_144, %lt3A_145 : vector<64x128xi32>
        %jit3A_147 = arith.constant -1.000000e+30 : f32
        %broadcast_in_dim3A_148 = vector.broadcast %jit3A_147 : f32 to vector<64x128xf32>
        %select_n3A_149 = arith.select %lt3A_146, %add3A_143, %broadcast_in_dim3A_148 : vector<64x128xi1>, vector<64x128xf32>
        %reduce_max3A = arith.constant dense<0xFF800000> : vector<64xf32>
        %reduce_max3A_150 = vector.multi_reduction <maximumf>, %select_n3A_149, %reduce_max3A [1] : vector<64x128xf32> to vector<64xf32>
        %broadcast_in_dim3A_151 = vector.shape_cast %reduce_max3A_150 : vector<64xf32> to vector<64x1xf32>
        %lt3A_152 = arith.constant 2 : i32
        %lt3A_153 = vector.broadcast %lt3A_152 : i32 to vector<64x128xi32>
        %lt3A_154 = arith.cmpi slt, %iota3A_144, %lt3A_153 : vector<64x128xi32>
        %sub3A = vector.broadcast %broadcast_in_dim3A_151 : vector<64x1xf32> to vector<64x128xf32>
        %sub3A_155 = arith.subf %select_n3A_149, %sub3A : vector<64x128xf32>
        %exp3A = math.exp %sub3A_155 : vector<64x128xf32>
        %jit3A_156 = arith.constant 0.000000e+00 : f32
        %broadcast_in_dim3A_157 = vector.broadcast %jit3A_156 : f32 to vector<64x128xf32>
        %select_n3A_158 = arith.select %lt3A_154, %exp3A, %broadcast_in_dim3A_157 : vector<64x128xi1>, vector<64x128xf32>
        %reduce_sum3A_159 = arith.constant dense<0.000000e+00> : vector<64xf32>
        %reduce_sum3A_160 = vector.multi_reduction <add>, %select_n3A_158, %reduce_sum3A_159 [1] : vector<64x128xf32> to vector<64xf32>
        %broadcast_in_dim3A_161 = vector.shape_cast %reduce_sum3A_160 : vector<64xf32> to vector<64x1xf32>
        %div3A_162 = vector.broadcast %broadcast_in_dim3A_161 : vector<64x1xf32> to vector<64x128xf32>
        %div3A_163 = arith.divf %select_n3A_158, %div3A_162 : vector<64x128xf32>
        %swap3A_164 = arith.constant 0 : index
        %swap3A_165 = arith.constant 0 : index
        %swap3A_166 = vector.load %arg11[%swap3A_164, %swap3A_165] : memref<64x128xf32, #tpu.memory_space<vmem>>, vector<64x128xf32>
        tpu.vector_store %arg11[%swap3A_164, %swap3A_165], %div3A_163 {strides = array<i32>} : memref<64x128xf32, #tpu.memory_space<vmem>>, vector<64x128xf32>,
      } else {
      }
    } else {
    }
    return
  }
  func.func @transform_0(%arg0: i32, %arg1: i32) -> (i32, i32, i32, i32) {
    %c0_i32 = arith.constant 0 : i32
    %c0_i32_0 = arith.constant 0 : i32
    %c0_i32_1 = arith.constant 0 : i32
    return %arg0, %arg1, %c0_i32, %c0_i32_0 : i32, i32, i32, i32
  }
  func.func @transform_1(%arg0: i32, %arg1: i32) -> (i32, i32) {
    %c0_i32 = arith.constant 0 : i32
    %c0_i32_0 = arith.constant 0 : i32
    %c0_i32_1 = arith.constant 0 : i32
    return %c0_i32, %c0_i32_0 : i32, i32
  }
  func.func @transform_2(%arg0: i32, %arg1: i32) -> (i32, i32) {
    %c0_i32 = arith.constant 0 : i32
    %c0_i32_0 = arith.constant 0 : i32
    %c0_i32_1 = arith.constant 0 : i32
    return %c0_i32, %c0_i32_0 : i32, i32
  }
  func.func @transform_3(%arg0: i32, %arg1: i32) -> (i32, i32) {
    %c0_i32 = arith.constant 0 : i32
    %c0_i32_0 = arith.constant 0 : i32
    %c0_i32_1 = arith.constant 0 : i32
    return %c0_i32, %c0_i32_0 : i32, i32
  }
  func.func @transform_4(%arg0: i32, %arg1: i32) -> (i32, i32) {
    %c0_i32 = arith.constant 0 : i32
    %c0_i32_0 = arith.constant 0 : i32
    %c0_i32_1 = arith.constant 0 : i32
    return %c0_i32, %c0_i32_0 : i32, i32
  }
  func.func @transform_5(%arg0: i32, %arg1: i32) -> (i32, i32) {
    %c0_i32 = arith.constant 0 : i32
    %c0_i32_0 = arith.constant 0 : i32
    return %c0_i32, %arg0 : i32, i32
  }
  func.func @transform_6(%arg0: i32, %arg1: i32) -> (i32, i32) {
    %c0_i32 = arith.constant 0 : i32
    %c0_i32_0 = arith.constant 0 : i32
    %c0_i32_1 = arith.constant 0 : i32
    return %c0_i32, %c0_i32_0 : i32, i32
  }
  func.func @transform_7(%arg0: i32, %arg1: i32) -> (i32, i32) {
    %c0_i32 = arith.constant 0 : i32
    %c0_i32_0 = arith.constant 0 : i32
    %c0_i32_1 = arith.constant 0 : i32
    return %c0_i32, %c0_i32_0 : i32, i32
  }
  func.func @transform_8(%arg0: i32, %arg1: i32) -> (i32, i32) {
    %c0_i32 = arith.constant 0 : i32
    %c0_i32_0 = arith.constant 0 : i32
    return %arg0, %c0_i32 : i32, i32
  }
  func.func @transform_9(%arg0: i32, %arg1: i32) -> (i32, i32) {
    %c0_i32 = arith.constant 0 : i32
    %c0_i32_0 = arith.constant 0 : i32
    %c0_i32_1 = arith.constant 0 : i32
    return %c0_i32, %c0_i32_0 : i32, i32
  }
}

</mosaic_0001>

<sc_bundles>
// kernel: kernel.7.cloned.1.call-start
scs
__scs_entry_jumppad:
0x0: {  	(pc) =	sbr.rel $0x88, $3  }
0x1: {  	(tag) =	ssettag $0x0;
	lr =	simm.s32 $0x1  }
0x2: {  	[smem:$0x3F97] =	sst lr;
	_ =	strace $0xD0000000  }
0x3: {  	_ = 	snop  }
0x4: {  	_ = 	snop  }
0x5: {  	_ = 	snop  }
0x6: {  	_ = 	snop  }
0x7: {  	_ = 	snop  }
__scs_overlays_trampoline_lowered:
0x8: {  	[smem:$0x3FA6] =	sst s0  }
0x9: {  	[smem:$0x3FA7] =	sst s1  }
0xa: {  	[smem:$0x3FA8] =	sst s2  }
0xb: {  	[smem:$0x3FA9] =	sst s3  }
0xc: {  	[smem:$0x3FAA] =	sst s4  }
0xd: {  	[smem:$0x3FAB] =	sst s5  }
0xe: {  	[smem:$0x3FAC] =	sst s6  }
0xf: {  	[smem:$0x3FAD] =	sst s7  }
0x10: {  	[smem:$0x3FAE] =	sst s8  }
0x11: {  	[smem:$0x3FAF] =	sst s9;
	s0 =	simm.s32 @!p0 $0x0  }
0x12: {  	s1 =	sld [smem:$0x3F95];
	s0 =	simm.s32 @p0 $0x1  }
0x13: {  	[smem:$0x3FB0] =	sst s0;
	s0 =	simm.s32 @!p1 $0x0  }
0x14: {  	s2 =	sld [smem:$0x3F94];
	s0 =	simm.s32 @p1 $0x1  }
0x15: {  	[smem:$0x3FB1] =	sst s0;
	s0 =	simm.s32 @!p2 $0x0  }
0x16: {  	s3 =	sld [smem:$0x3FDB];
	s0 =	simm.s32 @p2 $0x1  }
0x17: {  	s4 =	simm.s32 $0x1BF5;
	[smem:$0x3FB3] =	sst s0  }
0x18: {  	s0 =	sld [smem:$0x3F96];
	_ =	swait.ge [sflag:s4], $0x0  }
0x19: {  	s7 =	sld [smem:$0x3F97]  }
0x1a: {  	s8 =	sadd.s32 $0xFFFFE003, lr  }
0x1b: {  	s9 =	sadd.s32 $0xFFFFFEF7, lr;
	s5 =	simm.s32 $0xFFFFFFFF;
	p2 =	slt.u32 s8, $0xFFFFF086  }
0x1c: {  	p1 =	slt.u32 s9, $0xF7A;
	s5 =	simm.s32 @!p2 $0x0  }
0x1d: {  	s5 =	simm.s32 @p1 $0x1;
	p0 =	seq.s32 s7, s2  }
0x1e: {  	s7 =	smul.u32 @!p0 $0xF7A, s2;
	p2 =	seq.s32 @!p0 s5, $0x0  }
0x1f: {  	s9 =	smul.u32 $0xF7A, s1;
	s8 =	simm.s32 @!p0 $0x1BF5;
	p2 =	por !p2, p0  }
0x20: {  	[sflag:s8] =	ssyncset.s32 @!p0 $0xFFFFF086;
	s6 =	sadd.s32 @!p0 s3, s7;
	s7 =	simm.s32 @!p0 $0x108  }
0x21: {  	s3 =	sadd.s32 s3, s9;
	s6 =	sadd.s32 @!p0 $0x88, s6;
	s7 =	simm.s32 @p2 $0x1082  }
0x22: {  	[simem:s7], [sflag:s8] =	dma.local @!p0 [hbm:s6], $0xF7A  }
0x23: {  	s9 =	sor.u32 $0xD0000000, s2;
	s6 =	simm.s32 $0x108;
	_ =	swait.ge @!p0 [sflag:s8], $0x0  }
0x24: {  	s3 =	sadd.s32 $0x88, s3;
	s6 =	simm.s32 @!p1 $0x1082;
	[sflag:s4] =	ssyncset.s32 $0xFFFFF086  }
0x25: {  	[simem:s6], [sflag:s4] =	dma.local [hbm:s3], $0xF7A  }
0x26: {  	[smem:$0x3F97] =	sst s1;
	(tag) =	ssettag s2;
	_ =	strace s9  }
0x27: {  	s1 =	sld [smem:$0x3FA7]  }
0x28: {  	s2 =	sld [smem:$0x3FA8]  }
0x29: {  	s4 =	sld [smem:$0x3FAA]  }
0x2a: {  	p0 =	seq.s32 s5, $0x0;
	s5 =	sld [smem:$0x3FAB]  }
0x2b: {  	s6 =	sld [smem:$0x3FAC]  }
0x2c: {  	s7 =	sld [smem:$0x3FAD]  }
0x2d: {  	s3 =	simm.s32 $0x108;
	s8 =	sld [smem:$0x3FAE]  }
0x2e: {  	s3 =	simm.s32 @!p0 $0x1082;
	s9 =	sld [smem:$0x3FAF]  }
0x2f: {  	lr =	sadd.s32 s0, s3;
	s0 =	sld [smem:$0x3FA6]  }
0x30: {  	s3 =	sld [smem:$0x3FA9]  }
0x31: {  	[smem:$0x3FB2] =	sst s10  }
0x32: {  	s10 =	sld [smem:$0x3FB0];
	_ =	sdelay $0x3  }
0x33: {  	p0 =	seq.s32 s10, $0x1;
	s10 =	sld [smem:$0x3FB2];
	_ =	sdelay $0x3  }
0x34: {  	[smem:$0x3FB2] =	sst s10  }
0x35: {  	s10 =	sld [smem:$0x3FB1];
	_ =	sdelay $0x3  }
0x36: {  	p1 =	seq.s32 s10, $0x1;
	s10 =	sld [smem:$0x3FB2];
	_ =	sdelay $0x3  }
0x37: {  	[smem:$0x3FB2] =	sst s10  }
0x38: {  	s10 =	sld [smem:$0x3FB3]  }
0x39: {  	_ = 	snop;
	(pc) =	sbr.ind lr, $3  }
0x3a: {  	_ = 	snop  }
0x3b: {  	_ = 	snop  }
0x3c: {  	p2 =	seq.s32 s10, $0x1;
	s10 =	sld [smem:$0x3FB2]  }
0x3d: {  	_ =	shalt  }
0x3e: {  	_ =	shalt  }
0x3f: {  	_ =	shalt  }
0x40: {  	_ =	shalt  }
0x41: {  	_ =	shalt  }
0x42: {  	_ =	shalt  }
0x43: {  	_ =	shalt  }
0x44: {  	_ =	shalt  }
0x45: {  	_ =	shalt  }
0x46: {  	_ =	shalt  }
0x47: {  	_ =	shalt  }
0x48: {  	_ =	shalt  }
0x49: {  	_ =	shalt  }
0x4a: {  	_ =	shalt  }
0x4b: {  	_ =	shalt  }
0x4c: {  	_ =	shalt  }
0x4d: {  	_ =	shalt  }
0x4e: {  	_ =	shalt  }
0x4f: {  	_ =	shalt  }
0x50: {  	_ =	shalt  }
0x51: {  	_ =	shalt  }
0x52: {  	_ =	shalt  }
0x53: {  	_ =	shalt  }
0x54: {  	_ =	shalt  }
0x55: {  	_ =	shalt  }
0x56: {  	_ =	shalt  }
0x57: {  	_ =	shalt  }
0x58: {  	_ =	shalt  }
0x59: {  	_ =	shalt  }
0x5a: {  	_ =	shalt  }
0x5b: {  	_ =	shalt  }
0x5c: {  	_ =	shalt  }
0x5d: {  	_ =	shalt  }
0x5e: {  	_ =	shalt  }
0x5f: {  	_ =	shalt  }
0x60: {  	_ =	shalt  }
0x61: {  	_ =	shalt  }
0x62: {  	_ =	shalt  }
0x63: {  	_ =	shalt  }
0x64: {  	_ =	shalt  }
0x65: {  	_ =	shalt  }
0x66: {  	_ =	shalt  }
0x67: {  	_ =	shalt  }
0x68: {  	_ =	shalt  }
0x69: {  	_ =	shalt  }
0x6a: {  	_ =	shalt  }
0x6b: {  	_ =	shalt  }
0x6c: {  	_ =	shalt  }
0x6d: {  	_ =	shalt  }
0x6e: {  	_ =	shalt  }
0x6f: {  	_ =	shalt  }
0x70: {  	_ =	shalt  }
0x71: {  	_ =	shalt  }
0x72: {  	_ =	shalt  }
0x73: {  	_ =	shalt  }
0x74: {  	_ =	shalt  }
0x75: {  	_ =	shalt  }
0x76: {  	_ =	shalt  }
0x77: {  	_ =	shalt  }
0x78: {  	_ =	shalt  }
0x79: {  	_ =	shalt  }
0x7a: {  	_ =	shalt  }
0x7b: {  	_ =	shalt  }
0x7c: {  	_ =	shalt  }
0x7d: {  	_ =	shalt  }
0x7e: {  	_ =	shalt  }
0x7f: {  	_ =	shalt  }
0x80: {  	_ =	shalt  }
0x81: {  	_ =	shalt  }
0x82: {  	_ =	shalt  }
0x83: {  	_ =	shalt  }
0x84: {  	_ =	shalt  }
0x85: {  	_ =	shalt  }
0x86: {  	_ =	shalt  }
0x87: {  	_ =	shalt  }
.Lfunc_end0:
.L_simem_size_0:
called_computation_lowered:
.L_overlay_start_0:
0x88: {  	s2 =	sld [smem:$0x3FD9]  }
0x89: {  	s3 =	sld [smem:$0x3FFE];
	_ =	sdelay $0x1  }
0x8a: {  	s1 =	srdreg.scid  }
0x8b: {  	s0 =	sand.u32 $0x1, s1  }
0x8c: {  	s17 =	sshll.u32 s0, $0xA;
	s2 =	sadd.s32 s3, s2  }
0x8d: {  	s2 =	sadd.s32 s2, s17  }
0x8e: {  	[smem:$0x3FBE] =	sst s2  }
0x8f: {  	_ = 	snop  }
0x90: {  	s2 =	sld [smem:$0x3FD0];
	(tm) =	ssettm $0x1  }
0x91: {  	s18 =	sld [smem:$0x3FFB];
	_ =	sdelay $0x3  }
0x92: {  	_ =	strace s18  }
0x93: {  	s3 =	sld [smem:$0x3FFC];
	_ =	sdelay $0x3  }
0x94: {  	_ =	strace s3  }
0x95: {  	s3 =	sld [smem:$0x3FFD];
	_ =	sdelay $0x3  }
0x96: {  	_ =	strace s3  }
0x97: {  	_ =	strace $0x8FFFFFFF  }
0x98: {  	s19 =	sld [smem:$0x3FDB];
	_ =	sdelay $0x1  }
0x99: {  	s4 =	simm.s32 $_scs_section_size  }
0x9a: {  	s5 =	simm.s32 $_size__tile_overlayer_lowered;
	s6 =	simm.s32 $_tile_overlayer_lowered  }
0x9b: {  	s22 =	simm.s32 $0x1BFF;
	s21 =	sshll.u32 s6, $0x1;
	s3 =	sadd.s32 s4, s19  }
0x9c: {  	s7 =	simm.s32 $0x0;
	s20 =	sshll.u32 s5, $0x1;
	s5 =	sadd.s32 s21, s3  }
0x9d: {  	[timem:s7], [sflag:s22] =	dma.local [hbm:s5], s20  }
0x9e: {  	_ =	swait.ge [sflag:s22], s20  }
0x9f: {  	s4 =	ssub.s32 $0x0, s20;
	[sflag:s22] =	ssyncset.done $0x0  }
0xa0: {  	[sflag:s22] =	ssyncadd.s32 s4;
	_ =	sdelay $0x1  }
0xa1: {  	s23 =	simm.s32 $0x1B8B  }
0xa2: {  	_ =	swait.ge [sflag:s23], $0x1  }
0xa3: {  	[sflag:s23] =	ssyncset.done $0x0  }
0xa4: {  	s25 =	simm.s32 $0x1B8E;
	s24 =	sld [smem:$0x3FFE];
	[sflag:s23] =	ssyncadd.s32 $0xFFFFFFFF  }
0xa5: {  	s26 =	simm.s32 $execute0_lowered;
	[smem:$0x3FD2] =	sst s25  }
0xa6: {  	s5 =	sshll.u32 s26, $0x1;
	_ =	strace $0x80000046;
	[dreg:$0x1] =	wrdreg $0xFFFFFFFF  }
0xa7: {  	s28 =	simm.s32 $_size_execute0_lowered;
	s3 =	sadd.s32 s3, s5;
	[dreg:$0x0] =	wrdreg $0x0  }
0xa8: {  	s5 =	sshll.u32 s28, $0x1;
	[dreg:$0x2] =	wrdreg s3  }
0xa9: {  	[dreg:$0x3] =	wrdreg s5  }
0xaa: {  	[dreg:$0x4] =	wrdreg $0xC0  }
0xab: {  	_ =	task [dreg:s7], $0x5FFFF  }
0xac: {  	[dreg:$0x1] =	wrdreg $0xFFFFFFFF  }
0xad: {  	[dreg:$0x0] =	wrdreg $0x60  }
0xae: {  	[dreg:$0x2] =	wrdreg s24  }
0xaf: {  	[dreg:$0x3] =	wrdreg s2  }
0xb0: {  	[dreg:$0x4] =	wrdreg $0x9  }
0xb1: {  	_ =	task.clear_ibuf [dreg:s7], $0x5FFFF;
	_ =	strace $0x90000046  }
0xb2: {  	s29 =	simm.s32 $0x9;
	_ =	strace $0x80000048  }
0xb3: {  	_ =	swait.ge [sflag:s29], $0x1  }
0xb4: {  	[sflag:s29] =	ssyncadd.s32 $0xFFFFFFFF  }
0xb5: {  	_ =	strace $0x90000048  }
0xb6: {  	_ =	sfence  }
0xb7: {  	s30 =	sld [smem:$0x0];
	_ =	sdelay $0x2  }
0xb8: {  	s31 =	sshll.u32 s1, $0xD;
	s1 =	sshrl.u32 s1, $0x2  }
0xb9: {  	s3 =	sand.u32 $0x4000, s31;
	s1 =	sadd.s32 s1, s30  }
0xba: {  	s0 =	sor.u32 s3, s0;
	s1 =	sshll.u32 s1, $0x11  }
0xbb: {  	s0 =	sor.u32 s1, s0  }
0xbc: {  	s0 =	sadd.s32 $0x8F2B, s0  }
0xbd: {  	[sflag:s0] =	ssyncadd.remote.s32 $0x1  }
0xbe: {  	_ =	sfence.sel $0xFFFF  }
0xbf: {  	[dreg:$0x0] =	wrdreg $0xFFFFFFFF;
	(pc) =	sbr.abs _section_cstart, $3  }
0xc0: {  	[dreg:$0x1] =	wrdreg $0xFFFFFFFF  }
0xc1: {  	_ =	task.clear_ibuf [dreg:s7], $0x2FFFF;
	_ =	strace $0x9FFFFFFF  }
0xc2: {  	(tm) =	ssettm $0x7FFFFFFF  }
0xc3: {  	_ =	shalt  }
tec
execute0_lowered:
.L_overlay_start_1:
0x0: {  	(tag) =	ssettag $0x1  }
0x1: {  	s0 =	srdreg.scid  }
0x2: {  	s0 =	sand.u32 $0x1, s0  }
0x3: {  	s21 =	stileid.u32;
	s1 =	sshll.u32 s0, $0x4  }
0x4: {  	s12 =	sor.u32 s21, s1  }
0x5: {  	s1 =	smul.u32 $0x144, s12;
	_ =	sdelay $0x1  }
0x6: {  	s2 =	sshrl.u32 s1, $0x3  }
0x7: {  	s2 =	smul.u32 $0x51, s2  }
0x8: {  	v1 =	vimm.s32 $0x0;
	vm0 =	vcmask $0x300;
	s5 =	sadd.s32 $0x4, s1  }
0x9: {  	v0 =	vsel vm0, $0xA, v1;
	s25 =	sshrl.u32 s5, $0x3;
	v2 =	vmov s2  }
0xa: {  	v1 =	vsel vm0, $0x14000, v1;
	s23 =	sshll.u32 s21, $0x9;
	s26 =	smul.u32 $0x51, s25;
	v2 =	vshll.u32 v2, v0  }
0xb: {  	s2 =	sand.u32 $0x200, s23;
	v4 =	vadd.s32 v1, v2  }
0xc: {  	s3 =	sor.u32 $0x80, s2;
	s4 =	sor.u32 $0x100, s2;
	s24 =	sor.u32 $0x180, s2;
	v9 =	vmov s26;
	v2 =	vadd.s32 s2, v4  }
0xd: {  	v6 =	vadd.s32 s3, v4;
	v7 =	vadd.s32 s4, v4;
	v8 =	vadd.s32 s24, v4  }
0xe: {  	s6 =	sadd.s32 $0x5, s1;
	s11 =	sadd.s32 $0x40, s1;
	v5 =	vbroadcast v2, $0x0;
	v2 =	vlaneseq.u32;
	v6 =	vbroadcast v6, $0x0  }
0xf: {  	s16 =	sadd.s32 $0x7, s1;
	s30 =	sshrl.u32 s6, $0x3;
	s23 =	sadd.s32 $0x90, s1;
	v7 =	vbroadcast v7, $0x0;
	v8 =	vbroadcast v8, $0x0;
	v3 =	vor.u32 $0x50, v2  }
0x10: {  	s17 =	sshrl.u32 s16, $0x3;
	s18 =	sshll.u32 s16, $0x7;
	s16 =	sadd.s32 $0xC0, s1;
	v10 =	vadd.s32 s1, v2;
	v30 =	vadd.s32 s11, v2;
	v18 =	vadd.s32 s23, v2  }
0x11: {  	s4 =	smul.u32 $0x51, s30;
	v21 =	vadd.s32 s16, v2;
	v4 =	vor.u32 v3, v5;
	v5 =	vor.u32 v3, v6  }
0x12: {  	v6 =	vor.u32 v3, v7;
	v7 =	vor.u32 v3, v8;
	v8 =	vshll.u32 v9, v0  }
0x13: {  	v9 =	vmov s4;
	v11 =	vshrl.u32 v10, $0x3;
	vm7 =	vlt.u32 v10, $0x2880  }
0x14: {  	s9 =	sadd.s32 $0x6, s1;
	v32 =	vshrl.u32 v30, $0x3;
	v19 =	vand.u32 $0x7F, v18;
	vm14 =	vlt.u32 v18, $0x2880  }
0x15: {  	s31 =	sshll.u32 s5, $0x7;
	s10 =	sshrl.u32 s9, $0x3;
	v22 =	vand.u32 $0x7F, v21;
	vm5 =	vlt.u32 v21, $0x2880;
	v40 =	vshrl.u32 v30, $0x7  }
0x16: {  	s5 =	sshll.u32 s6, $0x7;
	s3 =	sand.u32 $0x200, s31;
	s4 =	smul.u32 $0x51, s10;
	v53 =	vshll.u32 v30, $0x7;
	v8 =	vadd.s32 v1, v8;
	v9 =	vshll.u32 v9, v0  }
0x17: {  	s6 =	sand.u32 $0x280, s5;
	v32 =	vmul.u32 $0x51, v32;
	v8 =	vadd.s32 s3, v8;
	v9 =	vadd.s32 v1, v9  }
0x18: {  	s3 =	sadd.s32 $0x10, s1;
	v15 =	vmov s4;
	v29 =	vbroadcast v8, $0x0;
	v9 =	vadd.s32 s6, v9  }
0x19: {  	v8 =	vmul.u32 $0x51, v11;
	v11 =	vshrl.u32 v10, $0x7;
	v12 =	vadd.s32 s3, v2  }
0x1a: {  	v15 =	vshll.u32 v15, v0;
	v32 =	vadd.s32 v40, v32;
	v13 =	vshrl.u32 v12, $0x3  }
0x1b: {  	vm8 =	vlt.u32 v12, $0x2880;
	v8 =	vadd.s32 v11, v8;
	v11 =	vshll.u32 v10, $0x7  }
0x1c: {  	v13 =	vmul.u32 $0x51, v13;
	v8 =	vshll.u32 v8, $0xA;
	v11 =	vand.u32 $0x380, v11  }
0x1d: {  	v10 =	vand.u32 $0x7F, v10;
	v8 =	vor.u32 v11, v8;
	v11 =	vshrl.u32 v12, $0x7  }
0x1e: {  	v8 =	vor.u32 v10, v8;
	v10 =	vadd.s32 v11, v13;
	v11 =	vshll.u32 v12, $0x7  }
0x1f: {  	s13 =	sadd.s32 $0x20, s1;
	v31 =	vbroadcast v9, $0x0;
	v10 =	vshll.u32 v10, $0xA;
	v11 =	vand.u32 $0x380, v11  }
0x20: {  	v13 =	vadd.s32 s13, v2;
	v10 =	vor.u32 v11, v10;
	v11 =	vand.u32 $0x7F, v12  }
0x21: {  	s7 =	sadd.s32 $0x30, s1;
	v15 =	vadd.s32 v1, v15;
	v10 =	vor.u32 v11, v10;
	v11 =	vshrl.u32 v13, $0x3  }
0x22: {  	v12 =	vadd.s32 s7, v2;
	v9 =	vsel vm8, v10, v5;
	v10 =	vmul.u32 $0x51, v11  }
0x23: {  	vm9 =	vlt.u32 v13, $0x2880;
	v14 =	vshrl.u32 v12, $0x3;
	v11 =	vshrl.u32 v13, $0x7  }
0x24: {  	vm10 =	vlt.u32 v12, $0x2880;
	v10 =	vadd.s32 v11, v10;
	v11 =	vshll.u32 v13, $0x7  }
0x25: {  	v14 =	vmul.u32 $0x51, v14;
	v10 =	vshll.u32 v10, $0xA;
	v11 =	vand.u32 $0x380, v11  }
0x26: {  	v10 =	vor.u32 v11, v10;
	v11 =	vand.u32 $0x7F, v13;
	v13 =	vshrl.u32 v12, $0x7  }
0x27: {  	s8 =	sadd.s32 $0x60, s1;
	v10 =	vor.u32 v11, v10;
	v11 =	vadd.s32 v13, v14;
	v13 =	vshll.u32 v12, $0x7  }
0x28: {  	v14 =	vadd.s32 s8, v2;
	v11 =	vshll.u32 v11, $0xA;
	v13 =	vand.u32 $0x380, v13  }
0x29: {  	v11 =	vor.u32 v13, v11;
	v13 =	vand.u32 $0x7F, v12;
	v12 =	vshrl.u32 v14, $0x3  }
0x2a: {  	v32 =	vshll.u32 v32, $0xA;
	v29 =	vor.u32 v3, v29;
	v12 =	vmul.u32 $0x51, v12  }
0x2b: {  	v31 =	vor.u32 v3, v31;
	v11 =	vor.u32 v13, v11;
	v13 =	vshrl.u32 v14, $0x7  }
0x2c: {  	s14 =	sshll.u32 s9, $0x7;
	v8 =	vsel vm7, v8, v4;
	v12 =	vadd.s32 v13, v12;
	v13 =	vshll.u32 v14, $0x7  }
0x2d: {  	s15 =	sadd.s32 $0x70, s1;
	s4 =	sand.u32 $0x300, s14;
	v10 =	vsel vm9, v10, v6;
	v12 =	vshll.u32 v12, $0xA;
	v13 =	vand.u32 $0x380, v13  }
0x2e: {  	v12 =	vor.u32 v13, v12;
	v13 =	vadd.s32 s4, v15;
	v15 =	vadd.s32 s15, v2  }
0x2f: {  	v16 =	vand.u32 $0x7F, v14;
	s4 =	smul.u32 $0x51, s17;
	v13 =	vbroadcast v13, $0x0;
	v17 =	vshrl.u32 v15, $0x3  }
0x30: {  	vm11 =	vlt.u32 v14, $0x2880;
	v12 =	vor.u32 v16, v12;
	v14 =	vmul.u32 $0x51, v17  }
0x31: {  	v16 =	vshrl.u32 v15, $0x7;
	v17 =	vmov s4;
	v13 =	vor.u32 v3, v13  }
0x32: {  	v17 =	vshll.u32 v17, v0;
	v14 =	vadd.s32 v16, v14;
	v16 =	vshll.u32 v15, $0x7  }
0x33: {  	s19 =	sadd.s32 $0x8, s1;
	s4 =	sand.u32 $0x380, s18;
	v17 =	vadd.s32 v1, v17;
	v14 =	vshll.u32 v14, $0xA;
	v16 =	vand.u32 $0x380, v16  }
0x34: {  	s20 =	sadd.s32 $0x80, s1;
	s5 =	sshrl.u32 s19, $0x3;
	v12 =	vsel vm11, v12, v13;
	v13 =	vor.u32 v16, v14;
	v14 =	vadd.s32 s4, v17  }
0x35: {  	s22 =	smul.u32 $0x51, s5;
	v16 =	vand.u32 $0x7F, v15;
	v17 =	vadd.s32 s20, v2;
	v14 =	vbroadcast v14, $0x0  }
0x36: {  	vm12 =	vlt.u32 v15, $0x2880;
	v13 =	vor.u32 v16, v13;
	v15 =	vshrl.u32 v17, $0x3  }
0x37: {  	v16 =	vmov s22;
	v15 =	vmul.u32 $0x51, v15;
	v14 =	vor.u32 v3, v14  }
0x38: {  	v16 =	vshll.u32 v16, v0;
	v13 =	vsel vm12, v13, v14;
	v14 =	vshrl.u32 v17, $0x7  }
0x39: {  	v11 =	vsel vm10, v11, v7;
	v14 =	vadd.s32 v14, v15;
	v15 =	vadd.s32 v1, v16  }
0x3a: {  	s24 =	sadd.s32 $0x9, s1;
	vm13 =	vlt.u32 v17, $0x2880;
	v16 =	vshll.u32 v17, $0x7;
	v15 =	vadd.s32 s2, v15  }
0x3b: {  	s25 =	sshrl.u32 s24, $0x3;
	v14 =	vshll.u32 v14, $0xA;
	v16 =	vand.u32 $0x380, v16;
	v15 =	vbroadcast v15, $0x0  }
0x3c: {  	s4 =	smul.u32 $0x51, s25;
	v14 =	vor.u32 v16, v14;
	v16 =	vand.u32 $0x7F, v17;
	v17 =	vshrl.u32 v18, $0x3  }
0x3d: {  	v14 =	vor.u32 v16, v14;
	v16 =	vmul.u32 $0x51, v17;
	v15 =	vor.u32 v3, v15  }
0x3e: {  	v17 =	vmov s4;
	v14 =	vsel vm13, v14, v15;
	v15 =	vshrl.u32 v18, $0x7  }
0x3f: {  	s26 =	sshll.u32 s24, $0x7;
	v17 =	vshll.u32 v17, v0;
	v15 =	vadd.s32 v15, v16;
	v16 =	vshll.u32 v18, $0x7  }
0x40: {  	s30 =	sadd.s32 $0xA0, s1;
	s31 =	sadd.s32 $0xA, s1;
	s4 =	sand.u32 $0x280, s26;
	v17 =	vadd.s32 v1, v17;
	v15 =	vshll.u32 v15, $0xA;
	v16 =	vand.u32 $0x380, v16  }
0x41: {  	s7 =	sshrl.u32 s31, $0x3;
	v15 =	vor.u32 v16, v15;
	v16 =	vadd.s32 s4, v17;
	v17 =	vadd.s32 s30, v2  }
0x42: {  	s4 =	smul.u32 $0x51, s7;
	v16 =	vbroadcast v16, $0x0;
	v20 =	vshrl.u32 v17, $0x3;
	v15 =	vor.u32 v19, v15  }
0x43: {  	s7 =	sadd.s32 $0xF0, s1;
	v19 =	vshrl.u32 v17, $0x7;
	vm15 =	vlt.u32 v17, $0x2880;
	v18 =	vmul.u32 $0x51, v20  }
0x44: {  	v24 =	vadd.s32 s7, v2;
	v20 =	vmov s4;
	v16 =	vor.u32 v3, v16  }
0x45: {  	s8 =	sshll.u32 s31, $0x7;
	v20 =	vshll.u32 v20, v0;
	v18 =	vadd.s32 v19, v18;
	v19 =	vshll.u32 v17, $0x7  }
0x46: {  	s9 =	sadd.s32 $0xB, s1;
	s4 =	sand.u32 $0x300, s8;
	v20 =	vadd.s32 v1, v20;
	v18 =	vshll.u32 v18, $0xA;
	v19 =	vand.u32 $0x380, v19  }
0x47: {  	s11 =	sshrl.u32 s9, $0x3;
	s10 =	sadd.s32 $0xB0, s1;
	v15 =	vsel vm14, v15, v16;
	v16 =	vor.u32 v19, v18;
	v18 =	vadd.s32 s4, v20  }
0x48: {  	s14 =	smul.u32 $0x51, s11;
	v19 =	vand.u32 $0x7F, v17;
	v20 =	vadd.s32 s10, v2;
	v18 =	vbroadcast v18, $0x0  }
0x49: {  	v25 =	vand.u32 $0x7F, v24;
	v16 =	vor.u32 v19, v16;
	v17 =	vshrl.u32 v20, $0x3  }
0x4a: {  	v19 =	vmov s14;
	v17 =	vmul.u32 $0x51, v17;
	v18 =	vor.u32 v3, v18  }
0x4b: {  	s15 =	sshll.u32 s9, $0x7;
	v19 =	vshll.u32 v19, v0;
	v16 =	vsel vm15, v16, v18;
	v18 =	vshrl.u32 v20, $0x7  }
0x4c: {  	vm8 =	vlt.u32 v24, $0x2880;
	s4 =	sand.u32 $0x380, s15;
	v17 =	vadd.s32 v18, v17;
	v18 =	vadd.s32 v1, v19  }
0x4d: {  	s17 =	sadd.s32 $0xC, s1;
	vm4 =	vlt.u32 v20, $0x2880;
	v19 =	vshll.u32 v20, $0x7;
	v18 =	vadd.s32 s4, v18  }
0x4e: {  	s18 =	sshrl.u32 s17, $0x3;
	v17 =	vshll.u32 v17, $0xA;
	v19 =	vand.u32 $0x380, v19;
	v18 =	vbroadcast v18, $0x0  }
0x4f: {  	s4 =	smul.u32 $0x51, s18;
	v17 =	vor.u32 v19, v17;
	v19 =	vand.u32 $0x7F, v20;
	v20 =	vshrl.u32 v21, $0x3  }
0x50: {  	v17 =	vor.u32 v19, v17;
	v19 =	vmul.u32 $0x51, v20;
	v18 =	vor.u32 v3, v18  }
0x51: {  	v20 =	vmov s4;
	v17 =	vsel vm4, v17, v18;
	v18 =	vshrl.u32 v21, $0x7  }
0x52: {  	s19 =	sshll.u32 s17, $0x7;
	v20 =	vshll.u32 v20, v0;
	v18 =	vadd.s32 v18, v19;
	v19 =	vshll.u32 v21, $0x7  }
0x53: {  	s20 =	sadd.s32 $0xD0, s1;
	s22 =	sadd.s32 $0xD, s1;
	s4 =	sand.u32 $0x200, s19;
	v20 =	vadd.s32 v1, v20;
	v18 =	vshll.u32 v18, $0xA;
	v19 =	vand.u32 $0x380, v19  }
0x54: {  	s23 =	sshrl.u32 s22, $0x3;
	v18 =	vor.u32 v19, v18;
	v19 =	vadd.s32 s4, v20;
	v20 =	vadd.s32 s20, v2  }
0x55: {  	vm14 =	vlt.u32 v30, $0x2880;
	v30 =	vand.u32 $0x7F, v30;
	s4 =	smul.u32 $0x51, s23;
	v23 =	vshrl.u32 v20, $0x3  }
0x56: {  	v19 =	vbroadcast v19, $0x0;
	v18 =	vor.u32 v22, v18;
	v21 =	vmul.u32 $0x51, v23  }
0x57: {  	v22 =	vshrl.u32 v20, $0x7;
	vm6 =	vlt.u32 v20, $0x2880;
	v23 =	vmov s4  }
0x58: {  	v19 =	vor.u32 v3, v19;
	v21 =	vadd.s32 v22, v21;
	v22 =	vshll.u32 v20, $0x7  }
0x59: {  	s25 =	sadd.s32 $0xE, s1;
	s24 =	sshll.u32 s22, $0x7;
	s26 =	sadd.s32 $0xE0, s1;
	v23 =	vshll.u32 v23, v0;
	v21 =	vshll.u32 v21, $0xA;
	v22 =	vand.u32 $0x380, v22  }
0x5a: {  	s30 =	sshrl.u32 s25, $0x3;
	s7 =	sadd.s32 $0x13, s1;
	s4 =	sand.u32 $0x280, s24;
	v23 =	vadd.s32 v1, v23;
	v18 =	vsel vm5, v18, v19;
	v19 =	vor.u32 v22, v21  }
0x5b: {  	s6 =	sshll.u32 s25, $0x7;
	s31 =	smul.u32 $0x51, s30;
	v21 =	vadd.s32 s4, v23;
	v22 =	vand.u32 $0x7F, v20;
	v23 =	vadd.s32 s26, v2;
	s26 =	sshrl.u32 s7, $0x3  }
0x5c: {  	s4 =	sand.u32 $0x300, s6;
	v21 =	vbroadcast v21, $0x0;
	v19 =	vor.u32 v22, v19;
	v20 =	vshrl.u32 v23, $0x3;
	s6 =	smul.u32 $0x51, s26  }
0x5d: {  	v22 =	vmov s31;
	vm7 =	vlt.u32 v23, $0x2880;
	v20 =	vmul.u32 $0x51, v20  }
0x5e: {  	v22 =	vshll.u32 v22, v0;
	v21 =	vor.u32 v3, v21;
	v28 =	vmov s6  }
0x5f: {  	v19 =	vsel vm6, v19, v21;
	v21 =	vshrl.u32 v23, $0x7;
	v28 =	vshll.u32 v28, v0  }
0x60: {  	s8 =	sadd.s32 $0xF, s1;
	v20 =	vadd.s32 v21, v20;
	v21 =	vadd.s32 v1, v22;
	v22 =	vshll.u32 v23, $0x7  }
0x61: {  	s9 =	sshrl.u32 s8, $0x3;
	v20 =	vshll.u32 v20, $0xA;
	v21 =	vadd.s32 s4, v21;
	v22 =	vand.u32 $0x380, v22  }
0x62: {  	v28 =	vadd.s32 v1, v28;
	s4 =	smul.u32 $0x51, s9;
	s9 =	sadd.s32 $0x50, s1;
	v21 =	vbroadcast v21, $0x0;
	v20 =	vor.u32 v22, v20  }
0x63: {  	v22 =	vand.u32 $0x7F, v23;
	v23 =	vshrl.u32 v24, $0x3;
	v33 =	vadd.s32 s9, v2  }
0x64: {  	v20 =	vor.u32 v22, v20;
	v22 =	vmul.u32 $0x51, v23;
	v23 =	vmov s4  }
0x65: {  	v43 =	vshrl.u32 v33, $0x3;
	v44 =	vshrl.u32 v33, $0x7;
	v54 =	vshll.u32 v33, $0x7  }
0x66: {  	v57 =	vand.u32 $0x7F, v33;
	vm15 =	vlt.u32 v33, $0x2880;
	v21 =	vor.u32 v3, v21  }
0x67: {  	v23 =	vshll.u32 v23, v0;
	v52 =	vmul.u32 $0x51, v43;
	v43 =	vand.u32 $0x380, v53  }
0x68: {  	v20 =	vsel vm7, v20, v21;
	v21 =	vshrl.u32 v24, $0x7;
	v23 =	vadd.s32 v1, v23  }
0x69: {  	v32 =	vor.u32 v43, v32;
	v43 =	vand.u32 $0x380, v54;
	v21 =	vadd.s32 v21, v22  }
0x6a: {  	s10 =	sshll.u32 s8, $0x7;
	v22 =	vshll.u32 v24, $0x7;
	v40 =	vadd.s32 v44, v52;
	v30 =	vor.u32 v30, v32  }
0x6b: {  	s11 =	sadd.s32 $0x100, s1;
	s4 =	sand.u32 $0x380, s10;
	v21 =	vshll.u32 v21, $0xA;
	v22 =	vand.u32 $0x380, v22;
	v40 =	vshll.u32 v40, $0xA  }
0x6c: {  	s3 =	sshrl.u32 s3, $0x3;
	v21 =	vor.u32 v22, v21;
	v22 =	vadd.s32 s4, v23;
	v23 =	vadd.s32 s11, v2  }
0x6d: {  	s3 =	smul.u32 $0x51, s3;
	v30 =	vsel vm14, v30, v29;
	v22 =	vbroadcast v22, $0x0;
	v26 =	vshrl.u32 v23, $0x3  }
0x6e: {  	v40 =	vor.u32 v43, v40;
	v21 =	vor.u32 v25, v21;
	v24 =	vmul.u32 $0x51, v26  }
0x6f: {  	v25 =	vshrl.u32 v23, $0x7;
	v26 =	vmov s3;
	v22 =	vor.u32 v3, v22  }
0x70: {  	v26 =	vshll.u32 v26, v0;
	v24 =	vadd.s32 v25, v24;
	v25 =	vshll.u32 v23, $0x7  }
0x71: {  	s14 =	sadd.s32 $0x11, s1;
	v26 =	vadd.s32 v1, v26;
	v24 =	vshll.u32 v24, $0xA;
	v25 =	vand.u32 $0x380, v25  }
0x72: {  	s15 =	sadd.s32 $0x110, s1;
	s16 =	sshrl.u32 s14, $0x3;
	v21 =	vsel vm8, v21, v22;
	v22 =	vor.u32 v25, v24;
	v24 =	vadd.s32 s2, v26  }
0x73: {  	s17 =	smul.u32 $0x51, s16;
	v25 =	vand.u32 $0x7F, v23;
	v26 =	vadd.s32 s15, v2;
	v24 =	vbroadcast v24, $0x0  }
0x74: {  	vm9 =	vlt.u32 v23, $0x2880;
	v22 =	vor.u32 v25, v22;
	v23 =	vshrl.u32 v26, $0x3  }
0x75: {  	v25 =	vmov s17;
	v23 =	vmul.u32 $0x51, v23;
	v24 =	vor.u32 v3, v24  }
0x76: {  	s13 =	sshrl.u32 s13, $0x3;
	s22 =	rddreg [dreg:$0x0];
	s3 =	sshll.u32 s14, $0x7;
	v25 =	vshll.u32 v25, v0;
	v22 =	vsel vm9, v22, v24;
	v24 =	vshrl.u32 v26, $0x7  }
0x77: {  	s8 =	smul.u32 $0x140, s12;
	s18 =	sadd.s32 $0x12, s1;
	s3 =	sand.u32 $0x280, s3;
	v25 =	vadd.s32 v1, v25;
	v23 =	vadd.s32 v24, v23;
	v24 =	vshll.u32 v26, $0x7  }
0x78: {  	s25 =	sadd.s32 $0x130, s1;
	s19 =	sshrl.u32 s18, $0x3;
	s24 =	smul.u32 $0x4E2, s12;
	v25 =	vadd.s32 s3, v25;
	v23 =	vshll.u32 v23, $0xA;
	v24 =	vand.u32 $0x380, v24  }
0x79: {  	s30 =	sadd.s32 $0x19000, s22;
	s20 =	sadd.s32 $0x120, s1;
	s3 =	smul.u32 $0x51, s19;
	v25 =	vbroadcast v25, $0x0;
	v23 =	vor.u32 v24, v23;
	v24 =	vand.u32 $0x7F, v26  }
0x7a: {  	s8 =	sshrl.u32 s8, $0x3;
	s23 =	sshll.u32 s18, $0x7;
	s31 =	ssub.s32 $0x2, s0;
	vm10 =	vlt.u32 v26, $0x2880;
	v23 =	vor.u32 v24, v23;
	v24 =	vadd.s32 s20, v2  }
0x7b: {  	s18 =	sshrl.u32 s31, $0x1;
	s10 =	sadd.s32 $0x14, s1;
	s4 =	sadd.s32 s24, s22;
	v27 =	vmov s3;
	v25 =	vor.u32 v3, v25;
	v26 =	vshrl.u32 v24, $0x3  }
0x7c: {  	s24 =	smul.u32 $0x51, s13;
	s14 =	sadd.s32 s8, s22;
	s15 =	sshll.u32 s7, $0x7;
	v23 =	vsel vm10, v23, v25;
	v25 =	vmul.u32 $0x51, v26;
	v26 =	vshll.u32 v27, v0  }
0x7d: {  	s6 =	sand.u32 $0x380, s15;
	s15 =	ssub.s32 s31, s18;
	s3 =	sand.u32 $0x300, s23;
	vm11 =	vlt.u32 v24, $0x2880;
	v27 =	vshrl.u32 v24, $0x7;
	v26 =	vadd.s32 v1, v26  }
0x7e: {  	s18 =	sadd.s32 $0x22, s1;
	s31 =	sadd.s32 $0x28, s1;
	v25 =	vadd.s32 v27, v25;
	v27 =	vshll.u32 v24, $0x7;
	v26 =	vadd.s32 s3, v26;
	s3 =	simm.s32 $0x0  }
0x7f: {  	s19 =	sadd.s32 $0xEC00, s4;
	s23 =	sadd.s32 $0x21, s1;
	v25 =	vshll.u32 v25, $0xA;
	v27 =	vand.u32 $0x380, v27;
	v26 =	vbroadcast v26, $0x0;
	[smem:$0x7FF] =	sst s3  }
0x80: {  	s4 =	sadd.s32 $0x4E00, s4;
	v24 =	vand.u32 $0x7F, v24;
	v25 =	vor.u32 v27, v25;
	v27 =	vadd.s32 s25, v2;
	_ =	strace $0x80000047;
	s25 =	sshrl.u32 s23, $0x3  }
0x81: {  	[dreg:$0x5] =	wrdreg s19;
	s19 =	sshrl.u32 s18, $0x3;
	v24 =	vor.u32 v24, v25;
	v25 =	vor.u32 v3, v26;
	v26 =	vshrl.u32 v27, $0x3;
	s13 =	smul.u32 $0x51, s25  }
0x82: {  	v58 =	vor.u32 v57, v40;
	s20 =	sshll.u32 s10, $0x7;
	[dreg:$0x6] =	wrdreg s4;
	s26 =	smul.u32 $0x51, s19;
	v24 =	vsel vm11, v24, v25;
	v25 =	vmul.u32 $0x51, v26  }
0x83: {  	v32 =	vsel vm15, v58, v31;
	s4 =	sand.u32 $0x200, s20;
	s20 =	sadd.s32 $0x23, s1;
	vm12 =	vlt.u32 v27, $0x2880;
	s19 =	sshrl.u32 s31, $0x3;
	v26 =	vshrl.u32 v27, $0x7  }
0x84: {  	[dreg:$0x3] =	wrdreg s30;
	s30 =	sshrl.u32 s20, $0x3;
	s8 =	smul.u32 $0x51, s19;
	v50 =	vmov s13;
	v36 =	vmov s26;
	v25 =	vadd.s32 v26, v25  }
0x85: {  	s13 =	smul.u32 $0x51, s30;
	v26 =	vshll.u32 v27, $0x7;
	v27 =	vand.u32 $0x7F, v27;
	v36 =	vshll.u32 v36, v0  }
0x86: {  	v38 =	vmov s8;
	v25 =	vshll.u32 v25, $0xA;
	v26 =	vand.u32 $0x380, v26  }
0x87: {  	s16 =	sadd.s32 $0x140, s1;
	v37 =	vmov s13;
	v36 =	vadd.s32 v1, v36;
	v38 =	vshll.u32 v38, v0  }
0x88: {  	s19 =	sadd.s32 $0x29, s1;
	v25 =	vor.u32 v26, v25;
	v26 =	vadd.s32 s6, v28;
	v28 =	vadd.s32 s16, v2  }
0x89: {  	s25 =	sshrl.u32 s19, $0x3;
	v37 =	vshll.u32 v37, v0;
	v38 =	vadd.s32 v1, v38;
	v26 =	vbroadcast v26, $0x0  }
0x8a: {  	s17 =	sshrl.u32 s10, $0x3;
	s13 =	smul.u32 $0x51, s25;
	v34 =	vshrl.u32 v28, $0x3;
	v25 =	vor.u32 v27, v25;
	v35 =	vshrl.u32 v28, $0x7  }
0x8b: {  	s16 =	smul.u32 $0x51, s17;
	v48 =	vshll.u32 v28, $0x7;
	v49 =	vand.u32 $0x7F, v28;
	vm13 =	vlt.u32 v28, $0x2880  }
0x8c: {  	v28 =	vmov s24;
	v37 =	vadd.s32 v1, v37;
	v38 =	vadd.s32 s2, v38  }
0x8d: {  	v39 =	vmov s13;
	v27 =	vmul.u32 $0x51, v34;
	v47 =	vmov s16  }
0x8e: {  	s11 =	sadd.s32 $0x19200, s22;
	v28 =	vshll.u32 v28, v0;
	v39 =	vshll.u32 v39, v0;
	v38 =	vbroadcast v38, $0x0  }
0x8f: {  	s31 =	sadd.s32 $0x2B, s1;
	s6 =	sadd.s32 $0x19400, s22;
	s22 =	smul.u32 $0xA, s12;
	v26 =	vor.u32 v3, v26;
	v34 =	vshll.u32 v47, v0;
	v51 =	vadd.s32 v1, v28  }
0x90: {  	s8 =	sshrl.u32 s31, $0x3;
	v39 =	vadd.s32 v1, v39;
	v27 =	vadd.s32 v35, v27;
	v34 =	vadd.s32 v1, v34  }
0x91: {  	s17 =	sadd.s32 $0x2710, s22;
	s5 =	sadd.s32 $0x2715, s22;
	s22 =	smul.u32 $0x51, s8;
	v35 =	vand.u32 $0x380, v48;
	v27 =	vshll.u32 v27, $0xA;
	v34 =	vadd.s32 s4, v34  }
0x92: {  	s28 =	simm.s32 $0x80;
	s29 =	simm.s32 $0xAF00;
	s7 =	sshll.u32 s18, $0x7;
	v25 =	vsel vm12, v25, v26;
	v27 =	vor.u32 v35, v27;
	v34 =	vbroadcast v34, $0x0  }
0x93: {  	s18 =	sadd.s32 $0x2D, s1;
	s26 =	sadd.s32 $0x2A, s1;
	s16 =	sshll.u32 s23, $0x7;
	v42 =	vmov s22;
	v35 =	vadd.s32 s2, v51;
	v26 =	vor.u32 v49, v27  }
0x94: {  	s30 =	sshrl.u32 s26, $0x3;
	s24 =	sshrl.u32 s18, $0x3;
	s16 =	sand.u32 $0x280, s16;
	v35 =	vbroadcast v35, $0x0;
	v27 =	vor.u32 v3, v34;
	v34 =	vshll.u32 v50, v0  }
0x95: {  	s4 =	smul.u32 $0x51, s24;
	v26 =	vsel vm13, v26, v27;
	v27 =	vmov s17;
	v28 =	vadd.s32 v1, v34;
	s17 =	sshll.u32 s20, $0x7;
	s20 =	sadd.s32 $0x2C, s1  }
0x96: {  	v42 =	vshll.u32 v42, v0;
	s1 =	sadd.s32 $0x2E, s1;
	v34 =	vadd.s32 s16, v28;
	v28 =	vmov s5;
	s16 =	sand.u32 $0x300, s7;
	s5 =	sand.u32 $0x380, s17  }
0x97: {  	v42 =	vadd.s32 v1, v42;
	v56 =	vmov s4;
	v33 =	vor.u32 v3, v35;
	s7 =	smul.u32 $0x51, s30;
	s23 =	sshrl.u32 s20, $0x3;
	s25 =	sshrl.u32 s1, $0x3  }
0x98: {  	s30 =	sshll.u32 s31, $0x7;
	v36 =	vadd.s32 s16, v36;
	v37 =	vadd.s32 s5, v37;
	s5 =	smul.u32 $0x51, s23;
	s16 =	sshll.u32 s19, $0x7;
	v34 =	vbroadcast v34, $0x0  }
0x99: {  	s2 =	smul.u32 $0x51, s25;
	v41 =	vmov s7;
	s16 =	sand.u32 $0x280, s16;
	s7 =	sand.u32 $0x380, s30;
	v36 =	vbroadcast v36, $0x0;
	v37 =	vbroadcast v37, $0x0  }
0x9a: {  	s9 =	sadd.s32 $0x18A00, s14;
	s15 =	smax.u32 s15, $0x1;
	s10 =	sadd.s32 $0x2600, s14;
	v41 =	vshll.u32 v41, v0;
	v39 =	vadd.s32 s16, v39;
	v42 =	vadd.s32 s7, v42  }
0x9b: {  	[dreg:$0x4] =	wrdreg s11;
	s11 =	sadd.s32 $0x2B00, s14;
	s8 =	smul.u32 $0x144, s21;
	v45 =	vmov s5;
	v46 =	vmov s2;
	v34 =	vor.u32 v3, v34  }
0x9c: {  	s12 =	sadd.s32 $0x3000, s14;
	s13 =	sadd.s32 $0x3500, s14;
	s22 =	smul.u32 $0xA2000, s0;
	v41 =	vadd.s32 v1, v41;
	v55 =	vshll.u32 v45, v0;
	v45 =	vshll.u32 v56, v0  }
0x9d: {  	s17 =	sshll.u32 s26, $0x7;
	s31 =	smul.u32 $0x1440, s0;
	s20 =	sshll.u32 s20, $0x7;
	v46 =	vshll.u32 v46, v0;
	v35 =	vor.u32 v3, v36;
	v36 =	vor.u32 v3, v37  }
0x9e: {  	s1 =	sshll.u32 s1, $0x7;
	s0 =	smul.u32 $0x1400, s0;
	s26 =	sand.u32 $0x300, s17;
	v39 =	vbroadcast v39, $0x0;
	v37 =	vor.u32 v3, v38;
	v60 =	vbroadcast v42, $0x0  }
0x9f: {  	s23 =	sand.u32 $0x200, s20;
	s25 =	sand.u32 $0x300, s1;
	v41 =	vadd.s32 s26, v41;
	s26 =	sshll.u32 s18, $0x7;
	v44 =	vadd.s32 v1, v55;
	v46 =	vadd.s32 v1, v46  }
0xa0: {  	s30 =	smul.u32 $0xA200, s21;
	s17 =	sadd.s32 s8, s31;
	v45 =	vadd.s32 v1, v45;
	s24 =	sand.u32 $0x280, s26;
	v44 =	vadd.s32 s23, v44;
	v46 =	vadd.s32 s25, v46  }
0xa1: {  	s14 =	sadd.s32 $0x3A00, s14;
	s31 =	smul.u32 $0x140, s21;
	s16 =	sor.u32 $0x1, s17;
	v59 =	vbroadcast v41, $0x0;
	v45 =	vadd.s32 s24, v45;
	v61 =	vbroadcast v44, $0x0  }
0xa2: {  	s19 =	sor.u32 $0x3, s17;
	s20 =	sadd.s32 $0x5, s17;
	s21 =	sadd.s32 $0x7, s17;
	v38 =	vor.u32 v3, v39;
	v63 =	vbroadcast v46, $0x0;
	v62 =	vbroadcast v45, $0x0  }
0xa3: {  	s1 =	sadd.s32 s30, s22;
	s22 =	sadd.s32 $0x9, s17;
	s18 =	sadd.s32 s31, s0;
	v40 =	vor.u32 v3, v60;
	v44 =	vimm.f32 $1.000000000e+00;
	v39 =	vor.u32 v3, v59  }
0xa4: {  	s23 =	simm.s32 $0x2;
	s25 =	simm.s32 $0x0;
	s24 =	simm.s32 $0x1;
	v41 =	vor.u32 v3, v61;
	v43 =	vor.u32 v3, v63;
	v42 =	vor.u32 v3, v62  }
.LBB2_1:
0xa5: {  	s0 =	simm.s32 $0x0;
	s2 =	simm.s32 $0x200  }
.LBB2_2:
0xa6: {  	p0 =	sne.s32 s2, $0x13800;
	[tilespmem:s0+$0xAF70] =	vst v44  }
0xa7: {  	[tilespmem:s0+$0xAF00] =	vst v44  }
0xa8: {  	[tilespmem:s0+$0xAF10] =	vst v44  }
.Ltmp0:
0xa9: {  	[tilespmem:s0+$0xAF20] =	vst v44;
	(pc) =	sbr.rel @p0 .LBB2_2-.Ltmp0, $4  }
0xaa: {  	[tilespmem:s0+$0xAF30] =	vst v44  }
0xab: {  	[tilespmem:s0+$0xAF40] =	vst v44  }
0xac: {  	[tilespmem:s0+$0xAF50] =	vst v44  }
0xad: {  	[tilespmem:s0+$0xAF60] =	vst v44;
	s0 =	sshra.s32 s2, $0x2;
	s2 =	sadd.s32 $0x200, s2  }
0xae: {  	[tilespmem:s0+$0xAF70] =	vst v44  }
0xaf: {  	[tilespmem:s0+$0xAF00] =	vst v44  }
0xb0: {  	[tilespmem:s0+$0xAF10] =	vst v44  }
0xb1: {  	[tilespmem:s0+$0xAF20] =	vst v44  }
0xb2: {  	[tilespmem:s0+$0xAF30] =	vst v44  }
0xb3: {  	[tilespmem:s0+$0xAF40] =	vst v44  }
0xb4: {  	[tilespmem:s0+$0xAF50] =	vst v44  }
0xb5: {  	[tilespmem:s0+$0xAF60] =	vst v44;
	s0 =	simm.s32 $0x0;
	s2 =	rddreg [dreg:$0x5]  }
0xb6: {  	[tilespmem:s0], [sflag:$0x2] =	stream.linear.gather [hbm4b:s2+s0], $0x2710, $0x38;
	[tilespmem:$0x10380] =	vst v63  }
0xb7: {  	_ =	swait.ge [sflag:s23], $0x2710  }
0xb8: {  	[sflag:s23] =	ssyncset.done $0x0  }
0xb9: {  	s2 =	simm.s32 $0x2780;
	s4 =	rddreg [dreg:$0x6];
	[sflag:s23] =	ssyncadd.s32 $0xFFFFD8F0  }
0xba: {  	[tilespmem:s2], [sflag:$0x2] =	stream.linear.gather [hbm4b:s4+s0], $0x2710, $0x38;
	[tilespmem:$0x10380] =	vst v63  }
0xbb: {  	_ =	swait.ge [sflag:s23], $0x2710  }
0xbc: {  	[sflag:s23] =	ssyncset.done $0x0  }
0xbd: {  	[sflag:s23] =	ssyncadd.s32 $0xFFFFD8F0  }
0xbe: {  	v45 =	vld [tilespmem:s0+$0x0]  }
0xbf: {  	v46 =	vld [tilespmem:s2+$0x0];
	_ =	sdelay $0x3  }
0xc0: {  	v47 =	vshrl.u32 v45, $0x3  }
0xc1: {  	v48 =	vshll.u32 v45, $0x7;
	v49 =	vshrl.u32 v46, $0x3;
	v47 =	vmul.u32 $0x51, v47  }
0xc2: {  	v50 =	vshll.u32 v46, $0x7;
	v51 =	vshrl.u32 v46, $0x7;
	v49 =	vmul.u32 $0x51, v49  }
0xc3: {  	v52 =	vshrl.u32 v45, $0x7;
	v46 =	vand.u32 $0x7F, v46;
	v47 =	vadd.s32 v51, v47  }
0xc4: {  	v48 =	vand.u32 $0x380, v48;
	v49 =	vadd.s32 v52, v49;
	v47 =	vshll.u32 v47, $0xA  }
0xc5: {  	v50 =	vand.u32 $0x380, v50;
	v49 =	vshll.u32 v49, $0xA;
	v47 =	vor.u32 v48, v47  }
0xc6: {  	s5 =	sand.u32 $0x7FE0, s0;
	v45 =	vand.u32 $0x7F, v45;
	v63 =	vor.u32 v50, v49;
	v46 =	vor.u32 v46, v47  }
0xc7: {  	s4 =	simm.s32 $0x20;
	v45 =	vor.u32 v45, v63;
	[tilespmem:s5+$0x4F10] =	vst v46  }
.LBB2_4:
0xc8: {  	p0 =	sne.s32 s4, $0x4E00;
	[tilespmem:s5+$0x4F00] =	vst v45;
	s0 =	sadd.s32 $0x10, s0;
	s2 =	sadd.s32 $0x10, s2  }
0xc9: {  	s5 =	smov.u32 s4;
	s4 =	sadd.s32 $0x20, s4;
	v45 =	vld [tilespmem:s0+$0x0]  }
0xca: {  	v46 =	vld [tilespmem:s2+$0x0];
	_ =	sdelay $0x3  }
0xcb: {  	v47 =	vshrl.u32 v45, $0x3;
	v48 =	vshll.u32 v45, $0x7  }
0xcc: {  	v49 =	vshrl.u32 v46, $0x3;
	v50 =	vshll.u32 v46, $0x7;
	v47 =	vmul.u32 $0x51, v47  }
0xcd: {  	v51 =	vshrl.u32 v46, $0x7;
	v49 =	vmul.u32 $0x51, v49  }
.Ltmp1:
0xce: {  	v52 =	vshrl.u32 v45, $0x7;
	v46 =	vand.u32 $0x7F, v46;
	v47 =	vadd.s32 v51, v47;
	(pc) =	sbr.rel @p0 .LBB2_4-.Ltmp1, $4  }
0xcf: {  	v48 =	vand.u32 $0x380, v48;
	v49 =	vadd.s32 v52, v49;
	v47 =	vshll.u32 v47, $0xA  }
0xd0: {  	v50 =	vand.u32 $0x380, v50;
	v49 =	vshll.u32 v49, $0xA;
	v47 =	vor.u32 v48, v47  }
0xd1: {  	s5 =	sand.u32 $0x7FE0, s5;
	v45 =	vand.u32 $0x7F, v45;
	v48 =	vor.u32 v50, v49;
	v46 =	vor.u32 v46, v47  }
0xd2: {  	v45 =	vor.u32 v45, v48;
	[tilespmem:s5+$0x4F10] =	vst v46  }
0xd3: {  	[tilespmem:s5+$0x4F00] =	vst v45  }
0xd4: {  	[tilespmem:$0x9D20] =	vst v4  }
0xd5: {  	[tilespmem:$0x9D30] =	vst v5  }
0xd6: {  	[tilespmem:$0x9D40] =	vst v6  }
0xd7: {  	[tilespmem:$0x9D50] =	vst v7  }
0xd8: {  	[tilespmem:$0x9D60] =	vst v29  }
0xd9: {  	s26 =	simm.s32 $0x0;
	s0 =	simm.s32 $0xFF00;
	[tilespmem:$0x9D70] =	vst v31  }
0xda: {  	[tilespmem:s0], [sflag:$0x2] =	stream.linear.gather [hbm4b:s9+s26], $0x140, $0x38;
	[tilespmem:$0x10380] =	vst v63  }
0xdb: {  	_ =	swait.ge [sflag:s23], $0x140  }
0xdc: {  	[sflag:s23] =	ssyncset.done $0x0  }
0xdd: {  	s30 =	simm.s32 $0x10080;
	[sflag:s23] =	ssyncadd.s32 $0xFFFFFEC0  }
0xde: {  	[tilespmem:s30], [sflag:$0x2] =	stream.linear.gather [hbm4b:s10+s26], $0x140, $0x38;
	[tilespmem:$0x10380] =	vst v63  }
0xdf: {  	_ =	swait.ge [sflag:s23], $0x140  }
0xe0: {  	[sflag:s23] =	ssyncset.done $0x0  }
0xe1: {  	[sflag:s23] =	ssyncadd.s32 $0xFFFFFEC0  }
0xe2: {  	v49 =	vld [tilespmem:s0+$0x0];
	_ =	sdelay $0x1  }
0xe3: {  	s2 =	sshrl.u32 s16, $0x3  }
0xe4: {  	s4 =	sadd.s32 $0xFFFFFFFF, s16;
	v47 =	vor.u32 s18, v2;
	v61 =	vand.u32 $0x7, v2;
	s2 =	smul.u32 $0x51, s2  }
0xe5: {  	v48 =	vmov s18;
	v46 =	vand.u32 $0x7F, v47;
	v45 =	vmul.u32 $0x80, v61;
	s0 =	sshrl.u32 s4, $0x3  }
0xe6: {  	v47 =	vshrl.u32 v47, $0x3;
	v52 =	vmov s2;
	v55 =	vld [tilespmem:s30+$0x0];
	s0 =	smul.u32 $0x51, s0;
	v50 =	vmul.u32 $0x5, v49  }
0xe7: {  	s5 =	sadd.s32 $0x80, s1;
	v48 =	vshrl.u32 v48, $0x7;
	v47 =	vmul.u32 $0x51, v47;
	v52 =	vshll.u32 v52, v0  }
0xe8: {  	v52 =	vadd.s32 v1, v52;
	v51 =	vmov s0;
	s0 =	sand.u32 $0x380, s5;
	v50 =	vadd.s32 $0x2710, v50  }
0xe9: {  	v51 =	vshll.u32 v51, v0;
	v52 =	vadd.s32 s0, v52;
	v53 =	vshrl.u32 v50, $0x3  }
0xea: {  	s7 =	sand.u32 $0x300, s1;
	v51 =	vadd.s32 v1, v51;
	v49 =	vmul.u32 $0x280, v49;
	v53 =	vmul.u32 $0x51, v53  }
0xeb: {  	v52 =	vbroadcast v52, $0x0;
	vm0 =	vge.f32 v55, $0.0e+00;
	v51 =	vadd.s32 s7, v51  }
0xec: {  	v51 =	vbroadcast v51, $0x0;
	v54 =	vshrl.u32 v50, $0x7;
	v53 =	vadd.s32 v48, v53  }
0xed: {  	v49 =	vand.u32 $0x380, v49;
	v54 =	vadd.s32 v47, v54;
	v53 =	vshll.u32 v53, $0xA  }
0xee: {  	s8 =	sand.u32 $0x1F80, s26;
	v50 =	vand.u32 $0x7F, v50;
	v62 =	vshll.u32 v54, $0xA;
	v49 =	vor.u32 v49, v53  }
0xef: {  	s17 =	sand.u32 $0x60, s26;
	s4 =	simm.s32 $0x10;
	s0 =	sadd.s32 $0x9F00, s8;
	v51 =	vor.u32 v3, v51;
	v50 =	vor.u32 v50, v62;
	v49 =	vor.u32 v46, v49  }
0xf0: {  	s4 =	sand.u32 $0x70, s4;
	s2 =	sor.u32 s17, s0;
	v63 =	vor.u32 v3, v52;
	v50 =	vor.u32 v45, v50;
	v49 =	vsel vm0, v49, v51  }
0xf1: {  	s0 =	sor.u32 s4, s0;
	v50 =	vsel vm0, v50, v63;
	[tilespmem:s2+$0x0] =	vst v49  }
0xf2: {  	s2 =	simm.s32 $0xFF10;
	[tilespmem:s0+$0x0] =	vst v50  }
0xf3: {  	s31 =	simm.s32 $0xA0;
	s5 =	simm.s32 $0x140;
	v49 =	vld [tilespmem:s2+$0x0]  }
0xf4: {  	s4 =	sadd.s32 $0xA, s16;
	s17 =	smov.u32 s1;
	s0 =	sadd.s32 $0x10, s18  }
.LBB2_6:
0xf5: {  	p0 =	sne.s32 s5, $0xBE0;
	s7 =	sadd.s32 $0xFFFFFFFF, s4;
	s8 =	sshrl.u32 s4, $0x3  }
0xf6: {  	v50 =	vor.u32 s0, v2;
	s7 =	sshrl.u32 s7, $0x3;
	s8 =	smul.u32 $0x51, s8  }
0xf7: {  	v51 =	vmov s0;
	v52 =	vand.u32 $0x7F, v50;
	s7 =	smul.u32 $0x51, s7  }
0xf8: {  	v51 =	vshrl.u32 v51, $0x7;
	v50 =	vshrl.u32 v50, $0x3;
	v53 =	vmul.u32 $0x5, v49  }
0xf9: {  	v50 =	vmul.u32 $0x51, v50;
	v55 =	vmov s8;
	v54 =	vmov s7  }
0xfa: {  	s17 =	sadd.s32 $0x500, s17;
	v55 =	vshll.u32 v55, v0;
	v53 =	vadd.s32 $0x2710, v53;
	v54 =	vshll.u32 v54, v0  }
0xfb: {  	s30 =	sadd.s32 $0x10, s30;
	s7 =	sadd.s32 $0x80, s17;
	v56 =	vshrl.u32 v53, $0x3;
	v57 =	vshrl.u32 v53, $0x7;
	v53 =	vand.u32 $0x7F, v53  }
0xfc: {  	s8 =	sand.u32 $0x300, s17;
	v55 =	vadd.s32 v1, v55;
	s7 =	sand.u32 $0x380, s7;
	v54 =	vadd.s32 v1, v54;
	v58 =	vld [tilespmem:s30+$0x0];
	v56 =	vmul.u32 $0x51, v56  }
0xfd: {  	v49 =	vmul.u32 $0x280, v49;
	v55 =	vadd.s32 s7, v55;
	v54 =	vadd.s32 s8, v54  }
0xfe: {  	v55 =	vbroadcast v55, $0x0;
	v54 =	vbroadcast v54, $0x0;
	v51 =	vadd.s32 v51, v56  }
0xff: {  	v49 =	vand.u32 $0x380, v49;
	v50 =	vadd.s32 v50, v57;
	v51 =	vshll.u32 v51, $0xA  }
0x100: {  	s26 =	sadd.s32 $0x20, s26;
	s7 =	sand.u32 $0x1F80, s31;
	v50 =	vshll.u32 v50, $0xA;
	v54 =	vor.u32 v3, v54;
	v49 =	vor.u32 v49, v51  }
0x101: {  	s31 =	sadd.s32 $0x10, s31;
	s8 =	sand.u32 $0x60, s26;
	s7 =	sadd.s32 $0x9F00, s7;
	v50 =	vor.u32 v53, v50;
	vm0 =	vge.f32 v58, $0.0e+00;
	v49 =	vor.u32 v52, v49  }
.Ltmp2:
0x102: {  	s31 =	sand.u32 $0x70, s31;
	s8 =	sor.u32 s8, s7;
	v50 =	vor.u32 v45, v50;
	v51 =	vor.u32 v3, v55;
	v49 =	vsel vm0, v49, v54;
	(pc) =	sbr.rel @p0 .LBB2_6-.Ltmp2, $4  }
0x103: {  	s7 =	sor.u32 s31, s7;
	s31 =	smov.u32 s5;
	v50 =	vsel vm0, v50, v51;
	[tilespmem:s8+$0x0] =	vst v49  }
0x104: {  	s2 =	sadd.s32 $0x10, s2;
	[tilespmem:s7+$0x0] =	vst v50  }
0x105: {  	v49 =	vld [tilespmem:s2+$0x0]  }
0x106: {  	s4 =	sadd.s32 $0xA, s4;
	s0 =	sadd.s32 $0x10, s0;
	s5 =	sadd.s32 $0xA0, s5  }
0x107: {  	_ = 	snop  }
0x108: {  	s2 =	sadd.s32 $0xFFFFFFFF, s4;
	s7 =	sshrl.u32 s4, $0x3;
	v50 =	vor.u32 s0, v2  }
0x109: {  	v51 =	vmov s0;
	s2 =	sshrl.u32 s2, $0x3;
	s4 =	smul.u32 $0x51, s7;
	v52 =	vand.u32 $0x7F, v50  }
0x10a: {  	v51 =	vshrl.u32 v51, $0x7;
	v50 =	vshrl.u32 v50, $0x3;
	s8 =	smul.u32 $0x51, s2;
	v53 =	vmul.u32 $0x5, v49  }
0x10b: {  	v50 =	vmul.u32 $0x51, v50;
	v55 =	vmov s4;
	v63 =	vmul.u32 $0x280, v49  }
0x10c: {  	s7 =	sadd.s32 $0x10, s30;
	s2 =	sadd.s32 $0x500, s17;
	v54 =	vmov s8;
	v55 =	vshll.u32 v55, v0;
	v53 =	vadd.s32 $0x2710, v53  }
0x10d: {  	v58 =	vld [tilespmem:s7+$0x0];
	s5 =	sadd.s32 $0x80, s2;
	v54 =	vshll.u32 v54, v0;
	v55 =	vadd.s32 v1, v55;
	v56 =	vshrl.u32 v53, $0x3  }
0x10e: {  	s0 =	sand.u32 $0x300, s2;
	s2 =	sand.u32 $0x380, s5;
	v49 =	vand.u32 $0x380, v63;
	v57 =	vshrl.u32 v53, $0x7;
	v56 =	vmul.u32 $0x51, v56  }
0x10f: {  	v53 =	vand.u32 $0x7F, v53;
	v54 =	vadd.s32 v1, v54;
	v55 =	vadd.s32 s2, v55  }
0x110: {  	v54 =	vadd.s32 s0, v54;
	v55 =	vbroadcast v55, $0x0;
	v51 =	vadd.s32 v51, v56  }
0x111: {  	v50 =	vadd.s32 v50, v57;
	v54 =	vbroadcast v54, $0x0;
	v51 =	vshll.u32 v51, $0xA  }
0x112: {  	s17 =	sadd.s32 $0x20, s26;
	s8 =	sand.u32 $0x1F80, s31;
	vm0 =	vge.f32 v58, $0.0e+00;
	v50 =	vshll.u32 v50, $0xA;
	v49 =	vor.u32 v49, v51  }
0x113: {  	s26 =	sadd.s32 $0x10, s31;
	s2 =	sand.u32 $0x60, s17;
	s0 =	sadd.s32 $0x9F00, s8;
	v50 =	vor.u32 v53, v50;
	v54 =	vor.u32 v3, v54;
	v49 =	vor.u32 v52, v49  }
0x114: {  	s4 =	sand.u32 $0x70, s26;
	s2 =	sor.u32 s2, s0;
	v50 =	vor.u32 v45, v50;
	v49 =	vsel vm0, v49, v54;
	v54 =	vor.u32 v3, v55  }
0x115: {  	s0 =	sor.u32 s4, s0;
	v50 =	vsel vm0, v50, v54;
	[tilespmem:s2+$0x0] =	vst v49  }
0x116: {  	s26 =	simm.s32 $0x10080;
	[tilespmem:s0+$0x0] =	vst v50  }
0x117: {  	[tilespmem:s26], [sflag:$0x2] =	stream.linear.gather [hbm4b:s11+s3], $0x140, $0x38;
	[tilespmem:$0x10380] =	vst v63  }
0x118: {  	_ =	swait.ge [sflag:s23], $0x140  }
0x119: {  	[sflag:s23] =	ssyncset.done $0x0  }
0x11a: {  	s31 =	simm.s32 $0xFF00;
	[sflag:s23] =	ssyncadd.s32 $0xFFFFFEC0  }
0x11b: {  	v55 =	vld [tilespmem:s31+$0x0];
	_ =	sdelay $0x1  }
0x11c: {  	s4 =	sshrl.u32 s19, $0x3;
	s2 =	sadd.s32 $0xFFFFFFFF, s19  }
0x11d: {  	s0 =	sshrl.u32 s2, $0x3;
	s2 =	smul.u32 $0x51, s4  }
0x11e: {  	s0 =	smul.u32 $0x51, s0  }
0x11f: {  	v49 =	vmul.u32 $0x5, v55  }
0x120: {  	v56 =	vmov s2;
	v57 =	vmov s0  }
0x121: {  	s7 =	sadd.s32 $0x100, s1;
	s5 =	sadd.s32 $0x180, s1;
	v50 =	vshll.u32 v56, v0;
	v51 =	vshll.u32 v57, v0;
	v49 =	vadd.s32 $0x2711, v49  }
0x122: {  	s2 =	sand.u32 $0x300, s7;
	s0 =	sand.u32 $0x380, s5;
	v50 =	vadd.s32 v1, v50;
	v51 =	vadd.s32 v1, v51;
	v58 =	vshrl.u32 v49, $0x3  }
0x123: {  	v60 =	vld [tilespmem:s26+$0x0];
	v50 =	vadd.s32 s0, v50;
	v51 =	vadd.s32 s2, v51;
	v52 =	vmul.u32 $0x51, v58  }
0x124: {  	v50 =	vbroadcast v50, $0x0;
	v51 =	vbroadcast v51, $0x0;
	v59 =	vshrl.u32 v49, $0x7  }
0x125: {  	v61 =	vand.u32 $0x7F, v49;
	v49 =	vshll.u32 v49, $0x7;
	v52 =	vadd.s32 v48, v52  }
0x126: {  	v49 =	vand.u32 $0x380, v49;
	v53 =	vadd.s32 v47, v59;
	v52 =	vshll.u32 v52, $0xA  }
0x127: {  	v51 =	vor.u32 v3, v51;
	v62 =	vshll.u32 v53, $0xA;
	v49 =	vor.u32 v49, v52  }
0x128: {  	s8 =	simm.s32 $0x20;
	vm15 =	vge.f32 v60, $0.0e+00;
	v52 =	vor.u32 v61, v62;
	v49 =	vor.u32 v46, v49  }
0x129: {  	s17 =	simm.s32 $0x30;
	s0 =	sand.u32 $0x3FE0, s8;
	v50 =	vor.u32 v3, v50;
	v63 =	vor.u32 v45, v52;
	v49 =	vsel vm15, v49, v51  }
0x12a: {  	s31 =	sand.u32 $0x3FF0, s17;
	v50 =	vsel vm15, v63, v50;
	[tilespmem:s0+$0x9F00] =	vst v49  }
0x12b: {  	s2 =	simm.s32 $0xFF10;
	[tilespmem:s31+$0x9F00] =	vst v50  }
0x12c: {  	s30 =	simm.s32 $0xD0;
	s4 =	sadd.s32 $0xA, s19;
	v49 =	vld [tilespmem:s2+$0x0]  }
0x12d: {  	s5 =	simm.s32 $0x170;
	s17 =	smov.u32 s1;
	s0 =	sadd.s32 $0x10, s18  }
.LBB2_8:
0x12e: {  	p0 =	sne.s32 s5, $0xC10;
	s7 =	sadd.s32 $0xFFFFFFFF, s4;
	s8 =	sshrl.u32 s4, $0x3  }
0x12f: {  	v50 =	vor.u32 s0, v2;
	s7 =	sshrl.u32 s7, $0x3;
	s8 =	smul.u32 $0x51, s8  }
0x130: {  	v51 =	vmov s0;
	v52 =	vand.u32 $0x7F, v50;
	s7 =	smul.u32 $0x51, s7  }
0x131: {  	v51 =	vshrl.u32 v51, $0x7;
	v49 =	vmul.u32 $0x5, v49;
	v53 =	vmov s8  }
0x132: {  	s17 =	sadd.s32 $0x500, s17;
	v50 =	vshrl.u32 v50, $0x3;
	v54 =	vmov s7;
	v53 =	vshll.u32 v53, v0  }
0x133: {  	s7 =	sadd.s32 $0x180, s17;
	v49 =	vadd.s32 $0x2711, v49;
	v54 =	vshll.u32 v54, v0;
	v53 =	vadd.s32 v1, v53  }
0x134: {  	s26 =	sadd.s32 $0x10, s26;
	s8 =	sadd.s32 $0x100, s17;
	s7 =	sand.u32 $0x380, s7;
	v55 =	vshrl.u32 v49, $0x3;
	v56 =	vshrl.u32 v49, $0x7;
	v57 =	vand.u32 $0x7F, v49  }
0x135: {  	s8 =	sand.u32 $0x300, s8;
	v54 =	vadd.s32 v1, v54;
	v53 =	vadd.s32 s7, v53;
	v58 =	vld [tilespmem:s26+$0x0];
	v55 =	vmul.u32 $0x51, v55  }
0x136: {  	v50 =	vmul.u32 $0x51, v50;
	v54 =	vadd.s32 s8, v54;
	v53 =	vbroadcast v53, $0x0  }
0x137: {  	v49 =	vshll.u32 v49, $0x7;
	v54 =	vbroadcast v54, $0x0;
	v51 =	vadd.s32 v51, v55  }
0x138: {  	v49 =	vand.u32 $0x380, v49;
	v50 =	vadd.s32 v50, v56;
	v51 =	vshll.u32 v51, $0xA  }
0x139: {  	v50 =	vshll.u32 v50, $0xA;
	v54 =	vor.u32 v3, v54;
	v49 =	vor.u32 v49, v51  }
0x13a: {  	s7 =	sadd.s32 $0xFFFFFFF0, s30;
	v50 =	vor.u32 v57, v50;
	vm0 =	vge.f32 v58, $0.0e+00;
	v49 =	vor.u32 v52, v49  }
.Ltmp3:
0x13b: {  	s7 =	sand.u32 $0x3FE0, s7;
	v50 =	vor.u32 v45, v50;
	v51 =	vor.u32 v3, v53;
	v49 =	vsel vm0, v49, v54;
	(pc) =	sbr.rel @p0 .LBB2_8-.Ltmp3, $4  }
0x13c: {  	v50 =	vsel vm0, v50, v51;
	[tilespmem:s7+$0x9F00] =	vst v49;
	s7 =	sand.u32 $0x3FF0, s30;
	s30 =	smov.u32 s5  }
0x13d: {  	s2 =	sadd.s32 $0x10, s2;
	[tilespmem:s7+$0x9F00] =	vst v50  }
0x13e: {  	v49 =	vld [tilespmem:s2+$0x0]  }
0x13f: {  	s4 =	sadd.s32 $0xA, s4;
	s0 =	sadd.s32 $0x10, s0;
	s5 =	sadd.s32 $0xA0, s5  }
0x140: {  	s2 =	sadd.s32 $0xFFFFFFFF, s4;
	s31 =	sshrl.u32 s4, $0x3  }
0x141: {  	v50 =	vor.u32 s0, v2;
	s2 =	sshrl.u32 s2, $0x3;
	s4 =	smul.u32 $0x51, s31  }
0x142: {  	v51 =	vmov s0;
	s8 =	sadd.s32 $0x10, s26;
	v52 =	vand.u32 $0x7F, v50;
	s2 =	smul.u32 $0x51, s2  }
0x143: {  	v51 =	vshrl.u32 v51, $0x7;
	v50 =	vshrl.u32 v50, $0x3;
	v58 =	vld [tilespmem:s8+$0x0];
	v49 =	vmul.u32 $0x5, v49  }
0x144: {  	v50 =	vmul.u32 $0x51, v50;
	v53 =	vmov s4;
	v54 =	vmov s2  }
0x145: {  	s5 =	sadd.s32 $0x500, s17;
	v53 =	vshll.u32 v53, v0;
	v49 =	vadd.s32 $0x2711, v49;
	v54 =	vshll.u32 v54, v0  }
0x146: {  	s7 =	sadd.s32 $0x180, s5;
	v53 =	vadd.s32 v1, v53;
	v55 =	vshrl.u32 v49, $0x3;
	v56 =	vshrl.u32 v49, $0x7  }
0x147: {  	s0 =	sadd.s32 $0x100, s5;
	s2 =	sand.u32 $0x380, s7;
	v57 =	vand.u32 $0x7F, v49;
	v54 =	vadd.s32 v1, v54;
	v55 =	vmul.u32 $0x51, v55  }
0x148: {  	s0 =	sand.u32 $0x300, s0;
	v53 =	vadd.s32 s2, v53;
	v49 =	vshll.u32 v49, $0x7;
	vm0 =	vge.f32 v58, $0.0e+00  }
0x149: {  	v54 =	vadd.s32 s0, v54;
	v49 =	vand.u32 $0x380, v49;
	v51 =	vadd.s32 v51, v55  }
0x14a: {  	v50 =	vadd.s32 v50, v56;
	v54 =	vbroadcast v54, $0x0;
	v51 =	vshll.u32 v51, $0xA  }
0x14b: {  	v53 =	vbroadcast v53, $0x0;
	v50 =	vshll.u32 v50, $0xA;
	v49 =	vor.u32 v49, v51  }
0x14c: {  	s17 =	sadd.s32 $0xFFFFFFF0, s30;
	v50 =	vor.u32 v57, v50;
	v54 =	vor.u32 v3, v54;
	v49 =	vor.u32 v52, v49  }
0x14d: {  	s0 =	sand.u32 $0x3FE0, s17;
	v50 =	vor.u32 v45, v50;
	v49 =	vsel vm0, v49, v54;
	v54 =	vor.u32 v3, v53  }
0x14e: {  	s26 =	sand.u32 $0x3FF0, s30;
	v50 =	vsel vm0, v50, v54;
	[tilespmem:s0+$0x9F00] =	vst v49  }
0x14f: {  	[tilespmem:s26+$0x9F00] =	vst v50;
	s26 =	simm.s32 $0x10080  }
0x150: {  	[tilespmem:s26], [sflag:$0x2] =	stream.linear.gather [hbm4b:s12+s3], $0x140, $0x38;
	[tilespmem:$0x10380] =	vst v63  }
0x151: {  	_ =	swait.ge [sflag:s23], $0x140  }
0x152: {  	[sflag:s23] =	ssyncset.done $0x0  }
0x153: {  	s31 =	simm.s32 $0xFF00;
	[sflag:s23] =	ssyncadd.s32 $0xFFFFFEC0  }
0x154: {  	v55 =	vld [tilespmem:s31+$0x0];
	_ =	sdelay $0x1  }
0x155: {  	s4 =	sshrl.u32 s20, $0x3;
	s2 =	sadd.s32 $0xFFFFFFFF, s20  }
0x156: {  	s0 =	sshrl.u32 s2, $0x3;
	s2 =	smul.u32 $0x51, s4  }
0x157: {  	s0 =	smul.u32 $0x51, s0  }
0x158: {  	v49 =	vmul.u32 $0x5, v55  }
0x159: {  	v56 =	vmov s2;
	v57 =	vmov s0  }
0x15a: {  	s5 =	sadd.s32 $0x280, s1;
	s7 =	sadd.s32 $0x200, s1;
	v50 =	vshll.u32 v56, v0;
	v51 =	vshll.u32 v57, v0;
	v49 =	vadd.s32 $0x2712, v49  }
0x15b: {  	s2 =	sand.u32 $0x300, s7;
	s0 =	sand.u32 $0x380, s5;
	v50 =	vadd.s32 v1, v50;
	v51 =	vadd.s32 v1, v51;
	v58 =	vshrl.u32 v49, $0x3  }
0x15c: {  	v50 =	vadd.s32 s0, v50;
	v60 =	vld [tilespmem:s26+$0x0];
	v51 =	vadd.s32 s2, v51;
	v52 =	vmul.u32 $0x51, v58  }
0x15d: {  	v50 =	vbroadcast v50, $0x0;
	v51 =	vbroadcast v51, $0x0;
	v59 =	vshrl.u32 v49, $0x7  }
0x15e: {  	v61 =	vand.u32 $0x7F, v49;
	v49 =	vshll.u32 v49, $0x7;
	v52 =	vadd.s32 v48, v52  }
0x15f: {  	v49 =	vand.u32 $0x380, v49;
	v53 =	vadd.s32 v47, v59;
	v52 =	vshll.u32 v52, $0xA  }
0x160: {  	v51 =	vor.u32 v3, v51;
	v62 =	vshll.u32 v53, $0xA;
	v49 =	vor.u32 v49, v52  }
0x161: {  	s8 =	simm.s32 $0x40;
	vm15 =	vge.f32 v60, $0.0e+00;
	v52 =	vor.u32 v61, v62;
	v49 =	vor.u32 v46, v49  }
0x162: {  	s17 =	simm.s32 $0x50;
	s0 =	sand.u32 $0x3FE0, s8;
	v50 =	vor.u32 v3, v50;
	v63 =	vor.u32 v45, v52;
	v49 =	vsel vm15, v49, v51  }
0x163: {  	s31 =	sand.u32 $0x3FF0, s17;
	v50 =	vsel vm15, v63, v50;
	[tilespmem:s0+$0x9F00] =	vst v49  }
0x164: {  	s2 =	simm.s32 $0xFF10;
	[tilespmem:s31+$0x9F00] =	vst v50  }
0x165: {  	s30 =	simm.s32 $0xF0;
	s4 =	sadd.s32 $0xA, s20;
	v49 =	vld [tilespmem:s2+$0x0]  }
0x166: {  	s5 =	simm.s32 $0x190;
	s17 =	smov.u32 s1;
	s0 =	sadd.s32 $0x10, s18  }
.LBB2_10:
0x167: {  	p0 =	sne.s32 s5, $0xC30;
	s7 =	sadd.s32 $0xFFFFFFFF, s4;
	s8 =	sshrl.u32 s4, $0x3  }
0x168: {  	v50 =	vor.u32 s0, v2;
	s7 =	sshrl.u32 s7, $0x3;
	s8 =	smul.u32 $0x51, s8  }
0x169: {  	v51 =	vmov s0;
	v52 =	vand.u32 $0x7F, v50;
	s7 =	smul.u32 $0x51, s7  }
0x16a: {  	v51 =	vshrl.u32 v51, $0x7;
	v49 =	vmul.u32 $0x5, v49;
	v53 =	vmov s8  }
0x16b: {  	s17 =	sadd.s32 $0x500, s17;
	v50 =	vshrl.u32 v50, $0x3;
	v54 =	vmov s7;
	v53 =	vshll.u32 v53, v0  }
0x16c: {  	s7 =	sadd.s32 $0x280, s17;
	v49 =	vadd.s32 $0x2712, v49;
	v54 =	vshll.u32 v54, v0;
	v53 =	vadd.s32 v1, v53  }
0x16d: {  	s26 =	sadd.s32 $0x10, s26;
	s8 =	sadd.s32 $0x200, s17;
	s7 =	sand.u32 $0x380, s7;
	v55 =	vshrl.u32 v49, $0x3;
	v56 =	vshrl.u32 v49, $0x7;
	v57 =	vand.u32 $0x7F, v49  }
0x16e: {  	s8 =	sand.u32 $0x300, s8;
	v54 =	vadd.s32 v1, v54;
	v53 =	vadd.s32 s7, v53;
	v58 =	vld [tilespmem:s26+$0x0];
	v55 =	vmul.u32 $0x51, v55  }
0x16f: {  	v50 =	vmul.u32 $0x51, v50;
	v54 =	vadd.s32 s8, v54;
	v53 =	vbroadcast v53, $0x0  }
0x170: {  	v49 =	vshll.u32 v49, $0x7;
	v54 =	vbroadcast v54, $0x0;
	v51 =	vadd.s32 v51, v55  }
0x171: {  	v49 =	vand.u32 $0x380, v49;
	v50 =	vadd.s32 v50, v56;
	v51 =	vshll.u32 v51, $0xA  }
0x172: {  	v50 =	vshll.u32 v50, $0xA;
	v54 =	vor.u32 v3, v54;
	v49 =	vor.u32 v49, v51  }
0x173: {  	s7 =	sadd.s32 $0xFFFFFFF0, s30;
	v50 =	vor.u32 v57, v50;
	vm0 =	vge.f32 v58, $0.0e+00;
	v49 =	vor.u32 v52, v49  }
.Ltmp4:
0x174: {  	s7 =	sand.u32 $0x3FE0, s7;
	v50 =	vor.u32 v45, v50;
	v51 =	vor.u32 v3, v53;
	v49 =	vsel vm0, v49, v54;
	(pc) =	sbr.rel @p0 .LBB2_10-.Ltmp4, $4  }
0x175: {  	v50 =	vsel vm0, v50, v51;
	[tilespmem:s7+$0x9F00] =	vst v49;
	s7 =	sand.u32 $0x3FF0, s30;
	s30 =	smov.u32 s5  }
0x176: {  	s2 =	sadd.s32 $0x10, s2;
	[tilespmem:s7+$0x9F00] =	vst v50  }
0x177: {  	v49 =	vld [tilespmem:s2+$0x0]  }
0x178: {  	s4 =	sadd.s32 $0xA, s4;
	s0 =	sadd.s32 $0x10, s0;
	s5 =	sadd.s32 $0xA0, s5  }
0x179: {  	s2 =	sadd.s32 $0xFFFFFFFF, s4;
	s31 =	sshrl.u32 s4, $0x3  }
0x17a: {  	v50 =	vor.u32 s0, v2;
	s2 =	sshrl.u32 s2, $0x3;
	s4 =	smul.u32 $0x51, s31  }
0x17b: {  	v51 =	vmov s0;
	s8 =	sadd.s32 $0x10, s26;
	v52 =	vand.u32 $0x7F, v50;
	s2 =	smul.u32 $0x51, s2  }
0x17c: {  	v51 =	vshrl.u32 v51, $0x7;
	v50 =	vshrl.u32 v50, $0x3;
	v58 =	vld [tilespmem:s8+$0x0];
	v49 =	vmul.u32 $0x5, v49  }
0x17d: {  	v50 =	vmul.u32 $0x51, v50;
	v53 =	vmov s4;
	v54 =	vmov s2  }
0x17e: {  	s5 =	sadd.s32 $0x500, s17;
	v53 =	vshll.u32 v53, v0;
	v49 =	vadd.s32 $0x2712, v49;
	v54 =	vshll.u32 v54, v0  }
0x17f: {  	s7 =	sadd.s32 $0x280, s5;
	v53 =	vadd.s32 v1, v53;
	v55 =	vshrl.u32 v49, $0x3;
	v56 =	vshrl.u32 v49, $0x7  }
0x180: {  	s0 =	sadd.s32 $0x200, s5;
	s2 =	sand.u32 $0x380, s7;
	v57 =	vand.u32 $0x7F, v49;
	v54 =	vadd.s32 v1, v54;
	v55 =	vmul.u32 $0x51, v55  }
0x181: {  	s0 =	sand.u32 $0x300, s0;
	v53 =	vadd.s32 s2, v53;
	v49 =	vshll.u32 v49, $0x7;
	vm0 =	vge.f32 v58, $0.0e+00  }
0x182: {  	v54 =	vadd.s32 s0, v54;
	v49 =	vand.u32 $0x380, v49;
	v51 =	vadd.s32 v51, v55  }
0x183: {  	v50 =	vadd.s32 v50, v56;
	v54 =	vbroadcast v54, $0x0;
	v51 =	vshll.u32 v51, $0xA  }
0x184: {  	v53 =	vbroadcast v53, $0x0;
	v50 =	vshll.u32 v50, $0xA;
	v49 =	vor.u32 v49, v51  }
0x185: {  	s17 =	sadd.s32 $0xFFFFFFF0, s30;
	v50 =	vor.u32 v57, v50;
	v54 =	vor.u32 v3, v54;
	v49 =	vor.u32 v52, v49  }
0x186: {  	s0 =	sand.u32 $0x3FE0, s17;
	v50 =	vor.u32 v45, v50;
	v49 =	vsel vm0, v49, v54;
	v54 =	vor.u32 v3, v53  }
0x187: {  	s26 =	sand.u32 $0x3FF0, s30;
	v50 =	vsel vm0, v50, v54;
	[tilespmem:s0+$0x9F00] =	vst v49  }
0x188: {  	[tilespmem:s26+$0x9F00] =	vst v50;
	s26 =	simm.s32 $0x10080  }
0x189: {  	[tilespmem:s26], [sflag:$0x2] =	stream.linear.gather [hbm4b:s13+s3], $0x140, $0x38;
	[tilespmem:$0x10380] =	vst v63  }
0x18a: {  	_ =	swait.ge [sflag:s23], $0x140  }
0x18b: {  	[sflag:s23] =	ssyncset.done $0x0  }
0x18c: {  	s31 =	simm.s32 $0xFF00;
	[sflag:s23] =	ssyncadd.s32 $0xFFFFFEC0  }
0x18d: {  	v55 =	vld [tilespmem:s31+$0x0];
	_ =	sdelay $0x1  }
0x18e: {  	s4 =	sshrl.u32 s21, $0x3;
	s2 =	sadd.s32 $0xFFFFFFFF, s21  }
0x18f: {  	s0 =	sshrl.u32 s2, $0x3;
	s2 =	smul.u32 $0x51, s4  }
0x190: {  	s0 =	smul.u32 $0x51, s0  }
0x191: {  	v49 =	vmul.u32 $0x5, v55  }
0x192: {  	v56 =	vmov s2;
	v57 =	vmov s0  }
0x193: {  	s5 =	sadd.s32 $0x380, s1;
	s7 =	sadd.s32 $0x300, s1;
	v50 =	vshll.u32 v56, v0;
	v51 =	vshll.u32 v57, v0;
	v49 =	vadd.s32 $0x2713, v49  }
0x194: {  	s2 =	sand.u32 $0x300, s7;
	s0 =	sand.u32 $0x380, s5;
	v50 =	vadd.s32 v1, v50;
	v51 =	vadd.s32 v1, v51;
	v58 =	vshrl.u32 v49, $0x3  }
0x195: {  	v50 =	vadd.s32 s0, v50;
	v60 =	vld [tilespmem:s26+$0x0];
	v51 =	vadd.s32 s2, v51;
	v52 =	vmul.u32 $0x51, v58  }
0x196: {  	v50 =	vbroadcast v50, $0x0;
	v51 =	vbroadcast v51, $0x0;
	v59 =	vshrl.u32 v49, $0x7  }
0x197: {  	v61 =	vand.u32 $0x7F, v49;
	v49 =	vshll.u32 v49, $0x7;
	v52 =	vadd.s32 v48, v52  }
0x198: {  	v49 =	vand.u32 $0x380, v49;
	v53 =	vadd.s32 v47, v59;
	v52 =	vshll.u32 v52, $0xA  }
0x199: {  	v51 =	vor.u32 v3, v51;
	v62 =	vshll.u32 v53, $0xA;
	v49 =	vor.u32 v49, v52  }
0x19a: {  	s8 =	simm.s32 $0x60;
	vm15 =	vge.f32 v60, $0.0e+00;
	v52 =	vor.u32 v61, v62;
	v49 =	vor.u32 v46, v49  }
0x19b: {  	s17 =	simm.s32 $0x70;
	s0 =	sand.u32 $0x3FE0, s8;
	v50 =	vor.u32 v3, v50;
	v63 =	vor.u32 v45, v52;
	v49 =	vsel vm15, v49, v51  }
0x19c: {  	s31 =	sand.u32 $0x3FF0, s17;
	v50 =	vsel vm15, v63, v50;
	[tilespmem:s0+$0x9F00] =	vst v49  }
0x19d: {  	s2 =	simm.s32 $0xFF10;
	[tilespmem:s31+$0x9F00] =	vst v50  }
0x19e: {  	s30 =	simm.s32 $0x110;
	s4 =	sadd.s32 $0xA, s21;
	v49 =	vld [tilespmem:s2+$0x0]  }
0x19f: {  	s5 =	simm.s32 $0x1B0;
	s17 =	smov.u32 s1;
	s0 =	sadd.s32 $0x10, s18  }
.LBB2_12:
0x1a0: {  	p0 =	sne.s32 s5, $0xC50;
	s7 =	sadd.s32 $0xFFFFFFFF, s4;
	s8 =	sshrl.u32 s4, $0x3  }
0x1a1: {  	v50 =	vor.u32 s0, v2;
	s7 =	sshrl.u32 s7, $0x3;
	s8 =	smul.u32 $0x51, s8  }
0x1a2: {  	v51 =	vmov s0;
	v52 =	vand.u32 $0x7F, v50;
	s7 =	smul.u32 $0x51, s7  }
0x1a3: {  	v51 =	vshrl.u32 v51, $0x7;
	v49 =	vmul.u32 $0x5, v49;
	v53 =	vmov s8  }
0x1a4: {  	s17 =	sadd.s32 $0x500, s17;
	v50 =	vshrl.u32 v50, $0x3;
	v54 =	vmov s7;
	v53 =	vshll.u32 v53, v0  }
0x1a5: {  	s7 =	sadd.s32 $0x380, s17;
	v49 =	vadd.s32 $0x2713, v49;
	v54 =	vshll.u32 v54, v0;
	v53 =	vadd.s32 v1, v53  }
0x1a6: {  	s26 =	sadd.s32 $0x10, s26;
	s8 =	sadd.s32 $0x300, s17;
	s7 =	sand.u32 $0x380, s7;
	v55 =	vshrl.u32 v49, $0x3;
	v56 =	vshrl.u32 v49, $0x7;
	v57 =	vand.u32 $0x7F, v49  }
0x1a7: {  	s8 =	sand.u32 $0x300, s8;
	v54 =	vadd.s32 v1, v54;
	v53 =	vadd.s32 s7, v53;
	v58 =	vld [tilespmem:s26+$0x0];
	v55 =	vmul.u32 $0x51, v55  }
0x1a8: {  	v50 =	vmul.u32 $0x51, v50;
	v54 =	vadd.s32 s8, v54;
	v53 =	vbroadcast v53, $0x0  }
0x1a9: {  	v49 =	vshll.u32 v49, $0x7;
	v54 =	vbroadcast v54, $0x0;
	v51 =	vadd.s32 v51, v55  }
0x1aa: {  	v49 =	vand.u32 $0x380, v49;
	v50 =	vadd.s32 v50, v56;
	v51 =	vshll.u32 v51, $0xA  }
0x1ab: {  	v50 =	vshll.u32 v50, $0xA;
	v54 =	vor.u32 v3, v54;
	v49 =	vor.u32 v49, v51  }
0x1ac: {  	s7 =	sadd.s32 $0xFFFFFFF0, s30;
	v50 =	vor.u32 v57, v50;
	vm0 =	vge.f32 v58, $0.0e+00;
	v49 =	vor.u32 v52, v49  }
.Ltmp5:
0x1ad: {  	s7 =	sand.u32 $0x3FE0, s7;
	v50 =	vor.u32 v45, v50;
	v51 =	vor.u32 v3, v53;
	v49 =	vsel vm0, v49, v54;
	(pc) =	sbr.rel @p0 .LBB2_12-.Ltmp5, $4  }
0x1ae: {  	v50 =	vsel vm0, v50, v51;
	[tilespmem:s7+$0x9F00] =	vst v49;
	s7 =	sand.u32 $0x3FF0, s30;
	s30 =	smov.u32 s5  }
0x1af: {  	s2 =	sadd.s32 $0x10, s2;
	[tilespmem:s7+$0x9F00] =	vst v50  }
0x1b0: {  	v49 =	vld [tilespmem:s2+$0x0]  }
0x1b1: {  	s4 =	sadd.s32 $0xA, s4;
	s0 =	sadd.s32 $0x10, s0;
	s5 =	sadd.s32 $0xA0, s5  }
0x1b2: {  	s2 =	sadd.s32 $0xFFFFFFFF, s4;
	s5 =	sshrl.u32 s4, $0x3  }
0x1b3: {  	v50 =	vor.u32 s0, v2;
	s2 =	sshrl.u32 s2, $0x3;
	s4 =	smul.u32 $0x51, s5  }
0x1b4: {  	v51 =	vmov s0;
	s26 =	sadd.s32 $0x10, s26;
	v52 =	vand.u32 $0x7F, v50;
	s7 =	smul.u32 $0x51, s2  }
0x1b5: {  	v51 =	vshrl.u32 v51, $0x7;
	v50 =	vshrl.u32 v50, $0x3;
	v58 =	vld [tilespmem:s26+$0x0];
	v49 =	vmul.u32 $0x5, v49  }
0x1b6: {  	v50 =	vmul.u32 $0x51, v50;
	v53 =	vmov s4;
	v54 =	vmov s7  }
0x1b7: {  	s8 =	sadd.s32 $0x500, s17;
	v53 =	vshll.u32 v53, v0;
	v49 =	vadd.s32 $0x2713, v49;
	v54 =	vshll.u32 v54, v0  }
0x1b8: {  	s17 =	sadd.s32 $0x380, s8;
	v53 =	vadd.s32 v1, v53;
	v55 =	vshrl.u32 v49, $0x3;
	v56 =	vshrl.u32 v49, $0x7  }
0x1b9: {  	s0 =	sadd.s32 $0x300, s8;
	s2 =	sand.u32 $0x380, s17;
	v57 =	vand.u32 $0x7F, v49;
	v54 =	vadd.s32 v1, v54;
	v55 =	vmul.u32 $0x51, v55  }
0x1ba: {  	s0 =	sand.u32 $0x300, s0;
	v53 =	vadd.s32 s2, v53;
	v49 =	vshll.u32 v49, $0x7;
	vm0 =	vge.f32 v58, $0.0e+00  }
0x1bb: {  	v54 =	vadd.s32 s0, v54;
	v49 =	vand.u32 $0x380, v49;
	v51 =	vadd.s32 v51, v55  }
0x1bc: {  	v50 =	vadd.s32 v50, v56;
	v54 =	vbroadcast v54, $0x0;
	v51 =	vshll.u32 v51, $0xA  }
0x1bd: {  	v53 =	vbroadcast v53, $0x0;
	v50 =	vshll.u32 v50, $0xA;
	v49 =	vor.u32 v49, v51  }
0x1be: {  	s4 =	sadd.s32 $0xFFFFFFF0, s30;
	v50 =	vor.u32 v57, v50;
	v54 =	vor.u32 v3, v54;
	v49 =	vor.u32 v52, v49  }
0x1bf: {  	s0 =	sand.u32 $0x3FE0, s4;
	v55 =	vor.u32 v3, v53;
	v50 =	vor.u32 v45, v50;
	v49 =	vsel vm0, v49, v54  }
0x1c0: {  	s5 =	sand.u32 $0x3FF0, s30;
	v50 =	vsel vm0, v50, v55;
	[tilespmem:s0+$0x9F00] =	vst v49  }
0x1c1: {  	s26 =	simm.s32 $0x0;
	s30 =	simm.s32 $0x10080;
	[tilespmem:s5+$0x9F00] =	vst v50  }
0x1c2: {  	[tilespmem:s30], [sflag:$0x2] =	stream.linear.gather [hbm4b:s14+s26], $0x140, $0x38;
	[tilespmem:$0x10380] =	vst v63  }
0x1c3: {  	_ =	swait.ge [sflag:s23], $0x140  }
0x1c4: {  	[sflag:s23] =	ssyncset.done $0x0  }
0x1c5: {  	s7 =	simm.s32 $0xFF00;
	[sflag:s23] =	ssyncadd.s32 $0xFFFFFEC0  }
0x1c6: {  	v56 =	vld [tilespmem:s7+$0x0];
	_ =	sdelay $0x1  }
0x1c7: {  	s8 =	sadd.s32 $0xFFFFFFFF, s22;
	s17 =	sshrl.u32 s22, $0x3  }
0x1c8: {  	s2 =	smul.u32 $0x51, s17;
	s0 =	sshrl.u32 s8, $0x3  }
0x1c9: {  	s0 =	smul.u32 $0x51, s0  }
0x1ca: {  	v49 =	vmul.u32 $0x5, v56  }
0x1cb: {  	v57 =	vmov s2;
	v58 =	vmov s0  }
0x1cc: {  	s4 =	sadd.s32 $0x400, s1;
	s2 =	sadd.s32 $0x480, s1;
	v50 =	vshll.u32 v57, v0;
	v51 =	vshll.u32 v58, v0;
	v49 =	vadd.s32 $0x2714, v49  }
0x1cd: {  	v50 =	vadd.s32 v1, v50;
	s0 =	sand.u32 $0x380, s2;
	s2 =	sand.u32 $0x300, s4;
	v51 =	vadd.s32 v1, v51;
	v59 =	vshrl.u32 v49, $0x3  }
0x1ce: {  	v50 =	vadd.s32 s0, v50;
	v61 =	vld [tilespmem:s30+$0x0];
	v51 =	vadd.s32 s2, v51;
	v52 =	vmul.u32 $0x51, v59  }
0x1cf: {  	v50 =	vbroadcast v50, $0x0;
	v51 =	vbroadcast v51, $0x0;
	v60 =	vshrl.u32 v49, $0x7  }
0x1d0: {  	v62 =	vand.u32 $0x7F, v49;
	v49 =	vshll.u32 v49, $0x7;
	v48 =	vadd.s32 v48, v52  }
0x1d1: {  	v49 =	vand.u32 $0x380, v49;
	v47 =	vadd.s32 v47, v60;
	v48 =	vshll.u32 v48, $0xA  }
0x1d2: {  	s5 =	simm.s32 $0x80;
	v51 =	vor.u32 v3, v51;
	v47 =	vshll.u32 v47, $0xA;
	v48 =	vor.u32 v49, v48  }
0x1d3: {  	s0 =	sand.u32 $0x3F80, s5;
	s7 =	sand.u32 $0x60, s26;
	vm15 =	vge.f32 v61, $0.0e+00;
	v47 =	vor.u32 v62, v47;
	v46 =	vor.u32 v46, v48  }
0x1d4: {  	s8 =	simm.s32 $0x90;
	v63 =	vor.u32 v3, v50;
	s0 =	sor.u32 s7, s0;
	v47 =	vor.u32 v45, v47;
	v46 =	vsel vm15, v46, v51  }
0x1d5: {  	s17 =	sand.u32 $0x3FF0, s8;
	v47 =	vsel vm15, v47, v63;
	[tilespmem:s0+$0x9F00] =	vst v46  }
0x1d6: {  	s2 =	simm.s32 $0xFF10;
	[tilespmem:s17+$0x9F00] =	vst v47  }
0x1d7: {  	s31 =	simm.s32 $0x130;
	s4 =	sadd.s32 $0xA, s22;
	v46 =	vld [tilespmem:s2+$0x0]  }
0x1d8: {  	s5 =	simm.s32 $0x1D0;
	s0 =	sadd.s32 $0x10, s18;
	s17 =	smov.u32 s1  }
.LBB2_14:
0x1d9: {  	p0 =	sne.s32 s5, $0xC70;
	s7 =	sadd.s32 $0xFFFFFFFF, s4;
	s8 =	sshrl.u32 s4, $0x3  }
0x1da: {  	v47 =	vor.u32 s0, v2;
	s7 =	sshrl.u32 s7, $0x3;
	s8 =	smul.u32 $0x51, s8  }
0x1db: {  	v48 =	vmov s0;
	v49 =	vand.u32 $0x7F, v47;
	s7 =	smul.u32 $0x51, s7  }
0x1dc: {  	v48 =	vshrl.u32 v48, $0x7;
	v46 =	vmul.u32 $0x5, v46;
	v50 =	vmov s8  }
0x1dd: {  	s17 =	sadd.s32 $0x500, s17;
	v47 =	vshrl.u32 v47, $0x3;
	v51 =	vmov s7;
	v50 =	vshll.u32 v50, v0  }
0x1de: {  	s7 =	sadd.s32 $0x480, s17;
	v46 =	vadd.s32 $0x2714, v46;
	v51 =	vshll.u32 v51, v0;
	v50 =	vadd.s32 v1, v50  }
0x1df: {  	s30 =	sadd.s32 $0x10, s30;
	s8 =	sadd.s32 $0x400, s17;
	s7 =	sand.u32 $0x380, s7;
	v52 =	vshrl.u32 v46, $0x3;
	v53 =	vshrl.u32 v46, $0x7;
	v54 =	vand.u32 $0x7F, v46  }
0x1e0: {  	s8 =	sand.u32 $0x300, s8;
	v51 =	vadd.s32 v1, v51;
	v50 =	vadd.s32 s7, v50;
	v55 =	vld [tilespmem:s30+$0x0];
	v52 =	vmul.u32 $0x51, v52  }
0x1e1: {  	v47 =	vmul.u32 $0x51, v47;
	v51 =	vadd.s32 s8, v51;
	v50 =	vbroadcast v50, $0x0  }
0x1e2: {  	v46 =	vshll.u32 v46, $0x7;
	v51 =	vbroadcast v51, $0x0;
	v48 =	vadd.s32 v48, v52  }
0x1e3: {  	v46 =	vand.u32 $0x380, v46;
	v47 =	vadd.s32 v47, v53;
	v48 =	vshll.u32 v48, $0xA  }
0x1e4: {  	s26 =	sadd.s32 $0x20, s26;
	s7 =	sadd.s32 $0xFFFFFFF0, s31;
	v47 =	vshll.u32 v47, $0xA;
	v51 =	vor.u32 v3, v51;
	v46 =	vor.u32 v46, v48  }
0x1e5: {  	s8 =	sand.u32 $0x60, s26;
	s7 =	sand.u32 $0x3F80, s7;
	v47 =	vor.u32 v54, v47;
	vm0 =	vge.f32 v55, $0.0e+00;
	v46 =	vor.u32 v49, v46  }
.Ltmp6:
0x1e6: {  	s7 =	sor.u32 s8, s7;
	v47 =	vor.u32 v45, v47;
	v48 =	vor.u32 v3, v50;
	v46 =	vsel vm0, v46, v51;
	(pc) =	sbr.rel @p0 .LBB2_14-.Ltmp6, $4  }
0x1e7: {  	v47 =	vsel vm0, v47, v48;
	[tilespmem:s7+$0x9F00] =	vst v46;
	s7 =	sand.u32 $0x3FF0, s31;
	s31 =	smov.u32 s5  }
0x1e8: {  	s2 =	sadd.s32 $0x10, s2;
	[tilespmem:s7+$0x9F00] =	vst v47  }
0x1e9: {  	v46 =	vld [tilespmem:s2+$0x0]  }
0x1ea: {  	s4 =	sadd.s32 $0xA, s4;
	s0 =	sadd.s32 $0x10, s0;
	s5 =	sadd.s32 $0xA0, s5  }
0x1eb: {  	s2 =	sadd.s32 $0xFFFFFFFF, s4;
	s8 =	sshrl.u32 s4, $0x3  }
0x1ec: {  	v47 =	vor.u32 s0, v2;
	s2 =	sshrl.u32 s2, $0x3;
	s4 =	smul.u32 $0x51, s8  }
0x1ed: {  	v48 =	vmov s0;
	v49 =	vand.u32 $0x7F, v47;
	s2 =	smul.u32 $0x51, s2  }
0x1ee: {  	v48 =	vshrl.u32 v48, $0x7;
	v47 =	vshrl.u32 v47, $0x3;
	v46 =	vmul.u32 $0x5, v46  }
0x1ef: {  	v47 =	vmul.u32 $0x51, v47;
	v50 =	vmov s4;
	v51 =	vmov s2  }
0x1f0: {  	s5 =	sadd.s32 $0x500, s17;
	s8 =	sadd.s32 $0x10, s30;
	v50 =	vshll.u32 v50, v0;
	v46 =	vadd.s32 $0x2714, v46;
	v51 =	vshll.u32 v51, v0  }
0x1f1: {  	s7 =	sadd.s32 $0x480, s5;
	s0 =	sadd.s32 $0x400, s5;
	v55 =	vld [tilespmem:s8+$0x0];
	v50 =	vadd.s32 v1, v50;
	v52 =	vshrl.u32 v46, $0x3;
	v53 =	vshrl.u32 v46, $0x7  }
0x1f2: {  	s0 =	sand.u32 $0x300, s0;
	s2 =	sand.u32 $0x380, s7;
	v54 =	vand.u32 $0x7F, v46;
	v51 =	vadd.s32 v1, v51;
	v52 =	vmul.u32 $0x51, v52  }
0x1f3: {  	v50 =	vadd.s32 s2, v50;
	v46 =	vshll.u32 v46, $0x7;
	v51 =	vadd.s32 s0, v51  }
0x1f4: {  	v50 =	vbroadcast v50, $0x0;
	v46 =	vand.u32 $0x380, v46;
	v48 =	vadd.s32 v48, v52  }
0x1f5: {  	v47 =	vadd.s32 v47, v53;
	v51 =	vbroadcast v51, $0x0;
	v48 =	vshll.u32 v48, $0xA  }
0x1f6: {  	s17 =	sadd.s32 $0xFFFFFFF0, s31;
	s30 =	sadd.s32 $0x20, s26;
	vm0 =	vge.f32 v55, $0.0e+00;
	v47 =	vshll.u32 v47, $0xA;
	v46 =	vor.u32 v46, v48  }
0x1f7: {  	s2 =	sand.u32 $0x60, s30;
	s0 =	sand.u32 $0x3F80, s17;
	v47 =	vor.u32 v54, v47;
	v51 =	vor.u32 v3, v51;
	v46 =	vor.u32 v49, v46  }
0x1f8: {  	s0 =	sor.u32 s2, s0;
	v59 =	vor.u32 v3, v50;
	v45 =	vor.u32 v45, v47;
	v46 =	vsel vm0, v46, v51  }
0x1f9: {  	s4 =	sand.u32 $0x3FF0, s31;
	v45 =	vsel vm0, v45, v59;
	[tilespmem:s0+$0x9F00] =	vst v46  }
0x1fa: {  	[tilespmem:s4+$0x9F00] =	vst v45  }
0x1fb: {  	[tilespmem:$0xAB80] =	vst v8  }
0x1fc: {  	[tilespmem:$0xAB90] =	vst v9  }
0x1fd: {  	[tilespmem:$0xABA0] =	vst v10  }
0x1fe: {  	[tilespmem:$0xABB0] =	vst v11  }
0x1ff: {  	[tilespmem:$0xABC0] =	vst v30  }
0x200: {  	[tilespmem:$0xABD0] =	vst v32  }
0x201: {  	[tilespmem:$0xABE0] =	vst v12  }
0x202: {  	[tilespmem:$0xABF0] =	vst v13  }
0x203: {  	[tilespmem:$0xAC00] =	vst v14  }
0x204: {  	[tilespmem:$0xAC10] =	vst v15  }
0x205: {  	[tilespmem:$0xAC20] =	vst v16  }
0x206: {  	[tilespmem:$0xAC30] =	vst v17  }
0x207: {  	[tilespmem:$0xAC40] =	vst v18  }
0x208: {  	[tilespmem:$0xAC50] =	vst v19  }
0x209: {  	[tilespmem:$0xAC60] =	vst v20  }
0x20a: {  	[tilespmem:$0xAC70] =	vst v21  }
0x20b: {  	[tilespmem:$0xAC80] =	vst v22  }
0x20c: {  	[tilespmem:$0xAC90] =	vst v23  }
0x20d: {  	[tilespmem:$0xACA0] =	vst v24  }
0x20e: {  	[tilespmem:$0xACB0] =	vst v25  }
0x20f: {  	s5 =	simm.s32 $0x0;
	s8 =	simm.s32 $0x10200;
	s7 =	rddreg [dreg:$0x3];
	[tilespmem:$0xACC0] =	vst v26  }
0x210: {  	[tilespmem:s8], [sflag:$0x2] =	stream.linear.gather [hbm4b:s7+s5], $0x80, $0x38;
	[tilespmem:$0x10380] =	vst v63  }
0x211: {  	_ =	swait.ge [sflag:s23], $0x80  }
0x212: {  	[sflag:s23] =	ssyncset.done $0x0  }
0x213: {  	s26 =	simm.s32 $0x10280;
	s17 =	rddreg [dreg:$0x4];
	[sflag:s23] =	ssyncadd.s32 $0xFFFFFF80  }
0x214: {  	[tilespmem:s26], [sflag:$0x2] =	stream.linear.gather [hbm4b:s17+s5], $0x80, $0x38;
	[tilespmem:$0x10380] =	vst v63  }
0x215: {  	_ =	swait.ge [sflag:s23], $0x80  }
0x216: {  	[sflag:s23] =	ssyncset.done $0x0  }
0x217: {  	[sflag:s23] =	ssyncadd.s32 $0xFFFFFF80  }
0x218: {  	s31 =	simm.s32 $0x10300;
	s30 =	rddreg [dreg:$0x1]  }
0x219: {  	[tilespmem:s31], [sflag:$0x2] =	stream.linear.gather [hbm4b:s30+s5], $0x80, $0x38;
	[tilespmem:$0x10380] =	vst v63  }
0x21a: {  	_ =	swait.ge [sflag:s23], $0x80  }
0x21b: {  	[sflag:s23] =	ssyncset.done $0x0  }
0x21c: {  	[sflag:s23] =	ssyncadd.s32 $0xFFFFFF80  }
0x21d: {  	v60 =	vld [tilespmem:$0x10200]  }
0x21e: {  	v61 =	vld [tilespmem:$0x10280]  }
0x21f: {  	v62 =	vld [tilespmem:$0x10300]  }
0x220: {  	v63 =	vld [tilespmem:$0x10210]  }
0x221: {  	v55 =	vld [tilespmem:$0x10290]  }
0x222: {  	v58 =	vld [tilespmem:$0x10310]  }
0x223: {  	v59 =	vld [tilespmem:$0x10200];
	_ =	sdelay $0x1  }
0x224: {  	v45 =	vadd.s32 v27, v60  }
0x225: {  	v46 =	vadd.s32 v27, v61;
	vm12 =	vge.f32 v62, $0.0e+00;
	v48 =	vadd.s32 v27, v63  }
0x226: {  	v61 =	vadd.s32 v27, v55;
	v62 =	vld [tilespmem:$0x10280];
	vm13 =	vge.f32 v58, $0.0e+00;
	v54 =	vshrl.u32 v45, $0x3  }
0x227: {  	v51 =	vadd.s32 v28, v59;
	v58 =	vld [tilespmem:$0x10290];
	v56 =	vshrl.u32 v46, $0x7;
	v49 =	vmul.u32 $0x51, v54  }
0x228: {  	v45 =	vshll.u32 v45, $0x7;
	v46 =	vand.u32 $0x7F, v46;
	v60 =	vshrl.u32 v48, $0x3  }
0x229: {  	v63 =	vshrl.u32 v61, $0x7;
	v48 =	vshll.u32 v48, $0x7;
	v57 =	vadd.s32 v56, v49  }
0x22a: {  	v59 =	vshrl.u32 v51, $0x3;
	v45 =	vand.u32 $0x380, v45;
	v56 =	vld [tilespmem:$0x10210];
	v47 =	vshll.u32 v57, $0xA  }
0x22b: {  	v48 =	vand.u32 $0x380, v48;
	v57 =	vld [tilespmem:$0x10300];
	v45 =	vor.u32 v45, v47;
	v47 =	vmul.u32 $0x51, v60  }
0x22c: {  	v52 =	vadd.s32 v28, v58;
	v60 =	vadd.s32 v28, v62;
	v62 =	vshll.u32 v51, $0x7  }
0x22d: {  	v45 =	vor.u32 v46, v45;
	v46 =	vand.u32 $0x7F, v61;
	v47 =	vadd.s32 v63, v47  }
0x22e: {  	[tilespmem:$0xAD10] =	vst v37;
	v50 =	vshrl.u32 v60, $0x7;
	v45 =	vsel vm12, v45, v33;
	v47 =	vshll.u32 v47, $0xA  }
0x22f: {  	[tilespmem:$0xAD20] =	vst v38;
	v53 =	vadd.s32 v28, v56;
	v47 =	vor.u32 v48, v47;
	v48 =	vmul.u32 $0x51, v59  }
0x230: {  	[tilespmem:$0xAD30] =	vst v39;
	vm14 =	vge.f32 v57, $0.0e+00;
	v61 =	vshrl.u32 v53, $0x3;
	v57 =	vshrl.u32 v52, $0x7  }
0x231: {  	[tilespmem:$0xAD40] =	vst v40;
	v63 =	vld [tilespmem:$0x10310];
	v58 =	vshll.u32 v53, $0x7;
	v46 =	vor.u32 v46, v47;
	v49 =	vmul.u32 $0x51, v61  }
0x232: {  	[tilespmem:$0xAD50] =	vst v41;
	v47 =	vand.u32 $0x7F, v60;
	v61 =	vand.u32 $0x7F, v52;
	v48 =	vadd.s32 v50, v48  }
0x233: {  	[tilespmem:$0xAD60] =	vst v42;
	v50 =	vand.u32 $0x380, v62;
	v48 =	vshll.u32 v48, $0xA;
	v49 =	vadd.s32 v57, v49  }
0x234: {  	[tilespmem:$0xAD70] =	vst v43;
	v48 =	vor.u32 v50, v48;
	v49 =	vshll.u32 v49, $0xA;
	v50 =	vand.u32 $0x380, v58  }
0x235: {  	[tilespmem:$0xACD0] =	vst v45;
	v46 =	vsel vm13, v46, v34;
	v59 =	vor.u32 v47, v48;
	v60 =	vor.u32 v50, v49  }
0x236: {  	[tilespmem:$0xACE0] =	vst v46;
	vm15 =	vge.f32 v63, $0.0e+00;
	v45 =	vsel vm14, v59, v35;
	v62 =	vor.u32 v61, v60  }
0x237: {  	[tilespmem:$0xACF0] =	vst v45;
	v63 =	vsel vm15, v62, v36  }
0x238: {  	s2 =	simm.s32 $0x4F00;
	s0 =	simm.s32 $0x200;
	[tilespmem:$0xAD00] =	vst v63  }
.LBB2_16:
0x239: {  	[hbm4b:s6+s28] =	stream.indirect.scatter [tilespmem:s29], [sflag:$0x1], $0x1, s2, s28, $0xb8;
	[tilespmem:$0x10380] =	vst v63  }
0x23a: {  	s2 =	smov.u32 s0;
	p0 =	sne.s32 s0, $0x13800  }
.Ltmp7:
0x23b: {  	s0 =	sadd.s32 $0x200, s0;
	(pc) =	sbr.rel @p0 .LBB2_16-.Ltmp7, $3  }
0x23c: {  	_ =	sdelay $0x1  }
0x23d: {  	s2 =	sshra.s32 s2, $0x2  }
0x23e: {  	s2 =	sadd.s32 $0x4F00, s2  }
0x23f: {  	[hbm4b:s6+s28] =	stream.indirect.scatter [tilespmem:s29], [sflag:$0x1], $0x1, s2, s28, $0xb8;
	[tilespmem:$0x10380] =	vst v63  }
0x240: {  	s0 =	simm.s32 $0x9F00  }
0x241: {  	[hbm4b:s6+s28] =	stream.indirect.scatter [tilespmem:s29], [sflag:$0x1], $0x1, s0, s28, $0xb8;
	[tilespmem:$0x10380] =	vst v63  }
0x242: {  	s31 =	simm.s32 $0x9F80  }
0x243: {  	[hbm4b:s6+s28] =	stream.indirect.scatter [tilespmem:s29], [sflag:$0x1], $0x1, s31, s28, $0xb8;
	[tilespmem:$0x10380] =	vst v63  }
0x244: {  	s2 =	simm.s32 $0xA000  }
0x245: {  	[hbm4b:s6+s28] =	stream.indirect.scatter [tilespmem:s29], [sflag:$0x1], $0x1, s2, s28, $0xb8;
	[tilespmem:$0x10380] =	vst v63  }
0x246: {  	s4 =	simm.s32 $0xA080  }
0x247: {  	[hbm4b:s6+s28] =	stream.indirect.scatter [tilespmem:s29], [sflag:$0x1], $0x1, s4, s28, $0xb8;
	[tilespmem:$0x10380] =	vst v63  }
0x248: {  	s5 =	simm.s32 $0xA100  }
0x249: {  	[hbm4b:s6+s28] =	stream.indirect.scatter [tilespmem:s29], [sflag:$0x1], $0x1, s5, s28, $0xb8;
	[tilespmem:$0x10380] =	vst v63  }
0x24a: {  	s7 =	simm.s32 $0xA180  }
0x24b: {  	[hbm4b:s6+s28] =	stream.indirect.scatter [tilespmem:s29], [sflag:$0x1], $0x1, s7, s28, $0xb8;
	[tilespmem:$0x10380] =	vst v63  }
0x24c: {  	s8 =	simm.s32 $0xA200  }
0x24d: {  	[hbm4b:s6+s28] =	stream.indirect.scatter [tilespmem:s29], [sflag:$0x1], $0x1, s8, s28, $0xb8;
	[tilespmem:$0x10380] =	vst v63  }
0x24e: {  	s17 =	simm.s32 $0xA280  }
0x24f: {  	[hbm4b:s6+s28] =	stream.indirect.scatter [tilespmem:s29], [sflag:$0x1], $0x1, s17, s28, $0xb8;
	[tilespmem:$0x10380] =	vst v63  }
0x250: {  	s26 =	simm.s32 $0xA300  }
0x251: {  	[hbm4b:s6+s28] =	stream.indirect.scatter [tilespmem:s29], [sflag:$0x1], $0x1, s26, s28, $0xb8;
	[tilespmem:$0x10380] =	vst v63  }
0x252: {  	s30 =	simm.s32 $0xA380  }
0x253: {  	[hbm4b:s6+s28] =	stream.indirect.scatter [tilespmem:s29], [sflag:$0x1], $0x1, s30, s28, $0xb8;
	[tilespmem:$0x10380] =	vst v63  }
0x254: {  	s31 =	simm.s32 $0xA400  }
0x255: {  	[hbm4b:s6+s28] =	stream.indirect.scatter [tilespmem:s29], [sflag:$0x1], $0x1, s31, s28, $0xb8;
	[tilespmem:$0x10380] =	vst v63  }
0x256: {  	s2 =	simm.s32 $0xA480  }
0x257: {  	[hbm4b:s6+s28] =	stream.indirect.scatter [tilespmem:s29], [sflag:$0x1], $0x1, s2, s28, $0xb8;
	[tilespmem:$0x10380] =	vst v63  }
0x258: {  	s4 =	simm.s32 $0xA500  }
0x259: {  	[hbm4b:s6+s28] =	stream.indirect.scatter [tilespmem:s29], [sflag:$0x1], $0x1, s4, s28, $0xb8;
	[tilespmem:$0x10380] =	vst v63  }
0x25a: {  	s5 =	simm.s32 $0xA580  }
0x25b: {  	[hbm4b:s6+s28] =	stream.indirect.scatter [tilespmem:s29], [sflag:$0x1], $0x1, s5, s28, $0xb8;
	[tilespmem:$0x10380] =	vst v63  }
0x25c: {  	s7 =	simm.s32 $0xA600  }
0x25d: {  	[hbm4b:s6+s28] =	stream.indirect.scatter [tilespmem:s29], [sflag:$0x1], $0x1, s7, s28, $0xb8;
	[tilespmem:$0x10380] =	vst v63  }
0x25e: {  	s8 =	simm.s32 $0xA680  }
0x25f: {  	[hbm4b:s6+s28] =	stream.indirect.scatter [tilespmem:s29], [sflag:$0x1], $0x1, s8, s28, $0xb8;
	[tilespmem:$0x10380] =	vst v63  }
0x260: {  	s17 =	simm.s32 $0xA700  }
0x261: {  	[hbm4b:s6+s28] =	stream.indirect.scatter [tilespmem:s29], [sflag:$0x1], $0x1, s17, s28, $0xb8;
	[tilespmem:$0x10380] =	vst v63  }
0x262: {  	s26 =	simm.s32 $0xA780  }
0x263: {  	[hbm4b:s6+s28] =	stream.indirect.scatter [tilespmem:s29], [sflag:$0x1], $0x1, s26, s28, $0xb8;
	[tilespmem:$0x10380] =	vst v63  }
0x264: {  	s30 =	simm.s32 $0xA800  }
0x265: {  	[hbm4b:s6+s28] =	stream.indirect.scatter [tilespmem:s29], [sflag:$0x1], $0x1, s30, s28, $0xb8;
	[tilespmem:$0x10380] =	vst v63  }
0x266: {  	s31 =	simm.s32 $0xA880  }
0x267: {  	[hbm4b:s6+s28] =	stream.indirect.scatter [tilespmem:s29], [sflag:$0x1], $0x1, s31, s28, $0xb8;
	[tilespmem:$0x10380] =	vst v63  }
0x268: {  	s2 =	simm.s32 $0xA900  }
0x269: {  	[hbm4b:s6+s28] =	stream.indirect.scatter [tilespmem:s29], [sflag:$0x1], $0x1, s2, s28, $0xb8;
	[tilespmem:$0x10380] =	vst v63  }
0x26a: {  	s4 =	simm.s32 $0xA980  }
0x26b: {  	[hbm4b:s6+s28] =	stream.indirect.scatter [tilespmem:s29], [sflag:$0x1], $0x1, s4, s28, $0xb8;
	[tilespmem:$0x10380] =	vst v63  }
0x26c: {  	s5 =	simm.s32 $0xAA00  }
0x26d: {  	[hbm4b:s6+s28] =	stream.indirect.scatter [tilespmem:s29], [sflag:$0x1], $0x1, s5, s28, $0xb8;
	[tilespmem:$0x10380] =	vst v63  }
0x26e: {  	s7 =	simm.s32 $0xAA80  }
0x26f: {  	[hbm4b:s6+s28] =	stream.indirect.scatter [tilespmem:s29], [sflag:$0x1], $0x1, s7, s28, $0xb8;
	[tilespmem:$0x10380] =	vst v63  }
0x270: {  	s8 =	simm.s32 $0xAB00  }
0x271: {  	[hbm4b:s6+s28] =	stream.indirect.scatter [tilespmem:s29], [sflag:$0x1], $0x1, s8, s28, $0xb8;
	[tilespmem:$0x10380] =	vst v63  }
0x272: {  	s17 =	simm.s32 $0xAB80  }
0x273: {  	[hbm4b:s6+s28] =	stream.indirect.scatter [tilespmem:s29], [sflag:$0x1], $0x1, s17, s28, $0xb8;
	[tilespmem:$0x10380] =	vst v63  }
0x274: {  	s26 =	simm.s32 $0xAC00  }
0x275: {  	[hbm4b:s6+s28] =	stream.indirect.scatter [tilespmem:s29], [sflag:$0x1], $0x1, s26, s28, $0xb8;
	[tilespmem:$0x10380] =	vst v63  }
0x276: {  	s30 =	simm.s32 $0xAC80  }
0x277: {  	[hbm4b:s6+s28] =	stream.indirect.scatter [tilespmem:s29], [sflag:$0x1], $0x1, s30, s28, $0xb8;
	[tilespmem:$0x10380] =	vst v63  }
0x278: {  	s31 =	simm.s32 $0xAD00  }
0x279: {  	[hbm4b:s6+s28] =	stream.indirect.scatter [tilespmem:s29], [sflag:$0x1], $0x1, s31, s28, $0xb8;
	[tilespmem:$0x10380] =	vst v63  }
0x27a: {  	_ =	swait.ge [sflag:s24], $0x80  }
0x27b: {  	s0 =	simm.s32 $0xB9;
	[sflag:s24] =	ssyncset.done $0x0  }
.LBB2_18:
0x27c: {  	p0 =	sne.s32 s0, $0x1;
	s0 =	sadd.s32 $0xFFFFFFFF, s0;
	[sflag:s24] =	ssyncadd.s32 $0xFFFFFF80  }
.Ltmp8:
0x27d: {  	(pc) =	sbr.rel @p0 .LBB2_18-.Ltmp8, $3  }
0x27e: {  	_ =	sdelay $0x1  }
0x27f: {  	_ =	swait.ge [sflag:s24], $0x80  }
0x280: {  	[sflag:s24] =	ssyncset.done $0x0  }
0x281: {  	s25 =	sadd.s32 $0x1, s25  }
0x282: {  	p0 =	sne.s32 s25, s15  }
.Ltmp9:
0x283: {  	_ = 	snop;
	(pc) =	sbr.rel @p0 .LBB2_1-.Ltmp9, $2  }
0x284: {  	_ =	sdelay $0x2  }
0x285: {  	[sflag:s24] =	ssyncadd.s32 $0xFFFFFF80  }
0x286: {  	_ =	sfence.sel $0x180000  }
0x287: {  	[bflag:$0x0] =	sbarrier.arrive $0xFFFF  }
0x288: {  	_ =	strace $0x90000047  }
0x289: {  	s0 =	stileid.u32;
	[bflag:$0x2] =	sbarrier.arrive $0xFFFF  }
0x28a: {  	p0 =	sne.s32 s0, $0x0;
	s0 =	rddreg [dreg:$0x2]  }
0x28b: {  	s0 =	sadd.s32 @!p0 $0x100000, s0  }
0x28c: {  	[sflag:s0] =	ssyncadd.tile.s32 @!p0 $0x1;
	_ =	shalt  }
.Lfunc_end2:
_tile_overlayer_lowered:
.L_overlay_start_2:
0x28d: {  	(tag) =	ssettag $0x2  }
0x28e: {  	s0 =	rddreg [dreg:$0x0];
	s2 =	stileid.u32  }
0x28f: {  	s1 =	rddreg [dreg:$0x1];
	p0 =	sne.s32 s2, $0x0  }
0x290: {  	s3 =	rddreg [dreg:$0x2];
	[bflag:$0x3] =	sbarrier.arrive $0xFFFF;
	s2 =	simm.s32 @!p0 $0x1C02  }
0x291: {  	[timem:s3], [sflag:s2] =	dma.local @!p0 [hbm:s0], s1  }
0x292: {  	s0 =	simm.s32 @!p0 $0x2  }
0x293: {  	_ =	swait.ge @!p0 [sflag:s0], s1  }
0x294: {  	s1 =	ssub.s32 @!p0 $0x0, s1;
	[sflag:s0] =	ssyncset.done @!p0 $0x0  }
0x295: {  	[sflag:s0] =	ssyncadd.s32 @!p0 s1  }
0x296: {  	[bflag:$0x3] =	sbarrier.arrive $0xFFFF  }
0x297: {  	_ =	shalt  }

</sc_bundles>
